<compile_context>
chip_gen: v7x
topology: tpu7x:2x2x1
jax: 0.10.2.dev20260603
libtpu: 0.0.44.dev20260713+nightly
codegen_flags: <defaults>
</compile_context>

<pallas_src>
import functools

import jax
import jax.numpy as jnp
from jax import lax
from jax.experimental import pallas as pl
from jax.experimental.pallas import tpu as pltpu
from jax.experimental.pallas import tpu_sc as plsc

N = 10000
NPAD = 10240
E = 320000
ECHUNK = 128
IDX_BLK = 40
NBLK = 2
EPW = IDX_BLK * NBLK
EPAD = 32 * EPW * ECHUNK
NROWS_PER_TILE = NPAD // 16



def _edge_agg(h, src2d, dst2d):
    mesh = plsc.VectorSubcoreMesh(core_axis_name="c", subcore_axis_name="s")

    @functools.partial(
        pl.kernel,
        out_type=[jax.ShapeDtypeStruct((NPAD, 128), jnp.float32),
                  jax.ShapeDtypeStruct((NPAD, 128), jnp.float32)],
        mesh=mesh,
        scratch_types=[
            pltpu.VMEM_SHARED((NPAD, 128), jnp.float32),
            pltpu.VMEM((IDX_BLK, ECHUNK), jnp.int32),
            pltpu.VMEM((IDX_BLK, ECHUNK), jnp.int32),
            pltpu.VMEM((2, ECHUNK, 128), jnp.float32),
            pltpu.SemaphoreType.DMA,
            pltpu.SemaphoreType.DMA,
        ],
    )
    def k(h_hbm, src_hbm, dst_hbm, out0, out1, agg, src_v, dst_v, rows, sem0, sem1):
        c = lax.axis_index("c")
        s = lax.axis_index("s")
        w = c * 16 + s
        tbase = s * NROWS_PER_TILE

        zero16 = jnp.zeros((16,), jnp.float32)

        def zrow(r, carry):
            for l in range(8):
                rows[0, r, pl.ds(l * 16, 16)] = zero16
            return carry
        lax.fori_loop(0, ECHUNK, zrow, 0)

        def zagg(kk, carry):
            pltpu.sync_copy(rows.at[0], agg.at[pl.ds(tbase + kk * 128, 128)])
            return carry
        lax.fori_loop(0, NPAD // 16 // 128, zagg, 0)

        plsc.subcore_barrier()

        ebase = w * EPW
        npairs = IDX_BLK // 2

        def blk(b, carry):
            pltpu.sync_copy(src_hbm.at[pl.ds(ebase + b * IDX_BLK, IDX_BLK)], src_v)
            pltpu.sync_copy(dst_hbm.at[pl.ds(ebase + b * IDX_BLK, IDX_BLK)], dst_v)
            pltpu.async_copy(h_hbm.at[src_v.at[0]], rows.at[0], sem0)

            def pair(p, carry2):
                j0 = 2 * p
                pltpu.async_copy(h_hbm.at[src_v.at[j0 + 1]], rows.at[1], sem1)
                pltpu.make_async_copy(
                    h_hbm.at[src_v.at[j0]], rows.at[0], sem0).wait()
                pltpu.sync_copy(rows.at[0], agg.at[dst_v.at[j0]], add=True)

                @pl.when(p < npairs - 1)
                def _():
                    pltpu.async_copy(h_hbm.at[src_v.at[j0 + 2]], rows.at[0], sem0)

                pltpu.make_async_copy(
                    h_hbm.at[src_v.at[j0 + 1]], rows.at[1], sem1).wait()
                pltpu.sync_copy(rows.at[1], agg.at[dst_v.at[j0 + 1]], add=True)
                return carry2
            lax.fori_loop(0, npairs, pair, 0)
            return carry
        lax.fori_loop(0, NBLK, blk, 0)

        plsc.subcore_barrier()

        @pl.when(c == 0)
        def _():
            pltpu.sync_copy(agg.at[pl.ds(tbase, NROWS_PER_TILE)],
                            out0.at[pl.ds(tbase, NROWS_PER_TILE)])

        @pl.when(c == 1)
        def _():
            pltpu.sync_copy(agg.at[pl.ds(tbase, NROWS_PER_TILE)],
                            out1.at[pl.ds(tbase, NROWS_PER_TILE)])

    return k(h, src2d, dst2d)


POOL_CH = 128


def _pool(h, batch_pad):
    mesh = plsc.VectorSubcoreMesh(core_axis_name="c", subcore_axis_name="s")

    @functools.partial(
        pl.kernel,
        out_type=jax.ShapeDtypeStruct((64, 384), jnp.float32),
        mesh=mesh,
        scratch_types=[
            pltpu.VMEM((NPAD,), jnp.int32),
            pltpu.VMEM((POOL_CH, 128), jnp.float32),
            pltpu.VMEM((2, 384), jnp.float32),
        ],
    )
    def k(h_hbm, b_hbm, out, bat_v, hrows, pool_v):
        c = lax.axis_index("c")
        s = lax.axis_index("s")
        w = c * 16 + s
        g0 = 2 * w

        pltpu.sync_copy(b_hbm, bat_v)

        def lower_bound(g):
            def bb(_, lohi):
                lo, hi = lohi
                mid = (lo + hi) // 2
                v = bat_v[pl.ds(mid * 16, 16)]
                big = v[0] >= g
                return (jnp.where(big, lo, mid + 1), jnp.where(big, mid, hi))
            bstar, _ = lax.fori_loop(
                0, 10, bb, (jnp.int32(0), jnp.int32(NPAD // 16)))
            bprev = jnp.maximum(bstar - 1, 0)
            v = bat_v[pl.ds(bprev * 16, 16)]
            cnt = jnp.int32(0)
            for l in range(16):
                cnt = cnt + jnp.where(v[l] < g, 1, 0).astype(jnp.int32)
            return bprev * 16 + cnt

        bounds = (lower_bound(g0), lower_bound(g0 + 1), lower_bound(g0 + 2))

        for gi in range(2):
            start = bounds[gi]
            end = bounds[gi + 1]
            cnt = end - start
            abase = (start // 8) * 8
            nch = (end - abase + (POOL_CH - 1)) // POOL_CH

            sums0 = tuple(jnp.zeros((16,), jnp.float32) for _ in range(8))
            maxs0 = tuple(jnp.zeros((16,), jnp.float32) for _ in range(8))

            def chunk(ci, accs):
                base = abase + ci * POOL_CH
                pltpu.sync_copy(h_hbm.at[pl.ds(base, POOL_CH)], hrows)
                lo = jnp.maximum(start - base, 0)
                hi = jnp.minimum(POOL_CH, end - base)

                def row(r, accs2):
                    sums, maxs = accs2
                    ns, nm = [], []
                    for l in range(8):
                        v = hrows[r, pl.ds(l * 16, 16)]
                        ns.append(sums[l] + v)
                        nm.append(jnp.maximum(maxs[l], v))
                    return (tuple(ns), tuple(nm))
                return lax.fori_loop(lo, hi, row, accs)
            sums, maxs = lax.fori_loop(0, nch, chunk, (sums0, maxs0))

            cnt_f = jnp.broadcast_to(cnt, (16,)).astype(jnp.float32)
            inv = 1.0 / jnp.maximum(cnt_f, 1.0)
            for l in range(8):
                pool_v[gi, pl.ds(l * 16, 16)] = sums[l] * inv
                pool_v[gi, pl.ds(128 + l * 16, 16)] = maxs[l]
                pool_v[gi, pl.ds(256 + l * 16, 16)] = sums[l]

        pltpu.sync_copy(pool_v, out.at[pl.ds(g0, 2)])

    return k(h, batch_pad)



_BM = 1024


def _encoder(x, W1, b1, W2, b2):
    def body(x_ref, w1_ref, b1_ref, w2_ref, b2_ref, o_ref):
        h = jnp.maximum(
            jnp.dot(x_ref[...], w1_ref[...],
                    preferred_element_type=jnp.float32) + b1_ref[...], 0.0)
        o_ref[...] = jnp.maximum(
            jnp.dot(h, w2_ref[...],
                    preferred_element_type=jnp.float32) + b2_ref[...], 0.0)

    return pl.pallas_call(
        body,
        grid=(NPAD // _BM,),
        in_specs=[
            pl.BlockSpec((_BM, 128), lambda i: (i, 0)),
            pl.BlockSpec((128, 128), lambda i: (0, 0)),
            pl.BlockSpec((1, 128), lambda i: (0, 0)),
            pl.BlockSpec((128, 128), lambda i: (0, 0)),
            pl.BlockSpec((1, 128), lambda i: (0, 0)),
        ],
        out_specs=pl.BlockSpec((_BM, 128), lambda i: (i, 0)),
        out_shape=jax.ShapeDtypeStruct((NPAD, 128), jnp.float32),
    )(x, W1, b1, W2, b2)


def _combine(p0, p1, h, Wrel, brel, Wroot):
    def body(p0_ref, p1_ref, h_ref, wr_ref, br_ref, wo_ref, o_ref):
        agg = p0_ref[...] + p1_ref[...]
        hv = h_ref[...]
        out = (jnp.dot(agg, wr_ref[...], preferred_element_type=jnp.float32)
               + br_ref[...]
               + jnp.dot(hv, wo_ref[...], preferred_element_type=jnp.float32))
        o_ref[...] = jnp.maximum(out, 0.0) + hv

    return pl.pallas_call(
        body,
        grid=(NPAD // _BM,),
        in_specs=[
            pl.BlockSpec((_BM, 128), lambda i: (i, 0)),
            pl.BlockSpec((_BM, 128), lambda i: (i, 0)),
            pl.BlockSpec((_BM, 128), lambda i: (i, 0)),
            pl.BlockSpec((128, 128), lambda i: (0, 0)),
            pl.BlockSpec((1, 128), lambda i: (0, 0)),
            pl.BlockSpec((128, 128), lambda i: (0, 0)),
        ],
        out_specs=pl.BlockSpec((_BM, 128), lambda i: (i, 0)),
        out_shape=jax.ShapeDtypeStruct((NPAD, 128), jnp.float32),
    )(p0, p1, h, Wrel, brel, Wroot)


def _head(pooled, gf, wg1, bg1, wg2, bg2, wp, wg, b1, w2, b2, w3, b3, w4, b4):
    def body(pool_ref, gf_ref, wg1_ref, bg1_ref, wg2_ref, bg2_ref, wp_ref,
             wgc_ref, b1_ref, w2_ref, b2_ref, w3_ref, b3_ref, w4_ref, b4_ref,
             o_ref):
        dot = functools.partial(jnp.dot, preferred_element_type=jnp.float32)
        g = jnp.maximum(dot(gf_ref[...], wg1_ref[...]) + bg1_ref[...], 0.0)
        g = jnp.maximum(dot(g, wg2_ref[...]) + bg2_ref[...], 0.0)
        z = jnp.maximum(
            dot(pool_ref[...], wp_ref[...]) + dot(g, wgc_ref[...])
            + b1_ref[...], 0.0)
        z = jnp.maximum(dot(z, w2_ref[...]) + b2_ref[...], 0.0)
        z = jnp.maximum(dot(z, w3_ref[...]) + b3_ref[...], 0.0)
        o_ref[...] = dot(z, w4_ref[...]) + b4_ref[...]

    return pl.pallas_call(
        body,
        out_shape=jax.ShapeDtypeStruct((64, 128), jnp.float32),
    )(pooled, gf, wg1, bg1, wg2, bg2, wp, wg, b1, w2, b2, w3, b3, w4, b4)



def kernel(x, edge_index, edge_attr, batch, global_features, params):
    del edge_attr

    xp = jnp.pad(x, ((0, NPAD - N), (0, 0)))
    pad_i = jnp.arange(EPAD - E, dtype=jnp.int32)
    src = jnp.concatenate(
        [edge_index[0], pad_i % N]).reshape(-1, ECHUNK)
    dst = jnp.concatenate(
        [edge_index[1], N + pad_i % (NPAD - N)]).reshape(-1, ECHUNK)
    batch_pad = jnp.concatenate(
        [batch, jnp.full((NPAD - N,), 64, jnp.int32)])

    row = lambda b: b.reshape(1, -1)

    W1, b1 = params['ne1']
    W2, b2 = params['ne2']
    h = _encoder(xp, W1, row(b1), W2, row(b2))

    for layer in params['convs']:
        Wrel, brel = layer['rel']
        p0, p1 = _edge_agg(h, src, dst)
        h = _combine(p0, p1, h, Wrel, row(brel), layer['root'])

    pooled = _pool(h, batch_pad)

    wg1, bg1 = params['ge1']
    wg2, bg2 = params['ge2']
    (w1c, b1c), (w2c, b2c), (w3c, b3c), (w4c, b4c) = params['cls']
    wp, wg = w1c[:384], w1c[384:]
    w4p = jnp.pad(w4c, ((0, 0), (0, 128 - w4c.shape[1])))
    b4p = jnp.pad(b4c, ((0, 128 - b4c.shape[0]),))

    out = _head(pooled, global_features, wg1, row(bg1), wg2, row(bg2),
                wp, wg, row(b1c), w2c, row(b2c), w3c, row(b3c), w4p, row(b4p))
    return out[:, :2]

# --- scband reference (transcript-rebuilt; emitter-appended) ---
"""Pipeline reference for scband-advanced-mxene-binding-gnn-9766755631323 (READ-ONLY COPY).

The authoritative reference and input builder live on the scoring server;
editing this copy changes nothing except your own understanding.
"""

import jax, jax.numpy as jnp
import numpy as np

N = 10000
E = 320000
D = 128
H = 128
ED = 16
GD = 32
B = 64
NC = 2


def _lin(k, fi, fo):
    k1, k2 = jax.random.split(k)
    s = 1.0 / np.sqrt(fi)
    W = jax.random.uniform(k1, (fi, fo), jnp.float32, -s, s)
    b = jax.random.uniform(k2, (fo,), jnp.float32, -s, s)
    return W, b


def setup_inputs(seed: int = 0) -> dict:
    key = jax.random.key(seed)
    ks = jax.random.split(key, 24)
    x = jax.random.normal(ks[0], (N, D), dtype=jnp.float32)
    edge_index = jax.random.randint(ks[1], (2, E), 0, N, dtype=jnp.int32)
    edge_attr = jax.random.normal(ks[2], (E, ED), dtype=jnp.float32)
    batch = jnp.sort(jax.random.randint(ks[3], (N,), 0, B, dtype=jnp.int32))
    global_features = jax.random.normal(ks[4], (B, GD), dtype=jnp.float32)
    convs = []
    for i in range(3):
        rel = _lin(ks[5 + 2 * i], H, H)
        root_W, _ = _lin(ks[6 + 2 * i], H, H)
        convs.append({'rel': rel, 'root': root_W})
    params = {
        'ne1': _lin(ks[11], D, H),
        'ne2': _lin(ks[12], H, H),
        'convs': convs,
        'ge1': _lin(ks[13], GD, H),
        'ge2': _lin(ks[14], H, H),
        'cls': [_lin(ks[15], H * 3 + H, H * 2), _lin(ks[16], H * 2, H), _lin(ks[17], H, H // 2), _lin(ks[18], H // 2, NC)],
    }
    return {'x': x, 'edge_index': edge_index, 'edge_attr': edge_attr, 'batch': batch, 'global_features': global_features, 'params': params}


def reference(x, edge_index, edge_attr, batch, global_features, params):
    relu = jax.nn.relu
    W, b = params['ne1']
    h = relu(x @ W + b)
    W, b = params['ne2']
    h = relu(h @ W + b)
    src, dst = edge_index[0], edge_index[1]
    for layer in params['convs']:
        identity = h
        agg = jax.ops.segment_sum(h[src], dst, num_segments=N)
        Wrel, brel = layer['rel']
        out = agg @ Wrel + brel + h @ layer['root']
        out = relu(out)
        h = out + identity
    ones = jnp.ones((N,), jnp.float32)
    counts = jax.ops.segment_sum(ones, batch, num_segments=B)[:, None]
    s = jax.ops.segment_sum(h, batch, num_segments=B)
    mean = s / jnp.maximum(counts, 1.0)
    mx = jax.ops.segment_max(h, batch, num_segments=B)
    mx = jnp.where(counts > 0, mx, 0.0)
    pooled = jnp.concatenate([mean, mx, s], axis=1)
    W, b = params['ge1']
    g = relu(global_features @ W + b)
    W, b = params['ge2']
    g = relu(g @ W + b)
    z = jnp.concatenate([pooled, g], axis=1)
    for i, (W, b) in enumerate(params['cls']):
        z = z @ W + b
        if i < 3:
            z = relu(z)
    return z

if __name__ == "__main__":
    import jax
    _d = setup_inputs()
    print(jax.jit(kernel)(*tuple(_d.values())))

</pallas_src>

<mosaic_0001>
#map = affine_map<(d0, d1) -> (0, 0)>
module attributes {stable_mosaic.version = 14 : i64} {
  func.func @k(%arg0: i32, %arg1: i32, %arg2: memref<10240x128xf32, #tpu.memory_space<hbm>>, %arg3: memref<2560x128xi32, #tpu.memory_space<hbm>>, %arg4: memref<2560x128xi32, #tpu.memory_space<hbm>>, %arg5: memref<10240x128xf32, #tpu.memory_space<hbm>>, %arg6: memref<10240x128xf32, #tpu.memory_space<hbm>>, %arg7: memref<10240x128xf32, #tpu.memory_space<vmem_shared>>, %arg8: memref<40x128xi32, #tpu.memory_space<vmem>>, %arg9: memref<40x128xi32, #tpu.memory_space<vmem>>, %arg10: memref<2x128x128xf32, #tpu.memory_space<vmem>>, %arg11: memref<!tpu.dma_semaphore, #tpu.memory_space<semaphore_mem>>, %arg12: memref<!tpu.dma_semaphore, #tpu.memory_space<semaphore_mem>>) attributes {dimension_semantics = [#tpu.dimension_semantics<core_parallel>, #tpu.dimension_semantics<subcore_parallel>], iteration_bounds = array<i64: 2, 16>, scalar_prefetch = 0 : i64, scratch_operands = 6 : i64, tpu.core_type = #tpu.core_type<sc_vector_subcore>, window_params = [{transform_indices = #map}, {transform_indices = #map}, {transform_indices = #map}, {transform_indices = #map}, {transform_indices = #map}]} {
    %mul3A = arith.constant 16 : i32
    %mul3A_0 = arith.muli %arg0, %mul3A : i32
    %add3A = arith.addi %mul3A_0, %arg1 : i32
    %mul3A_1 = arith.constant 640 : i32
    %mul3A_2 = arith.muli %arg1, %mul3A_1 : i32
    %broadcast_in_dim3A = arith.constant 0.000000e+00 : f32
    %broadcast_in_dim3A_3 = vector.broadcast %broadcast_in_dim3A : f32 to vector<16xf32>
    %scan3A = arith.constant 0 : i32
    %scan3A_4 = arith.constant 0 : i32
    %scan3A_5 = arith.constant 128 : i32
    %scan3A_6 = arith.addi %scan3A_4, %scan3A_5 : i32
    %scan3A_7 = arith.constant 1 : i32
    scf.for %scan3A_31 = %scan3A_4 to %scan3A_6 step %scan3A_7  : i32 {
      %swap3A = arith.constant 0 : i32
      %swap3A_32 = arith.index_cast %swap3A : i32 to index
      %swap3A_33 = arith.index_cast %scan3A_31 : i32 to index
      %swap3A_34 = arith.constant 0 : index
      %swap3A_35 = tpu.vector_load %arg10[%swap3A_32, %swap3A_33, %swap3A_34] {strides = array<i32>} : memref<2x128x128xf32, #tpu.memory_space<vmem>>, vector<1x1x16xf32>,
      %swap3A_36 = vector.shape_cast %swap3A_35 : vector<1x1x16xf32> to vector<16xf32>
      %swap3A_37 = vector.shape_cast %broadcast_in_dim3A_3 : vector<16xf32> to vector<1x1x16xf32>
      tpu.vector_store %arg10[%swap3A_32, %swap3A_33, %swap3A_34], %swap3A_37 {strides = array<i32>} : memref<2x128x128xf32, #tpu.memory_space<vmem>>, vector<1x1x16xf32>,
      %swap3A_38 = arith.constant 0 : i32
      %swap3A_39 = arith.index_cast %swap3A_38 : i32 to index
      %swap3A_40 = arith.index_cast %scan3A_31 : i32 to index
      %swap3A_41 = arith.constant 16 : index
      %swap3A_42 = tpu.vector_load %arg10[%swap3A_39, %swap3A_40, %swap3A_41] {strides = array<i32>} : memref<2x128x128xf32, #tpu.memory_space<vmem>>, vector<1x1x16xf32>,
      %swap3A_43 = vector.shape_cast %swap3A_42 : vector<1x1x16xf32> to vector<16xf32>
      %swap3A_44 = vector.shape_cast %broadcast_in_dim3A_3 : vector<16xf32> to vector<1x1x16xf32>
      tpu.vector_store %arg10[%swap3A_39, %swap3A_40, %swap3A_41], %swap3A_44 {strides = array<i32>} : memref<2x128x128xf32, #tpu.memory_space<vmem>>, vector<1x1x16xf32>,
      %swap3A_45 = arith.constant 0 : i32
      %swap3A_46 = arith.index_cast %swap3A_45 : i32 to index
      %swap3A_47 = arith.index_cast %scan3A_31 : i32 to index
      %swap3A_48 = arith.constant 32 : index
      %swap3A_49 = tpu.vector_load %arg10[%swap3A_46, %swap3A_47, %swap3A_48] {strides = array<i32>} : memref<2x128x128xf32, #tpu.memory_space<vmem>>, vector<1x1x16xf32>,
      %swap3A_50 = vector.shape_cast %swap3A_49 : vector<1x1x16xf32> to vector<16xf32>
      %swap3A_51 = vector.shape_cast %broadcast_in_dim3A_3 : vector<16xf32> to vector<1x1x16xf32>
      tpu.vector_store %arg10[%swap3A_46, %swap3A_47, %swap3A_48], %swap3A_51 {strides = array<i32>} : memref<2x128x128xf32, #tpu.memory_space<vmem>>, vector<1x1x16xf32>,
      %swap3A_52 = arith.constant 0 : i32
      %swap3A_53 = arith.index_cast %swap3A_52 : i32 to index
      %swap3A_54 = arith.index_cast %scan3A_31 : i32 to index
      %swap3A_55 = arith.constant 48 : index
      %swap3A_56 = tpu.vector_load %arg10[%swap3A_53, %swap3A_54, %swap3A_55] {strides = array<i32>} : memref<2x128x128xf32, #tpu.memory_space<vmem>>, vector<1x1x16xf32>,
      %swap3A_57 = vector.shape_cast %swap3A_56 : vector<1x1x16xf32> to vector<16xf32>
      %swap3A_58 = vector.shape_cast %broadcast_in_dim3A_3 : vector<16xf32> to vector<1x1x16xf32>
      tpu.vector_store %arg10[%swap3A_53, %swap3A_54, %swap3A_55], %swap3A_58 {strides = array<i32>} : memref<2x128x128xf32, #tpu.memory_space<vmem>>, vector<1x1x16xf32>,
      %swap3A_59 = arith.constant 0 : i32
      %swap3A_60 = arith.index_cast %swap3A_59 : i32 to index
      %swap3A_61 = arith.index_cast %scan3A_31 : i32 to index
      %swap3A_62 = arith.constant 64 : index
      %swap3A_63 = tpu.vector_load %arg10[%swap3A_60, %swap3A_61, %swap3A_62] {strides = array<i32>} : memref<2x128x128xf32, #tpu.memory_space<vmem>>, vector<1x1x16xf32>,
      %swap3A_64 = vector.shape_cast %swap3A_63 : vector<1x1x16xf32> to vector<16xf32>
      %swap3A_65 = vector.shape_cast %broadcast_in_dim3A_3 : vector<16xf32> to vector<1x1x16xf32>
      tpu.vector_store %arg10[%swap3A_60, %swap3A_61, %swap3A_62], %swap3A_65 {strides = array<i32>} : memref<2x128x128xf32, #tpu.memory_space<vmem>>, vector<1x1x16xf32>,
      %swap3A_66 = arith.constant 0 : i32
      %swap3A_67 = arith.index_cast %swap3A_66 : i32 to index
      %swap3A_68 = arith.index_cast %scan3A_31 : i32 to index
      %swap3A_69 = arith.constant 80 : index
      %swap3A_70 = tpu.vector_load %arg10[%swap3A_67, %swap3A_68, %swap3A_69] {strides = array<i32>} : memref<2x128x128xf32, #tpu.memory_space<vmem>>, vector<1x1x16xf32>,
      %swap3A_71 = vector.shape_cast %swap3A_70 : vector<1x1x16xf32> to vector<16xf32>
      %swap3A_72 = vector.shape_cast %broadcast_in_dim3A_3 : vector<16xf32> to vector<1x1x16xf32>
      tpu.vector_store %arg10[%swap3A_67, %swap3A_68, %swap3A_69], %swap3A_72 {strides = array<i32>} : memref<2x128x128xf32, #tpu.memory_space<vmem>>, vector<1x1x16xf32>,
      %swap3A_73 = arith.constant 0 : i32
      %swap3A_74 = arith.index_cast %swap3A_73 : i32 to index
      %swap3A_75 = arith.index_cast %scan3A_31 : i32 to index
      %swap3A_76 = arith.constant 96 : index
      %swap3A_77 = tpu.vector_load %arg10[%swap3A_74, %swap3A_75, %swap3A_76] {strides = array<i32>} : memref<2x128x128xf32, #tpu.memory_space<vmem>>, vector<1x1x16xf32>,
      %swap3A_78 = vector.shape_cast %swap3A_77 : vector<1x1x16xf32> to vector<16xf32>
      %swap3A_79 = vector.shape_cast %broadcast_in_dim3A_3 : vector<16xf32> to vector<1x1x16xf32>
      tpu.vector_store %arg10[%swap3A_74, %swap3A_75, %swap3A_76], %swap3A_79 {strides = array<i32>} : memref<2x128x128xf32, #tpu.memory_space<vmem>>, vector<1x1x16xf32>,
      %swap3A_80 = arith.constant 0 : i32
      %swap3A_81 = arith.index_cast %swap3A_80 : i32 to index
      %swap3A_82 = arith.index_cast %scan3A_31 : i32 to index
      %swap3A_83 = arith.constant 112 : index
      %swap3A_84 = tpu.vector_load %arg10[%swap3A_81, %swap3A_82, %swap3A_83] {strides = array<i32>} : memref<2x128x128xf32, #tpu.memory_space<vmem>>, vector<1x1x16xf32>,
      %swap3A_85 = vector.shape_cast %swap3A_84 : vector<1x1x16xf32> to vector<16xf32>
      %swap3A_86 = vector.shape_cast %broadcast_in_dim3A_3 : vector<16xf32> to vector<1x1x16xf32>
      tpu.vector_store %arg10[%swap3A_81, %swap3A_82, %swap3A_83], %swap3A_86 {strides = array<i32>} : memref<2x128x128xf32, #tpu.memory_space<vmem>>, vector<1x1x16xf32>,
    }
    %scan3A_8 = arith.constant 128 : i32
    %scan3A_9 = arith.constant 0 : i32
    %scan3A_10 = arith.constant 0 : i32
    %scan3A_11 = arith.constant 5 : i32
    %scan3A_12 = arith.addi %scan3A_10, %scan3A_11 : i32
    %scan3A_13 = arith.constant 1 : i32
    scf.for %scan3A_31 = %scan3A_10 to %scan3A_12 step %scan3A_13  : i32 {
      %mul3A_32 = arith.constant 128 : i32
      %mul3A_33 = arith.muli %scan3A_31, %mul3A_32 : i32
      %add3A_34 = arith.addi %mul3A_2, %mul3A_33 : i32
      %run_scoped3A = arith.constant 0 : i32
      "tpu.region"() ({
        %run_scoped3A_35 = tpu.sem_alloc : memref<!tpu.dma_semaphore, #tpu.memory_space<semaphore_mem>>
        %dma_start3A = arith.constant 0 : i32
        %dma_start3A_36 = arith.constant 0 : i32
        %dma_start3A_37 = tpu.memref_slice %arg10[%run_scoped3A, %dma_start3A, %dma_start3A_36] : memref<2x128x128xf32, #tpu.memory_space<vmem>> -> memref<1x128x128xf32, #tpu.memory_space<vmem>>
        %dma_start3A_38 = tpu.memref_squeeze %dma_start3A_37 : memref<1x128x128xf32, #tpu.memory_space<vmem>> -> memref<128x128xf32, #tpu.memory_space<vmem>>
        %dma_start3A_39 = arith.constant 0 : i32
        %dma_start3A_40 = tpu.memref_slice %arg7[%add3A_34, %dma_start3A_39] : memref<10240x128xf32, #tpu.memory_space<vmem_shared>> -> memref<128x128xf32, #tpu.memory_space<vmem_shared>>
        %dma_start3A_41 = arith.constant 0 : i32
        %dma_start3A_42 = tpu.memref_slice %arg7[%add3A_34, %dma_start3A_41] : memref<10240x128xf32, #tpu.memory_space<vmem_shared>> -> memref<128x128xf32, #tpu.memory_space<vmem_shared>>
        %dma_start3A_43 = arith.constant 0 : i32
        %dma_start3A_44 = arith.constant 0 : i32
        %dma_start3A_45 = tpu.memref_slice %arg10[%run_scoped3A, %dma_start3A_43, %dma_start3A_44] : memref<2x128x128xf32, #tpu.memory_space<vmem>> -> memref<1x128x128xf32, #tpu.memory_space<vmem>>
        %dma_start3A_46 = tpu.memref_squeeze %dma_start3A_45 : memref<1x128x128xf32, #tpu.memory_space<vmem>> -> memref<128x128xf32, #tpu.memory_space<vmem>>
        tpu.enqueue_dma source(%dma_start3A_46 : memref<128x128xf32, #tpu.memory_space<vmem>>) target(%dma_start3A_42 : memref<128x128xf32, #tpu.memory_space<vmem_shared>>) target_semaphore(%run_scoped3A_35 : memref<!tpu.dma_semaphore, #tpu.memory_space<semaphore_mem>>)
        %dma_wait3A = arith.constant 0 : i32
        %dma_wait3A_47 = arith.constant 0 : i32
        %dma_wait3A_48 = tpu.memref_slice %arg10[%run_scoped3A, %dma_wait3A, %dma_wait3A_47] : memref<2x128x128xf32, #tpu.memory_space<vmem>> -> memref<1x128x128xf32, #tpu.memory_space<vmem>>
        %dma_wait3A_49 = tpu.memref_squeeze %dma_wait3A_48 : memref<1x128x128xf32, #tpu.memory_space<vmem>> -> memref<128x128xf32, #tpu.memory_space<vmem>>
        %dma_wait3A_50 = arith.constant 0 : i32
        %dma_wait3A_51 = tpu.memref_slice %arg7[%add3A_34, %dma_wait3A_50] : memref<10240x128xf32, #tpu.memory_space<vmem_shared>> -> memref<128x128xf32, #tpu.memory_space<vmem_shared>>
        %dma_wait3A_52 = arith.constant 0 : i32
        %dma_wait3A_53 = tpu.memref_slice %arg7[%add3A_34, %dma_wait3A_52] : memref<10240x128xf32, #tpu.memory_space<vmem_shared>> -> memref<128x128xf32, #tpu.memory_space<vmem_shared>>
        %dma_wait3A_54 = arith.constant 0 : i32
        %dma_wait3A_55 = arith.constant 0 : i32
        %dma_wait3A_56 = tpu.memref_slice %arg10[%run_scoped3A, %dma_wait3A_54, %dma_wait3A_55] : memref<2x128x128xf32, #tpu.memory_space<vmem>> -> memref<1x128x128xf32, #tpu.memory_space<vmem>>
        %dma_wait3A_57 = tpu.memref_squeeze %dma_wait3A_56 : memref<1x128x128xf32, #tpu.memory_space<vmem>> -> memref<128x128xf32, #tpu.memory_space<vmem>>
        tpu.wait_dma2 semaphore(%run_scoped3A_35 : memref<!tpu.dma_semaphore, #tpu.memory_space<semaphore_mem>>) src(%dma_wait3A_57 : memref<128x128xf32, #tpu.memory_space<vmem>>) dst(%dma_wait3A_53 : memref<128x128xf32, #tpu.memory_space<vmem_shared>>)
        tpu.yield
      }) : () -> ()
    }
    %scan3A_14 = arith.constant 5 : i32
    %barrier3A = arith.constant 0 : index
    tpu.barrier barrier_id(%barrier3A)
    %mul3A_15 = arith.constant 80 : i32
    %mul3A_16 = arith.muli %add3A, %mul3A_15 : i32
    %scan3A_17 = arith.constant 0 : i32
    %scan3A_18 = arith.constant 0 : i32
    %scan3A_19 = arith.constant 2 : i32
    %scan3A_20 = arith.addi %scan3A_18, %scan3A_19 : i32
    %scan3A_21 = arith.constant 1 : i32
    scf.for %scan3A_31 = %scan3A_18 to %scan3A_20 step %scan3A_21  : i32 {
      %mul3A_32 = arith.constant 40 : i32
      %mul3A_33 = arith.muli %scan3A_31, %mul3A_32 : i32
      %add3A_34 = arith.addi %mul3A_16, %mul3A_33 : i32
      "tpu.region"() ({
        %run_scoped3A = tpu.sem_alloc : memref<!tpu.dma_semaphore, #tpu.memory_space<semaphore_mem>>
        %dma_start3A_55 = arith.constant 0 : i32
        %dma_start3A_56 = tpu.memref_slice %arg3[%add3A_34, %dma_start3A_55] : memref<2560x128xi32, #tpu.memory_space<hbm>> -> memref<40x128xi32, #tpu.memory_space<hbm>>
        %dma_start3A_57 = arith.constant 0 : i32
        %dma_start3A_58 = tpu.memref_slice %arg3[%add3A_34, %dma_start3A_57] : memref<2560x128xi32, #tpu.memory_space<hbm>> -> memref<40x128xi32, #tpu.memory_space<hbm>>
        tpu.enqueue_dma source(%dma_start3A_58 : memref<40x128xi32, #tpu.memory_space<hbm>>) target(%arg8 : memref<40x128xi32, #tpu.memory_space<vmem>>) target_semaphore(%run_scoped3A : memref<!tpu.dma_semaphore, #tpu.memory_space<semaphore_mem>>)
        %dma_wait3A = arith.constant 0 : i32
        %dma_wait3A_59 = tpu.memref_slice %arg3[%add3A_34, %dma_wait3A] : memref<2560x128xi32, #tpu.memory_space<hbm>> -> memref<40x128xi32, #tpu.memory_space<hbm>>
        %dma_wait3A_60 = arith.constant 0 : i32
        %dma_wait3A_61 = tpu.memref_slice %arg3[%add3A_34, %dma_wait3A_60] : memref<2560x128xi32, #tpu.memory_space<hbm>> -> memref<40x128xi32, #tpu.memory_space<hbm>>
        tpu.wait_dma2 semaphore(%run_scoped3A : memref<!tpu.dma_semaphore, #tpu.memory_space<semaphore_mem>>) src(%dma_wait3A_61 : memref<40x128xi32, #tpu.memory_space<hbm>>) dst(%arg8 : memref<40x128xi32, #tpu.memory_space<vmem>>)
        tpu.yield
      }) : () -> ()
      %mul3A_35 = arith.constant 40 : i32
      %mul3A_36 = arith.muli %scan3A_31, %mul3A_35 : i32
      %add3A_37 = arith.addi %mul3A_16, %mul3A_36 : i32
      "tpu.region"() ({
        %run_scoped3A = tpu.sem_alloc : memref<!tpu.dma_semaphore, #tpu.memory_space<semaphore_mem>>
        %dma_start3A_55 = arith.constant 0 : i32
        %dma_start3A_56 = tpu.memref_slice %arg4[%add3A_37, %dma_start3A_55] : memref<2560x128xi32, #tpu.memory_space<hbm>> -> memref<40x128xi32, #tpu.memory_space<hbm>>
        %dma_start3A_57 = arith.constant 0 : i32
        %dma_start3A_58 = tpu.memref_slice %arg4[%add3A_37, %dma_start3A_57] : memref<2560x128xi32, #tpu.memory_space<hbm>> -> memref<40x128xi32, #tpu.memory_space<hbm>>
        tpu.enqueue_dma source(%dma_start3A_58 : memref<40x128xi32, #tpu.memory_space<hbm>>) target(%arg9 : memref<40x128xi32, #tpu.memory_space<vmem>>) target_semaphore(%run_scoped3A : memref<!tpu.dma_semaphore, #tpu.memory_space<semaphore_mem>>)
        %dma_wait3A = arith.constant 0 : i32
        %dma_wait3A_59 = tpu.memref_slice %arg4[%add3A_37, %dma_wait3A] : memref<2560x128xi32, #tpu.memory_space<hbm>> -> memref<40x128xi32, #tpu.memory_space<hbm>>
        %dma_wait3A_60 = arith.constant 0 : i32
        %dma_wait3A_61 = tpu.memref_slice %arg4[%add3A_37, %dma_wait3A_60] : memref<2560x128xi32, #tpu.memory_space<hbm>> -> memref<40x128xi32, #tpu.memory_space<hbm>>
        tpu.wait_dma2 semaphore(%run_scoped3A : memref<!tpu.dma_semaphore, #tpu.memory_space<semaphore_mem>>) src(%dma_wait3A_61 : memref<40x128xi32, #tpu.memory_space<hbm>>) dst(%arg9 : memref<40x128xi32, #tpu.memory_space<vmem>>)
        tpu.yield
      }) : () -> ()
      %dma_start3A = arith.constant 0 : i32
      %dma_start3A_38 = arith.constant 0 : i32
      %dma_start3A_39 = arith.constant 0 : i32
      %dma_start3A_40 = arith.constant 0 : i32
      %dma_start3A_41 = tpu.memref_slice %arg10[%dma_start3A_38, %dma_start3A_39, %dma_start3A_40] : memref<2x128x128xf32, #tpu.memory_space<vmem>> -> memref<1x128x128xf32, #tpu.memory_space<vmem>>
      %dma_start3A_42 = tpu.memref_squeeze %dma_start3A_41 : memref<1x128x128xf32, #tpu.memory_space<vmem>> -> memref<128x128xf32, #tpu.memory_space<vmem>>
      %dma_start3A_43 = arith.constant 0 : i32
      %dma_start3A_44 = tpu.memref_slice %arg8[%dma_start3A, %dma_start3A_43] : memref<40x128xi32, #tpu.memory_space<vmem>> -> memref<1x128xi32, #tpu.memory_space<vmem>>
      %dma_start3A_45 = tpu.memref_squeeze %dma_start3A_44 : memref<1x128xi32, #tpu.memory_space<vmem>> -> memref<128xi32, #tpu.memory_space<vmem>>
      %dma_start3A_46 = arith.constant 0 : i32
      %dma_start3A_47 = arith.constant 0 : i32
      %dma_start3A_48 = tpu.memref_slice %arg2[%dma_start3A_46, %dma_start3A_47] : memref<10240x128xf32, #tpu.memory_space<hbm>> -> memref<10240x128xf32, #tpu.memory_space<hbm>>
      tpu.enqueue_indirect_dma source(%dma_start3A_48 : memref<10240x128xf32, #tpu.memory_space<hbm>>) target(%dma_start3A_42 : memref<128x128xf32, #tpu.memory_space<vmem>>) offsets(%dma_start3A_45 : memref<128xi32, #tpu.memory_space<vmem>>) semaphore(%arg11 : memref<!tpu.dma_semaphore, #tpu.memory_space<semaphore_mem>>)
      %scan3A_49 = arith.constant 0 : i32
      %scan3A_50 = arith.constant 0 : i32
      %scan3A_51 = arith.constant 20 : i32
      %scan3A_52 = arith.addi %scan3A_50, %scan3A_51 : i32
      %scan3A_53 = arith.constant 1 : i32
      scf.for %scan3A_55 = %scan3A_50 to %scan3A_52 step %scan3A_53  : i32 {
        %mul3A_56 = arith.constant 2 : i32
        %mul3A_57 = arith.muli %mul3A_56, %scan3A_55 : i32
        %add3A_58 = arith.constant 1 : i32
        %add3A_59 = arith.addi %mul3A_57, %add3A_58 : i32
        %dma_start3A_60 = arith.constant 1 : i32
        %dma_start3A_61 = arith.constant 0 : i32
        %dma_start3A_62 = arith.constant 0 : i32
        %dma_start3A_63 = tpu.memref_slice %arg10[%dma_start3A_60, %dma_start3A_61, %dma_start3A_62] : memref<2x128x128xf32, #tpu.memory_space<vmem>> -> memref<1x128x128xf32, #tpu.memory_space<vmem>>
        %dma_start3A_64 = tpu.memref_squeeze %dma_start3A_63 : memref<1x128x128xf32, #tpu.memory_space<vmem>> -> memref<128x128xf32, #tpu.memory_space<vmem>>
        %dma_start3A_65 = arith.constant 0 : i32
        %dma_start3A_66 = tpu.memref_slice %arg8[%add3A_59, %dma_start3A_65] : memref<40x128xi32, #tpu.memory_space<vmem>> -> memref<1x128xi32, #tpu.memory_space<vmem>>
        %dma_start3A_67 = tpu.memref_squeeze %dma_start3A_66 : memref<1x128xi32, #tpu.memory_space<vmem>> -> memref<128xi32, #tpu.memory_space<vmem>>
        %dma_start3A_68 = arith.constant 0 : i32
        %dma_start3A_69 = arith.constant 0 : i32
        %dma_start3A_70 = tpu.memref_slice %arg2[%dma_start3A_68, %dma_start3A_69] : memref<10240x128xf32, #tpu.memory_space<hbm>> -> memref<10240x128xf32, #tpu.memory_space<hbm>>
        tpu.enqueue_indirect_dma source(%dma_start3A_70 : memref<10240x128xf32, #tpu.memory_space<hbm>>) target(%dma_start3A_64 : memref<128x128xf32, #tpu.memory_space<vmem>>) offsets(%dma_start3A_67 : memref<128xi32, #tpu.memory_space<vmem>>) semaphore(%arg12 : memref<!tpu.dma_semaphore, #tpu.memory_space<semaphore_mem>>)
        %dma_wait3A = arith.constant 0 : i32
        %dma_wait3A_71 = arith.constant 0 : i32
        %dma_wait3A_72 = arith.constant 0 : i32
        %dma_wait3A_73 = tpu.memref_slice %arg10[%dma_wait3A, %dma_wait3A_71, %dma_wait3A_72] : memref<2x128x128xf32, #tpu.memory_space<vmem>> -> memref<1x128x128xf32, #tpu.memory_space<vmem>>
        %dma_wait3A_74 = tpu.memref_squeeze %dma_wait3A_73 : memref<1x128x128xf32, #tpu.memory_space<vmem>> -> memref<128x128xf32, #tpu.memory_space<vmem>>
        %dma_wait3A_75 = arith.constant 0 : i32
        %dma_wait3A_76 = tpu.memref_slice %arg8[%mul3A_57, %dma_wait3A_75] : memref<40x128xi32, #tpu.memory_space<vmem>> -> memref<1x128xi32, #tpu.memory_space<vmem>>
        %dma_wait3A_77 = tpu.memref_squeeze %dma_wait3A_76 : memref<1x128xi32, #tpu.memory_space<vmem>> -> memref<128xi32, #tpu.memory_space<vmem>>
        %dma_wait3A_78 = arith.constant 0 : i32
        %dma_wait3A_79 = arith.constant 0 : i32
        %dma_wait3A_80 = tpu.memref_slice %arg2[%dma_wait3A_78, %dma_wait3A_79] : memref<10240x128xf32, #tpu.memory_space<hbm>> -> memref<10240x128xf32, #tpu.memory_space<hbm>>
        tpu.wait_indirect_dma semaphore(%arg11 : memref<!tpu.dma_semaphore, #tpu.memory_space<semaphore_mem>>) src(%dma_wait3A_80 : memref<10240x128xf32, #tpu.memory_space<hbm>>) dst(%dma_wait3A_74 : memref<128x128xf32, #tpu.memory_space<vmem>>)
        %run_scoped3A = arith.constant 0 : i32
        "tpu.region"() ({
          %run_scoped3A_101 = tpu.sem_alloc : memref<!tpu.dma_semaphore, #tpu.memory_space<semaphore_mem>>
          %dma_start3A_102 = arith.constant 0 : i32
          %dma_start3A_103 = arith.constant 0 : i32
          %dma_start3A_104 = tpu.memref_slice %arg10[%run_scoped3A, %dma_start3A_102, %dma_start3A_103] : memref<2x128x128xf32, #tpu.memory_space<vmem>> -> memref<1x128x128xf32, #tpu.memory_space<vmem>>
          %dma_start3A_105 = tpu.memref_squeeze %dma_start3A_104 : memref<1x128x128xf32, #tpu.memory_space<vmem>> -> memref<128x128xf32, #tpu.memory_space<vmem>>
          %dma_start3A_106 = arith.constant 0 : i32
          %dma_start3A_107 = tpu.memref_slice %arg9[%mul3A_57, %dma_start3A_106] : memref<40x128xi32, #tpu.memory_space<vmem>> -> memref<1x128xi32, #tpu.memory_space<vmem>>
          %dma_start3A_108 = tpu.memref_squeeze %dma_start3A_107 : memref<1x128xi32, #tpu.memory_space<vmem>> -> memref<128xi32, #tpu.memory_space<vmem>>
          %dma_start3A_109 = arith.constant 0 : i32
          %dma_start3A_110 = arith.constant 0 : i32
          %dma_start3A_111 = tpu.memref_slice %arg7[%dma_start3A_109, %dma_start3A_110] : memref<10240x128xf32, #tpu.memory_space<vmem_shared>> -> memref<10240x128xf32, #tpu.memory_space<vmem_shared>>
          tpu.enqueue_indirect_dma source(%dma_start3A_105 : memref<128x128xf32, #tpu.memory_space<vmem>>) target(%dma_start3A_111 : memref<10240x128xf32, #tpu.memory_space<vmem_shared>>) offsets(%dma_start3A_108 : memref<128xi32, #tpu.memory_space<vmem>>) semaphore(%run_scoped3A_101 : memref<!tpu.dma_semaphore, #tpu.memory_space<semaphore_mem>>) {add = true}
          %dma_wait3A_112 = arith.constant 0 : i32
          %dma_wait3A_113 = arith.constant 0 : i32
          %dma_wait3A_114 = tpu.memref_slice %arg10[%run_scoped3A, %dma_wait3A_112, %dma_wait3A_113] : memref<2x128x128xf32, #tpu.memory_space<vmem>> -> memref<1x128x128xf32, #tpu.memory_space<vmem>>
          %dma_wait3A_115 = tpu.memref_squeeze %dma_wait3A_114 : memref<1x128x128xf32, #tpu.memory_space<vmem>> -> memref<128x128xf32, #tpu.memory_space<vmem>>
          %dma_wait3A_116 = arith.constant 0 : i32
          %dma_wait3A_117 = tpu.memref_slice %arg9[%mul3A_57, %dma_wait3A_116] : memref<40x128xi32, #tpu.memory_space<vmem>> -> memref<1x128xi32, #tpu.memory_space<vmem>>
          %dma_wait3A_118 = tpu.memref_squeeze %dma_wait3A_117 : memref<1x128xi32, #tpu.memory_space<vmem>> -> memref<128xi32, #tpu.memory_space<vmem>>
          %dma_wait3A_119 = arith.constant 0 : i32
          %dma_wait3A_120 = arith.constant 0 : i32
          %dma_wait3A_121 = tpu.memref_slice %arg7[%dma_wait3A_119, %dma_wait3A_120] : memref<10240x128xf32, #tpu.memory_space<vmem_shared>> -> memref<10240x128xf32, #tpu.memory_space<vmem_shared>>
          tpu.wait_indirect_dma semaphore(%run_scoped3A_101 : memref<!tpu.dma_semaphore, #tpu.memory_space<semaphore_mem>>) src(%dma_wait3A_115 : memref<128x128xf32, #tpu.memory_space<vmem>>) dst(%dma_wait3A_121 : memref<10240x128xf32, #tpu.memory_space<vmem_shared>>)
          tpu.yield
        }) : () -> ()
        %lt3A = arith.constant 19 : i32
        %lt3A_81 = arith.cmpi slt, %scan3A_55, %lt3A : i32
        %convert_element_type3A_82 = arith.extui %lt3A_81 : i1 to i32
        %cond3A_83 = arith.constant 0 : i32
        %cond3A_84 = arith.cmpi ne, %convert_element_type3A_82, %cond3A_83 : i32
        scf.if %cond3A_84 {
          %add3A_101 = arith.constant 2 : i32
          %add3A_102 = arith.addi %mul3A_57, %add3A_101 : i32
          %dma_start3A_103 = arith.constant 0 : i32
          %dma_start3A_104 = arith.constant 0 : i32
          %dma_start3A_105 = arith.constant 0 : i32
          %dma_start3A_106 = tpu.memref_slice %arg10[%dma_start3A_103, %dma_start3A_104, %dma_start3A_105] : memref<2x128x128xf32, #tpu.memory_space<vmem>> -> memref<1x128x128xf32, #tpu.memory_space<vmem>>
          %dma_start3A_107 = tpu.memref_squeeze %dma_start3A_106 : memref<1x128x128xf32, #tpu.memory_space<vmem>> -> memref<128x128xf32, #tpu.memory_space<vmem>>
          %dma_start3A_108 = arith.constant 0 : i32
          %dma_start3A_109 = tpu.memref_slice %arg8[%add3A_102, %dma_start3A_108] : memref<40x128xi32, #tpu.memory_space<vmem>> -> memref<1x128xi32, #tpu.memory_space<vmem>>
          %dma_start3A_110 = tpu.memref_squeeze %dma_start3A_109 : memref<1x128xi32, #tpu.memory_space<vmem>> -> memref<128xi32, #tpu.memory_space<vmem>>
          %dma_start3A_111 = arith.constant 0 : i32
          %dma_start3A_112 = arith.constant 0 : i32
          %dma_start3A_113 = tpu.memref_slice %arg2[%dma_start3A_111, %dma_start3A_112] : memref<10240x128xf32, #tpu.memory_space<hbm>> -> memref<10240x128xf32, #tpu.memory_space<hbm>>
          tpu.enqueue_indirect_dma source(%dma_start3A_113 : memref<10240x128xf32, #tpu.memory_space<hbm>>) target(%dma_start3A_107 : memref<128x128xf32, #tpu.memory_space<vmem>>) offsets(%dma_start3A_110 : memref<128xi32, #tpu.memory_space<vmem>>) semaphore(%arg11 : memref<!tpu.dma_semaphore, #tpu.memory_space<semaphore_mem>>)
        } else {
        }
        %add3A_85 = arith.constant 1 : i32
        %add3A_86 = arith.addi %mul3A_57, %add3A_85 : i32
        %dma_wait3A_87 = arith.constant 1 : i32
        %dma_wait3A_88 = arith.constant 0 : i32
        %dma_wait3A_89 = arith.constant 0 : i32
        %dma_wait3A_90 = tpu.memref_slice %arg10[%dma_wait3A_87, %dma_wait3A_88, %dma_wait3A_89] : memref<2x128x128xf32, #tpu.memory_space<vmem>> -> memref<1x128x128xf32, #tpu.memory_space<vmem>>
        %dma_wait3A_91 = tpu.memref_squeeze %dma_wait3A_90 : memref<1x128x128xf32, #tpu.memory_space<vmem>> -> memref<128x128xf32, #tpu.memory_space<vmem>>
        %dma_wait3A_92 = arith.constant 0 : i32
        %dma_wait3A_93 = tpu.memref_slice %arg8[%add3A_86, %dma_wait3A_92] : memref<40x128xi32, #tpu.memory_space<vmem>> -> memref<1x128xi32, #tpu.memory_space<vmem>>
        %dma_wait3A_94 = tpu.memref_squeeze %dma_wait3A_93 : memref<1x128xi32, #tpu.memory_space<vmem>> -> memref<128xi32, #tpu.memory_space<vmem>>
        %dma_wait3A_95 = arith.constant 0 : i32
        %dma_wait3A_96 = arith.constant 0 : i32
        %dma_wait3A_97 = tpu.memref_slice %arg2[%dma_wait3A_95, %dma_wait3A_96] : memref<10240x128xf32, #tpu.memory_space<hbm>> -> memref<10240x128xf32, #tpu.memory_space<hbm>>
        tpu.wait_indirect_dma semaphore(%arg12 : memref<!tpu.dma_semaphore, #tpu.memory_space<semaphore_mem>>) src(%dma_wait3A_97 : memref<10240x128xf32, #tpu.memory_space<hbm>>) dst(%dma_wait3A_91 : memref<128x128xf32, #tpu.memory_space<vmem>>)
        %add3A_98 = arith.constant 1 : i32
        %add3A_99 = arith.addi %mul3A_57, %add3A_98 : i32
        %run_scoped3A_100 = arith.constant 1 : i32
        "tpu.region"() ({
          %run_scoped3A_101 = tpu.sem_alloc : memref<!tpu.dma_semaphore, #tpu.memory_space<semaphore_mem>>
          %dma_start3A_102 = arith.constant 0 : i32
          %dma_start3A_103 = arith.constant 0 : i32
          %dma_start3A_104 = tpu.memref_slice %arg10[%run_scoped3A_100, %dma_start3A_102, %dma_start3A_103] : memref<2x128x128xf32, #tpu.memory_space<vmem>> -> memref<1x128x128xf32, #tpu.memory_space<vmem>>
          %dma_start3A_105 = tpu.memref_squeeze %dma_start3A_104 : memref<1x128x128xf32, #tpu.memory_space<vmem>> -> memref<128x128xf32, #tpu.memory_space<vmem>>
          %dma_start3A_106 = arith.constant 0 : i32
          %dma_start3A_107 = tpu.memref_slice %arg9[%add3A_99, %dma_start3A_106] : memref<40x128xi32, #tpu.memory_space<vmem>> -> memref<1x128xi32, #tpu.memory_space<vmem>>
          %dma_start3A_108 = tpu.memref_squeeze %dma_start3A_107 : memref<1x128xi32, #tpu.memory_space<vmem>> -> memref<128xi32, #tpu.memory_space<vmem>>
          %dma_start3A_109 = arith.constant 0 : i32
          %dma_start3A_110 = arith.constant 0 : i32
          %dma_start3A_111 = tpu.memref_slice %arg7[%dma_start3A_109, %dma_start3A_110] : memref<10240x128xf32, #tpu.memory_space<vmem_shared>> -> memref<10240x128xf32, #tpu.memory_space<vmem_shared>>
          tpu.enqueue_indirect_dma source(%dma_start3A_105 : memref<128x128xf32, #tpu.memory_space<vmem>>) target(%dma_start3A_111 : memref<10240x128xf32, #tpu.memory_space<vmem_shared>>) offsets(%dma_start3A_108 : memref<128xi32, #tpu.memory_space<vmem>>) semaphore(%run_scoped3A_101 : memref<!tpu.dma_semaphore, #tpu.memory_space<semaphore_mem>>) {add = true}
          %dma_wait3A_112 = arith.constant 0 : i32
          %dma_wait3A_113 = arith.constant 0 : i32
          %dma_wait3A_114 = tpu.memref_slice %arg10[%run_scoped3A_100, %dma_wait3A_112, %dma_wait3A_113] : memref<2x128x128xf32, #tpu.memory_space<vmem>> -> memref<1x128x128xf32, #tpu.memory_space<vmem>>
          %dma_wait3A_115 = tpu.memref_squeeze %dma_wait3A_114 : memref<1x128x128xf32, #tpu.memory_space<vmem>> -> memref<128x128xf32, #tpu.memory_space<vmem>>
          %dma_wait3A_116 = arith.constant 0 : i32
          %dma_wait3A_117 = tpu.memref_slice %arg9[%add3A_99, %dma_wait3A_116] : memref<40x128xi32, #tpu.memory_space<vmem>> -> memref<1x128xi32, #tpu.memory_space<vmem>>
          %dma_wait3A_118 = tpu.memref_squeeze %dma_wait3A_117 : memref<1x128xi32, #tpu.memory_space<vmem>> -> memref<128xi32, #tpu.memory_space<vmem>>
          %dma_wait3A_119 = arith.constant 0 : i32
          %dma_wait3A_120 = arith.constant 0 : i32
          %dma_wait3A_121 = tpu.memref_slice %arg7[%dma_wait3A_119, %dma_wait3A_120] : memref<10240x128xf32, #tpu.memory_space<vmem_shared>> -> memref<10240x128xf32, #tpu.memory_space<vmem_shared>>
          tpu.wait_indirect_dma semaphore(%run_scoped3A_101 : memref<!tpu.dma_semaphore, #tpu.memory_space<semaphore_mem>>) src(%dma_wait3A_115 : memref<128x128xf32, #tpu.memory_space<vmem>>) dst(%dma_wait3A_121 : memref<10240x128xf32, #tpu.memory_space<vmem_shared>>)
          tpu.yield
        }) : () -> ()
      }
      %scan3A_54 = arith.constant 20 : i32
    }
    %scan3A_22 = arith.constant 2 : i32
    %barrier3A_23 = arith.constant 0 : index
    tpu.barrier barrier_id(%barrier3A_23)
    %eq3A = arith.constant 0 : i32
    %eq3A_24 = arith.cmpi eq, %arg0, %eq3A : i32
    %convert_element_type3A = arith.extui %eq3A_24 : i1 to i32
    %cond3A = arith.constant 0 : i32
    %cond3A_25 = arith.cmpi ne, %convert_element_type3A, %cond3A : i32
    scf.if %cond3A_25 {
      "tpu.region"() ({
        %run_scoped3A = tpu.sem_alloc : memref<!tpu.dma_semaphore, #tpu.memory_space<semaphore_mem>>
        %dma_start3A = arith.constant 0 : i32
        %dma_start3A_31 = tpu.memref_slice %arg5[%mul3A_2, %dma_start3A] : memref<10240x128xf32, #tpu.memory_space<hbm>> -> memref<640x128xf32, #tpu.memory_space<hbm>>
        %dma_start3A_32 = arith.constant 0 : i32
        %dma_start3A_33 = tpu.memref_slice %arg7[%mul3A_2, %dma_start3A_32] : memref<10240x128xf32, #tpu.memory_space<vmem_shared>> -> memref<640x128xf32, #tpu.memory_space<vmem_shared>>
        tpu.enqueue_dma source(%dma_start3A_33 : memref<640x128xf32, #tpu.memory_space<vmem_shared>>) target(%dma_start3A_31 : memref<640x128xf32, #tpu.memory_space<hbm>>) target_semaphore(%run_scoped3A : memref<!tpu.dma_semaphore, #tpu.memory_space<semaphore_mem>>)
        %dma_wait3A = arith.constant 0 : i32
        %dma_wait3A_34 = tpu.memref_slice %arg5[%mul3A_2, %dma_wait3A] : memref<10240x128xf32, #tpu.memory_space<hbm>> -> memref<640x128xf32, #tpu.memory_space<hbm>>
        %dma_wait3A_35 = arith.constant 0 : i32
        %dma_wait3A_36 = tpu.memref_slice %arg7[%mul3A_2, %dma_wait3A_35] : memref<10240x128xf32, #tpu.memory_space<vmem_shared>> -> memref<640x128xf32, #tpu.memory_space<vmem_shared>>
        tpu.wait_dma2 semaphore(%run_scoped3A : memref<!tpu.dma_semaphore, #tpu.memory_space<semaphore_mem>>) src(%dma_wait3A_36 : memref<640x128xf32, #tpu.memory_space<vmem_shared>>) dst(%dma_wait3A_34 : memref<640x128xf32, #tpu.memory_space<hbm>>)
        tpu.yield
      }) : () -> ()
    } else {
    }
    %eq3A_26 = arith.constant 1 : i32
    %eq3A_27 = arith.cmpi eq, %arg0, %eq3A_26 : i32
    %convert_element_type3A_28 = arith.extui %eq3A_27 : i1 to i32
    %cond3A_29 = arith.constant 0 : i32
    %cond3A_30 = arith.cmpi ne, %convert_element_type3A_28, %cond3A_29 : i32
    scf.if %cond3A_30 {
      "tpu.region"() ({
        %run_scoped3A = tpu.sem_alloc : memref<!tpu.dma_semaphore, #tpu.memory_space<semaphore_mem>>
        %dma_start3A = arith.constant 0 : i32
        %dma_start3A_31 = tpu.memref_slice %arg6[%mul3A_2, %dma_start3A] : memref<10240x128xf32, #tpu.memory_space<hbm>> -> memref<640x128xf32, #tpu.memory_space<hbm>>
        %dma_start3A_32 = arith.constant 0 : i32
        %dma_start3A_33 = tpu.memref_slice %arg7[%mul3A_2, %dma_start3A_32] : memref<10240x128xf32, #tpu.memory_space<vmem_shared>> -> memref<640x128xf32, #tpu.memory_space<vmem_shared>>
        tpu.enqueue_dma source(%dma_start3A_33 : memref<640x128xf32, #tpu.memory_space<vmem_shared>>) target(%dma_start3A_31 : memref<640x128xf32, #tpu.memory_space<hbm>>) target_semaphore(%run_scoped3A : memref<!tpu.dma_semaphore, #tpu.memory_space<semaphore_mem>>)
        %dma_wait3A = arith.constant 0 : i32
        %dma_wait3A_34 = tpu.memref_slice %arg6[%mul3A_2, %dma_wait3A] : memref<10240x128xf32, #tpu.memory_space<hbm>> -> memref<640x128xf32, #tpu.memory_space<hbm>>
        %dma_wait3A_35 = arith.constant 0 : i32
        %dma_wait3A_36 = tpu.memref_slice %arg7[%mul3A_2, %dma_wait3A_35] : memref<10240x128xf32, #tpu.memory_space<vmem_shared>> -> memref<640x128xf32, #tpu.memory_space<vmem_shared>>
        tpu.wait_dma2 semaphore(%run_scoped3A : memref<!tpu.dma_semaphore, #tpu.memory_space<semaphore_mem>>) src(%dma_wait3A_36 : memref<640x128xf32, #tpu.memory_space<vmem_shared>>) dst(%dma_wait3A_34 : memref<640x128xf32, #tpu.memory_space<hbm>>)
        tpu.yield
      }) : () -> ()
    } else {
    }
    return
  }
}

#map = affine_map<(d0, d1) -> (0, 0)>
#map1 = affine_map<(d0, d1) -> (0)>
module attributes {stable_mosaic.version = 14 : i64} {
  func.func @k(%arg0: i32, %arg1: i32, %arg2: memref<10240x128xf32, #tpu.memory_space<hbm>>, %arg3: memref<10240xi32, #tpu.memory_space<hbm>>, %arg4: memref<64x384xf32, #tpu.memory_space<hbm>>, %arg5: memref<10240xi32, #tpu.memory_space<vmem>>, %arg6: memref<128x128xf32, #tpu.memory_space<vmem>>, %arg7: memref<2x384xf32, #tpu.memory_space<vmem>>) attributes {dimension_semantics = [#tpu.dimension_semantics<core_parallel>, #tpu.dimension_semantics<subcore_parallel>], iteration_bounds = array<i64: 2, 16>, scalar_prefetch = 0 : i64, scratch_operands = 3 : i64, tpu.core_type = #tpu.core_type<sc_vector_subcore>, window_params = [{transform_indices = #map}, {transform_indices = #map1}, {transform_indices = #map}]} {
    %mul3A = arith.constant 16 : i32
    %mul3A_0 = arith.muli %arg0, %mul3A : i32
    %add3A = arith.addi %mul3A_0, %arg1 : i32
    %mul3A_1 = arith.constant 2 : i32
    %mul3A_2 = arith.muli %mul3A_1, %add3A : i32
    "tpu.region"() ({
      %run_scoped3A = tpu.sem_alloc : memref<!tpu.dma_semaphore, #tpu.memory_space<semaphore_mem>>
      tpu.enqueue_dma source(%arg3 : memref<10240xi32, #tpu.memory_space<hbm>>) target(%arg5 : memref<10240xi32, #tpu.memory_space<vmem>>) target_semaphore(%run_scoped3A : memref<!tpu.dma_semaphore, #tpu.memory_space<semaphore_mem>>)
      tpu.wait_dma2 semaphore(%run_scoped3A : memref<!tpu.dma_semaphore, #tpu.memory_space<semaphore_mem>>) src(%arg3 : memref<10240xi32, #tpu.memory_space<hbm>>) dst(%arg5 : memref<10240xi32, #tpu.memory_space<vmem>>)
      tpu.yield
    }) : () -> ()
    %scan3A = arith.constant 0 : i32
    %scan3A_3 = arith.constant 640 : i32
    %scan3A_4 = arith.constant 0 : i32
    %scan3A_5 = arith.constant 10 : i32
    %scan3A_6 = arith.addi %scan3A_4, %scan3A_5 : i32
    %scan3A_7 = arith.constant 1 : i32
    %scan3A_8:2 = scf.for %scan3A_902 = %scan3A_4 to %scan3A_6 step %scan3A_7 iter_args(%scan3A_903 = %scan3A, %scan3A_904 = %scan3A_3) -> (i32, i32)  : i32 {
      %add3A_905 = arith.addi %scan3A_903, %scan3A_904 : i32
      %jit3A_906 = arith.constant 2 : i32
      %div3A_907 = arith.divsi %add3A_905, %jit3A_906 : i32
      %sign3A_908 = arith.constant 0 : i32
      %sign3A_909 = arith.cmpi sgt, %add3A_905, %sign3A_908 : i32
      %sign3A_910 = arith.extui %sign3A_909 : i1 to i32
      %sign3A_911 = arith.constant 0 : i32
      %sign3A_912 = arith.cmpi slt, %add3A_905, %sign3A_911 : i32
      %sign3A_913 = arith.extui %sign3A_912 : i1 to i32
      %sign3A_914 = arith.subi %sign3A_910, %sign3A_913 : i32
      %sign3A_915 = arith.constant 0 : i32
      %sign3A_916 = arith.cmpi sgt, %jit3A_906, %sign3A_915 : i32
      %sign3A_917 = arith.extui %sign3A_916 : i1 to i32
      %sign3A_918 = arith.constant 0 : i32
      %sign3A_919 = arith.cmpi slt, %jit3A_906, %sign3A_918 : i32
      %sign3A_920 = arith.extui %sign3A_919 : i1 to i32
      %sign3A_921 = arith.subi %sign3A_917, %sign3A_920 : i32
      %ne3A_922 = arith.cmpi ne, %sign3A_914, %sign3A_921 : i32
      %rem3A_923 = arith.remsi %add3A_905, %jit3A_906 : i32
      %ne3A_924 = arith.constant 0 : i32
      %ne3A_925 = arith.cmpi ne, %rem3A_923, %ne3A_924 : i32
      %and3A_926 = arith.andi %ne3A_922, %ne3A_925 : i1
      %sub3A_927 = arith.constant 1 : i32
      %sub3A_928 = arith.subi %div3A_907, %sub3A_927 : i32
      %select_n3A_929 = arith.select %and3A_926, %sub3A_928, %div3A_907 : i32
      %mul3A_930 = arith.constant 16 : i32
      %mul3A_931 = arith.muli %select_n3A_929, %mul3A_930 : i32
      %get3A_932 = arith.index_cast %mul3A_931 : i32 to index
      %get3A_933 = tpu.vector_load %arg5[%get3A_932] {strides = array<i32>} : memref<10240xi32, #tpu.memory_space<vmem>>, vector<16xi32>,
      %get3A_934 = vector.shape_cast %get3A_933 : vector<16xi32> to vector<16xi32>
      %slice3A_935 = vector.extract_strided_slice %get3A_934 {offsets = [0], sizes = [1], strides = [1]} : vector<16xi32> to vector<1xi32>
      %squeeze3A_936 = vector.extract %slice3A_935[0] : i32 from vector<1xi32>
      %ge3A = arith.cmpi sge, %squeeze3A_936, %mul3A_2 : i32
      %add3A_937 = arith.constant 1 : i32
      %add3A_938 = arith.addi %select_n3A_929, %add3A_937 : i32
      %select_n3A_939 = arith.select %ge3A, %scan3A_903, %add3A_938 : i32
      %select_n3A_940 = arith.select %ge3A, %select_n3A_929, %scan3A_904 : i32
      scf.yield %select_n3A_939, %select_n3A_940 : i32, i32
    }
    %scan3A_9 = arith.constant 10 : i32
    %sub3A = arith.constant 1 : i32
    %sub3A_10 = arith.subi %scan3A_8#0, %sub3A : i32
    %max3A = arith.constant 0 : i32
    %max3A_11 = arith.maxsi %sub3A_10, %max3A : i32
    %mul3A_12 = arith.constant 16 : i32
    %mul3A_13 = arith.muli %max3A_11, %mul3A_12 : i32
    %get3A = arith.index_cast %mul3A_13 : i32 to index
    %get3A_14 = tpu.vector_load %arg5[%get3A] {strides = array<i32>} : memref<10240xi32, #tpu.memory_space<vmem>>, vector<16xi32>,
    %get3A_15 = vector.shape_cast %get3A_14 : vector<16xi32> to vector<16xi32>
    %slice3A = vector.extract_strided_slice %get3A_15 {offsets = [0], sizes = [1], strides = [1]} : vector<16xi32> to vector<1xi32>
    %squeeze3A = vector.extract %slice3A[0] : i32 from vector<1xi32>
    %lt3A = arith.cmpi slt, %squeeze3A, %mul3A_2 : i32
    %jit3A = arith.constant 1 : i32
    %jit3A_16 = arith.constant 0 : i32
    %select_n3A = arith.select %lt3A, %jit3A, %jit3A_16 : i32
    %add3A_17 = arith.constant 0 : i32
    %add3A_18 = arith.addi %add3A_17, %select_n3A : i32
    %slice3A_19 = vector.extract_strided_slice %get3A_15 {offsets = [1], sizes = [1], strides = [1]} : vector<16xi32> to vector<1xi32>
    %squeeze3A_20 = vector.extract %slice3A_19[0] : i32 from vector<1xi32>
    %lt3A_21 = arith.cmpi slt, %squeeze3A_20, %mul3A_2 : i32
    %jit3A_22 = arith.constant 1 : i32
    %jit3A_23 = arith.constant 0 : i32
    %select_n3A_24 = arith.select %lt3A_21, %jit3A_22, %jit3A_23 : i32
    %add3A_25 = arith.addi %add3A_18, %select_n3A_24 : i32
    %slice3A_26 = vector.extract_strided_slice %get3A_15 {offsets = [2], sizes = [1], strides = [1]} : vector<16xi32> to vector<1xi32>
    %squeeze3A_27 = vector.extract %slice3A_26[0] : i32 from vector<1xi32>
    %lt3A_28 = arith.cmpi slt, %squeeze3A_27, %mul3A_2 : i32
    %jit3A_29 = arith.constant 1 : i32
    %jit3A_30 = arith.constant 0 : i32
    %select_n3A_31 = arith.select %lt3A_28, %jit3A_29, %jit3A_30 : i32
    %add3A_32 = arith.addi %add3A_25, %select_n3A_31 : i32
    %slice3A_33 = vector.extract_strided_slice %get3A_15 {offsets = [3], sizes = [1], strides = [1]} : vector<16xi32> to vector<1xi32>
    %squeeze3A_34 = vector.extract %slice3A_33[0] : i32 from vector<1xi32>
    %lt3A_35 = arith.cmpi slt, %squeeze3A_34, %mul3A_2 : i32
    %jit3A_36 = arith.constant 1 : i32
    %jit3A_37 = arith.constant 0 : i32
    %select_n3A_38 = arith.select %lt3A_35, %jit3A_36, %jit3A_37 : i32
    %add3A_39 = arith.addi %add3A_32, %select_n3A_38 : i32
    %slice3A_40 = vector.extract_strided_slice %get3A_15 {offsets = [4], sizes = [1], strides = [1]} : vector<16xi32> to vector<1xi32>
    %squeeze3A_41 = vector.extract %slice3A_40[0] : i32 from vector<1xi32>
    %lt3A_42 = arith.cmpi slt, %squeeze3A_41, %mul3A_2 : i32
    %jit3A_43 = arith.constant 1 : i32
    %jit3A_44 = arith.constant 0 : i32
    %select_n3A_45 = arith.select %lt3A_42, %jit3A_43, %jit3A_44 : i32
    %add3A_46 = arith.addi %add3A_39, %select_n3A_45 : i32
    %slice3A_47 = vector.extract_strided_slice %get3A_15 {offsets = [5], sizes = [1], strides = [1]} : vector<16xi32> to vector<1xi32>
    %squeeze3A_48 = vector.extract %slice3A_47[0] : i32 from vector<1xi32>
    %lt3A_49 = arith.cmpi slt, %squeeze3A_48, %mul3A_2 : i32
    %jit3A_50 = arith.constant 1 : i32
    %jit3A_51 = arith.constant 0 : i32
    %select_n3A_52 = arith.select %lt3A_49, %jit3A_50, %jit3A_51 : i32
    %add3A_53 = arith.addi %add3A_46, %select_n3A_52 : i32
    %slice3A_54 = vector.extract_strided_slice %get3A_15 {offsets = [6], sizes = [1], strides = [1]} : vector<16xi32> to vector<1xi32>
    %squeeze3A_55 = vector.extract %slice3A_54[0] : i32 from vector<1xi32>
    %lt3A_56 = arith.cmpi slt, %squeeze3A_55, %mul3A_2 : i32
    %jit3A_57 = arith.constant 1 : i32
    %jit3A_58 = arith.constant 0 : i32
    %select_n3A_59 = arith.select %lt3A_56, %jit3A_57, %jit3A_58 : i32
    %add3A_60 = arith.addi %add3A_53, %select_n3A_59 : i32
    %slice3A_61 = vector.extract_strided_slice %get3A_15 {offsets = [7], sizes = [1], strides = [1]} : vector<16xi32> to vector<1xi32>
    %squeeze3A_62 = vector.extract %slice3A_61[0] : i32 from vector<1xi32>
    %lt3A_63 = arith.cmpi slt, %squeeze3A_62, %mul3A_2 : i32
    %jit3A_64 = arith.constant 1 : i32
    %jit3A_65 = arith.constant 0 : i32
    %select_n3A_66 = arith.select %lt3A_63, %jit3A_64, %jit3A_65 : i32
    %add3A_67 = arith.addi %add3A_60, %select_n3A_66 : i32
    %slice3A_68 = vector.extract_strided_slice %get3A_15 {offsets = [8], sizes = [1], strides = [1]} : vector<16xi32> to vector<1xi32>
    %squeeze3A_69 = vector.extract %slice3A_68[0] : i32 from vector<1xi32>
    %lt3A_70 = arith.cmpi slt, %squeeze3A_69, %mul3A_2 : i32
    %jit3A_71 = arith.constant 1 : i32
    %jit3A_72 = arith.constant 0 : i32
    %select_n3A_73 = arith.select %lt3A_70, %jit3A_71, %jit3A_72 : i32
    %add3A_74 = arith.addi %add3A_67, %select_n3A_73 : i32
    %slice3A_75 = vector.extract_strided_slice %get3A_15 {offsets = [9], sizes = [1], strides = [1]} : vector<16xi32> to vector<1xi32>
    %squeeze3A_76 = vector.extract %slice3A_75[0] : i32 from vector<1xi32>
    %lt3A_77 = arith.cmpi slt, %squeeze3A_76, %mul3A_2 : i32
    %jit3A_78 = arith.constant 1 : i32
    %jit3A_79 = arith.constant 0 : i32
    %select_n3A_80 = arith.select %lt3A_77, %jit3A_78, %jit3A_79 : i32
    %add3A_81 = arith.addi %add3A_74, %select_n3A_80 : i32
    %slice3A_82 = vector.extract_strided_slice %get3A_15 {offsets = [10], sizes = [1], strides = [1]} : vector<16xi32> to vector<1xi32>
    %squeeze3A_83 = vector.extract %slice3A_82[0] : i32 from vector<1xi32>
    %lt3A_84 = arith.cmpi slt, %squeeze3A_83, %mul3A_2 : i32
    %jit3A_85 = arith.constant 1 : i32
    %jit3A_86 = arith.constant 0 : i32
    %select_n3A_87 = arith.select %lt3A_84, %jit3A_85, %jit3A_86 : i32
    %add3A_88 = arith.addi %add3A_81, %select_n3A_87 : i32
    %slice3A_89 = vector.extract_strided_slice %get3A_15 {offsets = [11], sizes = [1], strides = [1]} : vector<16xi32> to vector<1xi32>
    %squeeze3A_90 = vector.extract %slice3A_89[0] : i32 from vector<1xi32>
    %lt3A_91 = arith.cmpi slt, %squeeze3A_90, %mul3A_2 : i32
    %jit3A_92 = arith.constant 1 : i32
    %jit3A_93 = arith.constant 0 : i32
    %select_n3A_94 = arith.select %lt3A_91, %jit3A_92, %jit3A_93 : i32
    %add3A_95 = arith.addi %add3A_88, %select_n3A_94 : i32
    %slice3A_96 = vector.extract_strided_slice %get3A_15 {offsets = [12], sizes = [1], strides = [1]} : vector<16xi32> to vector<1xi32>
    %squeeze3A_97 = vector.extract %slice3A_96[0] : i32 from vector<1xi32>
    %lt3A_98 = arith.cmpi slt, %squeeze3A_97, %mul3A_2 : i32
    %jit3A_99 = arith.constant 1 : i32
    %jit3A_100 = arith.constant 0 : i32
    %select_n3A_101 = arith.select %lt3A_98, %jit3A_99, %jit3A_100 : i32
    %add3A_102 = arith.addi %add3A_95, %select_n3A_101 : i32
    %slice3A_103 = vector.extract_strided_slice %get3A_15 {offsets = [13], sizes = [1], strides = [1]} : vector<16xi32> to vector<1xi32>
    %squeeze3A_104 = vector.extract %slice3A_103[0] : i32 from vector<1xi32>
    %lt3A_105 = arith.cmpi slt, %squeeze3A_104, %mul3A_2 : i32
    %jit3A_106 = arith.constant 1 : i32
    %jit3A_107 = arith.constant 0 : i32
    %select_n3A_108 = arith.select %lt3A_105, %jit3A_106, %jit3A_107 : i32
    %add3A_109 = arith.addi %add3A_102, %select_n3A_108 : i32
    %slice3A_110 = vector.extract_strided_slice %get3A_15 {offsets = [14], sizes = [1], strides = [1]} : vector<16xi32> to vector<1xi32>
    %squeeze3A_111 = vector.extract %slice3A_110[0] : i32 from vector<1xi32>
    %lt3A_112 = arith.cmpi slt, %squeeze3A_111, %mul3A_2 : i32
    %jit3A_113 = arith.constant 1 : i32
    %jit3A_114 = arith.constant 0 : i32
    %select_n3A_115 = arith.select %lt3A_112, %jit3A_113, %jit3A_114 : i32
    %add3A_116 = arith.addi %add3A_109, %select_n3A_115 : i32
    %slice3A_117 = vector.extract_strided_slice %get3A_15 {offsets = [15], sizes = [1], strides = [1]} : vector<16xi32> to vector<1xi32>
    %squeeze3A_118 = vector.extract %slice3A_117[0] : i32 from vector<1xi32>
    %lt3A_119 = arith.cmpi slt, %squeeze3A_118, %mul3A_2 : i32
    %jit3A_120 = arith.constant 1 : i32
    %jit3A_121 = arith.constant 0 : i32
    %select_n3A_122 = arith.select %lt3A_119, %jit3A_120, %jit3A_121 : i32
    %add3A_123 = arith.addi %add3A_116, %select_n3A_122 : i32
    %mul3A_124 = arith.constant 16 : i32
    %mul3A_125 = arith.muli %max3A_11, %mul3A_124 : i32
    %add3A_126 = arith.addi %mul3A_125, %add3A_123 : i32
    %add3A_127 = arith.constant 1 : i32
    %add3A_128 = arith.addi %mul3A_2, %add3A_127 : i32
    %scan3A_129 = arith.constant 0 : i32
    %scan3A_130 = arith.constant 640 : i32
    %scan3A_131 = arith.constant 0 : i32
    %scan3A_132 = arith.constant 10 : i32
    %scan3A_133 = arith.addi %scan3A_131, %scan3A_132 : i32
    %scan3A_134 = arith.constant 1 : i32
    %scan3A_135:2 = scf.for %scan3A_902 = %scan3A_131 to %scan3A_133 step %scan3A_134 iter_args(%scan3A_903 = %scan3A_129, %scan3A_904 = %scan3A_130) -> (i32, i32)  : i32 {
      %add3A_905 = arith.addi %scan3A_903, %scan3A_904 : i32
      %jit3A_906 = arith.constant 2 : i32
      %div3A_907 = arith.divsi %add3A_905, %jit3A_906 : i32
      %sign3A_908 = arith.constant 0 : i32
      %sign3A_909 = arith.cmpi sgt, %add3A_905, %sign3A_908 : i32
      %sign3A_910 = arith.extui %sign3A_909 : i1 to i32
      %sign3A_911 = arith.constant 0 : i32
      %sign3A_912 = arith.cmpi slt, %add3A_905, %sign3A_911 : i32
      %sign3A_913 = arith.extui %sign3A_912 : i1 to i32
      %sign3A_914 = arith.subi %sign3A_910, %sign3A_913 : i32
      %sign3A_915 = arith.constant 0 : i32
      %sign3A_916 = arith.cmpi sgt, %jit3A_906, %sign3A_915 : i32
      %sign3A_917 = arith.extui %sign3A_916 : i1 to i32
      %sign3A_918 = arith.constant 0 : i32
      %sign3A_919 = arith.cmpi slt, %jit3A_906, %sign3A_918 : i32
      %sign3A_920 = arith.extui %sign3A_919 : i1 to i32
      %sign3A_921 = arith.subi %sign3A_917, %sign3A_920 : i32
      %ne3A_922 = arith.cmpi ne, %sign3A_914, %sign3A_921 : i32
      %rem3A_923 = arith.remsi %add3A_905, %jit3A_906 : i32
      %ne3A_924 = arith.constant 0 : i32
      %ne3A_925 = arith.cmpi ne, %rem3A_923, %ne3A_924 : i32
      %and3A_926 = arith.andi %ne3A_922, %ne3A_925 : i1
      %sub3A_927 = arith.constant 1 : i32
      %sub3A_928 = arith.subi %div3A_907, %sub3A_927 : i32
      %select_n3A_929 = arith.select %and3A_926, %sub3A_928, %div3A_907 : i32
      %mul3A_930 = arith.constant 16 : i32
      %mul3A_931 = arith.muli %select_n3A_929, %mul3A_930 : i32
      %get3A_932 = arith.index_cast %mul3A_931 : i32 to index
      %get3A_933 = tpu.vector_load %arg5[%get3A_932] {strides = array<i32>} : memref<10240xi32, #tpu.memory_space<vmem>>, vector<16xi32>,
      %get3A_934 = vector.shape_cast %get3A_933 : vector<16xi32> to vector<16xi32>
      %slice3A_935 = vector.extract_strided_slice %get3A_934 {offsets = [0], sizes = [1], strides = [1]} : vector<16xi32> to vector<1xi32>
      %squeeze3A_936 = vector.extract %slice3A_935[0] : i32 from vector<1xi32>
      %ge3A = arith.cmpi sge, %squeeze3A_936, %add3A_128 : i32
      %add3A_937 = arith.constant 1 : i32
      %add3A_938 = arith.addi %select_n3A_929, %add3A_937 : i32
      %select_n3A_939 = arith.select %ge3A, %scan3A_903, %add3A_938 : i32
      %select_n3A_940 = arith.select %ge3A, %select_n3A_929, %scan3A_904 : i32
      scf.yield %select_n3A_939, %select_n3A_940 : i32, i32
    }
    %scan3A_136 = arith.constant 10 : i32
    %sub3A_137 = arith.constant 1 : i32
    %sub3A_138 = arith.subi %scan3A_135#0, %sub3A_137 : i32
    %max3A_139 = arith.constant 0 : i32
    %max3A_140 = arith.maxsi %sub3A_138, %max3A_139 : i32
    %mul3A_141 = arith.constant 16 : i32
    %mul3A_142 = arith.muli %max3A_140, %mul3A_141 : i32
    %get3A_143 = arith.index_cast %mul3A_142 : i32 to index
    %get3A_144 = tpu.vector_load %arg5[%get3A_143] {strides = array<i32>} : memref<10240xi32, #tpu.memory_space<vmem>>, vector<16xi32>,
    %get3A_145 = vector.shape_cast %get3A_144 : vector<16xi32> to vector<16xi32>
    %slice3A_146 = vector.extract_strided_slice %get3A_145 {offsets = [0], sizes = [1], strides = [1]} : vector<16xi32> to vector<1xi32>
    %squeeze3A_147 = vector.extract %slice3A_146[0] : i32 from vector<1xi32>
    %lt3A_148 = arith.cmpi slt, %squeeze3A_147, %add3A_128 : i32
    %jit3A_149 = arith.constant 1 : i32
    %jit3A_150 = arith.constant 0 : i32
    %select_n3A_151 = arith.select %lt3A_148, %jit3A_149, %jit3A_150 : i32
    %add3A_152 = arith.constant 0 : i32
    %add3A_153 = arith.addi %add3A_152, %select_n3A_151 : i32
    %slice3A_154 = vector.extract_strided_slice %get3A_145 {offsets = [1], sizes = [1], strides = [1]} : vector<16xi32> to vector<1xi32>
    %squeeze3A_155 = vector.extract %slice3A_154[0] : i32 from vector<1xi32>
    %lt3A_156 = arith.cmpi slt, %squeeze3A_155, %add3A_128 : i32
    %jit3A_157 = arith.constant 1 : i32
    %jit3A_158 = arith.constant 0 : i32
    %select_n3A_159 = arith.select %lt3A_156, %jit3A_157, %jit3A_158 : i32
    %add3A_160 = arith.addi %add3A_153, %select_n3A_159 : i32
    %slice3A_161 = vector.extract_strided_slice %get3A_145 {offsets = [2], sizes = [1], strides = [1]} : vector<16xi32> to vector<1xi32>
    %squeeze3A_162 = vector.extract %slice3A_161[0] : i32 from vector<1xi32>
    %lt3A_163 = arith.cmpi slt, %squeeze3A_162, %add3A_128 : i32
    %jit3A_164 = arith.constant 1 : i32
    %jit3A_165 = arith.constant 0 : i32
    %select_n3A_166 = arith.select %lt3A_163, %jit3A_164, %jit3A_165 : i32
    %add3A_167 = arith.addi %add3A_160, %select_n3A_166 : i32
    %slice3A_168 = vector.extract_strided_slice %get3A_145 {offsets = [3], sizes = [1], strides = [1]} : vector<16xi32> to vector<1xi32>
    %squeeze3A_169 = vector.extract %slice3A_168[0] : i32 from vector<1xi32>
    %lt3A_170 = arith.cmpi slt, %squeeze3A_169, %add3A_128 : i32
    %jit3A_171 = arith.constant 1 : i32
    %jit3A_172 = arith.constant 0 : i32
    %select_n3A_173 = arith.select %lt3A_170, %jit3A_171, %jit3A_172 : i32
    %add3A_174 = arith.addi %add3A_167, %select_n3A_173 : i32
    %slice3A_175 = vector.extract_strided_slice %get3A_145 {offsets = [4], sizes = [1], strides = [1]} : vector<16xi32> to vector<1xi32>
    %squeeze3A_176 = vector.extract %slice3A_175[0] : i32 from vector<1xi32>
    %lt3A_177 = arith.cmpi slt, %squeeze3A_176, %add3A_128 : i32
    %jit3A_178 = arith.constant 1 : i32
    %jit3A_179 = arith.constant 0 : i32
    %select_n3A_180 = arith.select %lt3A_177, %jit3A_178, %jit3A_179 : i32
    %add3A_181 = arith.addi %add3A_174, %select_n3A_180 : i32
    %slice3A_182 = vector.extract_strided_slice %get3A_145 {offsets = [5], sizes = [1], strides = [1]} : vector<16xi32> to vector<1xi32>
    %squeeze3A_183 = vector.extract %slice3A_182[0] : i32 from vector<1xi32>
    %lt3A_184 = arith.cmpi slt, %squeeze3A_183, %add3A_128 : i32
    %jit3A_185 = arith.constant 1 : i32
    %jit3A_186 = arith.constant 0 : i32
    %select_n3A_187 = arith.select %lt3A_184, %jit3A_185, %jit3A_186 : i32
    %add3A_188 = arith.addi %add3A_181, %select_n3A_187 : i32
    %slice3A_189 = vector.extract_strided_slice %get3A_145 {offsets = [6], sizes = [1], strides = [1]} : vector<16xi32> to vector<1xi32>
    %squeeze3A_190 = vector.extract %slice3A_189[0] : i32 from vector<1xi32>
    %lt3A_191 = arith.cmpi slt, %squeeze3A_190, %add3A_128 : i32
    %jit3A_192 = arith.constant 1 : i32
    %jit3A_193 = arith.constant 0 : i32
    %select_n3A_194 = arith.select %lt3A_191, %jit3A_192, %jit3A_193 : i32
    %add3A_195 = arith.addi %add3A_188, %select_n3A_194 : i32
    %slice3A_196 = vector.extract_strided_slice %get3A_145 {offsets = [7], sizes = [1], strides = [1]} : vector<16xi32> to vector<1xi32>
    %squeeze3A_197 = vector.extract %slice3A_196[0] : i32 from vector<1xi32>
    %lt3A_198 = arith.cmpi slt, %squeeze3A_197, %add3A_128 : i32
    %jit3A_199 = arith.constant 1 : i32
    %jit3A_200 = arith.constant 0 : i32
    %select_n3A_201 = arith.select %lt3A_198, %jit3A_199, %jit3A_200 : i32
    %add3A_202 = arith.addi %add3A_195, %select_n3A_201 : i32
    %slice3A_203 = vector.extract_strided_slice %get3A_145 {offsets = [8], sizes = [1], strides = [1]} : vector<16xi32> to vector<1xi32>
    %squeeze3A_204 = vector.extract %slice3A_203[0] : i32 from vector<1xi32>
    %lt3A_205 = arith.cmpi slt, %squeeze3A_204, %add3A_128 : i32
    %jit3A_206 = arith.constant 1 : i32
    %jit3A_207 = arith.constant 0 : i32
    %select_n3A_208 = arith.select %lt3A_205, %jit3A_206, %jit3A_207 : i32
    %add3A_209 = arith.addi %add3A_202, %select_n3A_208 : i32
    %slice3A_210 = vector.extract_strided_slice %get3A_145 {offsets = [9], sizes = [1], strides = [1]} : vector<16xi32> to vector<1xi32>
    %squeeze3A_211 = vector.extract %slice3A_210[0] : i32 from vector<1xi32>
    %lt3A_212 = arith.cmpi slt, %squeeze3A_211, %add3A_128 : i32
    %jit3A_213 = arith.constant 1 : i32
    %jit3A_214 = arith.constant 0 : i32
    %select_n3A_215 = arith.select %lt3A_212, %jit3A_213, %jit3A_214 : i32
    %add3A_216 = arith.addi %add3A_209, %select_n3A_215 : i32
    %slice3A_217 = vector.extract_strided_slice %get3A_145 {offsets = [10], sizes = [1], strides = [1]} : vector<16xi32> to vector<1xi32>
    %squeeze3A_218 = vector.extract %slice3A_217[0] : i32 from vector<1xi32>
    %lt3A_219 = arith.cmpi slt, %squeeze3A_218, %add3A_128 : i32
    %jit3A_220 = arith.constant 1 : i32
    %jit3A_221 = arith.constant 0 : i32
    %select_n3A_222 = arith.select %lt3A_219, %jit3A_220, %jit3A_221 : i32
    %add3A_223 = arith.addi %add3A_216, %select_n3A_222 : i32
    %slice3A_224 = vector.extract_strided_slice %get3A_145 {offsets = [11], sizes = [1], strides = [1]} : vector<16xi32> to vector<1xi32>
    %squeeze3A_225 = vector.extract %slice3A_224[0] : i32 from vector<1xi32>
    %lt3A_226 = arith.cmpi slt, %squeeze3A_225, %add3A_128 : i32
    %jit3A_227 = arith.constant 1 : i32
    %jit3A_228 = arith.constant 0 : i32
    %select_n3A_229 = arith.select %lt3A_226, %jit3A_227, %jit3A_228 : i32
    %add3A_230 = arith.addi %add3A_223, %select_n3A_229 : i32
    %slice3A_231 = vector.extract_strided_slice %get3A_145 {offsets = [12], sizes = [1], strides = [1]} : vector<16xi32> to vector<1xi32>
    %squeeze3A_232 = vector.extract %slice3A_231[0] : i32 from vector<1xi32>
    %lt3A_233 = arith.cmpi slt, %squeeze3A_232, %add3A_128 : i32
    %jit3A_234 = arith.constant 1 : i32
    %jit3A_235 = arith.constant 0 : i32
    %select_n3A_236 = arith.select %lt3A_233, %jit3A_234, %jit3A_235 : i32
    %add3A_237 = arith.addi %add3A_230, %select_n3A_236 : i32
    %slice3A_238 = vector.extract_strided_slice %get3A_145 {offsets = [13], sizes = [1], strides = [1]} : vector<16xi32> to vector<1xi32>
    %squeeze3A_239 = vector.extract %slice3A_238[0] : i32 from vector<1xi32>
    %lt3A_240 = arith.cmpi slt, %squeeze3A_239, %add3A_128 : i32
    %jit3A_241 = arith.constant 1 : i32
    %jit3A_242 = arith.constant 0 : i32
    %select_n3A_243 = arith.select %lt3A_240, %jit3A_241, %jit3A_242 : i32
    %add3A_244 = arith.addi %add3A_237, %select_n3A_243 : i32
    %slice3A_245 = vector.extract_strided_slice %get3A_145 {offsets = [14], sizes = [1], strides = [1]} : vector<16xi32> to vector<1xi32>
    %squeeze3A_246 = vector.extract %slice3A_245[0] : i32 from vector<1xi32>
    %lt3A_247 = arith.cmpi slt, %squeeze3A_246, %add3A_128 : i32
    %jit3A_248 = arith.constant 1 : i32
    %jit3A_249 = arith.constant 0 : i32
    %select_n3A_250 = arith.select %lt3A_247, %jit3A_248, %jit3A_249 : i32
    %add3A_251 = arith.addi %add3A_244, %select_n3A_250 : i32
    %slice3A_252 = vector.extract_strided_slice %get3A_145 {offsets = [15], sizes = [1], strides = [1]} : vector<16xi32> to vector<1xi32>
    %squeeze3A_253 = vector.extract %slice3A_252[0] : i32 from vector<1xi32>
    %lt3A_254 = arith.cmpi slt, %squeeze3A_253, %add3A_128 : i32
    %jit3A_255 = arith.constant 1 : i32
    %jit3A_256 = arith.constant 0 : i32
    %select_n3A_257 = arith.select %lt3A_254, %jit3A_255, %jit3A_256 : i32
    %add3A_258 = arith.addi %add3A_251, %select_n3A_257 : i32
    %mul3A_259 = arith.constant 16 : i32
    %mul3A_260 = arith.muli %max3A_140, %mul3A_259 : i32
    %add3A_261 = arith.addi %mul3A_260, %add3A_258 : i32
    %add3A_262 = arith.constant 2 : i32
    %add3A_263 = arith.addi %mul3A_2, %add3A_262 : i32
    %scan3A_264 = arith.constant 0 : i32
    %scan3A_265 = arith.constant 640 : i32
    %scan3A_266 = arith.constant 0 : i32
    %scan3A_267 = arith.constant 10 : i32
    %scan3A_268 = arith.addi %scan3A_266, %scan3A_267 : i32
    %scan3A_269 = arith.constant 1 : i32
    %scan3A_270:2 = scf.for %scan3A_902 = %scan3A_266 to %scan3A_268 step %scan3A_269 iter_args(%scan3A_903 = %scan3A_264, %scan3A_904 = %scan3A_265) -> (i32, i32)  : i32 {
      %add3A_905 = arith.addi %scan3A_903, %scan3A_904 : i32
      %jit3A_906 = arith.constant 2 : i32
      %div3A_907 = arith.divsi %add3A_905, %jit3A_906 : i32
      %sign3A_908 = arith.constant 0 : i32
      %sign3A_909 = arith.cmpi sgt, %add3A_905, %sign3A_908 : i32
      %sign3A_910 = arith.extui %sign3A_909 : i1 to i32
      %sign3A_911 = arith.constant 0 : i32
      %sign3A_912 = arith.cmpi slt, %add3A_905, %sign3A_911 : i32
      %sign3A_913 = arith.extui %sign3A_912 : i1 to i32
      %sign3A_914 = arith.subi %sign3A_910, %sign3A_913 : i32
      %sign3A_915 = arith.constant 0 : i32
      %sign3A_916 = arith.cmpi sgt, %jit3A_906, %sign3A_915 : i32
      %sign3A_917 = arith.extui %sign3A_916 : i1 to i32
      %sign3A_918 = arith.constant 0 : i32
      %sign3A_919 = arith.cmpi slt, %jit3A_906, %sign3A_918 : i32
      %sign3A_920 = arith.extui %sign3A_919 : i1 to i32
      %sign3A_921 = arith.subi %sign3A_917, %sign3A_920 : i32
      %ne3A_922 = arith.cmpi ne, %sign3A_914, %sign3A_921 : i32
      %rem3A_923 = arith.remsi %add3A_905, %jit3A_906 : i32
      %ne3A_924 = arith.constant 0 : i32
      %ne3A_925 = arith.cmpi ne, %rem3A_923, %ne3A_924 : i32
      %and3A_926 = arith.andi %ne3A_922, %ne3A_925 : i1
      %sub3A_927 = arith.constant 1 : i32
      %sub3A_928 = arith.subi %div3A_907, %sub3A_927 : i32
      %select_n3A_929 = arith.select %and3A_926, %sub3A_928, %div3A_907 : i32
      %mul3A_930 = arith.constant 16 : i32
      %mul3A_931 = arith.muli %select_n3A_929, %mul3A_930 : i32
      %get3A_932 = arith.index_cast %mul3A_931 : i32 to index
      %get3A_933 = tpu.vector_load %arg5[%get3A_932] {strides = array<i32>} : memref<10240xi32, #tpu.memory_space<vmem>>, vector<16xi32>,
      %get3A_934 = vector.shape_cast %get3A_933 : vector<16xi32> to vector<16xi32>
      %slice3A_935 = vector.extract_strided_slice %get3A_934 {offsets = [0], sizes = [1], strides = [1]} : vector<16xi32> to vector<1xi32>
      %squeeze3A_936 = vector.extract %slice3A_935[0] : i32 from vector<1xi32>
      %ge3A = arith.cmpi sge, %squeeze3A_936, %add3A_263 : i32
      %add3A_937 = arith.constant 1 : i32
      %add3A_938 = arith.addi %select_n3A_929, %add3A_937 : i32
      %select_n3A_939 = arith.select %ge3A, %scan3A_903, %add3A_938 : i32
      %select_n3A_940 = arith.select %ge3A, %select_n3A_929, %scan3A_904 : i32
      scf.yield %select_n3A_939, %select_n3A_940 : i32, i32
    }
    %scan3A_271 = arith.constant 10 : i32
    %sub3A_272 = arith.constant 1 : i32
    %sub3A_273 = arith.subi %scan3A_270#0, %sub3A_272 : i32
    %max3A_274 = arith.constant 0 : i32
    %max3A_275 = arith.maxsi %sub3A_273, %max3A_274 : i32
    %mul3A_276 = arith.constant 16 : i32
    %mul3A_277 = arith.muli %max3A_275, %mul3A_276 : i32
    %get3A_278 = arith.index_cast %mul3A_277 : i32 to index
    %get3A_279 = tpu.vector_load %arg5[%get3A_278] {strides = array<i32>} : memref<10240xi32, #tpu.memory_space<vmem>>, vector<16xi32>,
    %get3A_280 = vector.shape_cast %get3A_279 : vector<16xi32> to vector<16xi32>
    %slice3A_281 = vector.extract_strided_slice %get3A_280 {offsets = [0], sizes = [1], strides = [1]} : vector<16xi32> to vector<1xi32>
    %squeeze3A_282 = vector.extract %slice3A_281[0] : i32 from vector<1xi32>
    %lt3A_283 = arith.cmpi slt, %squeeze3A_282, %add3A_263 : i32
    %jit3A_284 = arith.constant 1 : i32
    %jit3A_285 = arith.constant 0 : i32
    %select_n3A_286 = arith.select %lt3A_283, %jit3A_284, %jit3A_285 : i32
    %add3A_287 = arith.constant 0 : i32
    %add3A_288 = arith.addi %add3A_287, %select_n3A_286 : i32
    %slice3A_289 = vector.extract_strided_slice %get3A_280 {offsets = [1], sizes = [1], strides = [1]} : vector<16xi32> to vector<1xi32>
    %squeeze3A_290 = vector.extract %slice3A_289[0] : i32 from vector<1xi32>
    %lt3A_291 = arith.cmpi slt, %squeeze3A_290, %add3A_263 : i32
    %jit3A_292 = arith.constant 1 : i32
    %jit3A_293 = arith.constant 0 : i32
    %select_n3A_294 = arith.select %lt3A_291, %jit3A_292, %jit3A_293 : i32
    %add3A_295 = arith.addi %add3A_288, %select_n3A_294 : i32
    %slice3A_296 = vector.extract_strided_slice %get3A_280 {offsets = [2], sizes = [1], strides = [1]} : vector<16xi32> to vector<1xi32>
    %squeeze3A_297 = vector.extract %slice3A_296[0] : i32 from vector<1xi32>
    %lt3A_298 = arith.cmpi slt, %squeeze3A_297, %add3A_263 : i32
    %jit3A_299 = arith.constant 1 : i32
    %jit3A_300 = arith.constant 0 : i32
    %select_n3A_301 = arith.select %lt3A_298, %jit3A_299, %jit3A_300 : i32
    %add3A_302 = arith.addi %add3A_295, %select_n3A_301 : i32
    %slice3A_303 = vector.extract_strided_slice %get3A_280 {offsets = [3], sizes = [1], strides = [1]} : vector<16xi32> to vector<1xi32>
    %squeeze3A_304 = vector.extract %slice3A_303[0] : i32 from vector<1xi32>
    %lt3A_305 = arith.cmpi slt, %squeeze3A_304, %add3A_263 : i32
    %jit3A_306 = arith.constant 1 : i32
    %jit3A_307 = arith.constant 0 : i32
    %select_n3A_308 = arith.select %lt3A_305, %jit3A_306, %jit3A_307 : i32
    %add3A_309 = arith.addi %add3A_302, %select_n3A_308 : i32
    %slice3A_310 = vector.extract_strided_slice %get3A_280 {offsets = [4], sizes = [1], strides = [1]} : vector<16xi32> to vector<1xi32>
    %squeeze3A_311 = vector.extract %slice3A_310[0] : i32 from vector<1xi32>
    %lt3A_312 = arith.cmpi slt, %squeeze3A_311, %add3A_263 : i32
    %jit3A_313 = arith.constant 1 : i32
    %jit3A_314 = arith.constant 0 : i32
    %select_n3A_315 = arith.select %lt3A_312, %jit3A_313, %jit3A_314 : i32
    %add3A_316 = arith.addi %add3A_309, %select_n3A_315 : i32
    %slice3A_317 = vector.extract_strided_slice %get3A_280 {offsets = [5], sizes = [1], strides = [1]} : vector<16xi32> to vector<1xi32>
    %squeeze3A_318 = vector.extract %slice3A_317[0] : i32 from vector<1xi32>
    %lt3A_319 = arith.cmpi slt, %squeeze3A_318, %add3A_263 : i32
    %jit3A_320 = arith.constant 1 : i32
    %jit3A_321 = arith.constant 0 : i32
    %select_n3A_322 = arith.select %lt3A_319, %jit3A_320, %jit3A_321 : i32
    %add3A_323 = arith.addi %add3A_316, %select_n3A_322 : i32
    %slice3A_324 = vector.extract_strided_slice %get3A_280 {offsets = [6], sizes = [1], strides = [1]} : vector<16xi32> to vector<1xi32>
    %squeeze3A_325 = vector.extract %slice3A_324[0] : i32 from vector<1xi32>
    %lt3A_326 = arith.cmpi slt, %squeeze3A_325, %add3A_263 : i32
    %jit3A_327 = arith.constant 1 : i32
    %jit3A_328 = arith.constant 0 : i32
    %select_n3A_329 = arith.select %lt3A_326, %jit3A_327, %jit3A_328 : i32
    %add3A_330 = arith.addi %add3A_323, %select_n3A_329 : i32
    %slice3A_331 = vector.extract_strided_slice %get3A_280 {offsets = [7], sizes = [1], strides = [1]} : vector<16xi32> to vector<1xi32>
    %squeeze3A_332 = vector.extract %slice3A_331[0] : i32 from vector<1xi32>
    %lt3A_333 = arith.cmpi slt, %squeeze3A_332, %add3A_263 : i32
    %jit3A_334 = arith.constant 1 : i32
    %jit3A_335 = arith.constant 0 : i32
    %select_n3A_336 = arith.select %lt3A_333, %jit3A_334, %jit3A_335 : i32
    %add3A_337 = arith.addi %add3A_330, %select_n3A_336 : i32
    %slice3A_338 = vector.extract_strided_slice %get3A_280 {offsets = [8], sizes = [1], strides = [1]} : vector<16xi32> to vector<1xi32>
    %squeeze3A_339 = vector.extract %slice3A_338[0] : i32 from vector<1xi32>
    %lt3A_340 = arith.cmpi slt, %squeeze3A_339, %add3A_263 : i32
    %jit3A_341 = arith.constant 1 : i32
    %jit3A_342 = arith.constant 0 : i32
    %select_n3A_343 = arith.select %lt3A_340, %jit3A_341, %jit3A_342 : i32
    %add3A_344 = arith.addi %add3A_337, %select_n3A_343 : i32
    %slice3A_345 = vector.extract_strided_slice %get3A_280 {offsets = [9], sizes = [1], strides = [1]} : vector<16xi32> to vector<1xi32>
    %squeeze3A_346 = vector.extract %slice3A_345[0] : i32 from vector<1xi32>
    %lt3A_347 = arith.cmpi slt, %squeeze3A_346, %add3A_263 : i32
    %jit3A_348 = arith.constant 1 : i32
    %jit3A_349 = arith.constant 0 : i32
    %select_n3A_350 = arith.select %lt3A_347, %jit3A_348, %jit3A_349 : i32
    %add3A_351 = arith.addi %add3A_344, %select_n3A_350 : i32
    %slice3A_352 = vector.extract_strided_slice %get3A_280 {offsets = [10], sizes = [1], strides = [1]} : vector<16xi32> to vector<1xi32>
    %squeeze3A_353 = vector.extract %slice3A_352[0] : i32 from vector<1xi32>
    %lt3A_354 = arith.cmpi slt, %squeeze3A_353, %add3A_263 : i32
    %jit3A_355 = arith.constant 1 : i32
    %jit3A_356 = arith.constant 0 : i32
    %select_n3A_357 = arith.select %lt3A_354, %jit3A_355, %jit3A_356 : i32
    %add3A_358 = arith.addi %add3A_351, %select_n3A_357 : i32
    %slice3A_359 = vector.extract_strided_slice %get3A_280 {offsets = [11], sizes = [1], strides = [1]} : vector<16xi32> to vector<1xi32>
    %squeeze3A_360 = vector.extract %slice3A_359[0] : i32 from vector<1xi32>
    %lt3A_361 = arith.cmpi slt, %squeeze3A_360, %add3A_263 : i32
    %jit3A_362 = arith.constant 1 : i32
    %jit3A_363 = arith.constant 0 : i32
    %select_n3A_364 = arith.select %lt3A_361, %jit3A_362, %jit3A_363 : i32
    %add3A_365 = arith.addi %add3A_358, %select_n3A_364 : i32
    %slice3A_366 = vector.extract_strided_slice %get3A_280 {offsets = [12], sizes = [1], strides = [1]} : vector<16xi32> to vector<1xi32>
    %squeeze3A_367 = vector.extract %slice3A_366[0] : i32 from vector<1xi32>
    %lt3A_368 = arith.cmpi slt, %squeeze3A_367, %add3A_263 : i32
    %jit3A_369 = arith.constant 1 : i32
    %jit3A_370 = arith.constant 0 : i32
    %select_n3A_371 = arith.select %lt3A_368, %jit3A_369, %jit3A_370 : i32
    %add3A_372 = arith.addi %add3A_365, %select_n3A_371 : i32
    %slice3A_373 = vector.extract_strided_slice %get3A_280 {offsets = [13], sizes = [1], strides = [1]} : vector<16xi32> to vector<1xi32>
    %squeeze3A_374 = vector.extract %slice3A_373[0] : i32 from vector<1xi32>
    %lt3A_375 = arith.cmpi slt, %squeeze3A_374, %add3A_263 : i32
    %jit3A_376 = arith.constant 1 : i32
    %jit3A_377 = arith.constant 0 : i32
    %select_n3A_378 = arith.select %lt3A_375, %jit3A_376, %jit3A_377 : i32
    %add3A_379 = arith.addi %add3A_372, %select_n3A_378 : i32
    %slice3A_380 = vector.extract_strided_slice %get3A_280 {offsets = [14], sizes = [1], strides = [1]} : vector<16xi32> to vector<1xi32>
    %squeeze3A_381 = vector.extract %slice3A_380[0] : i32 from vector<1xi32>
    %lt3A_382 = arith.cmpi slt, %squeeze3A_381, %add3A_263 : i32
    %jit3A_383 = arith.constant 1 : i32
    %jit3A_384 = arith.constant 0 : i32
    %select_n3A_385 = arith.select %lt3A_382, %jit3A_383, %jit3A_384 : i32
    %add3A_386 = arith.addi %add3A_379, %select_n3A_385 : i32
    %slice3A_387 = vector.extract_strided_slice %get3A_280 {offsets = [15], sizes = [1], strides = [1]} : vector<16xi32> to vector<1xi32>
    %squeeze3A_388 = vector.extract %slice3A_387[0] : i32 from vector<1xi32>
    %lt3A_389 = arith.cmpi slt, %squeeze3A_388, %add3A_263 : i32
    %jit3A_390 = arith.constant 1 : i32
    %jit3A_391 = arith.constant 0 : i32
    %select_n3A_392 = arith.select %lt3A_389, %jit3A_390, %jit3A_391 : i32
    %add3A_393 = arith.addi %add3A_386, %select_n3A_392 : i32
    %mul3A_394 = arith.constant 16 : i32
    %mul3A_395 = arith.muli %max3A_275, %mul3A_394 : i32
    %add3A_396 = arith.addi %mul3A_395, %add3A_393 : i32
    %sub3A_397 = arith.subi %add3A_261, %add3A_126 : i32
    %jit3A_398 = arith.constant 8 : i32
    %div3A = arith.divsi %add3A_126, %jit3A_398 : i32
    %sign3A = arith.constant 0 : i32
    %sign3A_399 = arith.cmpi sgt, %add3A_126, %sign3A : i32
    %sign3A_400 = arith.extui %sign3A_399 : i1 to i32
    %sign3A_401 = arith.constant 0 : i32
    %sign3A_402 = arith.cmpi slt, %add3A_126, %sign3A_401 : i32
    %sign3A_403 = arith.extui %sign3A_402 : i1 to i32
    %sign3A_404 = arith.subi %sign3A_400, %sign3A_403 : i32
    %sign3A_405 = arith.constant 0 : i32
    %sign3A_406 = arith.cmpi sgt, %jit3A_398, %sign3A_405 : i32
    %sign3A_407 = arith.extui %sign3A_406 : i1 to i32
    %sign3A_408 = arith.constant 0 : i32
    %sign3A_409 = arith.cmpi slt, %jit3A_398, %sign3A_408 : i32
    %sign3A_410 = arith.extui %sign3A_409 : i1 to i32
    %sign3A_411 = arith.subi %sign3A_407, %sign3A_410 : i32
    %ne3A = arith.cmpi ne, %sign3A_404, %sign3A_411 : i32
    %rem3A = arith.remsi %add3A_126, %jit3A_398 : i32
    %ne3A_412 = arith.constant 0 : i32
    %ne3A_413 = arith.cmpi ne, %rem3A, %ne3A_412 : i32
    %and3A = arith.andi %ne3A, %ne3A_413 : i1
    %sub3A_414 = arith.constant 1 : i32
    %sub3A_415 = arith.subi %div3A, %sub3A_414 : i32
    %select_n3A_416 = arith.select %and3A, %sub3A_415, %div3A : i32
    %mul3A_417 = arith.constant 8 : i32
    %mul3A_418 = arith.muli %select_n3A_416, %mul3A_417 : i32
    %sub3A_419 = arith.subi %add3A_261, %mul3A_418 : i32
    %add3A_420 = arith.constant 127 : i32
    %add3A_421 = arith.addi %sub3A_419, %add3A_420 : i32
    %jit3A_422 = arith.constant 128 : i32
    %div3A_423 = arith.divsi %add3A_421, %jit3A_422 : i32
    %sign3A_424 = arith.constant 0 : i32
    %sign3A_425 = arith.cmpi sgt, %add3A_421, %sign3A_424 : i32
    %sign3A_426 = arith.extui %sign3A_425 : i1 to i32
    %sign3A_427 = arith.constant 0 : i32
    %sign3A_428 = arith.cmpi slt, %add3A_421, %sign3A_427 : i32
    %sign3A_429 = arith.extui %sign3A_428 : i1 to i32
    %sign3A_430 = arith.subi %sign3A_426, %sign3A_429 : i32
    %sign3A_431 = arith.constant 0 : i32
    %sign3A_432 = arith.cmpi sgt, %jit3A_422, %sign3A_431 : i32
    %sign3A_433 = arith.extui %sign3A_432 : i1 to i32
    %sign3A_434 = arith.constant 0 : i32
    %sign3A_435 = arith.cmpi slt, %jit3A_422, %sign3A_434 : i32
    %sign3A_436 = arith.extui %sign3A_435 : i1 to i32
    %sign3A_437 = arith.subi %sign3A_433, %sign3A_436 : i32
    %ne3A_438 = arith.cmpi ne, %sign3A_430, %sign3A_437 : i32
    %rem3A_439 = arith.remsi %add3A_421, %jit3A_422 : i32
    %ne3A_440 = arith.constant 0 : i32
    %ne3A_441 = arith.cmpi ne, %rem3A_439, %ne3A_440 : i32
    %and3A_442 = arith.andi %ne3A_438, %ne3A_441 : i1
    %sub3A_443 = arith.constant 1 : i32
    %sub3A_444 = arith.subi %div3A_423, %sub3A_443 : i32
    %select_n3A_445 = arith.select %and3A_442, %sub3A_444, %div3A_423 : i32
    %broadcast_in_dim3A = arith.constant 0.000000e+00 : f32
    %broadcast_in_dim3A_446 = vector.broadcast %broadcast_in_dim3A : f32 to vector<16xf32>
    %broadcast_in_dim3A_447 = arith.constant 0.000000e+00 : f32
    %broadcast_in_dim3A_448 = vector.broadcast %broadcast_in_dim3A_447 : f32 to vector<16xf32>
    %broadcast_in_dim3A_449 = arith.constant 0.000000e+00 : f32
    %broadcast_in_dim3A_450 = vector.broadcast %broadcast_in_dim3A_449 : f32 to vector<16xf32>
    %broadcast_in_dim3A_451 = arith.constant 0.000000e+00 : f32
    %broadcast_in_dim3A_452 = vector.broadcast %broadcast_in_dim3A_451 : f32 to vector<16xf32>
    %broadcast_in_dim3A_453 = arith.constant 0.000000e+00 : f32
    %broadcast_in_dim3A_454 = vector.broadcast %broadcast_in_dim3A_453 : f32 to vector<16xf32>
    %broadcast_in_dim3A_455 = arith.constant 0.000000e+00 : f32
    %broadcast_in_dim3A_456 = vector.broadcast %broadcast_in_dim3A_455 : f32 to vector<16xf32>
    %broadcast_in_dim3A_457 = arith.constant 0.000000e+00 : f32
    %broadcast_in_dim3A_458 = vector.broadcast %broadcast_in_dim3A_457 : f32 to vector<16xf32>
    %broadcast_in_dim3A_459 = arith.constant 0.000000e+00 : f32
    %broadcast_in_dim3A_460 = vector.broadcast %broadcast_in_dim3A_459 : f32 to vector<16xf32>
    %broadcast_in_dim3A_461 = arith.constant 0.000000e+00 : f32
    %broadcast_in_dim3A_462 = vector.broadcast %broadcast_in_dim3A_461 : f32 to vector<16xf32>
    %broadcast_in_dim3A_463 = arith.constant 0.000000e+00 : f32
    %broadcast_in_dim3A_464 = vector.broadcast %broadcast_in_dim3A_463 : f32 to vector<16xf32>
    %broadcast_in_dim3A_465 = arith.constant 0.000000e+00 : f32
    %broadcast_in_dim3A_466 = vector.broadcast %broadcast_in_dim3A_465 : f32 to vector<16xf32>
    %broadcast_in_dim3A_467 = arith.constant 0.000000e+00 : f32
    %broadcast_in_dim3A_468 = vector.broadcast %broadcast_in_dim3A_467 : f32 to vector<16xf32>
    %broadcast_in_dim3A_469 = arith.constant 0.000000e+00 : f32
    %broadcast_in_dim3A_470 = vector.broadcast %broadcast_in_dim3A_469 : f32 to vector<16xf32>
    %broadcast_in_dim3A_471 = arith.constant 0.000000e+00 : f32
    %broadcast_in_dim3A_472 = vector.broadcast %broadcast_in_dim3A_471 : f32 to vector<16xf32>
    %broadcast_in_dim3A_473 = arith.constant 0.000000e+00 : f32
    %broadcast_in_dim3A_474 = vector.broadcast %broadcast_in_dim3A_473 : f32 to vector<16xf32>
    %broadcast_in_dim3A_475 = arith.constant 0.000000e+00 : f32
    %broadcast_in_dim3A_476 = vector.broadcast %broadcast_in_dim3A_475 : f32 to vector<16xf32>
    %while3A = arith.constant 0 : i32
    %while3A_477 = arith.subi %select_n3A_445, %while3A : i32
    %while3A_478 = arith.addi %while3A, %while3A_477 : i32
    %while3A_479 = arith.constant 1 : i32
    %while3A_480 = arith.divsi %while3A_477, %while3A_479 : i32
    %while3A_481 = arith.muli %while3A_480, %while3A_479 : i32
    %while3A_482 = arith.addi %while3A, %while3A_481 : i32
    %while3A_483 = arith.constant 1 : i32
    %while3A_484:16 = scf.for %while3A_902 = %while3A to %while3A_482 step %while3A_483 iter_args(%while3A_903 = %broadcast_in_dim3A_446, %while3A_904 = %broadcast_in_dim3A_448, %while3A_905 = %broadcast_in_dim3A_450, %while3A_906 = %broadcast_in_dim3A_452, %while3A_907 = %broadcast_in_dim3A_454, %while3A_908 = %broadcast_in_dim3A_456, %while3A_909 = %broadcast_in_dim3A_458, %while3A_910 = %broadcast_in_dim3A_460, %while3A_911 = %broadcast_in_dim3A_462, %while3A_912 = %broadcast_in_dim3A_464, %while3A_913 = %broadcast_in_dim3A_466, %while3A_914 = %broadcast_in_dim3A_468, %while3A_915 = %broadcast_in_dim3A_470, %while3A_916 = %broadcast_in_dim3A_472, %while3A_917 = %broadcast_in_dim3A_474, %while3A_918 = %broadcast_in_dim3A_476) -> (vector<16xf32>, vector<16xf32>, vector<16xf32>, vector<16xf32>, vector<16xf32>, vector<16xf32>, vector<16xf32>, vector<16xf32>, vector<16xf32>, vector<16xf32>, vector<16xf32>, vector<16xf32>, vector<16xf32>, vector<16xf32>, vector<16xf32>, vector<16xf32>)  : i32 {
      %mul3A_919 = arith.constant 128 : i32
      %mul3A_920 = arith.muli %while3A_902, %mul3A_919 : i32
      %add3A_921 = arith.addi %mul3A_418, %mul3A_920 : i32
      "tpu.region"() ({
        %run_scoped3A = tpu.sem_alloc : memref<!tpu.dma_semaphore, #tpu.memory_space<semaphore_mem>>
        %dma_start3A = arith.constant 0 : i32
        %dma_start3A_937 = tpu.memref_slice %arg2[%add3A_921, %dma_start3A] : memref<10240x128xf32, #tpu.memory_space<hbm>> -> memref<128x128xf32, #tpu.memory_space<hbm>>
        %dma_start3A_938 = arith.constant 0 : i32
        %dma_start3A_939 = tpu.memref_slice %arg2[%add3A_921, %dma_start3A_938] : memref<10240x128xf32, #tpu.memory_space<hbm>> -> memref<128x128xf32, #tpu.memory_space<hbm>>
        tpu.enqueue_dma source(%dma_start3A_939 : memref<128x128xf32, #tpu.memory_space<hbm>>) target(%arg6 : memref<128x128xf32, #tpu.memory_space<vmem>>) target_semaphore(%run_scoped3A : memref<!tpu.dma_semaphore, #tpu.memory_space<semaphore_mem>>)
        %dma_wait3A = arith.constant 0 : i32
        %dma_wait3A_940 = tpu.memref_slice %arg2[%add3A_921, %dma_wait3A] : memref<10240x128xf32, #tpu.memory_space<hbm>> -> memref<128x128xf32, #tpu.memory_space<hbm>>
        %dma_wait3A_941 = arith.constant 0 : i32
        %dma_wait3A_942 = tpu.memref_slice %arg2[%add3A_921, %dma_wait3A_941] : memref<10240x128xf32, #tpu.memory_space<hbm>> -> memref<128x128xf32, #tpu.memory_space<hbm>>
        tpu.wait_dma2 semaphore(%run_scoped3A : memref<!tpu.dma_semaphore, #tpu.memory_space<semaphore_mem>>) src(%dma_wait3A_942 : memref<128x128xf32, #tpu.memory_space<hbm>>) dst(%arg6 : memref<128x128xf32, #tpu.memory_space<vmem>>)
        tpu.yield
      }) : () -> ()
      %sub3A_922 = arith.subi %add3A_126, %add3A_921 : i32
      %max3A_923 = arith.constant 0 : i32
      %max3A_924 = arith.maxsi %sub3A_922, %max3A_923 : i32
      %sub3A_925 = arith.subi %add3A_261, %add3A_921 : i32
      %min3A = arith.constant 128 : i32
      %min3A_926 = arith.minsi %min3A, %sub3A_925 : i32
      %while3A_927 = arith.subi %min3A_926, %max3A_924 : i32
      %while3A_928 = arith.addi %max3A_924, %while3A_927 : i32
      %while3A_929 = arith.constant 1 : i32
      %while3A_930 = arith.divsi %while3A_927, %while3A_929 : i32
      %while3A_931 = arith.muli %while3A_930, %while3A_929 : i32
      %while3A_932 = arith.addi %max3A_924, %while3A_931 : i32
      %while3A_933 = arith.constant 1 : i32
      %while3A_934:16 = scf.for %while3A_937 = %max3A_924 to %while3A_932 step %while3A_933 iter_args(%while3A_938 = %while3A_903, %while3A_939 = %while3A_904, %while3A_940 = %while3A_905, %while3A_941 = %while3A_906, %while3A_942 = %while3A_907, %while3A_943 = %while3A_908, %while3A_944 = %while3A_909, %while3A_945 = %while3A_910, %while3A_946 = %while3A_911, %while3A_947 = %while3A_912, %while3A_948 = %while3A_913, %while3A_949 = %while3A_914, %while3A_950 = %while3A_915, %while3A_951 = %while3A_916, %while3A_952 = %while3A_917, %while3A_953 = %while3A_918) -> (vector<16xf32>, vector<16xf32>, vector<16xf32>, vector<16xf32>, vector<16xf32>, vector<16xf32>, vector<16xf32>, vector<16xf32>, vector<16xf32>, vector<16xf32>, vector<16xf32>, vector<16xf32>, vector<16xf32>, vector<16xf32>, vector<16xf32>, vector<16xf32>)  : i32 {
        %get3A_954 = arith.index_cast %while3A_937 : i32 to index
        %get3A_955 = arith.constant 0 : index
        %get3A_956 = tpu.vector_load %arg6[%get3A_954, %get3A_955] {strides = array<i32>} : memref<128x128xf32, #tpu.memory_space<vmem>>, vector<1x16xf32>,
        %get3A_957 = vector.shape_cast %get3A_956 : vector<1x16xf32> to vector<16xf32>
        %add3A_958 = arith.addf %while3A_938, %get3A_957 : vector<16xf32>
        %max3A_959 = arith.maximumf %while3A_946, %get3A_957 : vector<16xf32>
        %get3A_960 = arith.index_cast %while3A_937 : i32 to index
        %get3A_961 = arith.constant 16 : index
        %get3A_962 = tpu.vector_load %arg6[%get3A_960, %get3A_961] {strides = array<i32>} : memref<128x128xf32, #tpu.memory_space<vmem>>, vector<1x16xf32>,
        %get3A_963 = vector.shape_cast %get3A_962 : vector<1x16xf32> to vector<16xf32>
        %add3A_964 = arith.addf %while3A_939, %get3A_963 : vector<16xf32>
        %max3A_965 = arith.maximumf %while3A_947, %get3A_963 : vector<16xf32>
        %get3A_966 = arith.index_cast %while3A_937 : i32 to index
        %get3A_967 = arith.constant 32 : index
        %get3A_968 = tpu.vector_load %arg6[%get3A_966, %get3A_967] {strides = array<i32>} : memref<128x128xf32, #tpu.memory_space<vmem>>, vector<1x16xf32>,
        %get3A_969 = vector.shape_cast %get3A_968 : vector<1x16xf32> to vector<16xf32>
        %add3A_970 = arith.addf %while3A_940, %get3A_969 : vector<16xf32>
        %max3A_971 = arith.maximumf %while3A_948, %get3A_969 : vector<16xf32>
        %get3A_972 = arith.index_cast %while3A_937 : i32 to index
        %get3A_973 = arith.constant 48 : index
        %get3A_974 = tpu.vector_load %arg6[%get3A_972, %get3A_973] {strides = array<i32>} : memref<128x128xf32, #tpu.memory_space<vmem>>, vector<1x16xf32>,
        %get3A_975 = vector.shape_cast %get3A_974 : vector<1x16xf32> to vector<16xf32>
        %add3A_976 = arith.addf %while3A_941, %get3A_975 : vector<16xf32>
        %max3A_977 = arith.maximumf %while3A_949, %get3A_975 : vector<16xf32>
        %get3A_978 = arith.index_cast %while3A_937 : i32 to index
        %get3A_979 = arith.constant 64 : index
        %get3A_980 = tpu.vector_load %arg6[%get3A_978, %get3A_979] {strides = array<i32>} : memref<128x128xf32, #tpu.memory_space<vmem>>, vector<1x16xf32>,
        %get3A_981 = vector.shape_cast %get3A_980 : vector<1x16xf32> to vector<16xf32>
        %add3A_982 = arith.addf %while3A_942, %get3A_981 : vector<16xf32>
        %max3A_983 = arith.maximumf %while3A_950, %get3A_981 : vector<16xf32>
        %get3A_984 = arith.index_cast %while3A_937 : i32 to index
        %get3A_985 = arith.constant 80 : index
        %get3A_986 = tpu.vector_load %arg6[%get3A_984, %get3A_985] {strides = array<i32>} : memref<128x128xf32, #tpu.memory_space<vmem>>, vector<1x16xf32>,
        %get3A_987 = vector.shape_cast %get3A_986 : vector<1x16xf32> to vector<16xf32>
        %add3A_988 = arith.addf %while3A_943, %get3A_987 : vector<16xf32>
        %max3A_989 = arith.maximumf %while3A_951, %get3A_987 : vector<16xf32>
        %get3A_990 = arith.index_cast %while3A_937 : i32 to index
        %get3A_991 = arith.constant 96 : index
        %get3A_992 = tpu.vector_load %arg6[%get3A_990, %get3A_991] {strides = array<i32>} : memref<128x128xf32, #tpu.memory_space<vmem>>, vector<1x16xf32>,
        %get3A_993 = vector.shape_cast %get3A_992 : vector<1x16xf32> to vector<16xf32>
        %add3A_994 = arith.addf %while3A_944, %get3A_993 : vector<16xf32>
        %max3A_995 = arith.maximumf %while3A_952, %get3A_993 : vector<16xf32>
        %get3A_996 = arith.index_cast %while3A_937 : i32 to index
        %get3A_997 = arith.constant 112 : index
        %get3A_998 = tpu.vector_load %arg6[%get3A_996, %get3A_997] {strides = array<i32>} : memref<128x128xf32, #tpu.memory_space<vmem>>, vector<1x16xf32>,
        %get3A_999 = vector.shape_cast %get3A_998 : vector<1x16xf32> to vector<16xf32>
        %add3A_1000 = arith.addf %while3A_945, %get3A_999 : vector<16xf32>
        %max3A_1001 = arith.maximumf %while3A_953, %get3A_999 : vector<16xf32>
        scf.yield %add3A_958, %add3A_964, %add3A_970, %add3A_976, %add3A_982, %add3A_988, %add3A_994, %add3A_1000, %max3A_959, %max3A_965, %max3A_971, %max3A_977, %max3A_983, %max3A_989, %max3A_995, %max3A_1001 : vector<16xf32>, vector<16xf32>, vector<16xf32>, vector<16xf32>, vector<16xf32>, vector<16xf32>, vector<16xf32>, vector<16xf32>, vector<16xf32>, vector<16xf32>, vector<16xf32>, vector<16xf32>, vector<16xf32>, vector<16xf32>, vector<16xf32>, vector<16xf32>
      }
      %while3A_935 = arith.constant 1 : i32
      %while3A_936:16 = scf.for %while3A_937 = %while3A_932 to %while3A_928 step %while3A_935 iter_args(%while3A_938 = %while3A_934#0, %while3A_939 = %while3A_934#1, %while3A_940 = %while3A_934#2, %while3A_941 = %while3A_934#3, %while3A_942 = %while3A_934#4, %while3A_943 = %while3A_934#5, %while3A_944 = %while3A_934#6, %while3A_945 = %while3A_934#7, %while3A_946 = %while3A_934#8, %while3A_947 = %while3A_934#9, %while3A_948 = %while3A_934#10, %while3A_949 = %while3A_934#11, %while3A_950 = %while3A_934#12, %while3A_951 = %while3A_934#13, %while3A_952 = %while3A_934#14, %while3A_953 = %while3A_934#15) -> (vector<16xf32>, vector<16xf32>, vector<16xf32>, vector<16xf32>, vector<16xf32>, vector<16xf32>, vector<16xf32>, vector<16xf32>, vector<16xf32>, vector<16xf32>, vector<16xf32>, vector<16xf32>, vector<16xf32>, vector<16xf32>, vector<16xf32>, vector<16xf32>)  : i32 {
        %get3A_954 = arith.index_cast %while3A_937 : i32 to index
        %get3A_955 = arith.constant 0 : index
        %get3A_956 = tpu.vector_load %arg6[%get3A_954, %get3A_955] {strides = array<i32>} : memref<128x128xf32, #tpu.memory_space<vmem>>, vector<1x16xf32>,
        %get3A_957 = vector.shape_cast %get3A_956 : vector<1x16xf32> to vector<16xf32>
        %add3A_958 = arith.addf %while3A_938, %get3A_957 : vector<16xf32>
        %max3A_959 = arith.maximumf %while3A_946, %get3A_957 : vector<16xf32>
        %get3A_960 = arith.index_cast %while3A_937 : i32 to index
        %get3A_961 = arith.constant 16 : index
        %get3A_962 = tpu.vector_load %arg6[%get3A_960, %get3A_961] {strides = array<i32>} : memref<128x128xf32, #tpu.memory_space<vmem>>, vector<1x16xf32>,
        %get3A_963 = vector.shape_cast %get3A_962 : vector<1x16xf32> to vector<16xf32>
        %add3A_964 = arith.addf %while3A_939, %get3A_963 : vector<16xf32>
        %max3A_965 = arith.maximumf %while3A_947, %get3A_963 : vector<16xf32>
        %get3A_966 = arith.index_cast %while3A_937 : i32 to index
        %get3A_967 = arith.constant 32 : index
        %get3A_968 = tpu.vector_load %arg6[%get3A_966, %get3A_967] {strides = array<i32>} : memref<128x128xf32, #tpu.memory_space<vmem>>, vector<1x16xf32>,
        %get3A_969 = vector.shape_cast %get3A_968 : vector<1x16xf32> to vector<16xf32>
        %add3A_970 = arith.addf %while3A_940, %get3A_969 : vector<16xf32>
        %max3A_971 = arith.maximumf %while3A_948, %get3A_969 : vector<16xf32>
        %get3A_972 = arith.index_cast %while3A_937 : i32 to index
        %get3A_973 = arith.constant 48 : index
        %get3A_974 = tpu.vector_load %arg6[%get3A_972, %get3A_973] {strides = array<i32>} : memref<128x128xf32, #tpu.memory_space<vmem>>, vector<1x16xf32>,
        %get3A_975 = vector.shape_cast %get3A_974 : vector<1x16xf32> to vector<16xf32>
        %add3A_976 = arith.addf %while3A_941, %get3A_975 : vector<16xf32>
        %max3A_977 = arith.maximumf %while3A_949, %get3A_975 : vector<16xf32>
        %get3A_978 = arith.index_cast %while3A_937 : i32 to index
        %get3A_979 = arith.constant 64 : index
        %get3A_980 = tpu.vector_load %arg6[%get3A_978, %get3A_979] {strides = array<i32>} : memref<128x128xf32, #tpu.memory_space<vmem>>, vector<1x16xf32>,
        %get3A_981 = vector.shape_cast %get3A_980 : vector<1x16xf32> to vector<16xf32>
        %add3A_982 = arith.addf %while3A_942, %get3A_981 : vector<16xf32>
        %max3A_983 = arith.maximumf %while3A_950, %get3A_981 : vector<16xf32>
        %get3A_984 = arith.index_cast %while3A_937 : i32 to index
        %get3A_985 = arith.constant 80 : index
        %get3A_986 = tpu.vector_load %arg6[%get3A_984, %get3A_985] {strides = array<i32>} : memref<128x128xf32, #tpu.memory_space<vmem>>, vector<1x16xf32>,
        %get3A_987 = vector.shape_cast %get3A_986 : vector<1x16xf32> to vector<16xf32>
        %add3A_988 = arith.addf %while3A_943, %get3A_987 : vector<16xf32>
        %max3A_989 = arith.maximumf %while3A_951, %get3A_987 : vector<16xf32>
        %get3A_990 = arith.index_cast %while3A_937 : i32 to index
        %get3A_991 = arith.constant 96 : index
        %get3A_992 = tpu.vector_load %arg6[%get3A_990, %get3A_991] {strides = array<i32>} : memref<128x128xf32, #tpu.memory_space<vmem>>, vector<1x16xf32>,
        %get3A_993 = vector.shape_cast %get3A_992 : vector<1x16xf32> to vector<16xf32>
        %add3A_994 = arith.addf %while3A_944, %get3A_993 : vector<16xf32>
        %max3A_995 = arith.maximumf %while3A_952, %get3A_993 : vector<16xf32>
        %get3A_996 = arith.index_cast %while3A_937 : i32 to index
        %get3A_997 = arith.constant 112 : index
        %get3A_998 = tpu.vector_load %arg6[%get3A_996, %get3A_997] {strides = array<i32>} : memref<128x128xf32, #tpu.memory_space<vmem>>, vector<1x16xf32>,
        %get3A_999 = vector.shape_cast %get3A_998 : vector<1x16xf32> to vector<16xf32>
        %add3A_1000 = arith.addf %while3A_945, %get3A_999 : vector<16xf32>
        %max3A_1001 = arith.maximumf %while3A_953, %get3A_999 : vector<16xf32>
        scf.yield %add3A_958, %add3A_964, %add3A_970, %add3A_976, %add3A_982, %add3A_988, %add3A_994, %add3A_1000, %max3A_959, %max3A_965, %max3A_971, %max3A_977, %max3A_983, %max3A_989, %max3A_995, %max3A_1001 : vector<16xf32>, vector<16xf32>, vector<16xf32>, vector<16xf32>, vector<16xf32>, vector<16xf32>, vector<16xf32>, vector<16xf32>, vector<16xf32>, vector<16xf32>, vector<16xf32>, vector<16xf32>, vector<16xf32>, vector<16xf32>, vector<16xf32>, vector<16xf32>
      }
      scf.yield %while3A_936#0, %while3A_936#1, %while3A_936#2, %while3A_936#3, %while3A_936#4, %while3A_936#5, %while3A_936#6, %while3A_936#7, %while3A_936#8, %while3A_936#9, %while3A_936#10, %while3A_936#11, %while3A_936#12, %while3A_936#13, %while3A_936#14, %while3A_936#15 : vector<16xf32>, vector<16xf32>, vector<16xf32>, vector<16xf32>, vector<16xf32>, vector<16xf32>, vector<16xf32>, vector<16xf32>, vector<16xf32>, vector<16xf32>, vector<16xf32>, vector<16xf32>, vector<16xf32>, vector<16xf32>, vector<16xf32>, vector<16xf32>
    }
    %while3A_485 = arith.constant 1 : i32
    %while3A_486:16 = scf.for %while3A_902 = %while3A_482 to %while3A_478 step %while3A_485 iter_args(%while3A_903 = %while3A_484#0, %while3A_904 = %while3A_484#1, %while3A_905 = %while3A_484#2, %while3A_906 = %while3A_484#3, %while3A_907 = %while3A_484#4, %while3A_908 = %while3A_484#5, %while3A_909 = %while3A_484#6, %while3A_910 = %while3A_484#7, %while3A_911 = %while3A_484#8, %while3A_912 = %while3A_484#9, %while3A_913 = %while3A_484#10, %while3A_914 = %while3A_484#11, %while3A_915 = %while3A_484#12, %while3A_916 = %while3A_484#13, %while3A_917 = %while3A_484#14, %while3A_918 = %while3A_484#15) -> (vector<16xf32>, vector<16xf32>, vector<16xf32>, vector<16xf32>, vector<16xf32>, vector<16xf32>, vector<16xf32>, vector<16xf32>, vector<16xf32>, vector<16xf32>, vector<16xf32>, vector<16xf32>, vector<16xf32>, vector<16xf32>, vector<16xf32>, vector<16xf32>)  : i32 {
      %mul3A_919 = arith.constant 128 : i32
      %mul3A_920 = arith.muli %while3A_902, %mul3A_919 : i32
      %add3A_921 = arith.addi %mul3A_418, %mul3A_920 : i32
      "tpu.region"() ({
        %run_scoped3A = tpu.sem_alloc : memref<!tpu.dma_semaphore, #tpu.memory_space<semaphore_mem>>
        %dma_start3A = arith.constant 0 : i32
        %dma_start3A_937 = tpu.memref_slice %arg2[%add3A_921, %dma_start3A] : memref<10240x128xf32, #tpu.memory_space<hbm>> -> memref<128x128xf32, #tpu.memory_space<hbm>>
        %dma_start3A_938 = arith.constant 0 : i32
        %dma_start3A_939 = tpu.memref_slice %arg2[%add3A_921, %dma_start3A_938] : memref<10240x128xf32, #tpu.memory_space<hbm>> -> memref<128x128xf32, #tpu.memory_space<hbm>>
        tpu.enqueue_dma source(%dma_start3A_939 : memref<128x128xf32, #tpu.memory_space<hbm>>) target(%arg6 : memref<128x128xf32, #tpu.memory_space<vmem>>) target_semaphore(%run_scoped3A : memref<!tpu.dma_semaphore, #tpu.memory_space<semaphore_mem>>)
        %dma_wait3A = arith.constant 0 : i32
        %dma_wait3A_940 = tpu.memref_slice %arg2[%add3A_921, %dma_wait3A] : memref<10240x128xf32, #tpu.memory_space<hbm>> -> memref<128x128xf32, #tpu.memory_space<hbm>>
        %dma_wait3A_941 = arith.constant 0 : i32
        %dma_wait3A_942 = tpu.memref_slice %arg2[%add3A_921, %dma_wait3A_941] : memref<10240x128xf32, #tpu.memory_space<hbm>> -> memref<128x128xf32, #tpu.memory_space<hbm>>
        tpu.wait_dma2 semaphore(%run_scoped3A : memref<!tpu.dma_semaphore, #tpu.memory_space<semaphore_mem>>) src(%dma_wait3A_942 : memref<128x128xf32, #tpu.memory_space<hbm>>) dst(%arg6 : memref<128x128xf32, #tpu.memory_space<vmem>>)
        tpu.yield
      }) : () -> ()
      %sub3A_922 = arith.subi %add3A_126, %add3A_921 : i32
      %max3A_923 = arith.constant 0 : i32
      %max3A_924 = arith.maxsi %sub3A_922, %max3A_923 : i32
      %sub3A_925 = arith.subi %add3A_261, %add3A_921 : i32
      %min3A = arith.constant 128 : i32
      %min3A_926 = arith.minsi %min3A, %sub3A_925 : i32
      %while3A_927 = arith.subi %min3A_926, %max3A_924 : i32
      %while3A_928 = arith.addi %max3A_924, %while3A_927 : i32
      %while3A_929 = arith.constant 1 : i32
      %while3A_930 = arith.divsi %while3A_927, %while3A_929 : i32
      %while3A_931 = arith.muli %while3A_930, %while3A_929 : i32
      %while3A_932 = arith.addi %max3A_924, %while3A_931 : i32
      %while3A_933 = arith.constant 1 : i32
      %while3A_934:16 = scf.for %while3A_937 = %max3A_924 to %while3A_932 step %while3A_933 iter_args(%while3A_938 = %while3A_903, %while3A_939 = %while3A_904, %while3A_940 = %while3A_905, %while3A_941 = %while3A_906, %while3A_942 = %while3A_907, %while3A_943 = %while3A_908, %while3A_944 = %while3A_909, %while3A_945 = %while3A_910, %while3A_946 = %while3A_911, %while3A_947 = %while3A_912, %while3A_948 = %while3A_913, %while3A_949 = %while3A_914, %while3A_950 = %while3A_915, %while3A_951 = %while3A_916, %while3A_952 = %while3A_917, %while3A_953 = %while3A_918) -> (vector<16xf32>, vector<16xf32>, vector<16xf32>, vector<16xf32>, vector<16xf32>, vector<16xf32>, vector<16xf32>, vector<16xf32>, vector<16xf32>, vector<16xf32>, vector<16xf32>, vector<16xf32>, vector<16xf32>, vector<16xf32>, vector<16xf32>, vector<16xf32>)  : i32 {
        %get3A_954 = arith.index_cast %while3A_937 : i32 to index
        %get3A_955 = arith.constant 0 : index
        %get3A_956 = tpu.vector_load %arg6[%get3A_954, %get3A_955] {strides = array<i32>} : memref<128x128xf32, #tpu.memory_space<vmem>>, vector<1x16xf32>,
        %get3A_957 = vector.shape_cast %get3A_956 : vector<1x16xf32> to vector<16xf32>
        %add3A_958 = arith.addf %while3A_938, %get3A_957 : vector<16xf32>
        %max3A_959 = arith.maximumf %while3A_946, %get3A_957 : vector<16xf32>
        %get3A_960 = arith.index_cast %while3A_937 : i32 to index
        %get3A_961 = arith.constant 16 : index
        %get3A_962 = tpu.vector_load %arg6[%get3A_960, %get3A_961] {strides = array<i32>} : memref<128x128xf32, #tpu.memory_space<vmem>>, vector<1x16xf32>,
        %get3A_963 = vector.shape_cast %get3A_962 : vector<1x16xf32> to vector<16xf32>
        %add3A_964 = arith.addf %while3A_939, %get3A_963 : vector<16xf32>
        %max3A_965 = arith.maximumf %while3A_947, %get3A_963 : vector<16xf32>
        %get3A_966 = arith.index_cast %while3A_937 : i32 to index
        %get3A_967 = arith.constant 32 : index
        %get3A_968 = tpu.vector_load %arg6[%get3A_966, %get3A_967] {strides = array<i32>} : memref<128x128xf32, #tpu.memory_space<vmem>>, vector<1x16xf32>,
        %get3A_969 = vector.shape_cast %get3A_968 : vector<1x16xf32> to vector<16xf32>
        %add3A_970 = arith.addf %while3A_940, %get3A_969 : vector<16xf32>
        %max3A_971 = arith.maximumf %while3A_948, %get3A_969 : vector<16xf32>
        %get3A_972 = arith.index_cast %while3A_937 : i32 to index
        %get3A_973 = arith.constant 48 : index
        %get3A_974 = tpu.vector_load %arg6[%get3A_972, %get3A_973] {strides = array<i32>} : memref<128x128xf32, #tpu.memory_space<vmem>>, vector<1x16xf32>,
        %get3A_975 = vector.shape_cast %get3A_974 : vector<1x16xf32> to vector<16xf32>
        %add3A_976 = arith.addf %while3A_941, %get3A_975 : vector<16xf32>
        %max3A_977 = arith.maximumf %while3A_949, %get3A_975 : vector<16xf32>
        %get3A_978 = arith.index_cast %while3A_937 : i32 to index
        %get3A_979 = arith.constant 64 : index
        %get3A_980 = tpu.vector_load %arg6[%get3A_978, %get3A_979] {strides = array<i32>} : memref<128x128xf32, #tpu.memory_space<vmem>>, vector<1x16xf32>,
        %get3A_981 = vector.shape_cast %get3A_980 : vector<1x16xf32> to vector<16xf32>
        %add3A_982 = arith.addf %while3A_942, %get3A_981 : vector<16xf32>
        %max3A_983 = arith.maximumf %while3A_950, %get3A_981 : vector<16xf32>
        %get3A_984 = arith.index_cast %while3A_937 : i32 to index
        %get3A_985 = arith.constant 80 : index
        %get3A_986 = tpu.vector_load %arg6[%get3A_984, %get3A_985] {strides = array<i32>} : memref<128x128xf32, #tpu.memory_space<vmem>>, vector<1x16xf32>,
        %get3A_987 = vector.shape_cast %get3A_986 : vector<1x16xf32> to vector<16xf32>
        %add3A_988 = arith.addf %while3A_943, %get3A_987 : vector<16xf32>
        %max3A_989 = arith.maximumf %while3A_951, %get3A_987 : vector<16xf32>
        %get3A_990 = arith.index_cast %while3A_937 : i32 to index
        %get3A_991 = arith.constant 96 : index
        %get3A_992 = tpu.vector_load %arg6[%get3A_990, %get3A_991] {strides = array<i32>} : memref<128x128xf32, #tpu.memory_space<vmem>>, vector<1x16xf32>,
        %get3A_993 = vector.shape_cast %get3A_992 : vector<1x16xf32> to vector<16xf32>
        %add3A_994 = arith.addf %while3A_944, %get3A_993 : vector<16xf32>
        %max3A_995 = arith.maximumf %while3A_952, %get3A_993 : vector<16xf32>
        %get3A_996 = arith.index_cast %while3A_937 : i32 to index
        %get3A_997 = arith.constant 112 : index
        %get3A_998 = tpu.vector_load %arg6[%get3A_996, %get3A_997] {strides = array<i32>} : memref<128x128xf32, #tpu.memory_space<vmem>>, vector<1x16xf32>,
        %get3A_999 = vector.shape_cast %get3A_998 : vector<1x16xf32> to vector<16xf32>
        %add3A_1000 = arith.addf %while3A_945, %get3A_999 : vector<16xf32>
        %max3A_1001 = arith.maximumf %while3A_953, %get3A_999 : vector<16xf32>
        scf.yield %add3A_958, %add3A_964, %add3A_970, %add3A_976, %add3A_982, %add3A_988, %add3A_994, %add3A_1000, %max3A_959, %max3A_965, %max3A_971, %max3A_977, %max3A_983, %max3A_989, %max3A_995, %max3A_1001 : vector<16xf32>, vector<16xf32>, vector<16xf32>, vector<16xf32>, vector<16xf32>, vector<16xf32>, vector<16xf32>, vector<16xf32>, vector<16xf32>, vector<16xf32>, vector<16xf32>, vector<16xf32>, vector<16xf32>, vector<16xf32>, vector<16xf32>, vector<16xf32>
      }
      %while3A_935 = arith.constant 1 : i32
      %while3A_936:16 = scf.for %while3A_937 = %while3A_932 to %while3A_928 step %while3A_935 iter_args(%while3A_938 = %while3A_934#0, %while3A_939 = %while3A_934#1, %while3A_940 = %while3A_934#2, %while3A_941 = %while3A_934#3, %while3A_942 = %while3A_934#4, %while3A_943 = %while3A_934#5, %while3A_944 = %while3A_934#6, %while3A_945 = %while3A_934#7, %while3A_946 = %while3A_934#8, %while3A_947 = %while3A_934#9, %while3A_948 = %while3A_934#10, %while3A_949 = %while3A_934#11, %while3A_950 = %while3A_934#12, %while3A_951 = %while3A_934#13, %while3A_952 = %while3A_934#14, %while3A_953 = %while3A_934#15) -> (vector<16xf32>, vector<16xf32>, vector<16xf32>, vector<16xf32>, vector<16xf32>, vector<16xf32>, vector<16xf32>, vector<16xf32>, vector<16xf32>, vector<16xf32>, vector<16xf32>, vector<16xf32>, vector<16xf32>, vector<16xf32>, vector<16xf32>, vector<16xf32>)  : i32 {
        %get3A_954 = arith.index_cast %while3A_937 : i32 to index
        %get3A_955 = arith.constant 0 : index
        %get3A_956 = tpu.vector_load %arg6[%get3A_954, %get3A_955] {strides = array<i32>} : memref<128x128xf32, #tpu.memory_space<vmem>>, vector<1x16xf32>,
        %get3A_957 = vector.shape_cast %get3A_956 : vector<1x16xf32> to vector<16xf32>
        %add3A_958 = arith.addf %while3A_938, %get3A_957 : vector<16xf32>
        %max3A_959 = arith.maximumf %while3A_946, %get3A_957 : vector<16xf32>
        %get3A_960 = arith.index_cast %while3A_937 : i32 to index
        %get3A_961 = arith.constant 16 : index
        %get3A_962 = tpu.vector_load %arg6[%get3A_960, %get3A_961] {strides = array<i32>} : memref<128x128xf32, #tpu.memory_space<vmem>>, vector<1x16xf32>,
        %get3A_963 = vector.shape_cast %get3A_962 : vector<1x16xf32> to vector<16xf32>
        %add3A_964 = arith.addf %while3A_939, %get3A_963 : vector<16xf32>
        %max3A_965 = arith.maximumf %while3A_947, %get3A_963 : vector<16xf32>
        %get3A_966 = arith.index_cast %while3A_937 : i32 to index
        %get3A_967 = arith.constant 32 : index
        %get3A_968 = tpu.vector_load %arg6[%get3A_966, %get3A_967] {strides = array<i32>} : memref<128x128xf32, #tpu.memory_space<vmem>>, vector<1x16xf32>,
        %get3A_969 = vector.shape_cast %get3A_968 : vector<1x16xf32> to vector<16xf32>
        %add3A_970 = arith.addf %while3A_940, %get3A_969 : vector<16xf32>
        %max3A_971 = arith.maximumf %while3A_948, %get3A_969 : vector<16xf32>
        %get3A_972 = arith.index_cast %while3A_937 : i32 to index
        %get3A_973 = arith.constant 48 : index
        %get3A_974 = tpu.vector_load %arg6[%get3A_972, %get3A_973] {strides = array<i32>} : memref<128x128xf32, #tpu.memory_space<vmem>>, vector<1x16xf32>,
        %get3A_975 = vector.shape_cast %get3A_974 : vector<1x16xf32> to vector<16xf32>
        %add3A_976 = arith.addf %while3A_941, %get3A_975 : vector<16xf32>
        %max3A_977 = arith.maximumf %while3A_949, %get3A_975 : vector<16xf32>
        %get3A_978 = arith.index_cast %while3A_937 : i32 to index
        %get3A_979 = arith.constant 64 : index
        %get3A_980 = tpu.vector_load %arg6[%get3A_978, %get3A_979] {strides = array<i32>} : memref<128x128xf32, #tpu.memory_space<vmem>>, vector<1x16xf32>,
        %get3A_981 = vector.shape_cast %get3A_980 : vector<1x16xf32> to vector<16xf32>
        %add3A_982 = arith.addf %while3A_942, %get3A_981 : vector<16xf32>
        %max3A_983 = arith.maximumf %while3A_950, %get3A_981 : vector<16xf32>
        %get3A_984 = arith.index_cast %while3A_937 : i32 to index
        %get3A_985 = arith.constant 80 : index
        %get3A_986 = tpu.vector_load %arg6[%get3A_984, %get3A_985] {strides = array<i32>} : memref<128x128xf32, #tpu.memory_space<vmem>>, vector<1x16xf32>,
        %get3A_987 = vector.shape_cast %get3A_986 : vector<1x16xf32> to vector<16xf32>
        %add3A_988 = arith.addf %while3A_943, %get3A_987 : vector<16xf32>
        %max3A_989 = arith.maximumf %while3A_951, %get3A_987 : vector<16xf32>
        %get3A_990 = arith.index_cast %while3A_937 : i32 to index
        %get3A_991 = arith.constant 96 : index
        %get3A_992 = tpu.vector_load %arg6[%get3A_990, %get3A_991] {strides = array<i32>} : memref<128x128xf32, #tpu.memory_space<vmem>>, vector<1x16xf32>,
        %get3A_993 = vector.shape_cast %get3A_992 : vector<1x16xf32> to vector<16xf32>
        %add3A_994 = arith.addf %while3A_944, %get3A_993 : vector<16xf32>
        %max3A_995 = arith.maximumf %while3A_952, %get3A_993 : vector<16xf32>
        %get3A_996 = arith.index_cast %while3A_937 : i32 to index
        %get3A_997 = arith.constant 112 : index
        %get3A_998 = tpu.vector_load %arg6[%get3A_996, %get3A_997] {strides = array<i32>} : memref<128x128xf32, #tpu.memory_space<vmem>>, vector<1x16xf32>,
        %get3A_999 = vector.shape_cast %get3A_998 : vector<1x16xf32> to vector<16xf32>
        %add3A_1000 = arith.addf %while3A_945, %get3A_999 : vector<16xf32>
        %max3A_1001 = arith.maximumf %while3A_953, %get3A_999 : vector<16xf32>
        scf.yield %add3A_958, %add3A_964, %add3A_970, %add3A_976, %add3A_982, %add3A_988, %add3A_994, %add3A_1000, %max3A_959, %max3A_965, %max3A_971, %max3A_977, %max3A_983, %max3A_989, %max3A_995, %max3A_1001 : vector<16xf32>, vector<16xf32>, vector<16xf32>, vector<16xf32>, vector<16xf32>, vector<16xf32>, vector<16xf32>, vector<16xf32>, vector<16xf32>, vector<16xf32>, vector<16xf32>, vector<16xf32>, vector<16xf32>, vector<16xf32>, vector<16xf32>, vector<16xf32>
      }
      scf.yield %while3A_936#0, %while3A_936#1, %while3A_936#2, %while3A_936#3, %while3A_936#4, %while3A_936#5, %while3A_936#6, %while3A_936#7, %while3A_936#8, %while3A_936#9, %while3A_936#10, %while3A_936#11, %while3A_936#12, %while3A_936#13, %while3A_936#14, %while3A_936#15 : vector<16xf32>, vector<16xf32>, vector<16xf32>, vector<16xf32>, vector<16xf32>, vector<16xf32>, vector<16xf32>, vector<16xf32>, vector<16xf32>, vector<16xf32>, vector<16xf32>, vector<16xf32>, vector<16xf32>, vector<16xf32>, vector<16xf32>, vector<16xf32>
    }
    %broadcast_in_dim3A_487 = vector.broadcast %sub3A_397 : i32 to vector<16xi32>
    %convert_element_type3A = arith.sitofp %broadcast_in_dim3A_487 : vector<16xi32> to vector<16xf32>
    %max3A_488 = arith.constant 1.000000e+00 : f32
    %max3A_489 = vector.broadcast %max3A_488 : f32 to vector<16xf32>
    %max3A_490 = arith.maximumf %convert_element_type3A, %max3A_489 : vector<16xf32>
    %div3A_491 = arith.constant 1.000000e+00 : f32
    %div3A_492 = vector.broadcast %div3A_491 : f32 to vector<16xf32>
    %div3A_493 = arith.divf %div3A_492, %max3A_490 : vector<16xf32>
    %mul3A_494 = arith.mulf %while3A_486#0, %div3A_493 : vector<16xf32>
    %swap3A = arith.constant 0 : i32
    %swap3A_495 = arith.index_cast %swap3A : i32 to index
    %swap3A_496 = arith.constant 0 : index
    %swap3A_497 = tpu.vector_load %arg7[%swap3A_495, %swap3A_496] {strides = array<i32>} : memref<2x384xf32, #tpu.memory_space<vmem>>, vector<1x16xf32>,
    %swap3A_498 = vector.shape_cast %swap3A_497 : vector<1x16xf32> to vector<16xf32>
    %swap3A_499 = vector.shape_cast %mul3A_494 : vector<16xf32> to vector<1x16xf32>
    tpu.vector_store %arg7[%swap3A_495, %swap3A_496], %swap3A_499 {strides = array<i32>} : memref<2x384xf32, #tpu.memory_space<vmem>>, vector<1x16xf32>,
    %swap3A_500 = arith.constant 0 : i32
    %swap3A_501 = arith.index_cast %swap3A_500 : i32 to index
    %swap3A_502 = arith.constant 128 : index
    %swap3A_503 = tpu.vector_load %arg7[%swap3A_501, %swap3A_502] {strides = array<i32>} : memref<2x384xf32, #tpu.memory_space<vmem>>, vector<1x16xf32>,
    %swap3A_504 = vector.shape_cast %swap3A_503 : vector<1x16xf32> to vector<16xf32>
    %swap3A_505 = vector.shape_cast %while3A_486#8 : vector<16xf32> to vector<1x16xf32>
    tpu.vector_store %arg7[%swap3A_501, %swap3A_502], %swap3A_505 {strides = array<i32>} : memref<2x384xf32, #tpu.memory_space<vmem>>, vector<1x16xf32>,
    %swap3A_506 = arith.constant 0 : i32
    %swap3A_507 = arith.index_cast %swap3A_506 : i32 to index
    %swap3A_508 = arith.constant 256 : index
    %swap3A_509 = tpu.vector_load %arg7[%swap3A_507, %swap3A_508] {strides = array<i32>} : memref<2x384xf32, #tpu.memory_space<vmem>>, vector<1x16xf32>,
    %swap3A_510 = vector.shape_cast %swap3A_509 : vector<1x16xf32> to vector<16xf32>
    %swap3A_511 = vector.shape_cast %while3A_486#0 : vector<16xf32> to vector<1x16xf32>
    tpu.vector_store %arg7[%swap3A_507, %swap3A_508], %swap3A_511 {strides = array<i32>} : memref<2x384xf32, #tpu.memory_space<vmem>>, vector<1x16xf32>,
    %mul3A_512 = arith.mulf %while3A_486#1, %div3A_493 : vector<16xf32>
    %swap3A_513 = arith.constant 0 : i32
    %swap3A_514 = arith.index_cast %swap3A_513 : i32 to index
    %swap3A_515 = arith.constant 16 : index
    %swap3A_516 = tpu.vector_load %arg7[%swap3A_514, %swap3A_515] {strides = array<i32>} : memref<2x384xf32, #tpu.memory_space<vmem>>, vector<1x16xf32>,
    %swap3A_517 = vector.shape_cast %swap3A_516 : vector<1x16xf32> to vector<16xf32>
    %swap3A_518 = vector.shape_cast %mul3A_512 : vector<16xf32> to vector<1x16xf32>
    tpu.vector_store %arg7[%swap3A_514, %swap3A_515], %swap3A_518 {strides = array<i32>} : memref<2x384xf32, #tpu.memory_space<vmem>>, vector<1x16xf32>,
    %swap3A_519 = arith.constant 0 : i32
    %swap3A_520 = arith.index_cast %swap3A_519 : i32 to index
    %swap3A_521 = arith.constant 144 : index
    %swap3A_522 = tpu.vector_load %arg7[%swap3A_520, %swap3A_521] {strides = array<i32>} : memref<2x384xf32, #tpu.memory_space<vmem>>, vector<1x16xf32>,
    %swap3A_523 = vector.shape_cast %swap3A_522 : vector<1x16xf32> to vector<16xf32>
    %swap3A_524 = vector.shape_cast %while3A_486#9 : vector<16xf32> to vector<1x16xf32>
    tpu.vector_store %arg7[%swap3A_520, %swap3A_521], %swap3A_524 {strides = array<i32>} : memref<2x384xf32, #tpu.memory_space<vmem>>, vector<1x16xf32>,
    %swap3A_525 = arith.constant 0 : i32
    %swap3A_526 = arith.index_cast %swap3A_525 : i32 to index
    %swap3A_527 = arith.constant 272 : index
    %swap3A_528 = tpu.vector_load %arg7[%swap3A_526, %swap3A_527] {strides = array<i32>} : memref<2x384xf32, #tpu.memory_space<vmem>>, vector<1x16xf32>,
    %swap3A_529 = vector.shape_cast %swap3A_528 : vector<1x16xf32> to vector<16xf32>
    %swap3A_530 = vector.shape_cast %while3A_486#1 : vector<16xf32> to vector<1x16xf32>
    tpu.vector_store %arg7[%swap3A_526, %swap3A_527], %swap3A_530 {strides = array<i32>} : memref<2x384xf32, #tpu.memory_space<vmem>>, vector<1x16xf32>,
    %mul3A_531 = arith.mulf %while3A_486#2, %div3A_493 : vector<16xf32>
    %swap3A_532 = arith.constant 0 : i32
    %swap3A_533 = arith.index_cast %swap3A_532 : i32 to index
    %swap3A_534 = arith.constant 32 : index
    %swap3A_535 = tpu.vector_load %arg7[%swap3A_533, %swap3A_534] {strides = array<i32>} : memref<2x384xf32, #tpu.memory_space<vmem>>, vector<1x16xf32>,
    %swap3A_536 = vector.shape_cast %swap3A_535 : vector<1x16xf32> to vector<16xf32>
    %swap3A_537 = vector.shape_cast %mul3A_531 : vector<16xf32> to vector<1x16xf32>
    tpu.vector_store %arg7[%swap3A_533, %swap3A_534], %swap3A_537 {strides = array<i32>} : memref<2x384xf32, #tpu.memory_space<vmem>>, vector<1x16xf32>,
    %swap3A_538 = arith.constant 0 : i32
    %swap3A_539 = arith.index_cast %swap3A_538 : i32 to index
    %swap3A_540 = arith.constant 160 : index
    %swap3A_541 = tpu.vector_load %arg7[%swap3A_539, %swap3A_540] {strides = array<i32>} : memref<2x384xf32, #tpu.memory_space<vmem>>, vector<1x16xf32>,
    %swap3A_542 = vector.shape_cast %swap3A_541 : vector<1x16xf32> to vector<16xf32>
    %swap3A_543 = vector.shape_cast %while3A_486#10 : vector<16xf32> to vector<1x16xf32>
    tpu.vector_store %arg7[%swap3A_539, %swap3A_540], %swap3A_543 {strides = array<i32>} : memref<2x384xf32, #tpu.memory_space<vmem>>, vector<1x16xf32>,
    %swap3A_544 = arith.constant 0 : i32
    %swap3A_545 = arith.index_cast %swap3A_544 : i32 to index
    %swap3A_546 = arith.constant 288 : index
    %swap3A_547 = tpu.vector_load %arg7[%swap3A_545, %swap3A_546] {strides = array<i32>} : memref<2x384xf32, #tpu.memory_space<vmem>>, vector<1x16xf32>,
    %swap3A_548 = vector.shape_cast %swap3A_547 : vector<1x16xf32> to vector<16xf32>
    %swap3A_549 = vector.shape_cast %while3A_486#2 : vector<16xf32> to vector<1x16xf32>
    tpu.vector_store %arg7[%swap3A_545, %swap3A_546], %swap3A_549 {strides = array<i32>} : memref<2x384xf32, #tpu.memory_space<vmem>>, vector<1x16xf32>,
    %mul3A_550 = arith.mulf %while3A_486#3, %div3A_493 : vector<16xf32>
    %swap3A_551 = arith.constant 0 : i32
    %swap3A_552 = arith.index_cast %swap3A_551 : i32 to index
    %swap3A_553 = arith.constant 48 : index
    %swap3A_554 = tpu.vector_load %arg7[%swap3A_552, %swap3A_553] {strides = array<i32>} : memref<2x384xf32, #tpu.memory_space<vmem>>, vector<1x16xf32>,
    %swap3A_555 = vector.shape_cast %swap3A_554 : vector<1x16xf32> to vector<16xf32>
    %swap3A_556 = vector.shape_cast %mul3A_550 : vector<16xf32> to vector<1x16xf32>
    tpu.vector_store %arg7[%swap3A_552, %swap3A_553], %swap3A_556 {strides = array<i32>} : memref<2x384xf32, #tpu.memory_space<vmem>>, vector<1x16xf32>,
    %swap3A_557 = arith.constant 0 : i32
    %swap3A_558 = arith.index_cast %swap3A_557 : i32 to index
    %swap3A_559 = arith.constant 176 : index
    %swap3A_560 = tpu.vector_load %arg7[%swap3A_558, %swap3A_559] {strides = array<i32>} : memref<2x384xf32, #tpu.memory_space<vmem>>, vector<1x16xf32>,
    %swap3A_561 = vector.shape_cast %swap3A_560 : vector<1x16xf32> to vector<16xf32>
    %swap3A_562 = vector.shape_cast %while3A_486#11 : vector<16xf32> to vector<1x16xf32>
    tpu.vector_store %arg7[%swap3A_558, %swap3A_559], %swap3A_562 {strides = array<i32>} : memref<2x384xf32, #tpu.memory_space<vmem>>, vector<1x16xf32>,
    %swap3A_563 = arith.constant 0 : i32
    %swap3A_564 = arith.index_cast %swap3A_563 : i32 to index
    %swap3A_565 = arith.constant 304 : index
    %swap3A_566 = tpu.vector_load %arg7[%swap3A_564, %swap3A_565] {strides = array<i32>} : memref<2x384xf32, #tpu.memory_space<vmem>>, vector<1x16xf32>,
    %swap3A_567 = vector.shape_cast %swap3A_566 : vector<1x16xf32> to vector<16xf32>
    %swap3A_568 = vector.shape_cast %while3A_486#3 : vector<16xf32> to vector<1x16xf32>
    tpu.vector_store %arg7[%swap3A_564, %swap3A_565], %swap3A_568 {strides = array<i32>} : memref<2x384xf32, #tpu.memory_space<vmem>>, vector<1x16xf32>,
    %mul3A_569 = arith.mulf %while3A_486#4, %div3A_493 : vector<16xf32>
    %swap3A_570 = arith.constant 0 : i32
    %swap3A_571 = arith.index_cast %swap3A_570 : i32 to index
    %swap3A_572 = arith.constant 64 : index
    %swap3A_573 = tpu.vector_load %arg7[%swap3A_571, %swap3A_572] {strides = array<i32>} : memref<2x384xf32, #tpu.memory_space<vmem>>, vector<1x16xf32>,
    %swap3A_574 = vector.shape_cast %swap3A_573 : vector<1x16xf32> to vector<16xf32>
    %swap3A_575 = vector.shape_cast %mul3A_569 : vector<16xf32> to vector<1x16xf32>
    tpu.vector_store %arg7[%swap3A_571, %swap3A_572], %swap3A_575 {strides = array<i32>} : memref<2x384xf32, #tpu.memory_space<vmem>>, vector<1x16xf32>,
    %swap3A_576 = arith.constant 0 : i32
    %swap3A_577 = arith.index_cast %swap3A_576 : i32 to index
    %swap3A_578 = arith.constant 192 : index
    %swap3A_579 = tpu.vector_load %arg7[%swap3A_577, %swap3A_578] {strides = array<i32>} : memref<2x384xf32, #tpu.memory_space<vmem>>, vector<1x16xf32>,
    %swap3A_580 = vector.shape_cast %swap3A_579 : vector<1x16xf32> to vector<16xf32>
    %swap3A_581 = vector.shape_cast %while3A_486#12 : vector<16xf32> to vector<1x16xf32>
    tpu.vector_store %arg7[%swap3A_577, %swap3A_578], %swap3A_581 {strides = array<i32>} : memref<2x384xf32, #tpu.memory_space<vmem>>, vector<1x16xf32>,
    %swap3A_582 = arith.constant 0 : i32
    %swap3A_583 = arith.index_cast %swap3A_582 : i32 to index
    %swap3A_584 = arith.constant 320 : index
    %swap3A_585 = tpu.vector_load %arg7[%swap3A_583, %swap3A_584] {strides = array<i32>} : memref<2x384xf32, #tpu.memory_space<vmem>>, vector<1x16xf32>,
    %swap3A_586 = vector.shape_cast %swap3A_585 : vector<1x16xf32> to vector<16xf32>
    %swap3A_587 = vector.shape_cast %while3A_486#4 : vector<16xf32> to vector<1x16xf32>
    tpu.vector_store %arg7[%swap3A_583, %swap3A_584], %swap3A_587 {strides = array<i32>} : memref<2x384xf32, #tpu.memory_space<vmem>>, vector<1x16xf32>,
    %mul3A_588 = arith.mulf %while3A_486#5, %div3A_493 : vector<16xf32>
    %swap3A_589 = arith.constant 0 : i32
    %swap3A_590 = arith.index_cast %swap3A_589 : i32 to index
    %swap3A_591 = arith.constant 80 : index
    %swap3A_592 = tpu.vector_load %arg7[%swap3A_590, %swap3A_591] {strides = array<i32>} : memref<2x384xf32, #tpu.memory_space<vmem>>, vector<1x16xf32>,
    %swap3A_593 = vector.shape_cast %swap3A_592 : vector<1x16xf32> to vector<16xf32>
    %swap3A_594 = vector.shape_cast %mul3A_588 : vector<16xf32> to vector<1x16xf32>
    tpu.vector_store %arg7[%swap3A_590, %swap3A_591], %swap3A_594 {strides = array<i32>} : memref<2x384xf32, #tpu.memory_space<vmem>>, vector<1x16xf32>,
    %swap3A_595 = arith.constant 0 : i32
    %swap3A_596 = arith.index_cast %swap3A_595 : i32 to index
    %swap3A_597 = arith.constant 208 : index
    %swap3A_598 = tpu.vector_load %arg7[%swap3A_596, %swap3A_597] {strides = array<i32>} : memref<2x384xf32, #tpu.memory_space<vmem>>, vector<1x16xf32>,
    %swap3A_599 = vector.shape_cast %swap3A_598 : vector<1x16xf32> to vector<16xf32>
    %swap3A_600 = vector.shape_cast %while3A_486#13 : vector<16xf32> to vector<1x16xf32>
    tpu.vector_store %arg7[%swap3A_596, %swap3A_597], %swap3A_600 {strides = array<i32>} : memref<2x384xf32, #tpu.memory_space<vmem>>, vector<1x16xf32>,
    %swap3A_601 = arith.constant 0 : i32
    %swap3A_602 = arith.index_cast %swap3A_601 : i32 to index
    %swap3A_603 = arith.constant 336 : index
    %swap3A_604 = tpu.vector_load %arg7[%swap3A_602, %swap3A_603] {strides = array<i32>} : memref<2x384xf32, #tpu.memory_space<vmem>>, vector<1x16xf32>,
    %swap3A_605 = vector.shape_cast %swap3A_604 : vector<1x16xf32> to vector<16xf32>
    %swap3A_606 = vector.shape_cast %while3A_486#5 : vector<16xf32> to vector<1x16xf32>
    tpu.vector_store %arg7[%swap3A_602, %swap3A_603], %swap3A_606 {strides = array<i32>} : memref<2x384xf32, #tpu.memory_space<vmem>>, vector<1x16xf32>,
    %mul3A_607 = arith.mulf %while3A_486#6, %div3A_493 : vector<16xf32>
    %swap3A_608 = arith.constant 0 : i32
    %swap3A_609 = arith.index_cast %swap3A_608 : i32 to index
    %swap3A_610 = arith.constant 96 : index
    %swap3A_611 = tpu.vector_load %arg7[%swap3A_609, %swap3A_610] {strides = array<i32>} : memref<2x384xf32, #tpu.memory_space<vmem>>, vector<1x16xf32>,
    %swap3A_612 = vector.shape_cast %swap3A_611 : vector<1x16xf32> to vector<16xf32>
    %swap3A_613 = vector.shape_cast %mul3A_607 : vector<16xf32> to vector<1x16xf32>
    tpu.vector_store %arg7[%swap3A_609, %swap3A_610], %swap3A_613 {strides = array<i32>} : memref<2x384xf32, #tpu.memory_space<vmem>>, vector<1x16xf32>,
    %swap3A_614 = arith.constant 0 : i32
    %swap3A_615 = arith.index_cast %swap3A_614 : i32 to index
    %swap3A_616 = arith.constant 224 : index
    %swap3A_617 = tpu.vector_load %arg7[%swap3A_615, %swap3A_616] {strides = array<i32>} : memref<2x384xf32, #tpu.memory_space<vmem>>, vector<1x16xf32>,
    %swap3A_618 = vector.shape_cast %swap3A_617 : vector<1x16xf32> to vector<16xf32>
    %swap3A_619 = vector.shape_cast %while3A_486#14 : vector<16xf32> to vector<1x16xf32>
    tpu.vector_store %arg7[%swap3A_615, %swap3A_616], %swap3A_619 {strides = array<i32>} : memref<2x384xf32, #tpu.memory_space<vmem>>, vector<1x16xf32>,
    %swap3A_620 = arith.constant 0 : i32
    %swap3A_621 = arith.index_cast %swap3A_620 : i32 to index
    %swap3A_622 = arith.constant 352 : index
    %swap3A_623 = tpu.vector_load %arg7[%swap3A_621, %swap3A_622] {strides = array<i32>} : memref<2x384xf32, #tpu.memory_space<vmem>>, vector<1x16xf32>,
    %swap3A_624 = vector.shape_cast %swap3A_623 : vector<1x16xf32> to vector<16xf32>
    %swap3A_625 = vector.shape_cast %while3A_486#6 : vector<16xf32> to vector<1x16xf32>
    tpu.vector_store %arg7[%swap3A_621, %swap3A_622], %swap3A_625 {strides = array<i32>} : memref<2x384xf32, #tpu.memory_space<vmem>>, vector<1x16xf32>,
    %mul3A_626 = arith.mulf %while3A_486#7, %div3A_493 : vector<16xf32>
    %swap3A_627 = arith.constant 0 : i32
    %swap3A_628 = arith.index_cast %swap3A_627 : i32 to index
    %swap3A_629 = arith.constant 112 : index
    %swap3A_630 = tpu.vector_load %arg7[%swap3A_628, %swap3A_629] {strides = array<i32>} : memref<2x384xf32, #tpu.memory_space<vmem>>, vector<1x16xf32>,
    %swap3A_631 = vector.shape_cast %swap3A_630 : vector<1x16xf32> to vector<16xf32>
    %swap3A_632 = vector.shape_cast %mul3A_626 : vector<16xf32> to vector<1x16xf32>
    tpu.vector_store %arg7[%swap3A_628, %swap3A_629], %swap3A_632 {strides = array<i32>} : memref<2x384xf32, #tpu.memory_space<vmem>>, vector<1x16xf32>,
    %swap3A_633 = arith.constant 0 : i32
    %swap3A_634 = arith.index_cast %swap3A_633 : i32 to index
    %swap3A_635 = arith.constant 240 : index
    %swap3A_636 = tpu.vector_load %arg7[%swap3A_634, %swap3A_635] {strides = array<i32>} : memref<2x384xf32, #tpu.memory_space<vmem>>, vector<1x16xf32>,
    %swap3A_637 = vector.shape_cast %swap3A_636 : vector<1x16xf32> to vector<16xf32>
    %swap3A_638 = vector.shape_cast %while3A_486#15 : vector<16xf32> to vector<1x16xf32>
    tpu.vector_store %arg7[%swap3A_634, %swap3A_635], %swap3A_638 {strides = array<i32>} : memref<2x384xf32, #tpu.memory_space<vmem>>, vector<1x16xf32>,
    %swap3A_639 = arith.constant 0 : i32
    %swap3A_640 = arith.index_cast %swap3A_639 : i32 to index
    %swap3A_641 = arith.constant 368 : index
    %swap3A_642 = tpu.vector_load %arg7[%swap3A_640, %swap3A_641] {strides = array<i32>} : memref<2x384xf32, #tpu.memory_space<vmem>>, vector<1x16xf32>,
    %swap3A_643 = vector.shape_cast %swap3A_642 : vector<1x16xf32> to vector<16xf32>
    %swap3A_644 = vector.shape_cast %while3A_486#7 : vector<16xf32> to vector<1x16xf32>
    tpu.vector_store %arg7[%swap3A_640, %swap3A_641], %swap3A_644 {strides = array<i32>} : memref<2x384xf32, #tpu.memory_space<vmem>>, vector<1x16xf32>,
    %sub3A_645 = arith.subi %add3A_396, %add3A_261 : i32
    %jit3A_646 = arith.constant 8 : i32
    %div3A_647 = arith.divsi %add3A_261, %jit3A_646 : i32
    %sign3A_648 = arith.constant 0 : i32
    %sign3A_649 = arith.cmpi sgt, %add3A_261, %sign3A_648 : i32
    %sign3A_650 = arith.extui %sign3A_649 : i1 to i32
    %sign3A_651 = arith.constant 0 : i32
    %sign3A_652 = arith.cmpi slt, %add3A_261, %sign3A_651 : i32
    %sign3A_653 = arith.extui %sign3A_652 : i1 to i32
    %sign3A_654 = arith.subi %sign3A_650, %sign3A_653 : i32
    %sign3A_655 = arith.constant 0 : i32
    %sign3A_656 = arith.cmpi sgt, %jit3A_646, %sign3A_655 : i32
    %sign3A_657 = arith.extui %sign3A_656 : i1 to i32
    %sign3A_658 = arith.constant 0 : i32
    %sign3A_659 = arith.cmpi slt, %jit3A_646, %sign3A_658 : i32
    %sign3A_660 = arith.extui %sign3A_659 : i1 to i32
    %sign3A_661 = arith.subi %sign3A_657, %sign3A_660 : i32
    %ne3A_662 = arith.cmpi ne, %sign3A_654, %sign3A_661 : i32
    %rem3A_663 = arith.remsi %add3A_261, %jit3A_646 : i32
    %ne3A_664 = arith.constant 0 : i32
    %ne3A_665 = arith.cmpi ne, %rem3A_663, %ne3A_664 : i32
    %and3A_666 = arith.andi %ne3A_662, %ne3A_665 : i1
    %sub3A_667 = arith.constant 1 : i32
    %sub3A_668 = arith.subi %div3A_647, %sub3A_667 : i32
    %select_n3A_669 = arith.select %and3A_666, %sub3A_668, %div3A_647 : i32
    %mul3A_670 = arith.constant 8 : i32
    %mul3A_671 = arith.muli %select_n3A_669, %mul3A_670 : i32
    %sub3A_672 = arith.subi %add3A_396, %mul3A_671 : i32
    %add3A_673 = arith.constant 127 : i32
    %add3A_674 = arith.addi %sub3A_672, %add3A_673 : i32
    %jit3A_675 = arith.constant 128 : i32
    %div3A_676 = arith.divsi %add3A_674, %jit3A_675 : i32
    %sign3A_677 = arith.constant 0 : i32
    %sign3A_678 = arith.cmpi sgt, %add3A_674, %sign3A_677 : i32
    %sign3A_679 = arith.extui %sign3A_678 : i1 to i32
    %sign3A_680 = arith.constant 0 : i32
    %sign3A_681 = arith.cmpi slt, %add3A_674, %sign3A_680 : i32
    %sign3A_682 = arith.extui %sign3A_681 : i1 to i32
    %sign3A_683 = arith.subi %sign3A_679, %sign3A_682 : i32
    %sign3A_684 = arith.constant 0 : i32
    %sign3A_685 = arith.cmpi sgt, %jit3A_675, %sign3A_684 : i32
    %sign3A_686 = arith.extui %sign3A_685 : i1 to i32
    %sign3A_687 = arith.constant 0 : i32
    %sign3A_688 = arith.cmpi slt, %jit3A_675, %sign3A_687 : i32
    %sign3A_689 = arith.extui %sign3A_688 : i1 to i32
    %sign3A_690 = arith.subi %sign3A_686, %sign3A_689 : i32
    %ne3A_691 = arith.cmpi ne, %sign3A_683, %sign3A_690 : i32
    %rem3A_692 = arith.remsi %add3A_674, %jit3A_675 : i32
    %ne3A_693 = arith.constant 0 : i32
    %ne3A_694 = arith.cmpi ne, %rem3A_692, %ne3A_693 : i32
    %and3A_695 = arith.andi %ne3A_691, %ne3A_694 : i1
    %sub3A_696 = arith.constant 1 : i32
    %sub3A_697 = arith.subi %div3A_676, %sub3A_696 : i32
    %select_n3A_698 = arith.select %and3A_695, %sub3A_697, %div3A_676 : i32
    %broadcast_in_dim3A_699 = arith.constant 0.000000e+00 : f32
    %broadcast_in_dim3A_700 = vector.broadcast %broadcast_in_dim3A_699 : f32 to vector<16xf32>
    %broadcast_in_dim3A_701 = arith.constant 0.000000e+00 : f32
    %broadcast_in_dim3A_702 = vector.broadcast %broadcast_in_dim3A_701 : f32 to vector<16xf32>
    %broadcast_in_dim3A_703 = arith.constant 0.000000e+00 : f32
    %broadcast_in_dim3A_704 = vector.broadcast %broadcast_in_dim3A_703 : f32 to vector<16xf32>
    %broadcast_in_dim3A_705 = arith.constant 0.000000e+00 : f32
    %broadcast_in_dim3A_706 = vector.broadcast %broadcast_in_dim3A_705 : f32 to vector<16xf32>
    %broadcast_in_dim3A_707 = arith.constant 0.000000e+00 : f32
    %broadcast_in_dim3A_708 = vector.broadcast %broadcast_in_dim3A_707 : f32 to vector<16xf32>
    %broadcast_in_dim3A_709 = arith.constant 0.000000e+00 : f32
    %broadcast_in_dim3A_710 = vector.broadcast %broadcast_in_dim3A_709 : f32 to vector<16xf32>
    %broadcast_in_dim3A_711 = arith.constant 0.000000e+00 : f32
    %broadcast_in_dim3A_712 = vector.broadcast %broadcast_in_dim3A_711 : f32 to vector<16xf32>
    %broadcast_in_dim3A_713 = arith.constant 0.000000e+00 : f32
    %broadcast_in_dim3A_714 = vector.broadcast %broadcast_in_dim3A_713 : f32 to vector<16xf32>
    %broadcast_in_dim3A_715 = arith.constant 0.000000e+00 : f32
    %broadcast_in_dim3A_716 = vector.broadcast %broadcast_in_dim3A_715 : f32 to vector<16xf32>
    %broadcast_in_dim3A_717 = arith.constant 0.000000e+00 : f32
    %broadcast_in_dim3A_718 = vector.broadcast %broadcast_in_dim3A_717 : f32 to vector<16xf32>
    %broadcast_in_dim3A_719 = arith.constant 0.000000e+00 : f32
    %broadcast_in_dim3A_720 = vector.broadcast %broadcast_in_dim3A_719 : f32 to vector<16xf32>
    %broadcast_in_dim3A_721 = arith.constant 0.000000e+00 : f32
    %broadcast_in_dim3A_722 = vector.broadcast %broadcast_in_dim3A_721 : f32 to vector<16xf32>
    %broadcast_in_dim3A_723 = arith.constant 0.000000e+00 : f32
    %broadcast_in_dim3A_724 = vector.broadcast %broadcast_in_dim3A_723 : f32 to vector<16xf32>
    %broadcast_in_dim3A_725 = arith.constant 0.000000e+00 : f32
    %broadcast_in_dim3A_726 = vector.broadcast %broadcast_in_dim3A_725 : f32 to vector<16xf32>
    %broadcast_in_dim3A_727 = arith.constant 0.000000e+00 : f32
    %broadcast_in_dim3A_728 = vector.broadcast %broadcast_in_dim3A_727 : f32 to vector<16xf32>
    %broadcast_in_dim3A_729 = arith.constant 0.000000e+00 : f32
    %broadcast_in_dim3A_730 = vector.broadcast %broadcast_in_dim3A_729 : f32 to vector<16xf32>
    %while3A_731 = arith.constant 0 : i32
    %while3A_732 = arith.subi %select_n3A_698, %while3A_731 : i32
    %while3A_733 = arith.addi %while3A_731, %while3A_732 : i32
    %while3A_734 = arith.constant 1 : i32
    %while3A_735 = arith.divsi %while3A_732, %while3A_734 : i32
    %while3A_736 = arith.muli %while3A_735, %while3A_734 : i32
    %while3A_737 = arith.addi %while3A_731, %while3A_736 : i32
    %while3A_738 = arith.constant 1 : i32
    %while3A_739:16 = scf.for %while3A_902 = %while3A_731 to %while3A_737 step %while3A_738 iter_args(%while3A_903 = %broadcast_in_dim3A_700, %while3A_904 = %broadcast_in_dim3A_702, %while3A_905 = %broadcast_in_dim3A_704, %while3A_906 = %broadcast_in_dim3A_706, %while3A_907 = %broadcast_in_dim3A_708, %while3A_908 = %broadcast_in_dim3A_710, %while3A_909 = %broadcast_in_dim3A_712, %while3A_910 = %broadcast_in_dim3A_714, %while3A_911 = %broadcast_in_dim3A_716, %while3A_912 = %broadcast_in_dim3A_718, %while3A_913 = %broadcast_in_dim3A_720, %while3A_914 = %broadcast_in_dim3A_722, %while3A_915 = %broadcast_in_dim3A_724, %while3A_916 = %broadcast_in_dim3A_726, %while3A_917 = %broadcast_in_dim3A_728, %while3A_918 = %broadcast_in_dim3A_730) -> (vector<16xf32>, vector<16xf32>, vector<16xf32>, vector<16xf32>, vector<16xf32>, vector<16xf32>, vector<16xf32>, vector<16xf32>, vector<16xf32>, vector<16xf32>, vector<16xf32>, vector<16xf32>, vector<16xf32>, vector<16xf32>, vector<16xf32>, vector<16xf32>)  : i32 {
      %mul3A_919 = arith.constant 128 : i32
      %mul3A_920 = arith.muli %while3A_902, %mul3A_919 : i32
      %add3A_921 = arith.addi %mul3A_671, %mul3A_920 : i32
      "tpu.region"() ({
        %run_scoped3A = tpu.sem_alloc : memref<!tpu.dma_semaphore, #tpu.memory_space<semaphore_mem>>
        %dma_start3A = arith.constant 0 : i32
        %dma_start3A_937 = tpu.memref_slice %arg2[%add3A_921, %dma_start3A] : memref<10240x128xf32, #tpu.memory_space<hbm>> -> memref<128x128xf32, #tpu.memory_space<hbm>>
        %dma_start3A_938 = arith.constant 0 : i32
        %dma_start3A_939 = tpu.memref_slice %arg2[%add3A_921, %dma_start3A_938] : memref<10240x128xf32, #tpu.memory_space<hbm>> -> memref<128x128xf32, #tpu.memory_space<hbm>>
        tpu.enqueue_dma source(%dma_start3A_939 : memref<128x128xf32, #tpu.memory_space<hbm>>) target(%arg6 : memref<128x128xf32, #tpu.memory_space<vmem>>) target_semaphore(%run_scoped3A : memref<!tpu.dma_semaphore, #tpu.memory_space<semaphore_mem>>)
        %dma_wait3A = arith.constant 0 : i32
        %dma_wait3A_940 = tpu.memref_slice %arg2[%add3A_921, %dma_wait3A] : memref<10240x128xf32, #tpu.memory_space<hbm>> -> memref<128x128xf32, #tpu.memory_space<hbm>>
        %dma_wait3A_941 = arith.constant 0 : i32
        %dma_wait3A_942 = tpu.memref_slice %arg2[%add3A_921, %dma_wait3A_941] : memref<10240x128xf32, #tpu.memory_space<hbm>> -> memref<128x128xf32, #tpu.memory_space<hbm>>
        tpu.wait_dma2 semaphore(%run_scoped3A : memref<!tpu.dma_semaphore, #tpu.memory_space<semaphore_mem>>) src(%dma_wait3A_942 : memref<128x128xf32, #tpu.memory_space<hbm>>) dst(%arg6 : memref<128x128xf32, #tpu.memory_space<vmem>>)
        tpu.yield
      }) : () -> ()
      %sub3A_922 = arith.subi %add3A_261, %add3A_921 : i32
      %max3A_923 = arith.constant 0 : i32
      %max3A_924 = arith.maxsi %sub3A_922, %max3A_923 : i32
      %sub3A_925 = arith.subi %add3A_396, %add3A_921 : i32
      %min3A = arith.constant 128 : i32
      %min3A_926 = arith.minsi %min3A, %sub3A_925 : i32
      %while3A_927 = arith.subi %min3A_926, %max3A_924 : i32
      %while3A_928 = arith.addi %max3A_924, %while3A_927 : i32
      %while3A_929 = arith.constant 1 : i32
      %while3A_930 = arith.divsi %while3A_927, %while3A_929 : i32
      %while3A_931 = arith.muli %while3A_930, %while3A_929 : i32
      %while3A_932 = arith.addi %max3A_924, %while3A_931 : i32
      %while3A_933 = arith.constant 1 : i32
      %while3A_934:16 = scf.for %while3A_937 = %max3A_924 to %while3A_932 step %while3A_933 iter_args(%while3A_938 = %while3A_903, %while3A_939 = %while3A_904, %while3A_940 = %while3A_905, %while3A_941 = %while3A_906, %while3A_942 = %while3A_907, %while3A_943 = %while3A_908, %while3A_944 = %while3A_909, %while3A_945 = %while3A_910, %while3A_946 = %while3A_911, %while3A_947 = %while3A_912, %while3A_948 = %while3A_913, %while3A_949 = %while3A_914, %while3A_950 = %while3A_915, %while3A_951 = %while3A_916, %while3A_952 = %while3A_917, %while3A_953 = %while3A_918) -> (vector<16xf32>, vector<16xf32>, vector<16xf32>, vector<16xf32>, vector<16xf32>, vector<16xf32>, vector<16xf32>, vector<16xf32>, vector<16xf32>, vector<16xf32>, vector<16xf32>, vector<16xf32>, vector<16xf32>, vector<16xf32>, vector<16xf32>, vector<16xf32>)  : i32 {
        %get3A_954 = arith.index_cast %while3A_937 : i32 to index
        %get3A_955 = arith.constant 0 : index
        %get3A_956 = tpu.vector_load %arg6[%get3A_954, %get3A_955] {strides = array<i32>} : memref<128x128xf32, #tpu.memory_space<vmem>>, vector<1x16xf32>,
        %get3A_957 = vector.shape_cast %get3A_956 : vector<1x16xf32> to vector<16xf32>
        %add3A_958 = arith.addf %while3A_938, %get3A_957 : vector<16xf32>
        %max3A_959 = arith.maximumf %while3A_946, %get3A_957 : vector<16xf32>
        %get3A_960 = arith.index_cast %while3A_937 : i32 to index
        %get3A_961 = arith.constant 16 : index
        %get3A_962 = tpu.vector_load %arg6[%get3A_960, %get3A_961] {strides = array<i32>} : memref<128x128xf32, #tpu.memory_space<vmem>>, vector<1x16xf32>,
        %get3A_963 = vector.shape_cast %get3A_962 : vector<1x16xf32> to vector<16xf32>
        %add3A_964 = arith.addf %while3A_939, %get3A_963 : vector<16xf32>
        %max3A_965 = arith.maximumf %while3A_947, %get3A_963 : vector<16xf32>
        %get3A_966 = arith.index_cast %while3A_937 : i32 to index
        %get3A_967 = arith.constant 32 : index
        %get3A_968 = tpu.vector_load %arg6[%get3A_966, %get3A_967] {strides = array<i32>} : memref<128x128xf32, #tpu.memory_space<vmem>>, vector<1x16xf32>,
        %get3A_969 = vector.shape_cast %get3A_968 : vector<1x16xf32> to vector<16xf32>
        %add3A_970 = arith.addf %while3A_940, %get3A_969 : vector<16xf32>
        %max3A_971 = arith.maximumf %while3A_948, %get3A_969 : vector<16xf32>
        %get3A_972 = arith.index_cast %while3A_937 : i32 to index
        %get3A_973 = arith.constant 48 : index
        %get3A_974 = tpu.vector_load %arg6[%get3A_972, %get3A_973] {strides = array<i32>} : memref<128x128xf32, #tpu.memory_space<vmem>>, vector<1x16xf32>,
        %get3A_975 = vector.shape_cast %get3A_974 : vector<1x16xf32> to vector<16xf32>
        %add3A_976 = arith.addf %while3A_941, %get3A_975 : vector<16xf32>
        %max3A_977 = arith.maximumf %while3A_949, %get3A_975 : vector<16xf32>
        %get3A_978 = arith.index_cast %while3A_937 : i32 to index
        %get3A_979 = arith.constant 64 : index
        %get3A_980 = tpu.vector_load %arg6[%get3A_978, %get3A_979] {strides = array<i32>} : memref<128x128xf32, #tpu.memory_space<vmem>>, vector<1x16xf32>,
        %get3A_981 = vector.shape_cast %get3A_980 : vector<1x16xf32> to vector<16xf32>
        %add3A_982 = arith.addf %while3A_942, %get3A_981 : vector<16xf32>
        %max3A_983 = arith.maximumf %while3A_950, %get3A_981 : vector<16xf32>
        %get3A_984 = arith.index_cast %while3A_937 : i32 to index
        %get3A_985 = arith.constant 80 : index
        %get3A_986 = tpu.vector_load %arg6[%get3A_984, %get3A_985] {strides = array<i32>} : memref<128x128xf32, #tpu.memory_space<vmem>>, vector<1x16xf32>,
        %get3A_987 = vector.shape_cast %get3A_986 : vector<1x16xf32> to vector<16xf32>
        %add3A_988 = arith.addf %while3A_943, %get3A_987 : vector<16xf32>
        %max3A_989 = arith.maximumf %while3A_951, %get3A_987 : vector<16xf32>
        %get3A_990 = arith.index_cast %while3A_937 : i32 to index
        %get3A_991 = arith.constant 96 : index
        %get3A_992 = tpu.vector_load %arg6[%get3A_990, %get3A_991] {strides = array<i32>} : memref<128x128xf32, #tpu.memory_space<vmem>>, vector<1x16xf32>,
        %get3A_993 = vector.shape_cast %get3A_992 : vector<1x16xf32> to vector<16xf32>
        %add3A_994 = arith.addf %while3A_944, %get3A_993 : vector<16xf32>
        %max3A_995 = arith.maximumf %while3A_952, %get3A_993 : vector<16xf32>
        %get3A_996 = arith.index_cast %while3A_937 : i32 to index
        %get3A_997 = arith.constant 112 : index
        %get3A_998 = tpu.vector_load %arg6[%get3A_996, %get3A_997] {strides = array<i32>} : memref<128x128xf32, #tpu.memory_space<vmem>>, vector<1x16xf32>,
        %get3A_999 = vector.shape_cast %get3A_998 : vector<1x16xf32> to vector<16xf32>
        %add3A_1000 = arith.addf %while3A_945, %get3A_999 : vector<16xf32>
        %max3A_1001 = arith.maximumf %while3A_953, %get3A_999 : vector<16xf32>
        scf.yield %add3A_958, %add3A_964, %add3A_970, %add3A_976, %add3A_982, %add3A_988, %add3A_994, %add3A_1000, %max3A_959, %max3A_965, %max3A_971, %max3A_977, %max3A_983, %max3A_989, %max3A_995, %max3A_1001 : vector<16xf32>, vector<16xf32>, vector<16xf32>, vector<16xf32>, vector<16xf32>, vector<16xf32>, vector<16xf32>, vector<16xf32>, vector<16xf32>, vector<16xf32>, vector<16xf32>, vector<16xf32>, vector<16xf32>, vector<16xf32>, vector<16xf32>, vector<16xf32>
      }
      %while3A_935 = arith.constant 1 : i32
      %while3A_936:16 = scf.for %while3A_937 = %while3A_932 to %while3A_928 step %while3A_935 iter_args(%while3A_938 = %while3A_934#0, %while3A_939 = %while3A_934#1, %while3A_940 = %while3A_934#2, %while3A_941 = %while3A_934#3, %while3A_942 = %while3A_934#4, %while3A_943 = %while3A_934#5, %while3A_944 = %while3A_934#6, %while3A_945 = %while3A_934#7, %while3A_946 = %while3A_934#8, %while3A_947 = %while3A_934#9, %while3A_948 = %while3A_934#10, %while3A_949 = %while3A_934#11, %while3A_950 = %while3A_934#12, %while3A_951 = %while3A_934#13, %while3A_952 = %while3A_934#14, %while3A_953 = %while3A_934#15) -> (vector<16xf32>, vector<16xf32>, vector<16xf32>, vector<16xf32>, vector<16xf32>, vector<16xf32>, vector<16xf32>, vector<16xf32>, vector<16xf32>, vector<16xf32>, vector<16xf32>, vector<16xf32>, vector<16xf32>, vector<16xf32>, vector<16xf32>, vector<16xf32>)  : i32 {
        %get3A_954 = arith.index_cast %while3A_937 : i32 to index
        %get3A_955 = arith.constant 0 : index
        %get3A_956 = tpu.vector_load %arg6[%get3A_954, %get3A_955] {strides = array<i32>} : memref<128x128xf32, #tpu.memory_space<vmem>>, vector<1x16xf32>,
        %get3A_957 = vector.shape_cast %get3A_956 : vector<1x16xf32> to vector<16xf32>
        %add3A_958 = arith.addf %while3A_938, %get3A_957 : vector<16xf32>
        %max3A_959 = arith.maximumf %while3A_946, %get3A_957 : vector<16xf32>
        %get3A_960 = arith.index_cast %while3A_937 : i32 to index
        %get3A_961 = arith.constant 16 : index
        %get3A_962 = tpu.vector_load %arg6[%get3A_960, %get3A_961] {strides = array<i32>} : memref<128x128xf32, #tpu.memory_space<vmem>>, vector<1x16xf32>,
        %get3A_963 = vector.shape_cast %get3A_962 : vector<1x16xf32> to vector<16xf32>
        %add3A_964 = arith.addf %while3A_939, %get3A_963 : vector<16xf32>
        %max3A_965 = arith.maximumf %while3A_947, %get3A_963 : vector<16xf32>
        %get3A_966 = arith.index_cast %while3A_937 : i32 to index
        %get3A_967 = arith.constant 32 : index
        %get3A_968 = tpu.vector_load %arg6[%get3A_966, %get3A_967] {strides = array<i32>} : memref<128x128xf32, #tpu.memory_space<vmem>>, vector<1x16xf32>,
        %get3A_969 = vector.shape_cast %get3A_968 : vector<1x16xf32> to vector<16xf32>
        %add3A_970 = arith.addf %while3A_940, %get3A_969 : vector<16xf32>
        %max3A_971 = arith.maximumf %while3A_948, %get3A_969 : vector<16xf32>
        %get3A_972 = arith.index_cast %while3A_937 : i32 to index
        %get3A_973 = arith.constant 48 : index
        %get3A_974 = tpu.vector_load %arg6[%get3A_972, %get3A_973] {strides = array<i32>} : memref<128x128xf32, #tpu.memory_space<vmem>>, vector<1x16xf32>,
        %get3A_975 = vector.shape_cast %get3A_974 : vector<1x16xf32> to vector<16xf32>
        %add3A_976 = arith.addf %while3A_941, %get3A_975 : vector<16xf32>
        %max3A_977 = arith.maximumf %while3A_949, %get3A_975 : vector<16xf32>
        %get3A_978 = arith.index_cast %while3A_937 : i32 to index
        %get3A_979 = arith.constant 64 : index
        %get3A_980 = tpu.vector_load %arg6[%get3A_978, %get3A_979] {strides = array<i32>} : memref<128x128xf32, #tpu.memory_space<vmem>>, vector<1x16xf32>,
        %get3A_981 = vector.shape_cast %get3A_980 : vector<1x16xf32> to vector<16xf32>
        %add3A_982 = arith.addf %while3A_942, %get3A_981 : vector<16xf32>
        %max3A_983 = arith.maximumf %while3A_950, %get3A_981 : vector<16xf32>
        %get3A_984 = arith.index_cast %while3A_937 : i32 to index
        %get3A_985 = arith.constant 80 : index
        %get3A_986 = tpu.vector_load %arg6[%get3A_984, %get3A_985] {strides = array<i32>} : memref<128x128xf32, #tpu.memory_space<vmem>>, vector<1x16xf32>,
        %get3A_987 = vector.shape_cast %get3A_986 : vector<1x16xf32> to vector<16xf32>
        %add3A_988 = arith.addf %while3A_943, %get3A_987 : vector<16xf32>
        %max3A_989 = arith.maximumf %while3A_951, %get3A_987 : vector<16xf32>
        %get3A_990 = arith.index_cast %while3A_937 : i32 to index
        %get3A_991 = arith.constant 96 : index
        %get3A_992 = tpu.vector_load %arg6[%get3A_990, %get3A_991] {strides = array<i32>} : memref<128x128xf32, #tpu.memory_space<vmem>>, vector<1x16xf32>,
        %get3A_993 = vector.shape_cast %get3A_992 : vector<1x16xf32> to vector<16xf32>
        %add3A_994 = arith.addf %while3A_944, %get3A_993 : vector<16xf32>
        %max3A_995 = arith.maximumf %while3A_952, %get3A_993 : vector<16xf32>
        %get3A_996 = arith.index_cast %while3A_937 : i32 to index
        %get3A_997 = arith.constant 112 : index
        %get3A_998 = tpu.vector_load %arg6[%get3A_996, %get3A_997] {strides = array<i32>} : memref<128x128xf32, #tpu.memory_space<vmem>>, vector<1x16xf32>,
        %get3A_999 = vector.shape_cast %get3A_998 : vector<1x16xf32> to vector<16xf32>
        %add3A_1000 = arith.addf %while3A_945, %get3A_999 : vector<16xf32>
        %max3A_1001 = arith.maximumf %while3A_953, %get3A_999 : vector<16xf32>
        scf.yield %add3A_958, %add3A_964, %add3A_970, %add3A_976, %add3A_982, %add3A_988, %add3A_994, %add3A_1000, %max3A_959, %max3A_965, %max3A_971, %max3A_977, %max3A_983, %max3A_989, %max3A_995, %max3A_1001 : vector<16xf32>, vector<16xf32>, vector<16xf32>, vector<16xf32>, vector<16xf32>, vector<16xf32>, vector<16xf32>, vector<16xf32>, vector<16xf32>, vector<16xf32>, vector<16xf32>, vector<16xf32>, vector<16xf32>, vector<16xf32>, vector<16xf32>, vector<16xf32>
      }
      scf.yield %while3A_936#0, %while3A_936#1, %while3A_936#2, %while3A_936#3, %while3A_936#4, %while3A_936#5, %while3A_936#6, %while3A_936#7, %while3A_936#8, %while3A_936#9, %while3A_936#10, %while3A_936#11, %while3A_936#12, %while3A_936#13, %while3A_936#14, %while3A_936#15 : vector<16xf32>, vector<16xf32>, vector<16xf32>, vector<16xf32>, vector<16xf32>, vector<16xf32>, vector<16xf32>, vector<16xf32>, vector<16xf32>, vector<16xf32>, vector<16xf32>, vector<16xf32>, vector<16xf32>, vector<16xf32>, vector<16xf32>, vector<16xf32>
    }
    %while3A_740 = arith.constant 1 : i32
    %while3A_741:16 = scf.for %while3A_902 = %while3A_737 to %while3A_733 step %while3A_740 iter_args(%while3A_903 = %while3A_739#0, %while3A_904 = %while3A_739#1, %while3A_905 = %while3A_739#2, %while3A_906 = %while3A_739#3, %while3A_907 = %while3A_739#4, %while3A_908 = %while3A_739#5, %while3A_909 = %while3A_739#6, %while3A_910 = %while3A_739#7, %while3A_911 = %while3A_739#8, %while3A_912 = %while3A_739#9, %while3A_913 = %while3A_739#10, %while3A_914 = %while3A_739#11, %while3A_915 = %while3A_739#12, %while3A_916 = %while3A_739#13, %while3A_917 = %while3A_739#14, %while3A_918 = %while3A_739#15) -> (vector<16xf32>, vector<16xf32>, vector<16xf32>, vector<16xf32>, vector<16xf32>, vector<16xf32>, vector<16xf32>, vector<16xf32>, vector<16xf32>, vector<16xf32>, vector<16xf32>, vector<16xf32>, vector<16xf32>, vector<16xf32>, vector<16xf32>, vector<16xf32>)  : i32 {
      %mul3A_919 = arith.constant 128 : i32
      %mul3A_920 = arith.muli %while3A_902, %mul3A_919 : i32
      %add3A_921 = arith.addi %mul3A_671, %mul3A_920 : i32
      "tpu.region"() ({
        %run_scoped3A = tpu.sem_alloc : memref<!tpu.dma_semaphore, #tpu.memory_space<semaphore_mem>>
        %dma_start3A = arith.constant 0 : i32
        %dma_start3A_937 = tpu.memref_slice %arg2[%add3A_921, %dma_start3A] : memref<10240x128xf32, #tpu.memory_space<hbm>> -> memref<128x128xf32, #tpu.memory_space<hbm>>
        %dma_start3A_938 = arith.constant 0 : i32
        %dma_start3A_939 = tpu.memref_slice %arg2[%add3A_921, %dma_start3A_938] : memref<10240x128xf32, #tpu.memory_space<hbm>> -> memref<128x128xf32, #tpu.memory_space<hbm>>
        tpu.enqueue_dma source(%dma_start3A_939 : memref<128x128xf32, #tpu.memory_space<hbm>>) target(%arg6 : memref<128x128xf32, #tpu.memory_space<vmem>>) target_semaphore(%run_scoped3A : memref<!tpu.dma_semaphore, #tpu.memory_space<semaphore_mem>>)
        %dma_wait3A = arith.constant 0 : i32
        %dma_wait3A_940 = tpu.memref_slice %arg2[%add3A_921, %dma_wait3A] : memref<10240x128xf32, #tpu.memory_space<hbm>> -> memref<128x128xf32, #tpu.memory_space<hbm>>
        %dma_wait3A_941 = arith.constant 0 : i32
        %dma_wait3A_942 = tpu.memref_slice %arg2[%add3A_921, %dma_wait3A_941] : memref<10240x128xf32, #tpu.memory_space<hbm>> -> memref<128x128xf32, #tpu.memory_space<hbm>>
        tpu.wait_dma2 semaphore(%run_scoped3A : memref<!tpu.dma_semaphore, #tpu.memory_space<semaphore_mem>>) src(%dma_wait3A_942 : memref<128x128xf32, #tpu.memory_space<hbm>>) dst(%arg6 : memref<128x128xf32, #tpu.memory_space<vmem>>)
        tpu.yield
      }) : () -> ()
      %sub3A_922 = arith.subi %add3A_261, %add3A_921 : i32
      %max3A_923 = arith.constant 0 : i32
      %max3A_924 = arith.maxsi %sub3A_922, %max3A_923 : i32
      %sub3A_925 = arith.subi %add3A_396, %add3A_921 : i32
      %min3A = arith.constant 128 : i32
      %min3A_926 = arith.minsi %min3A, %sub3A_925 : i32
      %while3A_927 = arith.subi %min3A_926, %max3A_924 : i32
      %while3A_928 = arith.addi %max3A_924, %while3A_927 : i32
      %while3A_929 = arith.constant 1 : i32
      %while3A_930 = arith.divsi %while3A_927, %while3A_929 : i32
      %while3A_931 = arith.muli %while3A_930, %while3A_929 : i32
      %while3A_932 = arith.addi %max3A_924, %while3A_931 : i32
      %while3A_933 = arith.constant 1 : i32
      %while3A_934:16 = scf.for %while3A_937 = %max3A_924 to %while3A_932 step %while3A_933 iter_args(%while3A_938 = %while3A_903, %while3A_939 = %while3A_904, %while3A_940 = %while3A_905, %while3A_941 = %while3A_906, %while3A_942 = %while3A_907, %while3A_943 = %while3A_908, %while3A_944 = %while3A_909, %while3A_945 = %while3A_910, %while3A_946 = %while3A_911, %while3A_947 = %while3A_912, %while3A_948 = %while3A_913, %while3A_949 = %while3A_914, %while3A_950 = %while3A_915, %while3A_951 = %while3A_916, %while3A_952 = %while3A_917, %while3A_953 = %while3A_918) -> (vector<16xf32>, vector<16xf32>, vector<16xf32>, vector<16xf32>, vector<16xf32>, vector<16xf32>, vector<16xf32>, vector<16xf32>, vector<16xf32>, vector<16xf32>, vector<16xf32>, vector<16xf32>, vector<16xf32>, vector<16xf32>, vector<16xf32>, vector<16xf32>)  : i32 {
        %get3A_954 = arith.index_cast %while3A_937 : i32 to index
        %get3A_955 = arith.constant 0 : index
        %get3A_956 = tpu.vector_load %arg6[%get3A_954, %get3A_955] {strides = array<i32>} : memref<128x128xf32, #tpu.memory_space<vmem>>, vector<1x16xf32>,
        %get3A_957 = vector.shape_cast %get3A_956 : vector<1x16xf32> to vector<16xf32>
        %add3A_958 = arith.addf %while3A_938, %get3A_957 : vector<16xf32>
        %max3A_959 = arith.maximumf %while3A_946, %get3A_957 : vector<16xf32>
        %get3A_960 = arith.index_cast %while3A_937 : i32 to index
        %get3A_961 = arith.constant 16 : index
        %get3A_962 = tpu.vector_load %arg6[%get3A_960, %get3A_961] {strides = array<i32>} : memref<128x128xf32, #tpu.memory_space<vmem>>, vector<1x16xf32>,
        %get3A_963 = vector.shape_cast %get3A_962 : vector<1x16xf32> to vector<16xf32>
        %add3A_964 = arith.addf %while3A_939, %get3A_963 : vector<16xf32>
        %max3A_965 = arith.maximumf %while3A_947, %get3A_963 : vector<16xf32>
        %get3A_966 = arith.index_cast %while3A_937 : i32 to index
        %get3A_967 = arith.constant 32 : index
        %get3A_968 = tpu.vector_load %arg6[%get3A_966, %get3A_967] {strides = array<i32>} : memref<128x128xf32, #tpu.memory_space<vmem>>, vector<1x16xf32>,
        %get3A_969 = vector.shape_cast %get3A_968 : vector<1x16xf32> to vector<16xf32>
        %add3A_970 = arith.addf %while3A_940, %get3A_969 : vector<16xf32>
        %max3A_971 = arith.maximumf %while3A_948, %get3A_969 : vector<16xf32>
        %get3A_972 = arith.index_cast %while3A_937 : i32 to index
        %get3A_973 = arith.constant 48 : index
        %get3A_974 = tpu.vector_load %arg6[%get3A_972, %get3A_973] {strides = array<i32>} : memref<128x128xf32, #tpu.memory_space<vmem>>, vector<1x16xf32>,
        %get3A_975 = vector.shape_cast %get3A_974 : vector<1x16xf32> to vector<16xf32>
        %add3A_976 = arith.addf %while3A_941, %get3A_975 : vector<16xf32>
        %max3A_977 = arith.maximumf %while3A_949, %get3A_975 : vector<16xf32>
        %get3A_978 = arith.index_cast %while3A_937 : i32 to index
        %get3A_979 = arith.constant 64 : index
        %get3A_980 = tpu.vector_load %arg6[%get3A_978, %get3A_979] {strides = array<i32>} : memref<128x128xf32, #tpu.memory_space<vmem>>, vector<1x16xf32>,
        %get3A_981 = vector.shape_cast %get3A_980 : vector<1x16xf32> to vector<16xf32>
        %add3A_982 = arith.addf %while3A_942, %get3A_981 : vector<16xf32>
        %max3A_983 = arith.maximumf %while3A_950, %get3A_981 : vector<16xf32>
        %get3A_984 = arith.index_cast %while3A_937 : i32 to index
        %get3A_985 = arith.constant 80 : index
        %get3A_986 = tpu.vector_load %arg6[%get3A_984, %get3A_985] {strides = array<i32>} : memref<128x128xf32, #tpu.memory_space<vmem>>, vector<1x16xf32>,
        %get3A_987 = vector.shape_cast %get3A_986 : vector<1x16xf32> to vector<16xf32>
        %add3A_988 = arith.addf %while3A_943, %get3A_987 : vector<16xf32>
        %max3A_989 = arith.maximumf %while3A_951, %get3A_987 : vector<16xf32>
        %get3A_990 = arith.index_cast %while3A_937 : i32 to index
        %get3A_991 = arith.constant 96 : index
        %get3A_992 = tpu.vector_load %arg6[%get3A_990, %get3A_991] {strides = array<i32>} : memref<128x128xf32, #tpu.memory_space<vmem>>, vector<1x16xf32>,
        %get3A_993 = vector.shape_cast %get3A_992 : vector<1x16xf32> to vector<16xf32>
        %add3A_994 = arith.addf %while3A_944, %get3A_993 : vector<16xf32>
        %max3A_995 = arith.maximumf %while3A_952, %get3A_993 : vector<16xf32>
        %get3A_996 = arith.index_cast %while3A_937 : i32 to index
        %get3A_997 = arith.constant 112 : index
        %get3A_998 = tpu.vector_load %arg6[%get3A_996, %get3A_997] {strides = array<i32>} : memref<128x128xf32, #tpu.memory_space<vmem>>, vector<1x16xf32>,
        %get3A_999 = vector.shape_cast %get3A_998 : vector<1x16xf32> to vector<16xf32>
        %add3A_1000 = arith.addf %while3A_945, %get3A_999 : vector<16xf32>
        %max3A_1001 = arith.maximumf %while3A_953, %get3A_999 : vector<16xf32>
        scf.yield %add3A_958, %add3A_964, %add3A_970, %add3A_976, %add3A_982, %add3A_988, %add3A_994, %add3A_1000, %max3A_959, %max3A_965, %max3A_971, %max3A_977, %max3A_983, %max3A_989, %max3A_995, %max3A_1001 : vector<16xf32>, vector<16xf32>, vector<16xf32>, vector<16xf32>, vector<16xf32>, vector<16xf32>, vector<16xf32>, vector<16xf32>, vector<16xf32>, vector<16xf32>, vector<16xf32>, vector<16xf32>, vector<16xf32>, vector<16xf32>, vector<16xf32>, vector<16xf32>
      }
      %while3A_935 = arith.constant 1 : i32
      %while3A_936:16 = scf.for %while3A_937 = %while3A_932 to %while3A_928 step %while3A_935 iter_args(%while3A_938 = %while3A_934#0, %while3A_939 = %while3A_934#1, %while3A_940 = %while3A_934#2, %while3A_941 = %while3A_934#3, %while3A_942 = %while3A_934#4, %while3A_943 = %while3A_934#5, %while3A_944 = %while3A_934#6, %while3A_945 = %while3A_934#7, %while3A_946 = %while3A_934#8, %while3A_947 = %while3A_934#9, %while3A_948 = %while3A_934#10, %while3A_949 = %while3A_934#11, %while3A_950 = %while3A_934#12, %while3A_951 = %while3A_934#13, %while3A_952 = %while3A_934#14, %while3A_953 = %while3A_934#15) -> (vector<16xf32>, vector<16xf32>, vector<16xf32>, vector<16xf32>, vector<16xf32>, vector<16xf32>, vector<16xf32>, vector<16xf32>, vector<16xf32>, vector<16xf32>, vector<16xf32>, vector<16xf32>, vector<16xf32>, vector<16xf32>, vector<16xf32>, vector<16xf32>)  : i32 {
        %get3A_954 = arith.index_cast %while3A_937 : i32 to index
        %get3A_955 = arith.constant 0 : index
        %get3A_956 = tpu.vector_load %arg6[%get3A_954, %get3A_955] {strides = array<i32>} : memref<128x128xf32, #tpu.memory_space<vmem>>, vector<1x16xf32>,
        %get3A_957 = vector.shape_cast %get3A_956 : vector<1x16xf32> to vector<16xf32>
        %add3A_958 = arith.addf %while3A_938, %get3A_957 : vector<16xf32>
        %max3A_959 = arith.maximumf %while3A_946, %get3A_957 : vector<16xf32>
        %get3A_960 = arith.index_cast %while3A_937 : i32 to index
        %get3A_961 = arith.constant 16 : index
        %get3A_962 = tpu.vector_load %arg6[%get3A_960, %get3A_961] {strides = array<i32>} : memref<128x128xf32, #tpu.memory_space<vmem>>, vector<1x16xf32>,
        %get3A_963 = vector.shape_cast %get3A_962 : vector<1x16xf32> to vector<16xf32>
        %add3A_964 = arith.addf %while3A_939, %get3A_963 : vector<16xf32>
        %max3A_965 = arith.maximumf %while3A_947, %get3A_963 : vector<16xf32>
        %get3A_966 = arith.index_cast %while3A_937 : i32 to index
        %get3A_967 = arith.constant 32 : index
        %get3A_968 = tpu.vector_load %arg6[%get3A_966, %get3A_967] {strides = array<i32>} : memref<128x128xf32, #tpu.memory_space<vmem>>, vector<1x16xf32>,
        %get3A_969 = vector.shape_cast %get3A_968 : vector<1x16xf32> to vector<16xf32>
        %add3A_970 = arith.addf %while3A_940, %get3A_969 : vector<16xf32>
        %max3A_971 = arith.maximumf %while3A_948, %get3A_969 : vector<16xf32>
        %get3A_972 = arith.index_cast %while3A_937 : i32 to index
        %get3A_973 = arith.constant 48 : index
        %get3A_974 = tpu.vector_load %arg6[%get3A_972, %get3A_973] {strides = array<i32>} : memref<128x128xf32, #tpu.memory_space<vmem>>, vector<1x16xf32>,
        %get3A_975 = vector.shape_cast %get3A_974 : vector<1x16xf32> to vector<16xf32>
        %add3A_976 = arith.addf %while3A_941, %get3A_975 : vector<16xf32>
        %max3A_977 = arith.maximumf %while3A_949, %get3A_975 : vector<16xf32>
        %get3A_978 = arith.index_cast %while3A_937 : i32 to index
        %get3A_979 = arith.constant 64 : index
        %get3A_980 = tpu.vector_load %arg6[%get3A_978, %get3A_979] {strides = array<i32>} : memref<128x128xf32, #tpu.memory_space<vmem>>, vector<1x16xf32>,
        %get3A_981 = vector.shape_cast %get3A_980 : vector<1x16xf32> to vector<16xf32>
        %add3A_982 = arith.addf %while3A_942, %get3A_981 : vector<16xf32>
        %max3A_983 = arith.maximumf %while3A_950, %get3A_981 : vector<16xf32>
        %get3A_984 = arith.index_cast %while3A_937 : i32 to index
        %get3A_985 = arith.constant 80 : index
        %get3A_986 = tpu.vector_load %arg6[%get3A_984, %get3A_985] {strides = array<i32>} : memref<128x128xf32, #tpu.memory_space<vmem>>, vector<1x16xf32>,
        %get3A_987 = vector.shape_cast %get3A_986 : vector<1x16xf32> to vector<16xf32>
        %add3A_988 = arith.addf %while3A_943, %get3A_987 : vector<16xf32>
        %max3A_989 = arith.maximumf %while3A_951, %get3A_987 : vector<16xf32>
        %get3A_990 = arith.index_cast %while3A_937 : i32 to index
        %get3A_991 = arith.constant 96 : index
        %get3A_992 = tpu.vector_load %arg6[%get3A_990, %get3A_991] {strides = array<i32>} : memref<128x128xf32, #tpu.memory_space<vmem>>, vector<1x16xf32>,
        %get3A_993 = vector.shape_cast %get3A_992 : vector<1x16xf32> to vector<16xf32>
        %add3A_994 = arith.addf %while3A_944, %get3A_993 : vector<16xf32>
        %max3A_995 = arith.maximumf %while3A_952, %get3A_993 : vector<16xf32>
        %get3A_996 = arith.index_cast %while3A_937 : i32 to index
        %get3A_997 = arith.constant 112 : index
        %get3A_998 = tpu.vector_load %arg6[%get3A_996, %get3A_997] {strides = array<i32>} : memref<128x128xf32, #tpu.memory_space<vmem>>, vector<1x16xf32>,
        %get3A_999 = vector.shape_cast %get3A_998 : vector<1x16xf32> to vector<16xf32>
        %add3A_1000 = arith.addf %while3A_945, %get3A_999 : vector<16xf32>
        %max3A_1001 = arith.maximumf %while3A_953, %get3A_999 : vector<16xf32>
        scf.yield %add3A_958, %add3A_964, %add3A_970, %add3A_976, %add3A_982, %add3A_988, %add3A_994, %add3A_1000, %max3A_959, %max3A_965, %max3A_971, %max3A_977, %max3A_983, %max3A_989, %max3A_995, %max3A_1001 : vector<16xf32>, vector<16xf32>, vector<16xf32>, vector<16xf32>, vector<16xf32>, vector<16xf32>, vector<16xf32>, vector<16xf32>, vector<16xf32>, vector<16xf32>, vector<16xf32>, vector<16xf32>, vector<16xf32>, vector<16xf32>, vector<16xf32>, vector<16xf32>
      }
      scf.yield %while3A_936#0, %while3A_936#1, %while3A_936#2, %while3A_936#3, %while3A_936#4, %while3A_936#5, %while3A_936#6, %while3A_936#7, %while3A_936#8, %while3A_936#9, %while3A_936#10, %while3A_936#11, %while3A_936#12, %while3A_936#13, %while3A_936#14, %while3A_936#15 : vector<16xf32>, vector<16xf32>, vector<16xf32>, vector<16xf32>, vector<16xf32>, vector<16xf32>, vector<16xf32>, vector<16xf32>, vector<16xf32>, vector<16xf32>, vector<16xf32>, vector<16xf32>, vector<16xf32>, vector<16xf32>, vector<16xf32>, vector<16xf32>
    }
    %broadcast_in_dim3A_742 = vector.broadcast %sub3A_645 : i32 to vector<16xi32>
    %convert_element_type3A_743 = arith.sitofp %broadcast_in_dim3A_742 : vector<16xi32> to vector<16xf32>
    %max3A_744 = arith.constant 1.000000e+00 : f32
    %max3A_745 = vector.broadcast %max3A_744 : f32 to vector<16xf32>
    %max3A_746 = arith.maximumf %convert_element_type3A_743, %max3A_745 : vector<16xf32>
    %div3A_747 = arith.constant 1.000000e+00 : f32
    %div3A_748 = vector.broadcast %div3A_747 : f32 to vector<16xf32>
    %div3A_749 = arith.divf %div3A_748, %max3A_746 : vector<16xf32>
    %mul3A_750 = arith.mulf %while3A_741#0, %div3A_749 : vector<16xf32>
    %swap3A_751 = arith.constant 1 : i32
    %swap3A_752 = arith.index_cast %swap3A_751 : i32 to index
    %swap3A_753 = arith.constant 0 : index
    %swap3A_754 = tpu.vector_load %arg7[%swap3A_752, %swap3A_753] {strides = array<i32>} : memref<2x384xf32, #tpu.memory_space<vmem>>, vector<1x16xf32>,
    %swap3A_755 = vector.shape_cast %swap3A_754 : vector<1x16xf32> to vector<16xf32>
    %swap3A_756 = vector.shape_cast %mul3A_750 : vector<16xf32> to vector<1x16xf32>
    tpu.vector_store %arg7[%swap3A_752, %swap3A_753], %swap3A_756 {strides = array<i32>} : memref<2x384xf32, #tpu.memory_space<vmem>>, vector<1x16xf32>,
    %swap3A_757 = arith.constant 1 : i32
    %swap3A_758 = arith.index_cast %swap3A_757 : i32 to index
    %swap3A_759 = arith.constant 128 : index
    %swap3A_760 = tpu.vector_load %arg7[%swap3A_758, %swap3A_759] {strides = array<i32>} : memref<2x384xf32, #tpu.memory_space<vmem>>, vector<1x16xf32>,
    %swap3A_761 = vector.shape_cast %swap3A_760 : vector<1x16xf32> to vector<16xf32>
    %swap3A_762 = vector.shape_cast %while3A_741#8 : vector<16xf32> to vector<1x16xf32>
    tpu.vector_store %arg7[%swap3A_758, %swap3A_759], %swap3A_762 {strides = array<i32>} : memref<2x384xf32, #tpu.memory_space<vmem>>, vector<1x16xf32>,
    %swap3A_763 = arith.constant 1 : i32
    %swap3A_764 = arith.index_cast %swap3A_763 : i32 to index
    %swap3A_765 = arith.constant 256 : index
    %swap3A_766 = tpu.vector_load %arg7[%swap3A_764, %swap3A_765] {strides = array<i32>} : memref<2x384xf32, #tpu.memory_space<vmem>>, vector<1x16xf32>,
    %swap3A_767 = vector.shape_cast %swap3A_766 : vector<1x16xf32> to vector<16xf32>
    %swap3A_768 = vector.shape_cast %while3A_741#0 : vector<16xf32> to vector<1x16xf32>
    tpu.vector_store %arg7[%swap3A_764, %swap3A_765], %swap3A_768 {strides = array<i32>} : memref<2x384xf32, #tpu.memory_space<vmem>>, vector<1x16xf32>,
    %mul3A_769 = arith.mulf %while3A_741#1, %div3A_749 : vector<16xf32>
    %swap3A_770 = arith.constant 1 : i32
    %swap3A_771 = arith.index_cast %swap3A_770 : i32 to index
    %swap3A_772 = arith.constant 16 : index
    %swap3A_773 = tpu.vector_load %arg7[%swap3A_771, %swap3A_772] {strides = array<i32>} : memref<2x384xf32, #tpu.memory_space<vmem>>, vector<1x16xf32>,
    %swap3A_774 = vector.shape_cast %swap3A_773 : vector<1x16xf32> to vector<16xf32>
    %swap3A_775 = vector.shape_cast %mul3A_769 : vector<16xf32> to vector<1x16xf32>
    tpu.vector_store %arg7[%swap3A_771, %swap3A_772], %swap3A_775 {strides = array<i32>} : memref<2x384xf32, #tpu.memory_space<vmem>>, vector<1x16xf32>,
    %swap3A_776 = arith.constant 1 : i32
    %swap3A_777 = arith.index_cast %swap3A_776 : i32 to index
    %swap3A_778 = arith.constant 144 : index
    %swap3A_779 = tpu.vector_load %arg7[%swap3A_777, %swap3A_778] {strides = array<i32>} : memref<2x384xf32, #tpu.memory_space<vmem>>, vector<1x16xf32>,
    %swap3A_780 = vector.shape_cast %swap3A_779 : vector<1x16xf32> to vector<16xf32>
    %swap3A_781 = vector.shape_cast %while3A_741#9 : vector<16xf32> to vector<1x16xf32>
    tpu.vector_store %arg7[%swap3A_777, %swap3A_778], %swap3A_781 {strides = array<i32>} : memref<2x384xf32, #tpu.memory_space<vmem>>, vector<1x16xf32>,
    %swap3A_782 = arith.constant 1 : i32
    %swap3A_783 = arith.index_cast %swap3A_782 : i32 to index
    %swap3A_784 = arith.constant 272 : index
    %swap3A_785 = tpu.vector_load %arg7[%swap3A_783, %swap3A_784] {strides = array<i32>} : memref<2x384xf32, #tpu.memory_space<vmem>>, vector<1x16xf32>,
    %swap3A_786 = vector.shape_cast %swap3A_785 : vector<1x16xf32> to vector<16xf32>
    %swap3A_787 = vector.shape_cast %while3A_741#1 : vector<16xf32> to vector<1x16xf32>
    tpu.vector_store %arg7[%swap3A_783, %swap3A_784], %swap3A_787 {strides = array<i32>} : memref<2x384xf32, #tpu.memory_space<vmem>>, vector<1x16xf32>,
    %mul3A_788 = arith.mulf %while3A_741#2, %div3A_749 : vector<16xf32>
    %swap3A_789 = arith.constant 1 : i32
    %swap3A_790 = arith.index_cast %swap3A_789 : i32 to index
    %swap3A_791 = arith.constant 32 : index
    %swap3A_792 = tpu.vector_load %arg7[%swap3A_790, %swap3A_791] {strides = array<i32>} : memref<2x384xf32, #tpu.memory_space<vmem>>, vector<1x16xf32>,
    %swap3A_793 = vector.shape_cast %swap3A_792 : vector<1x16xf32> to vector<16xf32>
    %swap3A_794 = vector.shape_cast %mul3A_788 : vector<16xf32> to vector<1x16xf32>
    tpu.vector_store %arg7[%swap3A_790, %swap3A_791], %swap3A_794 {strides = array<i32>} : memref<2x384xf32, #tpu.memory_space<vmem>>, vector<1x16xf32>,
    %swap3A_795 = arith.constant 1 : i32
    %swap3A_796 = arith.index_cast %swap3A_795 : i32 to index
    %swap3A_797 = arith.constant 160 : index
    %swap3A_798 = tpu.vector_load %arg7[%swap3A_796, %swap3A_797] {strides = array<i32>} : memref<2x384xf32, #tpu.memory_space<vmem>>, vector<1x16xf32>,
    %swap3A_799 = vector.shape_cast %swap3A_798 : vector<1x16xf32> to vector<16xf32>
    %swap3A_800 = vector.shape_cast %while3A_741#10 : vector<16xf32> to vector<1x16xf32>
    tpu.vector_store %arg7[%swap3A_796, %swap3A_797], %swap3A_800 {strides = array<i32>} : memref<2x384xf32, #tpu.memory_space<vmem>>, vector<1x16xf32>,
    %swap3A_801 = arith.constant 1 : i32
    %swap3A_802 = arith.index_cast %swap3A_801 : i32 to index
    %swap3A_803 = arith.constant 288 : index
    %swap3A_804 = tpu.vector_load %arg7[%swap3A_802, %swap3A_803] {strides = array<i32>} : memref<2x384xf32, #tpu.memory_space<vmem>>, vector<1x16xf32>,
    %swap3A_805 = vector.shape_cast %swap3A_804 : vector<1x16xf32> to vector<16xf32>
    %swap3A_806 = vector.shape_cast %while3A_741#2 : vector<16xf32> to vector<1x16xf32>
    tpu.vector_store %arg7[%swap3A_802, %swap3A_803], %swap3A_806 {strides = array<i32>} : memref<2x384xf32, #tpu.memory_space<vmem>>, vector<1x16xf32>,
    %mul3A_807 = arith.mulf %while3A_741#3, %div3A_749 : vector<16xf32>
    %swap3A_808 = arith.constant 1 : i32
    %swap3A_809 = arith.index_cast %swap3A_808 : i32 to index
    %swap3A_810 = arith.constant 48 : index
    %swap3A_811 = tpu.vector_load %arg7[%swap3A_809, %swap3A_810] {strides = array<i32>} : memref<2x384xf32, #tpu.memory_space<vmem>>, vector<1x16xf32>,
    %swap3A_812 = vector.shape_cast %swap3A_811 : vector<1x16xf32> to vector<16xf32>
    %swap3A_813 = vector.shape_cast %mul3A_807 : vector<16xf32> to vector<1x16xf32>
    tpu.vector_store %arg7[%swap3A_809, %swap3A_810], %swap3A_813 {strides = array<i32>} : memref<2x384xf32, #tpu.memory_space<vmem>>, vector<1x16xf32>,
    %swap3A_814 = arith.constant 1 : i32
    %swap3A_815 = arith.index_cast %swap3A_814 : i32 to index
    %swap3A_816 = arith.constant 176 : index
    %swap3A_817 = tpu.vector_load %arg7[%swap3A_815, %swap3A_816] {strides = array<i32>} : memref<2x384xf32, #tpu.memory_space<vmem>>, vector<1x16xf32>,
    %swap3A_818 = vector.shape_cast %swap3A_817 : vector<1x16xf32> to vector<16xf32>
    %swap3A_819 = vector.shape_cast %while3A_741#11 : vector<16xf32> to vector<1x16xf32>
    tpu.vector_store %arg7[%swap3A_815, %swap3A_816], %swap3A_819 {strides = array<i32>} : memref<2x384xf32, #tpu.memory_space<vmem>>, vector<1x16xf32>,
    %swap3A_820 = arith.constant 1 : i32
    %swap3A_821 = arith.index_cast %swap3A_820 : i32 to index
    %swap3A_822 = arith.constant 304 : index
    %swap3A_823 = tpu.vector_load %arg7[%swap3A_821, %swap3A_822] {strides = array<i32>} : memref<2x384xf32, #tpu.memory_space<vmem>>, vector<1x16xf32>,
    %swap3A_824 = vector.shape_cast %swap3A_823 : vector<1x16xf32> to vector<16xf32>
    %swap3A_825 = vector.shape_cast %while3A_741#3 : vector<16xf32> to vector<1x16xf32>
    tpu.vector_store %arg7[%swap3A_821, %swap3A_822], %swap3A_825 {strides = array<i32>} : memref<2x384xf32, #tpu.memory_space<vmem>>, vector<1x16xf32>,
    %mul3A_826 = arith.mulf %while3A_741#4, %div3A_749 : vector<16xf32>
    %swap3A_827 = arith.constant 1 : i32
    %swap3A_828 = arith.index_cast %swap3A_827 : i32 to index
    %swap3A_829 = arith.constant 64 : index
    %swap3A_830 = tpu.vector_load %arg7[%swap3A_828, %swap3A_829] {strides = array<i32>} : memref<2x384xf32, #tpu.memory_space<vmem>>, vector<1x16xf32>,
    %swap3A_831 = vector.shape_cast %swap3A_830 : vector<1x16xf32> to vector<16xf32>
    %swap3A_832 = vector.shape_cast %mul3A_826 : vector<16xf32> to vector<1x16xf32>
    tpu.vector_store %arg7[%swap3A_828, %swap3A_829], %swap3A_832 {strides = array<i32>} : memref<2x384xf32, #tpu.memory_space<vmem>>, vector<1x16xf32>,
    %swap3A_833 = arith.constant 1 : i32
    %swap3A_834 = arith.index_cast %swap3A_833 : i32 to index
    %swap3A_835 = arith.constant 192 : index
    %swap3A_836 = tpu.vector_load %arg7[%swap3A_834, %swap3A_835] {strides = array<i32>} : memref<2x384xf32, #tpu.memory_space<vmem>>, vector<1x16xf32>,
    %swap3A_837 = vector.shape_cast %swap3A_836 : vector<1x16xf32> to vector<16xf32>
    %swap3A_838 = vector.shape_cast %while3A_741#12 : vector<16xf32> to vector<1x16xf32>
    tpu.vector_store %arg7[%swap3A_834, %swap3A_835], %swap3A_838 {strides = array<i32>} : memref<2x384xf32, #tpu.memory_space<vmem>>, vector<1x16xf32>,
    %swap3A_839 = arith.constant 1 : i32
    %swap3A_840 = arith.index_cast %swap3A_839 : i32 to index
    %swap3A_841 = arith.constant 320 : index
    %swap3A_842 = tpu.vector_load %arg7[%swap3A_840, %swap3A_841] {strides = array<i32>} : memref<2x384xf32, #tpu.memory_space<vmem>>, vector<1x16xf32>,
    %swap3A_843 = vector.shape_cast %swap3A_842 : vector<1x16xf32> to vector<16xf32>
    %swap3A_844 = vector.shape_cast %while3A_741#4 : vector<16xf32> to vector<1x16xf32>
    tpu.vector_store %arg7[%swap3A_840, %swap3A_841], %swap3A_844 {strides = array<i32>} : memref<2x384xf32, #tpu.memory_space<vmem>>, vector<1x16xf32>,
    %mul3A_845 = arith.mulf %while3A_741#5, %div3A_749 : vector<16xf32>
    %swap3A_846 = arith.constant 1 : i32
    %swap3A_847 = arith.index_cast %swap3A_846 : i32 to index
    %swap3A_848 = arith.constant 80 : index
    %swap3A_849 = tpu.vector_load %arg7[%swap3A_847, %swap3A_848] {strides = array<i32>} : memref<2x384xf32, #tpu.memory_space<vmem>>, vector<1x16xf32>,
    %swap3A_850 = vector.shape_cast %swap3A_849 : vector<1x16xf32> to vector<16xf32>
    %swap3A_851 = vector.shape_cast %mul3A_845 : vector<16xf32> to vector<1x16xf32>
    tpu.vector_store %arg7[%swap3A_847, %swap3A_848], %swap3A_851 {strides = array<i32>} : memref<2x384xf32, #tpu.memory_space<vmem>>, vector<1x16xf32>,
    %swap3A_852 = arith.constant 1 : i32
    %swap3A_853 = arith.index_cast %swap3A_852 : i32 to index
    %swap3A_854 = arith.constant 208 : index
    %swap3A_855 = tpu.vector_load %arg7[%swap3A_853, %swap3A_854] {strides = array<i32>} : memref<2x384xf32, #tpu.memory_space<vmem>>, vector<1x16xf32>,
    %swap3A_856 = vector.shape_cast %swap3A_855 : vector<1x16xf32> to vector<16xf32>
    %swap3A_857 = vector.shape_cast %while3A_741#13 : vector<16xf32> to vector<1x16xf32>
    tpu.vector_store %arg7[%swap3A_853, %swap3A_854], %swap3A_857 {strides = array<i32>} : memref<2x384xf32, #tpu.memory_space<vmem>>, vector<1x16xf32>,
    %swap3A_858 = arith.constant 1 : i32
    %swap3A_859 = arith.index_cast %swap3A_858 : i32 to index
    %swap3A_860 = arith.constant 336 : index
    %swap3A_861 = tpu.vector_load %arg7[%swap3A_859, %swap3A_860] {strides = array<i32>} : memref<2x384xf32, #tpu.memory_space<vmem>>, vector<1x16xf32>,
    %swap3A_862 = vector.shape_cast %swap3A_861 : vector<1x16xf32> to vector<16xf32>
    %swap3A_863 = vector.shape_cast %while3A_741#5 : vector<16xf32> to vector<1x16xf32>
    tpu.vector_store %arg7[%swap3A_859, %swap3A_860], %swap3A_863 {strides = array<i32>} : memref<2x384xf32, #tpu.memory_space<vmem>>, vector<1x16xf32>,
    %mul3A_864 = arith.mulf %while3A_741#6, %div3A_749 : vector<16xf32>
    %swap3A_865 = arith.constant 1 : i32
    %swap3A_866 = arith.index_cast %swap3A_865 : i32 to index
    %swap3A_867 = arith.constant 96 : index
    %swap3A_868 = tpu.vector_load %arg7[%swap3A_866, %swap3A_867] {strides = array<i32>} : memref<2x384xf32, #tpu.memory_space<vmem>>, vector<1x16xf32>,
    %swap3A_869 = vector.shape_cast %swap3A_868 : vector<1x16xf32> to vector<16xf32>
    %swap3A_870 = vector.shape_cast %mul3A_864 : vector<16xf32> to vector<1x16xf32>
    tpu.vector_store %arg7[%swap3A_866, %swap3A_867], %swap3A_870 {strides = array<i32>} : memref<2x384xf32, #tpu.memory_space<vmem>>, vector<1x16xf32>,
    %swap3A_871 = arith.constant 1 : i32
    %swap3A_872 = arith.index_cast %swap3A_871 : i32 to index
    %swap3A_873 = arith.constant 224 : index
    %swap3A_874 = tpu.vector_load %arg7[%swap3A_872, %swap3A_873] {strides = array<i32>} : memref<2x384xf32, #tpu.memory_space<vmem>>, vector<1x16xf32>,
    %swap3A_875 = vector.shape_cast %swap3A_874 : vector<1x16xf32> to vector<16xf32>
    %swap3A_876 = vector.shape_cast %while3A_741#14 : vector<16xf32> to vector<1x16xf32>
    tpu.vector_store %arg7[%swap3A_872, %swap3A_873], %swap3A_876 {strides = array<i32>} : memref<2x384xf32, #tpu.memory_space<vmem>>, vector<1x16xf32>,
    %swap3A_877 = arith.constant 1 : i32
    %swap3A_878 = arith.index_cast %swap3A_877 : i32 to index
    %swap3A_879 = arith.constant 352 : index
    %swap3A_880 = tpu.vector_load %arg7[%swap3A_878, %swap3A_879] {strides = array<i32>} : memref<2x384xf32, #tpu.memory_space<vmem>>, vector<1x16xf32>,
    %swap3A_881 = vector.shape_cast %swap3A_880 : vector<1x16xf32> to vector<16xf32>
    %swap3A_882 = vector.shape_cast %while3A_741#6 : vector<16xf32> to vector<1x16xf32>
    tpu.vector_store %arg7[%swap3A_878, %swap3A_879], %swap3A_882 {strides = array<i32>} : memref<2x384xf32, #tpu.memory_space<vmem>>, vector<1x16xf32>,
    %mul3A_883 = arith.mulf %while3A_741#7, %div3A_749 : vector<16xf32>
    %swap3A_884 = arith.constant 1 : i32
    %swap3A_885 = arith.index_cast %swap3A_884 : i32 to index
    %swap3A_886 = arith.constant 112 : index
    %swap3A_887 = tpu.vector_load %arg7[%swap3A_885, %swap3A_886] {strides = array<i32>} : memref<2x384xf32, #tpu.memory_space<vmem>>, vector<1x16xf32>,
    %swap3A_888 = vector.shape_cast %swap3A_887 : vector<1x16xf32> to vector<16xf32>
    %swap3A_889 = vector.shape_cast %mul3A_883 : vector<16xf32> to vector<1x16xf32>
    tpu.vector_store %arg7[%swap3A_885, %swap3A_886], %swap3A_889 {strides = array<i32>} : memref<2x384xf32, #tpu.memory_space<vmem>>, vector<1x16xf32>,
    %swap3A_890 = arith.constant 1 : i32
    %swap3A_891 = arith.index_cast %swap3A_890 : i32 to index
    %swap3A_892 = arith.constant 240 : index
    %swap3A_893 = tpu.vector_load %arg7[%swap3A_891, %swap3A_892] {strides = array<i32>} : memref<2x384xf32, #tpu.memory_space<vmem>>, vector<1x16xf32>,
    %swap3A_894 = vector.shape_cast %swap3A_893 : vector<1x16xf32> to vector<16xf32>
    %swap3A_895 = vector.shape_cast %while3A_741#15 : vector<16xf32> to vector<1x16xf32>
    tpu.vector_store %arg7[%swap3A_891, %swap3A_892], %swap3A_895 {strides = array<i32>} : memref<2x384xf32, #tpu.memory_space<vmem>>, vector<1x16xf32>,
    %swap3A_896 = arith.constant 1 : i32
    %swap3A_897 = arith.index_cast %swap3A_896 : i32 to index
    %swap3A_898 = arith.constant 368 : index
    %swap3A_899 = tpu.vector_load %arg7[%swap3A_897, %swap3A_898] {strides = array<i32>} : memref<2x384xf32, #tpu.memory_space<vmem>>, vector<1x16xf32>,
    %swap3A_900 = vector.shape_cast %swap3A_899 : vector<1x16xf32> to vector<16xf32>
    %swap3A_901 = vector.shape_cast %while3A_741#7 : vector<16xf32> to vector<1x16xf32>
    tpu.vector_store %arg7[%swap3A_897, %swap3A_898], %swap3A_901 {strides = array<i32>} : memref<2x384xf32, #tpu.memory_space<vmem>>, vector<1x16xf32>,
    "tpu.region"() ({
      %run_scoped3A = tpu.sem_alloc : memref<!tpu.dma_semaphore, #tpu.memory_space<semaphore_mem>>
      %dma_start3A = arith.constant 0 : i32
      %dma_start3A_902 = tpu.memref_slice %arg4[%mul3A_2, %dma_start3A] : memref<64x384xf32, #tpu.memory_space<hbm>> -> memref<2x384xf32, #tpu.memory_space<hbm>>
      %dma_start3A_903 = arith.constant 0 : i32
      %dma_start3A_904 = tpu.memref_slice %arg4[%mul3A_2, %dma_start3A_903] : memref<64x384xf32, #tpu.memory_space<hbm>> -> memref<2x384xf32, #tpu.memory_space<hbm>>
      tpu.enqueue_dma source(%arg7 : memref<2x384xf32, #tpu.memory_space<vmem>>) target(%dma_start3A_904 : memref<2x384xf32, #tpu.memory_space<hbm>>) target_semaphore(%run_scoped3A : memref<!tpu.dma_semaphore, #tpu.memory_space<semaphore_mem>>)
      %dma_wait3A = arith.constant 0 : i32
      %dma_wait3A_905 = tpu.memref_slice %arg4[%mul3A_2, %dma_wait3A] : memref<64x384xf32, #tpu.memory_space<hbm>> -> memref<2x384xf32, #tpu.memory_space<hbm>>
      %dma_wait3A_906 = arith.constant 0 : i32
      %dma_wait3A_907 = tpu.memref_slice %arg4[%mul3A_2, %dma_wait3A_906] : memref<64x384xf32, #tpu.memory_space<hbm>> -> memref<2x384xf32, #tpu.memory_space<hbm>>
      tpu.wait_dma2 semaphore(%run_scoped3A : memref<!tpu.dma_semaphore, #tpu.memory_space<semaphore_mem>>) src(%arg7 : memref<2x384xf32, #tpu.memory_space<vmem>>) dst(%dma_wait3A_907 : memref<2x384xf32, #tpu.memory_space<hbm>>)
      tpu.yield
    }) : () -> ()
    return
  }
}

#map = affine_map<(d0, d1) -> (0, 0)>
module attributes {stable_mosaic.version = 14 : i64} {
  func.func @k(%arg0: i32, %arg1: i32, %arg2: memref<10240x128xf32, #tpu.memory_space<hbm>>, %arg3: memref<2560x128xi32, #tpu.memory_space<hbm>>, %arg4: memref<2560x128xi32, #tpu.memory_space<hbm>>, %arg5: memref<10240x128xf32, #tpu.memory_space<hbm>>, %arg6: memref<10240x128xf32, #tpu.memory_space<hbm>>, %arg7: memref<10240x128xf32, #tpu.memory_space<vmem_shared>>, %arg8: memref<40x128xi32, #tpu.memory_space<vmem>>, %arg9: memref<40x128xi32, #tpu.memory_space<vmem>>, %arg10: memref<2x128x128xf32, #tpu.memory_space<vmem>>, %arg11: memref<!tpu.dma_semaphore, #tpu.memory_space<semaphore_mem>>, %arg12: memref<!tpu.dma_semaphore, #tpu.memory_space<semaphore_mem>>) attributes {dimension_semantics = [#tpu.dimension_semantics<core_parallel>, #tpu.dimension_semantics<subcore_parallel>], iteration_bounds = array<i64: 2, 16>, scalar_prefetch = 0 : i64, scratch_operands = 6 : i64, tpu.core_type = #tpu.core_type<sc_vector_subcore>, window_params = [{transform_indices = #map}, {transform_indices = #map}, {transform_indices = #map}, {transform_indices = #map}, {transform_indices = #map}]} {
    %mul3A = arith.constant 16 : i32
    %mul3A_0 = arith.muli %arg0, %mul3A : i32
    %add3A = arith.addi %mul3A_0, %arg1 : i32
    %mul3A_1 = arith.constant 640 : i32
    %mul3A_2 = arith.muli %arg1, %mul3A_1 : i32
    %broadcast_in_dim3A = arith.constant 0.000000e+00 : f32
    %broadcast_in_dim3A_3 = vector.broadcast %broadcast_in_dim3A : f32 to vector<16xf32>
    %scan3A = arith.constant 0 : i32
    %scan3A_4 = arith.constant 0 : i32
    %scan3A_5 = arith.constant 128 : i32
    %scan3A_6 = arith.addi %scan3A_4, %scan3A_5 : i32
    %scan3A_7 = arith.constant 1 : i32
    scf.for %scan3A_31 = %scan3A_4 to %scan3A_6 step %scan3A_7  : i32 {
      %swap3A = arith.constant 0 : i32
      %swap3A_32 = arith.index_cast %swap3A : i32 to index
      %swap3A_33 = arith.index_cast %scan3A_31 : i32 to index
      %swap3A_34 = arith.constant 0 : index
      %swap3A_35 = tpu.vector_load %arg10[%swap3A_32, %swap3A_33, %swap3A_34] {strides = array<i32>} : memref<2x128x128xf32, #tpu.memory_space<vmem>>, vector<1x1x16xf32>,
      %swap3A_36 = vector.shape_cast %swap3A_35 : vector<1x1x16xf32> to vector<16xf32>
      %swap3A_37 = vector.shape_cast %broadcast_in_dim3A_3 : vector<16xf32> to vector<1x1x16xf32>
      tpu.vector_store %arg10[%swap3A_32, %swap3A_33, %swap3A_34], %swap3A_37 {strides = array<i32>} : memref<2x128x128xf32, #tpu.memory_space<vmem>>, vector<1x1x16xf32>,
      %swap3A_38 = arith.constant 0 : i32
      %swap3A_39 = arith.index_cast %swap3A_38 : i32 to index
      %swap3A_40 = arith.index_cast %scan3A_31 : i32 to index
      %swap3A_41 = arith.constant 16 : index
      %swap3A_42 = tpu.vector_load %arg10[%swap3A_39, %swap3A_40, %swap3A_41] {strides = array<i32>} : memref<2x128x128xf32, #tpu.memory_space<vmem>>, vector<1x1x16xf32>,
      %swap3A_43 = vector.shape_cast %swap3A_42 : vector<1x1x16xf32> to vector<16xf32>
      %swap3A_44 = vector.shape_cast %broadcast_in_dim3A_3 : vector<16xf32> to vector<1x1x16xf32>
      tpu.vector_store %arg10[%swap3A_39, %swap3A_40, %swap3A_41], %swap3A_44 {strides = array<i32>} : memref<2x128x128xf32, #tpu.memory_space<vmem>>, vector<1x1x16xf32>,
      %swap3A_45 = arith.constant 0 : i32
      %swap3A_46 = arith.index_cast %swap3A_45 : i32 to index
      %swap3A_47 = arith.index_cast %scan3A_31 : i32 to index
      %swap3A_48 = arith.constant 32 : index
      %swap3A_49 = tpu.vector_load %arg10[%swap3A_46, %swap3A_47, %swap3A_48] {strides = array<i32>} : memref<2x128x128xf32, #tpu.memory_space<vmem>>, vector<1x1x16xf32>,
      %swap3A_50 = vector.shape_cast %swap3A_49 : vector<1x1x16xf32> to vector<16xf32>
      %swap3A_51 = vector.shape_cast %broadcast_in_dim3A_3 : vector<16xf32> to vector<1x1x16xf32>
      tpu.vector_store %arg10[%swap3A_46, %swap3A_47, %swap3A_48], %swap3A_51 {strides = array<i32>} : memref<2x128x128xf32, #tpu.memory_space<vmem>>, vector<1x1x16xf32>,
      %swap3A_52 = arith.constant 0 : i32
      %swap3A_53 = arith.index_cast %swap3A_52 : i32 to index
      %swap3A_54 = arith.index_cast %scan3A_31 : i32 to index
      %swap3A_55 = arith.constant 48 : index
      %swap3A_56 = tpu.vector_load %arg10[%swap3A_53, %swap3A_54, %swap3A_55] {strides = array<i32>} : memref<2x128x128xf32, #tpu.memory_space<vmem>>, vector<1x1x16xf32>,
      %swap3A_57 = vector.shape_cast %swap3A_56 : vector<1x1x16xf32> to vector<16xf32>
      %swap3A_58 = vector.shape_cast %broadcast_in_dim3A_3 : vector<16xf32> to vector<1x1x16xf32>
      tpu.vector_store %arg10[%swap3A_53, %swap3A_54, %swap3A_55], %swap3A_58 {strides = array<i32>} : memref<2x128x128xf32, #tpu.memory_space<vmem>>, vector<1x1x16xf32>,
      %swap3A_59 = arith.constant 0 : i32
      %swap3A_60 = arith.index_cast %swap3A_59 : i32 to index
      %swap3A_61 = arith.index_cast %scan3A_31 : i32 to index
      %swap3A_62 = arith.constant 64 : index
      %swap3A_63 = tpu.vector_load %arg10[%swap3A_60, %swap3A_61, %swap3A_62] {strides = array<i32>} : memref<2x128x128xf32, #tpu.memory_space<vmem>>, vector<1x1x16xf32>,
      %swap3A_64 = vector.shape_cast %swap3A_63 : vector<1x1x16xf32> to vector<16xf32>
      %swap3A_65 = vector.shape_cast %broadcast_in_dim3A_3 : vector<16xf32> to vector<1x1x16xf32>
      tpu.vector_store %arg10[%swap3A_60, %swap3A_61, %swap3A_62], %swap3A_65 {strides = array<i32>} : memref<2x128x128xf32, #tpu.memory_space<vmem>>, vector<1x1x16xf32>,
      %swap3A_66 = arith.constant 0 : i32
      %swap3A_67 = arith.index_cast %swap3A_66 : i32 to index
      %swap3A_68 = arith.index_cast %scan3A_31 : i32 to index
      %swap3A_69 = arith.constant 80 : index
      %swap3A_70 = tpu.vector_load %arg10[%swap3A_67, %swap3A_68, %swap3A_69] {strides = array<i32>} : memref<2x128x128xf32, #tpu.memory_space<vmem>>, vector<1x1x16xf32>,
      %swap3A_71 = vector.shape_cast %swap3A_70 : vector<1x1x16xf32> to vector<16xf32>
      %swap3A_72 = vector.shape_cast %broadcast_in_dim3A_3 : vector<16xf32> to vector<1x1x16xf32>
      tpu.vector_store %arg10[%swap3A_67, %swap3A_68, %swap3A_69], %swap3A_72 {strides = array<i32>} : memref<2x128x128xf32, #tpu.memory_space<vmem>>, vector<1x1x16xf32>,
      %swap3A_73 = arith.constant 0 : i32
      %swap3A_74 = arith.index_cast %swap3A_73 : i32 to index
      %swap3A_75 = arith.index_cast %scan3A_31 : i32 to index
      %swap3A_76 = arith.constant 96 : index
      %swap3A_77 = tpu.vector_load %arg10[%swap3A_74, %swap3A_75, %swap3A_76] {strides = array<i32>} : memref<2x128x128xf32, #tpu.memory_space<vmem>>, vector<1x1x16xf32>,
      %swap3A_78 = vector.shape_cast %swap3A_77 : vector<1x1x16xf32> to vector<16xf32>
      %swap3A_79 = vector.shape_cast %broadcast_in_dim3A_3 : vector<16xf32> to vector<1x1x16xf32>
      tpu.vector_store %arg10[%swap3A_74, %swap3A_75, %swap3A_76], %swap3A_79 {strides = array<i32>} : memref<2x128x128xf32, #tpu.memory_space<vmem>>, vector<1x1x16xf32>,
      %swap3A_80 = arith.constant 0 : i32
      %swap3A_81 = arith.index_cast %swap3A_80 : i32 to index
      %swap3A_82 = arith.index_cast %scan3A_31 : i32 to index
      %swap3A_83 = arith.constant 112 : index
      %swap3A_84 = tpu.vector_load %arg10[%swap3A_81, %swap3A_82, %swap3A_83] {strides = array<i32>} : memref<2x128x128xf32, #tpu.memory_space<vmem>>, vector<1x1x16xf32>,
      %swap3A_85 = vector.shape_cast %swap3A_84 : vector<1x1x16xf32> to vector<16xf32>
      %swap3A_86 = vector.shape_cast %broadcast_in_dim3A_3 : vector<16xf32> to vector<1x1x16xf32>
      tpu.vector_store %arg10[%swap3A_81, %swap3A_82, %swap3A_83], %swap3A_86 {strides = array<i32>} : memref<2x128x128xf32, #tpu.memory_space<vmem>>, vector<1x1x16xf32>,
    }
    %scan3A_8 = arith.constant 128 : i32
    %scan3A_9 = arith.constant 0 : i32
    %scan3A_10 = arith.constant 0 : i32
    %scan3A_11 = arith.constant 5 : i32
    %scan3A_12 = arith.addi %scan3A_10, %scan3A_11 : i32
    %scan3A_13 = arith.constant 1 : i32
    scf.for %scan3A_31 = %scan3A_10 to %scan3A_12 step %scan3A_13  : i32 {
      %mul3A_32 = arith.constant 128 : i32
      %mul3A_33 = arith.muli %scan3A_31, %mul3A_32 : i32
      %add3A_34 = arith.addi %mul3A_2, %mul3A_33 : i32
      %run_scoped3A = arith.constant 0 : i32
      "tpu.region"() ({
        %run_scoped3A_35 = tpu.sem_alloc : memref<!tpu.dma_semaphore, #tpu.memory_space<semaphore_mem>>
        %dma_start3A = arith.constant 0 : i32
        %dma_start3A_36 = arith.constant 0 : i32
        %dma_start3A_37 = tpu.memref_slice %arg10[%run_scoped3A, %dma_start3A, %dma_start3A_36] : memref<2x128x128xf32, #tpu.memory_space<vmem>> -> memref<1x128x128xf32, #tpu.memory_space<vmem>>
        %dma_start3A_38 = tpu.memref_squeeze %dma_start3A_37 : memref<1x128x128xf32, #tpu.memory_space<vmem>> -> memref<128x128xf32, #tpu.memory_space<vmem>>
        %dma_start3A_39 = arith.constant 0 : i32
        %dma_start3A_40 = tpu.memref_slice %arg7[%add3A_34, %dma_start3A_39] : memref<10240x128xf32, #tpu.memory_space<vmem_shared>> -> memref<128x128xf32, #tpu.memory_space<vmem_shared>>
        %dma_start3A_41 = arith.constant 0 : i32
        %dma_start3A_42 = tpu.memref_slice %arg7[%add3A_34, %dma_start3A_41] : memref<10240x128xf32, #tpu.memory_space<vmem_shared>> -> memref<128x128xf32, #tpu.memory_space<vmem_shared>>
        %dma_start3A_43 = arith.constant 0 : i32
        %dma_start3A_44 = arith.constant 0 : i32
        %dma_start3A_45 = tpu.memref_slice %arg10[%run_scoped3A, %dma_start3A_43, %dma_start3A_44] : memref<2x128x128xf32, #tpu.memory_space<vmem>> -> memref<1x128x128xf32, #tpu.memory_space<vmem>>
        %dma_start3A_46 = tpu.memref_squeeze %dma_start3A_45 : memref<1x128x128xf32, #tpu.memory_space<vmem>> -> memref<128x128xf32, #tpu.memory_space<vmem>>
        tpu.enqueue_dma source(%dma_start3A_46 : memref<128x128xf32, #tpu.memory_space<vmem>>) target(%dma_start3A_42 : memref<128x128xf32, #tpu.memory_space<vmem_shared>>) target_semaphore(%run_scoped3A_35 : memref<!tpu.dma_semaphore, #tpu.memory_space<semaphore_mem>>)
        %dma_wait3A = arith.constant 0 : i32
        %dma_wait3A_47 = arith.constant 0 : i32
        %dma_wait3A_48 = tpu.memref_slice %arg10[%run_scoped3A, %dma_wait3A, %dma_wait3A_47] : memref<2x128x128xf32, #tpu.memory_space<vmem>> -> memref<1x128x128xf32, #tpu.memory_space<vmem>>
        %dma_wait3A_49 = tpu.memref_squeeze %dma_wait3A_48 : memref<1x128x128xf32, #tpu.memory_space<vmem>> -> memref<128x128xf32, #tpu.memory_space<vmem>>
        %dma_wait3A_50 = arith.constant 0 : i32
        %dma_wait3A_51 = tpu.memref_slice %arg7[%add3A_34, %dma_wait3A_50] : memref<10240x128xf32, #tpu.memory_space<vmem_shared>> -> memref<128x128xf32, #tpu.memory_space<vmem_shared>>
        %dma_wait3A_52 = arith.constant 0 : i32
        %dma_wait3A_53 = tpu.memref_slice %arg7[%add3A_34, %dma_wait3A_52] : memref<10240x128xf32, #tpu.memory_space<vmem_shared>> -> memref<128x128xf32, #tpu.memory_space<vmem_shared>>
        %dma_wait3A_54 = arith.constant 0 : i32
        %dma_wait3A_55 = arith.constant 0 : i32
        %dma_wait3A_56 = tpu.memref_slice %arg10[%run_scoped3A, %dma_wait3A_54, %dma_wait3A_55] : memref<2x128x128xf32, #tpu.memory_space<vmem>> -> memref<1x128x128xf32, #tpu.memory_space<vmem>>
        %dma_wait3A_57 = tpu.memref_squeeze %dma_wait3A_56 : memref<1x128x128xf32, #tpu.memory_space<vmem>> -> memref<128x128xf32, #tpu.memory_space<vmem>>
        tpu.wait_dma2 semaphore(%run_scoped3A_35 : memref<!tpu.dma_semaphore, #tpu.memory_space<semaphore_mem>>) src(%dma_wait3A_57 : memref<128x128xf32, #tpu.memory_space<vmem>>) dst(%dma_wait3A_53 : memref<128x128xf32, #tpu.memory_space<vmem_shared>>)
        tpu.yield
      }) : () -> ()
    }
    %scan3A_14 = arith.constant 5 : i32
    %barrier3A = arith.constant 0 : index
    tpu.barrier barrier_id(%barrier3A)
    %mul3A_15 = arith.constant 80 : i32
    %mul3A_16 = arith.muli %add3A, %mul3A_15 : i32
    %scan3A_17 = arith.constant 0 : i32
    %scan3A_18 = arith.constant 0 : i32
    %scan3A_19 = arith.constant 2 : i32
    %scan3A_20 = arith.addi %scan3A_18, %scan3A_19 : i32
    %scan3A_21 = arith.constant 1 : i32
    scf.for %scan3A_31 = %scan3A_18 to %scan3A_20 step %scan3A_21  : i32 {
      %mul3A_32 = arith.constant 40 : i32
      %mul3A_33 = arith.muli %scan3A_31, %mul3A_32 : i32
      %add3A_34 = arith.addi %mul3A_16, %mul3A_33 : i32
      "tpu.region"() ({
        %run_scoped3A = tpu.sem_alloc : memref<!tpu.dma_semaphore, #tpu.memory_space<semaphore_mem>>
        %dma_start3A_55 = arith.constant 0 : i32
        %dma_start3A_56 = tpu.memref_slice %arg3[%add3A_34, %dma_start3A_55] : memref<2560x128xi32, #tpu.memory_space<hbm>> -> memref<40x128xi32, #tpu.memory_space<hbm>>
        %dma_start3A_57 = arith.constant 0 : i32
        %dma_start3A_58 = tpu.memref_slice %arg3[%add3A_34, %dma_start3A_57] : memref<2560x128xi32, #tpu.memory_space<hbm>> -> memref<40x128xi32, #tpu.memory_space<hbm>>
        tpu.enqueue_dma source(%dma_start3A_58 : memref<40x128xi32, #tpu.memory_space<hbm>>) target(%arg8 : memref<40x128xi32, #tpu.memory_space<vmem>>) target_semaphore(%run_scoped3A : memref<!tpu.dma_semaphore, #tpu.memory_space<semaphore_mem>>)
        %dma_wait3A = arith.constant 0 : i32
        %dma_wait3A_59 = tpu.memref_slice %arg3[%add3A_34, %dma_wait3A] : memref<2560x128xi32, #tpu.memory_space<hbm>> -> memref<40x128xi32, #tpu.memory_space<hbm>>
        %dma_wait3A_60 = arith.constant 0 : i32
        %dma_wait3A_61 = tpu.memref_slice %arg3[%add3A_34, %dma_wait3A_60] : memref<2560x128xi32, #tpu.memory_space<hbm>> -> memref<40x128xi32, #tpu.memory_space<hbm>>
        tpu.wait_dma2 semaphore(%run_scoped3A : memref<!tpu.dma_semaphore, #tpu.memory_space<semaphore_mem>>) src(%dma_wait3A_61 : memref<40x128xi32, #tpu.memory_space<hbm>>) dst(%arg8 : memref<40x128xi32, #tpu.memory_space<vmem>>)
        tpu.yield
      }) : () -> ()
      %mul3A_35 = arith.constant 40 : i32
      %mul3A_36 = arith.muli %scan3A_31, %mul3A_35 : i32
      %add3A_37 = arith.addi %mul3A_16, %mul3A_36 : i32
      "tpu.region"() ({
        %run_scoped3A = tpu.sem_alloc : memref<!tpu.dma_semaphore, #tpu.memory_space<semaphore_mem>>
        %dma_start3A_55 = arith.constant 0 : i32
        %dma_start3A_56 = tpu.memref_slice %arg4[%add3A_37, %dma_start3A_55] : memref<2560x128xi32, #tpu.memory_space<hbm>> -> memref<40x128xi32, #tpu.memory_space<hbm>>
        %dma_start3A_57 = arith.constant 0 : i32
        %dma_start3A_58 = tpu.memref_slice %arg4[%add3A_37, %dma_start3A_57] : memref<2560x128xi32, #tpu.memory_space<hbm>> -> memref<40x128xi32, #tpu.memory_space<hbm>>
        tpu.enqueue_dma source(%dma_start3A_58 : memref<40x128xi32, #tpu.memory_space<hbm>>) target(%arg9 : memref<40x128xi32, #tpu.memory_space<vmem>>) target_semaphore(%run_scoped3A : memref<!tpu.dma_semaphore, #tpu.memory_space<semaphore_mem>>)
        %dma_wait3A = arith.constant 0 : i32
        %dma_wait3A_59 = tpu.memref_slice %arg4[%add3A_37, %dma_wait3A] : memref<2560x128xi32, #tpu.memory_space<hbm>> -> memref<40x128xi32, #tpu.memory_space<hbm>>
        %dma_wait3A_60 = arith.constant 0 : i32
        %dma_wait3A_61 = tpu.memref_slice %arg4[%add3A_37, %dma_wait3A_60] : memref<2560x128xi32, #tpu.memory_space<hbm>> -> memref<40x128xi32, #tpu.memory_space<hbm>>
        tpu.wait_dma2 semaphore(%run_scoped3A : memref<!tpu.dma_semaphore, #tpu.memory_space<semaphore_mem>>) src(%dma_wait3A_61 : memref<40x128xi32, #tpu.memory_space<hbm>>) dst(%arg9 : memref<40x128xi32, #tpu.memory_space<vmem>>)
        tpu.yield
      }) : () -> ()
      %dma_start3A = arith.constant 0 : i32
      %dma_start3A_38 = arith.constant 0 : i32
      %dma_start3A_39 = arith.constant 0 : i32
      %dma_start3A_40 = arith.constant 0 : i32
      %dma_start3A_41 = tpu.memref_slice %arg10[%dma_start3A_38, %dma_start3A_39, %dma_start3A_40] : memref<2x128x128xf32, #tpu.memory_space<vmem>> -> memref<1x128x128xf32, #tpu.memory_space<vmem>>
      %dma_start3A_42 = tpu.memref_squeeze %dma_start3A_41 : memref<1x128x128xf32, #tpu.memory_space<vmem>> -> memref<128x128xf32, #tpu.memory_space<vmem>>
      %dma_start3A_43 = arith.constant 0 : i32
      %dma_start3A_44 = tpu.memref_slice %arg8[%dma_start3A, %dma_start3A_43] : memref<40x128xi32, #tpu.memory_space<vmem>> -> memref<1x128xi32, #tpu.memory_space<vmem>>
      %dma_start3A_45 = tpu.memref_squeeze %dma_start3A_44 : memref<1x128xi32, #tpu.memory_space<vmem>> -> memref<128xi32, #tpu.memory_space<vmem>>
      %dma_start3A_46 = arith.constant 0 : i32
      %dma_start3A_47 = arith.constant 0 : i32
      %dma_start3A_48 = tpu.memref_slice %arg2[%dma_start3A_46, %dma_start3A_47] : memref<10240x128xf32, #tpu.memory_space<hbm>> -> memref<10240x128xf32, #tpu.memory_space<hbm>>
      tpu.enqueue_indirect_dma source(%dma_start3A_48 : memref<10240x128xf32, #tpu.memory_space<hbm>>) target(%dma_start3A_42 : memref<128x128xf32, #tpu.memory_space<vmem>>) offsets(%dma_start3A_45 : memref<128xi32, #tpu.memory_space<vmem>>) semaphore(%arg11 : memref<!tpu.dma_semaphore, #tpu.memory_space<semaphore_mem>>)
      %scan3A_49 = arith.constant 0 : i32
      %scan3A_50 = arith.constant 0 : i32
      %scan3A_51 = arith.constant 20 : i32
      %scan3A_52 = arith.addi %scan3A_50, %scan3A_51 : i32
      %scan3A_53 = arith.constant 1 : i32
      scf.for %scan3A_55 = %scan3A_50 to %scan3A_52 step %scan3A_53  : i32 {
        %mul3A_56 = arith.constant 2 : i32
        %mul3A_57 = arith.muli %mul3A_56, %scan3A_55 : i32
        %add3A_58 = arith.constant 1 : i32
        %add3A_59 = arith.addi %mul3A_57, %add3A_58 : i32
        %dma_start3A_60 = arith.constant 1 : i32
        %dma_start3A_61 = arith.constant 0 : i32
        %dma_start3A_62 = arith.constant 0 : i32
        %dma_start3A_63 = tpu.memref_slice %arg10[%dma_start3A_60, %dma_start3A_61, %dma_start3A_62] : memref<2x128x128xf32, #tpu.memory_space<vmem>> -> memref<1x128x128xf32, #tpu.memory_space<vmem>>
        %dma_start3A_64 = tpu.memref_squeeze %dma_start3A_63 : memref<1x128x128xf32, #tpu.memory_space<vmem>> -> memref<128x128xf32, #tpu.memory_space<vmem>>
        %dma_start3A_65 = arith.constant 0 : i32
        %dma_start3A_66 = tpu.memref_slice %arg8[%add3A_59, %dma_start3A_65] : memref<40x128xi32, #tpu.memory_space<vmem>> -> memref<1x128xi32, #tpu.memory_space<vmem>>
        %dma_start3A_67 = tpu.memref_squeeze %dma_start3A_66 : memref<1x128xi32, #tpu.memory_space<vmem>> -> memref<128xi32, #tpu.memory_space<vmem>>
        %dma_start3A_68 = arith.constant 0 : i32
        %dma_start3A_69 = arith.constant 0 : i32
        %dma_start3A_70 = tpu.memref_slice %arg2[%dma_start3A_68, %dma_start3A_69] : memref<10240x128xf32, #tpu.memory_space<hbm>> -> memref<10240x128xf32, #tpu.memory_space<hbm>>
        tpu.enqueue_indirect_dma source(%dma_start3A_70 : memref<10240x128xf32, #tpu.memory_space<hbm>>) target(%dma_start3A_64 : memref<128x128xf32, #tpu.memory_space<vmem>>) offsets(%dma_start3A_67 : memref<128xi32, #tpu.memory_space<vmem>>) semaphore(%arg12 : memref<!tpu.dma_semaphore, #tpu.memory_space<semaphore_mem>>)
        %dma_wait3A = arith.constant 0 : i32
        %dma_wait3A_71 = arith.constant 0 : i32
        %dma_wait3A_72 = arith.constant 0 : i32
        %dma_wait3A_73 = tpu.memref_slice %arg10[%dma_wait3A, %dma_wait3A_71, %dma_wait3A_72] : memref<2x128x128xf32, #tpu.memory_space<vmem>> -> memref<1x128x128xf32, #tpu.memory_space<vmem>>
        %dma_wait3A_74 = tpu.memref_squeeze %dma_wait3A_73 : memref<1x128x128xf32, #tpu.memory_space<vmem>> -> memref<128x128xf32, #tpu.memory_space<vmem>>
        %dma_wait3A_75 = arith.constant 0 : i32
        %dma_wait3A_76 = tpu.memref_slice %arg8[%mul3A_57, %dma_wait3A_75] : memref<40x128xi32, #tpu.memory_space<vmem>> -> memref<1x128xi32, #tpu.memory_space<vmem>>
        %dma_wait3A_77 = tpu.memref_squeeze %dma_wait3A_76 : memref<1x128xi32, #tpu.memory_space<vmem>> -> memref<128xi32, #tpu.memory_space<vmem>>
        %dma_wait3A_78 = arith.constant 0 : i32
        %dma_wait3A_79 = arith.constant 0 : i32
        %dma_wait3A_80 = tpu.memref_slice %arg2[%dma_wait3A_78, %dma_wait3A_79] : memref<10240x128xf32, #tpu.memory_space<hbm>> -> memref<10240x128xf32, #tpu.memory_space<hbm>>
        tpu.wait_indirect_dma semaphore(%arg11 : memref<!tpu.dma_semaphore, #tpu.memory_space<semaphore_mem>>) src(%dma_wait3A_80 : memref<10240x128xf32, #tpu.memory_space<hbm>>) dst(%dma_wait3A_74 : memref<128x128xf32, #tpu.memory_space<vmem>>)
        %run_scoped3A = arith.constant 0 : i32
        "tpu.region"() ({
          %run_scoped3A_101 = tpu.sem_alloc : memref<!tpu.dma_semaphore, #tpu.memory_space<semaphore_mem>>
          %dma_start3A_102 = arith.constant 0 : i32
          %dma_start3A_103 = arith.constant 0 : i32
          %dma_start3A_104 = tpu.memref_slice %arg10[%run_scoped3A, %dma_start3A_102, %dma_start3A_103] : memref<2x128x128xf32, #tpu.memory_space<vmem>> -> memref<1x128x128xf32, #tpu.memory_space<vmem>>
          %dma_start3A_105 = tpu.memref_squeeze %dma_start3A_104 : memref<1x128x128xf32, #tpu.memory_space<vmem>> -> memref<128x128xf32, #tpu.memory_space<vmem>>
          %dma_start3A_106 = arith.constant 0 : i32
          %dma_start3A_107 = tpu.memref_slice %arg9[%mul3A_57, %dma_start3A_106] : memref<40x128xi32, #tpu.memory_space<vmem>> -> memref<1x128xi32, #tpu.memory_space<vmem>>
          %dma_start3A_108 = tpu.memref_squeeze %dma_start3A_107 : memref<1x128xi32, #tpu.memory_space<vmem>> -> memref<128xi32, #tpu.memory_space<vmem>>
          %dma_start3A_109 = arith.constant 0 : i32
          %dma_start3A_110 = arith.constant 0 : i32
          %dma_start3A_111 = tpu.memref_slice %arg7[%dma_start3A_109, %dma_start3A_110] : memref<10240x128xf32, #tpu.memory_space<vmem_shared>> -> memref<10240x128xf32, #tpu.memory_space<vmem_shared>>
          tpu.enqueue_indirect_dma source(%dma_start3A_105 : memref<128x128xf32, #tpu.memory_space<vmem>>) target(%dma_start3A_111 : memref<10240x128xf32, #tpu.memory_space<vmem_shared>>) offsets(%dma_start3A_108 : memref<128xi32, #tpu.memory_space<vmem>>) semaphore(%run_scoped3A_101 : memref<!tpu.dma_semaphore, #tpu.memory_space<semaphore_mem>>) {add = true}
          %dma_wait3A_112 = arith.constant 0 : i32
          %dma_wait3A_113 = arith.constant 0 : i32
          %dma_wait3A_114 = tpu.memref_slice %arg10[%run_scoped3A, %dma_wait3A_112, %dma_wait3A_113] : memref<2x128x128xf32, #tpu.memory_space<vmem>> -> memref<1x128x128xf32, #tpu.memory_space<vmem>>
          %dma_wait3A_115 = tpu.memref_squeeze %dma_wait3A_114 : memref<1x128x128xf32, #tpu.memory_space<vmem>> -> memref<128x128xf32, #tpu.memory_space<vmem>>
          %dma_wait3A_116 = arith.constant 0 : i32
          %dma_wait3A_117 = tpu.memref_slice %arg9[%mul3A_57, %dma_wait3A_116] : memref<40x128xi32, #tpu.memory_space<vmem>> -> memref<1x128xi32, #tpu.memory_space<vmem>>
          %dma_wait3A_118 = tpu.memref_squeeze %dma_wait3A_117 : memref<1x128xi32, #tpu.memory_space<vmem>> -> memref<128xi32, #tpu.memory_space<vmem>>
          %dma_wait3A_119 = arith.constant 0 : i32
          %dma_wait3A_120 = arith.constant 0 : i32
          %dma_wait3A_121 = tpu.memref_slice %arg7[%dma_wait3A_119, %dma_wait3A_120] : memref<10240x128xf32, #tpu.memory_space<vmem_shared>> -> memref<10240x128xf32, #tpu.memory_space<vmem_shared>>
          tpu.wait_indirect_dma semaphore(%run_scoped3A_101 : memref<!tpu.dma_semaphore, #tpu.memory_space<semaphore_mem>>) src(%dma_wait3A_115 : memref<128x128xf32, #tpu.memory_space<vmem>>) dst(%dma_wait3A_121 : memref<10240x128xf32, #tpu.memory_space<vmem_shared>>)
          tpu.yield
        }) : () -> ()
        %lt3A = arith.constant 19 : i32
        %lt3A_81 = arith.cmpi slt, %scan3A_55, %lt3A : i32
        %convert_element_type3A_82 = arith.extui %lt3A_81 : i1 to i32
        %cond3A_83 = arith.constant 0 : i32
        %cond3A_84 = arith.cmpi ne, %convert_element_type3A_82, %cond3A_83 : i32
        scf.if %cond3A_84 {
          %add3A_101 = arith.constant 2 : i32
          %add3A_102 = arith.addi %mul3A_57, %add3A_101 : i32
          %dma_start3A_103 = arith.constant 0 : i32
          %dma_start3A_104 = arith.constant 0 : i32
          %dma_start3A_105 = arith.constant 0 : i32
          %dma_start3A_106 = tpu.memref_slice %arg10[%dma_start3A_103, %dma_start3A_104, %dma_start3A_105] : memref<2x128x128xf32, #tpu.memory_space<vmem>> -> memref<1x128x128xf32, #tpu.memory_space<vmem>>
          %dma_start3A_107 = tpu.memref_squeeze %dma_start3A_106 : memref<1x128x128xf32, #tpu.memory_space<vmem>> -> memref<128x128xf32, #tpu.memory_space<vmem>>
          %dma_start3A_108 = arith.constant 0 : i32
          %dma_start3A_109 = tpu.memref_slice %arg8[%add3A_102, %dma_start3A_108] : memref<40x128xi32, #tpu.memory_space<vmem>> -> memref<1x128xi32, #tpu.memory_space<vmem>>
          %dma_start3A_110 = tpu.memref_squeeze %dma_start3A_109 : memref<1x128xi32, #tpu.memory_space<vmem>> -> memref<128xi32, #tpu.memory_space<vmem>>
          %dma_start3A_111 = arith.constant 0 : i32
          %dma_start3A_112 = arith.constant 0 : i32
          %dma_start3A_113 = tpu.memref_slice %arg2[%dma_start3A_111, %dma_start3A_112] : memref<10240x128xf32, #tpu.memory_space<hbm>> -> memref<10240x128xf32, #tpu.memory_space<hbm>>
          tpu.enqueue_indirect_dma source(%dma_start3A_113 : memref<10240x128xf32, #tpu.memory_space<hbm>>) target(%dma_start3A_107 : memref<128x128xf32, #tpu.memory_space<vmem>>) offsets(%dma_start3A_110 : memref<128xi32, #tpu.memory_space<vmem>>) semaphore(%arg11 : memref<!tpu.dma_semaphore, #tpu.memory_space<semaphore_mem>>)
        } else {
        }
        %add3A_85 = arith.constant 1 : i32
        %add3A_86 = arith.addi %mul3A_57, %add3A_85 : i32
        %dma_wait3A_87 = arith.constant 1 : i32
        %dma_wait3A_88 = arith.constant 0 : i32
        %dma_wait3A_89 = arith.constant 0 : i32
        %dma_wait3A_90 = tpu.memref_slice %arg10[%dma_wait3A_87, %dma_wait3A_88, %dma_wait3A_89] : memref<2x128x128xf32, #tpu.memory_space<vmem>> -> memref<1x128x128xf32, #tpu.memory_space<vmem>>
        %dma_wait3A_91 = tpu.memref_squeeze %dma_wait3A_90 : memref<1x128x128xf32, #tpu.memory_space<vmem>> -> memref<128x128xf32, #tpu.memory_space<vmem>>
        %dma_wait3A_92 = arith.constant 0 : i32
        %dma_wait3A_93 = tpu.memref_slice %arg8[%add3A_86, %dma_wait3A_92] : memref<40x128xi32, #tpu.memory_space<vmem>> -> memref<1x128xi32, #tpu.memory_space<vmem>>
        %dma_wait3A_94 = tpu.memref_squeeze %dma_wait3A_93 : memref<1x128xi32, #tpu.memory_space<vmem>> -> memref<128xi32, #tpu.memory_space<vmem>>
        %dma_wait3A_95 = arith.constant 0 : i32
        %dma_wait3A_96 = arith.constant 0 : i32
        %dma_wait3A_97 = tpu.memref_slice %arg2[%dma_wait3A_95, %dma_wait3A_96] : memref<10240x128xf32, #tpu.memory_space<hbm>> -> memref<10240x128xf32, #tpu.memory_space<hbm>>
        tpu.wait_indirect_dma semaphore(%arg12 : memref<!tpu.dma_semaphore, #tpu.memory_space<semaphore_mem>>) src(%dma_wait3A_97 : memref<10240x128xf32, #tpu.memory_space<hbm>>) dst(%dma_wait3A_91 : memref<128x128xf32, #tpu.memory_space<vmem>>)
        %add3A_98 = arith.constant 1 : i32
        %add3A_99 = arith.addi %mul3A_57, %add3A_98 : i32
        %run_scoped3A_100 = arith.constant 1 : i32
        "tpu.region"() ({
          %run_scoped3A_101 = tpu.sem_alloc : memref<!tpu.dma_semaphore, #tpu.memory_space<semaphore_mem>>
          %dma_start3A_102 = arith.constant 0 : i32
          %dma_start3A_103 = arith.constant 0 : i32
          %dma_start3A_104 = tpu.memref_slice %arg10[%run_scoped3A_100, %dma_start3A_102, %dma_start3A_103] : memref<2x128x128xf32, #tpu.memory_space<vmem>> -> memref<1x128x128xf32, #tpu.memory_space<vmem>>
          %dma_start3A_105 = tpu.memref_squeeze %dma_start3A_104 : memref<1x128x128xf32, #tpu.memory_space<vmem>> -> memref<128x128xf32, #tpu.memory_space<vmem>>
          %dma_start3A_106 = arith.constant 0 : i32
          %dma_start3A_107 = tpu.memref_slice %arg9[%add3A_99, %dma_start3A_106] : memref<40x128xi32, #tpu.memory_space<vmem>> -> memref<1x128xi32, #tpu.memory_space<vmem>>
          %dma_start3A_108 = tpu.memref_squeeze %dma_start3A_107 : memref<1x128xi32, #tpu.memory_space<vmem>> -> memref<128xi32, #tpu.memory_space<vmem>>
          %dma_start3A_109 = arith.constant 0 : i32
          %dma_start3A_110 = arith.constant 0 : i32
          %dma_start3A_111 = tpu.memref_slice %arg7[%dma_start3A_109, %dma_start3A_110] : memref<10240x128xf32, #tpu.memory_space<vmem_shared>> -> memref<10240x128xf32, #tpu.memory_space<vmem_shared>>
          tpu.enqueue_indirect_dma source(%dma_start3A_105 : memref<128x128xf32, #tpu.memory_space<vmem>>) target(%dma_start3A_111 : memref<10240x128xf32, #tpu.memory_space<vmem_shared>>) offsets(%dma_start3A_108 : memref<128xi32, #tpu.memory_space<vmem>>) semaphore(%run_scoped3A_101 : memref<!tpu.dma_semaphore, #tpu.memory_space<semaphore_mem>>) {add = true}
          %dma_wait3A_112 = arith.constant 0 : i32
          %dma_wait3A_113 = arith.constant 0 : i32
          %dma_wait3A_114 = tpu.memref_slice %arg10[%run_scoped3A_100, %dma_wait3A_112, %dma_wait3A_113] : memref<2x128x128xf32, #tpu.memory_space<vmem>> -> memref<1x128x128xf32, #tpu.memory_space<vmem>>
          %dma_wait3A_115 = tpu.memref_squeeze %dma_wait3A_114 : memref<1x128x128xf32, #tpu.memory_space<vmem>> -> memref<128x128xf32, #tpu.memory_space<vmem>>
          %dma_wait3A_116 = arith.constant 0 : i32
          %dma_wait3A_117 = tpu.memref_slice %arg9[%add3A_99, %dma_wait3A_116] : memref<40x128xi32, #tpu.memory_space<vmem>> -> memref<1x128xi32, #tpu.memory_space<vmem>>
          %dma_wait3A_118 = tpu.memref_squeeze %dma_wait3A_117 : memref<1x128xi32, #tpu.memory_space<vmem>> -> memref<128xi32, #tpu.memory_space<vmem>>
          %dma_wait3A_119 = arith.constant 0 : i32
          %dma_wait3A_120 = arith.constant 0 : i32
          %dma_wait3A_121 = tpu.memref_slice %arg7[%dma_wait3A_119, %dma_wait3A_120] : memref<10240x128xf32, #tpu.memory_space<vmem_shared>> -> memref<10240x128xf32, #tpu.memory_space<vmem_shared>>
          tpu.wait_indirect_dma semaphore(%run_scoped3A_101 : memref<!tpu.dma_semaphore, #tpu.memory_space<semaphore_mem>>) src(%dma_wait3A_115 : memref<128x128xf32, #tpu.memory_space<vmem>>) dst(%dma_wait3A_121 : memref<10240x128xf32, #tpu.memory_space<vmem_shared>>)
          tpu.yield
        }) : () -> ()
      }
      %scan3A_54 = arith.constant 20 : i32
    }
    %scan3A_22 = arith.constant 2 : i32
    %barrier3A_23 = arith.constant 0 : index
    tpu.barrier barrier_id(%barrier3A_23)
    %eq3A = arith.constant 0 : i32
    %eq3A_24 = arith.cmpi eq, %arg0, %eq3A : i32
    %convert_element_type3A = arith.extui %eq3A_24 : i1 to i32
    %cond3A = arith.constant 0 : i32
    %cond3A_25 = arith.cmpi ne, %convert_element_type3A, %cond3A : i32
    scf.if %cond3A_25 {
      "tpu.region"() ({
        %run_scoped3A = tpu.sem_alloc : memref<!tpu.dma_semaphore, #tpu.memory_space<semaphore_mem>>
        %dma_start3A = arith.constant 0 : i32
        %dma_start3A_31 = tpu.memref_slice %arg5[%mul3A_2, %dma_start3A] : memref<10240x128xf32, #tpu.memory_space<hbm>> -> memref<640x128xf32, #tpu.memory_space<hbm>>
        %dma_start3A_32 = arith.constant 0 : i32
        %dma_start3A_33 = tpu.memref_slice %arg7[%mul3A_2, %dma_start3A_32] : memref<10240x128xf32, #tpu.memory_space<vmem_shared>> -> memref<640x128xf32, #tpu.memory_space<vmem_shared>>
        tpu.enqueue_dma source(%dma_start3A_33 : memref<640x128xf32, #tpu.memory_space<vmem_shared>>) target(%dma_start3A_31 : memref<640x128xf32, #tpu.memory_space<hbm>>) target_semaphore(%run_scoped3A : memref<!tpu.dma_semaphore, #tpu.memory_space<semaphore_mem>>)
        %dma_wait3A = arith.constant 0 : i32
        %dma_wait3A_34 = tpu.memref_slice %arg5[%mul3A_2, %dma_wait3A] : memref<10240x128xf32, #tpu.memory_space<hbm>> -> memref<640x128xf32, #tpu.memory_space<hbm>>
        %dma_wait3A_35 = arith.constant 0 : i32
        %dma_wait3A_36 = tpu.memref_slice %arg7[%mul3A_2, %dma_wait3A_35] : memref<10240x128xf32, #tpu.memory_space<vmem_shared>> -> memref<640x128xf32, #tpu.memory_space<vmem_shared>>
        tpu.wait_dma2 semaphore(%run_scoped3A : memref<!tpu.dma_semaphore, #tpu.memory_space<semaphore_mem>>) src(%dma_wait3A_36 : memref<640x128xf32, #tpu.memory_space<vmem_shared>>) dst(%dma_wait3A_34 : memref<640x128xf32, #tpu.memory_space<hbm>>)
        tpu.yield
      }) : () -> ()
    } else {
    }
    %eq3A_26 = arith.constant 1 : i32
    %eq3A_27 = arith.cmpi eq, %arg0, %eq3A_26 : i32
    %convert_element_type3A_28 = arith.extui %eq3A_27 : i1 to i32
    %cond3A_29 = arith.constant 0 : i32
    %cond3A_30 = arith.cmpi ne, %convert_element_type3A_28, %cond3A_29 : i32
    scf.if %cond3A_30 {
      "tpu.region"() ({
        %run_scoped3A = tpu.sem_alloc : memref<!tpu.dma_semaphore, #tpu.memory_space<semaphore_mem>>
        %dma_start3A = arith.constant 0 : i32
        %dma_start3A_31 = tpu.memref_slice %arg6[%mul3A_2, %dma_start3A] : memref<10240x128xf32, #tpu.memory_space<hbm>> -> memref<640x128xf32, #tpu.memory_space<hbm>>
        %dma_start3A_32 = arith.constant 0 : i32
        %dma_start3A_33 = tpu.memref_slice %arg7[%mul3A_2, %dma_start3A_32] : memref<10240x128xf32, #tpu.memory_space<vmem_shared>> -> memref<640x128xf32, #tpu.memory_space<vmem_shared>>
        tpu.enqueue_dma source(%dma_start3A_33 : memref<640x128xf32, #tpu.memory_space<vmem_shared>>) target(%dma_start3A_31 : memref<640x128xf32, #tpu.memory_space<hbm>>) target_semaphore(%run_scoped3A : memref<!tpu.dma_semaphore, #tpu.memory_space<semaphore_mem>>)
        %dma_wait3A = arith.constant 0 : i32
        %dma_wait3A_34 = tpu.memref_slice %arg6[%mul3A_2, %dma_wait3A] : memref<10240x128xf32, #tpu.memory_space<hbm>> -> memref<640x128xf32, #tpu.memory_space<hbm>>
        %dma_wait3A_35 = arith.constant 0 : i32
        %dma_wait3A_36 = tpu.memref_slice %arg7[%mul3A_2, %dma_wait3A_35] : memref<10240x128xf32, #tpu.memory_space<vmem_shared>> -> memref<640x128xf32, #tpu.memory_space<vmem_shared>>
        tpu.wait_dma2 semaphore(%run_scoped3A : memref<!tpu.dma_semaphore, #tpu.memory_space<semaphore_mem>>) src(%dma_wait3A_36 : memref<640x128xf32, #tpu.memory_space<vmem_shared>>) dst(%dma_wait3A_34 : memref<640x128xf32, #tpu.memory_space<hbm>>)
        tpu.yield
      }) : () -> ()
    } else {
    }
    return
  }
}

#map = affine_map<(d0, d1) -> (0, 0)>
module attributes {stable_mosaic.version = 14 : i64} {
  func.func @k(%arg0: i32, %arg1: i32, %arg2: memref<10240x128xf32, #tpu.memory_space<hbm>>, %arg3: memref<2560x128xi32, #tpu.memory_space<hbm>>, %arg4: memref<2560x128xi32, #tpu.memory_space<hbm>>, %arg5: memref<10240x128xf32, #tpu.memory_space<hbm>>, %arg6: memref<10240x128xf32, #tpu.memory_space<hbm>>, %arg7: memref<10240x128xf32, #tpu.memory_space<vmem_shared>>, %arg8: memref<40x128xi32, #tpu.memory_space<vmem>>, %arg9: memref<40x128xi32, #tpu.memory_space<vmem>>, %arg10: memref<2x128x128xf32, #tpu.memory_space<vmem>>, %arg11: memref<!tpu.dma_semaphore, #tpu.memory_space<semaphore_mem>>, %arg12: memref<!tpu.dma_semaphore, #tpu.memory_space<semaphore_mem>>) attributes {dimension_semantics = [#tpu.dimension_semantics<core_parallel>, #tpu.dimension_semantics<subcore_parallel>], iteration_bounds = array<i64: 2, 16>, scalar_prefetch = 0 : i64, scratch_operands = 6 : i64, tpu.core_type = #tpu.core_type<sc_vector_subcore>, window_params = [{transform_indices = #map}, {transform_indices = #map}, {transform_indices = #map}, {transform_indices = #map}, {transform_indices = #map}]} {
    %mul3A = arith.constant 16 : i32
    %mul3A_0 = arith.muli %arg0, %mul3A : i32
    %add3A = arith.addi %mul3A_0, %arg1 : i32
    %mul3A_1 = arith.constant 640 : i32
    %mul3A_2 = arith.muli %arg1, %mul3A_1 : i32
    %broadcast_in_dim3A = arith.constant 0.000000e+00 : f32
    %broadcast_in_dim3A_3 = vector.broadcast %broadcast_in_dim3A : f32 to vector<16xf32>
    %scan3A = arith.constant 0 : i32
    %scan3A_4 = arith.constant 0 : i32
    %scan3A_5 = arith.constant 128 : i32
    %scan3A_6 = arith.addi %scan3A_4, %scan3A_5 : i32
    %scan3A_7 = arith.constant 1 : i32
    scf.for %scan3A_31 = %scan3A_4 to %scan3A_6 step %scan3A_7  : i32 {
      %swap3A = arith.constant 0 : i32
      %swap3A_32 = arith.index_cast %swap3A : i32 to index
      %swap3A_33 = arith.index_cast %scan3A_31 : i32 to index
      %swap3A_34 = arith.constant 0 : index
      %swap3A_35 = tpu.vector_load %arg10[%swap3A_32, %swap3A_33, %swap3A_34] {strides = array<i32>} : memref<2x128x128xf32, #tpu.memory_space<vmem>>, vector<1x1x16xf32>,
      %swap3A_36 = vector.shape_cast %swap3A_35 : vector<1x1x16xf32> to vector<16xf32>
      %swap3A_37 = vector.shape_cast %broadcast_in_dim3A_3 : vector<16xf32> to vector<1x1x16xf32>
      tpu.vector_store %arg10[%swap3A_32, %swap3A_33, %swap3A_34], %swap3A_37 {strides = array<i32>} : memref<2x128x128xf32, #tpu.memory_space<vmem>>, vector<1x1x16xf32>,
      %swap3A_38 = arith.constant 0 : i32
      %swap3A_39 = arith.index_cast %swap3A_38 : i32 to index
      %swap3A_40 = arith.index_cast %scan3A_31 : i32 to index
      %swap3A_41 = arith.constant 16 : index
      %swap3A_42 = tpu.vector_load %arg10[%swap3A_39, %swap3A_40, %swap3A_41] {strides = array<i32>} : memref<2x128x128xf32, #tpu.memory_space<vmem>>, vector<1x1x16xf32>,
      %swap3A_43 = vector.shape_cast %swap3A_42 : vector<1x1x16xf32> to vector<16xf32>
      %swap3A_44 = vector.shape_cast %broadcast_in_dim3A_3 : vector<16xf32> to vector<1x1x16xf32>
      tpu.vector_store %arg10[%swap3A_39, %swap3A_40, %swap3A_41], %swap3A_44 {strides = array<i32>} : memref<2x128x128xf32, #tpu.memory_space<vmem>>, vector<1x1x16xf32>,
      %swap3A_45 = arith.constant 0 : i32
      %swap3A_46 = arith.index_cast %swap3A_45 : i32 to index
      %swap3A_47 = arith.index_cast %scan3A_31 : i32 to index
      %swap3A_48 = arith.constant 32 : index
      %swap3A_49 = tpu.vector_load %arg10[%swap3A_46, %swap3A_47, %swap3A_48] {strides = array<i32>} : memref<2x128x128xf32, #tpu.memory_space<vmem>>, vector<1x1x16xf32>,
      %swap3A_50 = vector.shape_cast %swap3A_49 : vector<1x1x16xf32> to vector<16xf32>
      %swap3A_51 = vector.shape_cast %broadcast_in_dim3A_3 : vector<16xf32> to vector<1x1x16xf32>
      tpu.vector_store %arg10[%swap3A_46, %swap3A_47, %swap3A_48], %swap3A_51 {strides = array<i32>} : memref<2x128x128xf32, #tpu.memory_space<vmem>>, vector<1x1x16xf32>,
      %swap3A_52 = arith.constant 0 : i32
      %swap3A_53 = arith.index_cast %swap3A_52 : i32 to index
      %swap3A_54 = arith.index_cast %scan3A_31 : i32 to index
      %swap3A_55 = arith.constant 48 : index
      %swap3A_56 = tpu.vector_load %arg10[%swap3A_53, %swap3A_54, %swap3A_55] {strides = array<i32>} : memref<2x128x128xf32, #tpu.memory_space<vmem>>, vector<1x1x16xf32>,
      %swap3A_57 = vector.shape_cast %swap3A_56 : vector<1x1x16xf32> to vector<16xf32>
      %swap3A_58 = vector.shape_cast %broadcast_in_dim3A_3 : vector<16xf32> to vector<1x1x16xf32>
      tpu.vector_store %arg10[%swap3A_53, %swap3A_54, %swap3A_55], %swap3A_58 {strides = array<i32>} : memref<2x128x128xf32, #tpu.memory_space<vmem>>, vector<1x1x16xf32>,
      %swap3A_59 = arith.constant 0 : i32
      %swap3A_60 = arith.index_cast %swap3A_59 : i32 to index
      %swap3A_61 = arith.index_cast %scan3A_31 : i32 to index
      %swap3A_62 = arith.constant 64 : index
      %swap3A_63 = tpu.vector_load %arg10[%swap3A_60, %swap3A_61, %swap3A_62] {strides = array<i32>} : memref<2x128x128xf32, #tpu.memory_space<vmem>>, vector<1x1x16xf32>,
      %swap3A_64 = vector.shape_cast %swap3A_63 : vector<1x1x16xf32> to vector<16xf32>
      %swap3A_65 = vector.shape_cast %broadcast_in_dim3A_3 : vector<16xf32> to vector<1x1x16xf32>
      tpu.vector_store %arg10[%swap3A_60, %swap3A_61, %swap3A_62], %swap3A_65 {strides = array<i32>} : memref<2x128x128xf32, #tpu.memory_space<vmem>>, vector<1x1x16xf32>,
      %swap3A_66 = arith.constant 0 : i32
      %swap3A_67 = arith.index_cast %swap3A_66 : i32 to index
      %swap3A_68 = arith.index_cast %scan3A_31 : i32 to index
      %swap3A_69 = arith.constant 80 : index
      %swap3A_70 = tpu.vector_load %arg10[%swap3A_67, %swap3A_68, %swap3A_69] {strides = array<i32>} : memref<2x128x128xf32, #tpu.memory_space<vmem>>, vector<1x1x16xf32>,
      %swap3A_71 = vector.shape_cast %swap3A_70 : vector<1x1x16xf32> to vector<16xf32>
      %swap3A_72 = vector.shape_cast %broadcast_in_dim3A_3 : vector<16xf32> to vector<1x1x16xf32>
      tpu.vector_store %arg10[%swap3A_67, %swap3A_68, %swap3A_69], %swap3A_72 {strides = array<i32>} : memref<2x128x128xf32, #tpu.memory_space<vmem>>, vector<1x1x16xf32>,
      %swap3A_73 = arith.constant 0 : i32
      %swap3A_74 = arith.index_cast %swap3A_73 : i32 to index
      %swap3A_75 = arith.index_cast %scan3A_31 : i32 to index
      %swap3A_76 = arith.constant 96 : index
      %swap3A_77 = tpu.vector_load %arg10[%swap3A_74, %swap3A_75, %swap3A_76] {strides = array<i32>} : memref<2x128x128xf32, #tpu.memory_space<vmem>>, vector<1x1x16xf32>,
      %swap3A_78 = vector.shape_cast %swap3A_77 : vector<1x1x16xf32> to vector<16xf32>
      %swap3A_79 = vector.shape_cast %broadcast_in_dim3A_3 : vector<16xf32> to vector<1x1x16xf32>
      tpu.vector_store %arg10[%swap3A_74, %swap3A_75, %swap3A_76], %swap3A_79 {strides = array<i32>} : memref<2x128x128xf32, #tpu.memory_space<vmem>>, vector<1x1x16xf32>,
      %swap3A_80 = arith.constant 0 : i32
      %swap3A_81 = arith.index_cast %swap3A_80 : i32 to index
      %swap3A_82 = arith.index_cast %scan3A_31 : i32 to index
      %swap3A_83 = arith.constant 112 : index
      %swap3A_84 = tpu.vector_load %arg10[%swap3A_81, %swap3A_82, %swap3A_83] {strides = array<i32>} : memref<2x128x128xf32, #tpu.memory_space<vmem>>, vector<1x1x16xf32>,
      %swap3A_85 = vector.shape_cast %swap3A_84 : vector<1x1x16xf32> to vector<16xf32>
      %swap3A_86 = vector.shape_cast %broadcast_in_dim3A_3 : vector<16xf32> to vector<1x1x16xf32>
      tpu.vector_store %arg10[%swap3A_81, %swap3A_82, %swap3A_83], %swap3A_86 {strides = array<i32>} : memref<2x128x128xf32, #tpu.memory_space<vmem>>, vector<1x1x16xf32>,
    }
    %scan3A_8 = arith.constant 128 : i32
    %scan3A_9 = arith.constant 0 : i32
    %scan3A_10 = arith.constant 0 : i32
    %scan3A_11 = arith.constant 5 : i32
    %scan3A_12 = arith.addi %scan3A_10, %scan3A_11 : i32
    %scan3A_13 = arith.constant 1 : i32
    scf.for %scan3A_31 = %scan3A_10 to %scan3A_12 step %scan3A_13  : i32 {
      %mul3A_32 = arith.constant 128 : i32
      %mul3A_33 = arith.muli %scan3A_31, %mul3A_32 : i32
      %add3A_34 = arith.addi %mul3A_2, %mul3A_33 : i32
      %run_scoped3A = arith.constant 0 : i32
      "tpu.region"() ({
        %run_scoped3A_35 = tpu.sem_alloc : memref<!tpu.dma_semaphore, #tpu.memory_space<semaphore_mem>>
        %dma_start3A = arith.constant 0 : i32
        %dma_start3A_36 = arith.constant 0 : i32
        %dma_start3A_37 = tpu.memref_slice %arg10[%run_scoped3A, %dma_start3A, %dma_start3A_36] : memref<2x128x128xf32, #tpu.memory_space<vmem>> -> memref<1x128x128xf32, #tpu.memory_space<vmem>>
        %dma_start3A_38 = tpu.memref_squeeze %dma_start3A_37 : memref<1x128x128xf32, #tpu.memory_space<vmem>> -> memref<128x128xf32, #tpu.memory_space<vmem>>
        %dma_start3A_39 = arith.constant 0 : i32
        %dma_start3A_40 = tpu.memref_slice %arg7[%add3A_34, %dma_start3A_39] : memref<10240x128xf32, #tpu.memory_space<vmem_shared>> -> memref<128x128xf32, #tpu.memory_space<vmem_shared>>
        %dma_start3A_41 = arith.constant 0 : i32
        %dma_start3A_42 = tpu.memref_slice %arg7[%add3A_34, %dma_start3A_41] : memref<10240x128xf32, #tpu.memory_space<vmem_shared>> -> memref<128x128xf32, #tpu.memory_space<vmem_shared>>
        %dma_start3A_43 = arith.constant 0 : i32
        %dma_start3A_44 = arith.constant 0 : i32
        %dma_start3A_45 = tpu.memref_slice %arg10[%run_scoped3A, %dma_start3A_43, %dma_start3A_44] : memref<2x128x128xf32, #tpu.memory_space<vmem>> -> memref<1x128x128xf32, #tpu.memory_space<vmem>>
        %dma_start3A_46 = tpu.memref_squeeze %dma_start3A_45 : memref<1x128x128xf32, #tpu.memory_space<vmem>> -> memref<128x128xf32, #tpu.memory_space<vmem>>
        tpu.enqueue_dma source(%dma_start3A_46 : memref<128x128xf32, #tpu.memory_space<vmem>>) target(%dma_start3A_42 : memref<128x128xf32, #tpu.memory_space<vmem_shared>>) target_semaphore(%run_scoped3A_35 : memref<!tpu.dma_semaphore, #tpu.memory_space<semaphore_mem>>)
        %dma_wait3A = arith.constant 0 : i32
        %dma_wait3A_47 = arith.constant 0 : i32
        %dma_wait3A_48 = tpu.memref_slice %arg10[%run_scoped3A, %dma_wait3A, %dma_wait3A_47] : memref<2x128x128xf32, #tpu.memory_space<vmem>> -> memref<1x128x128xf32, #tpu.memory_space<vmem>>
        %dma_wait3A_49 = tpu.memref_squeeze %dma_wait3A_48 : memref<1x128x128xf32, #tpu.memory_space<vmem>> -> memref<128x128xf32, #tpu.memory_space<vmem>>
        %dma_wait3A_50 = arith.constant 0 : i32
        %dma_wait3A_51 = tpu.memref_slice %arg7[%add3A_34, %dma_wait3A_50] : memref<10240x128xf32, #tpu.memory_space<vmem_shared>> -> memref<128x128xf32, #tpu.memory_space<vmem_shared>>
        %dma_wait3A_52 = arith.constant 0 : i32
        %dma_wait3A_53 = tpu.memref_slice %arg7[%add3A_34, %dma_wait3A_52] : memref<10240x128xf32, #tpu.memory_space<vmem_shared>> -> memref<128x128xf32, #tpu.memory_space<vmem_shared>>
        %dma_wait3A_54 = arith.constant 0 : i32
        %dma_wait3A_55 = arith.constant 0 : i32
        %dma_wait3A_56 = tpu.memref_slice %arg10[%run_scoped3A, %dma_wait3A_54, %dma_wait3A_55] : memref<2x128x128xf32, #tpu.memory_space<vmem>> -> memref<1x128x128xf32, #tpu.memory_space<vmem>>
        %dma_wait3A_57 = tpu.memref_squeeze %dma_wait3A_56 : memref<1x128x128xf32, #tpu.memory_space<vmem>> -> memref<128x128xf32, #tpu.memory_space<vmem>>
        tpu.wait_dma2 semaphore(%run_scoped3A_35 : memref<!tpu.dma_semaphore, #tpu.memory_space<semaphore_mem>>) src(%dma_wait3A_57 : memref<128x128xf32, #tpu.memory_space<vmem>>) dst(%dma_wait3A_53 : memref<128x128xf32, #tpu.memory_space<vmem_shared>>)
        tpu.yield
      }) : () -> ()
    }
    %scan3A_14 = arith.constant 5 : i32
    %barrier3A = arith.constant 0 : index
    tpu.barrier barrier_id(%barrier3A)
    %mul3A_15 = arith.constant 80 : i32
    %mul3A_16 = arith.muli %add3A, %mul3A_15 : i32
    %scan3A_17 = arith.constant 0 : i32
    %scan3A_18 = arith.constant 0 : i32
    %scan3A_19 = arith.constant 2 : i32
    %scan3A_20 = arith.addi %scan3A_18, %scan3A_19 : i32
    %scan3A_21 = arith.constant 1 : i32
    scf.for %scan3A_31 = %scan3A_18 to %scan3A_20 step %scan3A_21  : i32 {
      %mul3A_32 = arith.constant 40 : i32
      %mul3A_33 = arith.muli %scan3A_31, %mul3A_32 : i32
      %add3A_34 = arith.addi %mul3A_16, %mul3A_33 : i32
      "tpu.region"() ({
        %run_scoped3A = tpu.sem_alloc : memref<!tpu.dma_semaphore, #tpu.memory_space<semaphore_mem>>
        %dma_start3A_55 = arith.constant 0 : i32
        %dma_start3A_56 = tpu.memref_slice %arg3[%add3A_34, %dma_start3A_55] : memref<2560x128xi32, #tpu.memory_space<hbm>> -> memref<40x128xi32, #tpu.memory_space<hbm>>
        %dma_start3A_57 = arith.constant 0 : i32
        %dma_start3A_58 = tpu.memref_slice %arg3[%add3A_34, %dma_start3A_57] : memref<2560x128xi32, #tpu.memory_space<hbm>> -> memref<40x128xi32, #tpu.memory_space<hbm>>
        tpu.enqueue_dma source(%dma_start3A_58 : memref<40x128xi32, #tpu.memory_space<hbm>>) target(%arg8 : memref<40x128xi32, #tpu.memory_space<vmem>>) target_semaphore(%run_scoped3A : memref<!tpu.dma_semaphore, #tpu.memory_space<semaphore_mem>>)
        %dma_wait3A = arith.constant 0 : i32
        %dma_wait3A_59 = tpu.memref_slice %arg3[%add3A_34, %dma_wait3A] : memref<2560x128xi32, #tpu.memory_space<hbm>> -> memref<40x128xi32, #tpu.memory_space<hbm>>
        %dma_wait3A_60 = arith.constant 0 : i32
        %dma_wait3A_61 = tpu.memref_slice %arg3[%add3A_34, %dma_wait3A_60] : memref<2560x128xi32, #tpu.memory_space<hbm>> -> memref<40x128xi32, #tpu.memory_space<hbm>>
        tpu.wait_dma2 semaphore(%run_scoped3A : memref<!tpu.dma_semaphore, #tpu.memory_space<semaphore_mem>>) src(%dma_wait3A_61 : memref<40x128xi32, #tpu.memory_space<hbm>>) dst(%arg8 : memref<40x128xi32, #tpu.memory_space<vmem>>)
        tpu.yield
      }) : () -> ()
      %mul3A_35 = arith.constant 40 : i32
      %mul3A_36 = arith.muli %scan3A_31, %mul3A_35 : i32
      %add3A_37 = arith.addi %mul3A_16, %mul3A_36 : i32
      "tpu.region"() ({
        %run_scoped3A = tpu.sem_alloc : memref<!tpu.dma_semaphore, #tpu.memory_space<semaphore_mem>>
        %dma_start3A_55 = arith.constant 0 : i32
        %dma_start3A_56 = tpu.memref_slice %arg4[%add3A_37, %dma_start3A_55] : memref<2560x128xi32, #tpu.memory_space<hbm>> -> memref<40x128xi32, #tpu.memory_space<hbm>>
        %dma_start3A_57 = arith.constant 0 : i32
        %dma_start3A_58 = tpu.memref_slice %arg4[%add3A_37, %dma_start3A_57] : memref<2560x128xi32, #tpu.memory_space<hbm>> -> memref<40x128xi32, #tpu.memory_space<hbm>>
        tpu.enqueue_dma source(%dma_start3A_58 : memref<40x128xi32, #tpu.memory_space<hbm>>) target(%arg9 : memref<40x128xi32, #tpu.memory_space<vmem>>) target_semaphore(%run_scoped3A : memref<!tpu.dma_semaphore, #tpu.memory_space<semaphore_mem>>)
        %dma_wait3A = arith.constant 0 : i32
        %dma_wait3A_59 = tpu.memref_slice %arg4[%add3A_37, %dma_wait3A] : memref<2560x128xi32, #tpu.memory_space<hbm>> -> memref<40x128xi32, #tpu.memory_space<hbm>>
        %dma_wait3A_60 = arith.constant 0 : i32
        %dma_wait3A_61 = tpu.memref_slice %arg4[%add3A_37, %dma_wait3A_60] : memref<2560x128xi32, #tpu.memory_space<hbm>> -> memref<40x128xi32, #tpu.memory_space<hbm>>
        tpu.wait_dma2 semaphore(%run_scoped3A : memref<!tpu.dma_semaphore, #tpu.memory_space<semaphore_mem>>) src(%dma_wait3A_61 : memref<40x128xi32, #tpu.memory_space<hbm>>) dst(%arg9 : memref<40x128xi32, #tpu.memory_space<vmem>>)
        tpu.yield
      }) : () -> ()
      %dma_start3A = arith.constant 0 : i32
      %dma_start3A_38 = arith.constant 0 : i32
      %dma_start3A_39 = arith.constant 0 : i32
      %dma_start3A_40 = arith.constant 0 : i32
      %dma_start3A_41 = tpu.memref_slice %arg10[%dma_start3A_38, %dma_start3A_39, %dma_start3A_40] : memref<2x128x128xf32, #tpu.memory_space<vmem>> -> memref<1x128x128xf32, #tpu.memory_space<vmem>>
      %dma_start3A_42 = tpu.memref_squeeze %dma_start3A_41 : memref<1x128x128xf32, #tpu.memory_space<vmem>> -> memref<128x128xf32, #tpu.memory_space<vmem>>
      %dma_start3A_43 = arith.constant 0 : i32
      %dma_start3A_44 = tpu.memref_slice %arg8[%dma_start3A, %dma_start3A_43] : memref<40x128xi32, #tpu.memory_space<vmem>> -> memref<1x128xi32, #tpu.memory_space<vmem>>
      %dma_start3A_45 = tpu.memref_squeeze %dma_start3A_44 : memref<1x128xi32, #tpu.memory_space<vmem>> -> memref<128xi32, #tpu.memory_space<vmem>>
      %dma_start3A_46 = arith.constant 0 : i32
      %dma_start3A_47 = arith.constant 0 : i32
      %dma_start3A_48 = tpu.memref_slice %arg2[%dma_start3A_46, %dma_start3A_47] : memref<10240x128xf32, #tpu.memory_space<hbm>> -> memref<10240x128xf32, #tpu.memory_space<hbm>>
      tpu.enqueue_indirect_dma source(%dma_start3A_48 : memref<10240x128xf32, #tpu.memory_space<hbm>>) target(%dma_start3A_42 : memref<128x128xf32, #tpu.memory_space<vmem>>) offsets(%dma_start3A_45 : memref<128xi32, #tpu.memory_space<vmem>>) semaphore(%arg11 : memref<!tpu.dma_semaphore, #tpu.memory_space<semaphore_mem>>)
      %scan3A_49 = arith.constant 0 : i32
      %scan3A_50 = arith.constant 0 : i32
      %scan3A_51 = arith.constant 20 : i32
      %scan3A_52 = arith.addi %scan3A_50, %scan3A_51 : i32
      %scan3A_53 = arith.constant 1 : i32
      scf.for %scan3A_55 = %scan3A_50 to %scan3A_52 step %scan3A_53  : i32 {
        %mul3A_56 = arith.constant 2 : i32
        %mul3A_57 = arith.muli %mul3A_56, %scan3A_55 : i32
        %add3A_58 = arith.constant 1 : i32
        %add3A_59 = arith.addi %mul3A_57, %add3A_58 : i32
        %dma_start3A_60 = arith.constant 1 : i32
        %dma_start3A_61 = arith.constant 0 : i32
        %dma_start3A_62 = arith.constant 0 : i32
        %dma_start3A_63 = tpu.memref_slice %arg10[%dma_start3A_60, %dma_start3A_61, %dma_start3A_62] : memref<2x128x128xf32, #tpu.memory_space<vmem>> -> memref<1x128x128xf32, #tpu.memory_space<vmem>>
        %dma_start3A_64 = tpu.memref_squeeze %dma_start3A_63 : memref<1x128x128xf32, #tpu.memory_space<vmem>> -> memref<128x128xf32, #tpu.memory_space<vmem>>
        %dma_start3A_65 = arith.constant 0 : i32
        %dma_start3A_66 = tpu.memref_slice %arg8[%add3A_59, %dma_start3A_65] : memref<40x128xi32, #tpu.memory_space<vmem>> -> memref<1x128xi32, #tpu.memory_space<vmem>>
        %dma_start3A_67 = tpu.memref_squeeze %dma_start3A_66 : memref<1x128xi32, #tpu.memory_space<vmem>> -> memref<128xi32, #tpu.memory_space<vmem>>
        %dma_start3A_68 = arith.constant 0 : i32
        %dma_start3A_69 = arith.constant 0 : i32
        %dma_start3A_70 = tpu.memref_slice %arg2[%dma_start3A_68, %dma_start3A_69] : memref<10240x128xf32, #tpu.memory_space<hbm>> -> memref<10240x128xf32, #tpu.memory_space<hbm>>
        tpu.enqueue_indirect_dma source(%dma_start3A_70 : memref<10240x128xf32, #tpu.memory_space<hbm>>) target(%dma_start3A_64 : memref<128x128xf32, #tpu.memory_space<vmem>>) offsets(%dma_start3A_67 : memref<128xi32, #tpu.memory_space<vmem>>) semaphore(%arg12 : memref<!tpu.dma_semaphore, #tpu.memory_space<semaphore_mem>>)
        %dma_wait3A = arith.constant 0 : i32
        %dma_wait3A_71 = arith.constant 0 : i32
        %dma_wait3A_72 = arith.constant 0 : i32
        %dma_wait3A_73 = tpu.memref_slice %arg10[%dma_wait3A, %dma_wait3A_71, %dma_wait3A_72] : memref<2x128x128xf32, #tpu.memory_space<vmem>> -> memref<1x128x128xf32, #tpu.memory_space<vmem>>
        %dma_wait3A_74 = tpu.memref_squeeze %dma_wait3A_73 : memref<1x128x128xf32, #tpu.memory_space<vmem>> -> memref<128x128xf32, #tpu.memory_space<vmem>>
        %dma_wait3A_75 = arith.constant 0 : i32
        %dma_wait3A_76 = tpu.memref_slice %arg8[%mul3A_57, %dma_wait3A_75] : memref<40x128xi32, #tpu.memory_space<vmem>> -> memref<1x128xi32, #tpu.memory_space<vmem>>
        %dma_wait3A_77 = tpu.memref_squeeze %dma_wait3A_76 : memref<1x128xi32, #tpu.memory_space<vmem>> -> memref<128xi32, #tpu.memory_space<vmem>>
        %dma_wait3A_78 = arith.constant 0 : i32
        %dma_wait3A_79 = arith.constant 0 : i32
        %dma_wait3A_80 = tpu.memref_slice %arg2[%dma_wait3A_78, %dma_wait3A_79] : memref<10240x128xf32, #tpu.memory_space<hbm>> -> memref<10240x128xf32, #tpu.memory_space<hbm>>
        tpu.wait_indirect_dma semaphore(%arg11 : memref<!tpu.dma_semaphore, #tpu.memory_space<semaphore_mem>>) src(%dma_wait3A_80 : memref<10240x128xf32, #tpu.memory_space<hbm>>) dst(%dma_wait3A_74 : memref<128x128xf32, #tpu.memory_space<vmem>>)
        %run_scoped3A = arith.constant 0 : i32
        "tpu.region"() ({
          %run_scoped3A_101 = tpu.sem_alloc : memref<!tpu.dma_semaphore, #tpu.memory_space<semaphore_mem>>
          %dma_start3A_102 = arith.constant 0 : i32
          %dma_start3A_103 = arith.constant 0 : i32
          %dma_start3A_104 = tpu.memref_slice %arg10[%run_scoped3A, %dma_start3A_102, %dma_start3A_103] : memref<2x128x128xf32, #tpu.memory_space<vmem>> -> memref<1x128x128xf32, #tpu.memory_space<vmem>>
          %dma_start3A_105 = tpu.memref_squeeze %dma_start3A_104 : memref<1x128x128xf32, #tpu.memory_space<vmem>> -> memref<128x128xf32, #tpu.memory_space<vmem>>
          %dma_start3A_106 = arith.constant 0 : i32
          %dma_start3A_107 = tpu.memref_slice %arg9[%mul3A_57, %dma_start3A_106] : memref<40x128xi32, #tpu.memory_space<vmem>> -> memref<1x128xi32, #tpu.memory_space<vmem>>
          %dma_start3A_108 = tpu.memref_squeeze %dma_start3A_107 : memref<1x128xi32, #tpu.memory_space<vmem>> -> memref<128xi32, #tpu.memory_space<vmem>>
          %dma_start3A_109 = arith.constant 0 : i32
          %dma_start3A_110 = arith.constant 0 : i32
          %dma_start3A_111 = tpu.memref_slice %arg7[%dma_start3A_109, %dma_start3A_110] : memref<10240x128xf32, #tpu.memory_space<vmem_shared>> -> memref<10240x128xf32, #tpu.memory_space<vmem_shared>>
          tpu.enqueue_indirect_dma source(%dma_start3A_105 : memref<128x128xf32, #tpu.memory_space<vmem>>) target(%dma_start3A_111 : memref<10240x128xf32, #tpu.memory_space<vmem_shared>>) offsets(%dma_start3A_108 : memref<128xi32, #tpu.memory_space<vmem>>) semaphore(%run_scoped3A_101 : memref<!tpu.dma_semaphore, #tpu.memory_space<semaphore_mem>>) {add = true}
          %dma_wait3A_112 = arith.constant 0 : i32
          %dma_wait3A_113 = arith.constant 0 : i32
          %dma_wait3A_114 = tpu.memref_slice %arg10[%run_scoped3A, %dma_wait3A_112, %dma_wait3A_113] : memref<2x128x128xf32, #tpu.memory_space<vmem>> -> memref<1x128x128xf32, #tpu.memory_space<vmem>>
          %dma_wait3A_115 = tpu.memref_squeeze %dma_wait3A_114 : memref<1x128x128xf32, #tpu.memory_space<vmem>> -> memref<128x128xf32, #tpu.memory_space<vmem>>
          %dma_wait3A_116 = arith.constant 0 : i32
          %dma_wait3A_117 = tpu.memref_slice %arg9[%mul3A_57, %dma_wait3A_116] : memref<40x128xi32, #tpu.memory_space<vmem>> -> memref<1x128xi32, #tpu.memory_space<vmem>>
          %dma_wait3A_118 = tpu.memref_squeeze %dma_wait3A_117 : memref<1x128xi32, #tpu.memory_space<vmem>> -> memref<128xi32, #tpu.memory_space<vmem>>
          %dma_wait3A_119 = arith.constant 0 : i32
          %dma_wait3A_120 = arith.constant 0 : i32
          %dma_wait3A_121 = tpu.memref_slice %arg7[%dma_wait3A_119, %dma_wait3A_120] : memref<10240x128xf32, #tpu.memory_space<vmem_shared>> -> memref<10240x128xf32, #tpu.memory_space<vmem_shared>>
          tpu.wait_indirect_dma semaphore(%run_scoped3A_101 : memref<!tpu.dma_semaphore, #tpu.memory_space<semaphore_mem>>) src(%dma_wait3A_115 : memref<128x128xf32, #tpu.memory_space<vmem>>) dst(%dma_wait3A_121 : memref<10240x128xf32, #tpu.memory_space<vmem_shared>>)
          tpu.yield
        }) : () -> ()
        %lt3A = arith.constant 19 : i32
        %lt3A_81 = arith.cmpi slt, %scan3A_55, %lt3A : i32
        %convert_element_type3A_82 = arith.extui %lt3A_81 : i1 to i32
        %cond3A_83 = arith.constant 0 : i32
        %cond3A_84 = arith.cmpi ne, %convert_element_type3A_82, %cond3A_83 : i32
        scf.if %cond3A_84 {
          %add3A_101 = arith.constant 2 : i32
          %add3A_102 = arith.addi %mul3A_57, %add3A_101 : i32
          %dma_start3A_103 = arith.constant 0 : i32
          %dma_start3A_104 = arith.constant 0 : i32
          %dma_start3A_105 = arith.constant 0 : i32
          %dma_start3A_106 = tpu.memref_slice %arg10[%dma_start3A_103, %dma_start3A_104, %dma_start3A_105] : memref<2x128x128xf32, #tpu.memory_space<vmem>> -> memref<1x128x128xf32, #tpu.memory_space<vmem>>
          %dma_start3A_107 = tpu.memref_squeeze %dma_start3A_106 : memref<1x128x128xf32, #tpu.memory_space<vmem>> -> memref<128x128xf32, #tpu.memory_space<vmem>>
          %dma_start3A_108 = arith.constant 0 : i32
          %dma_start3A_109 = tpu.memref_slice %arg8[%add3A_102, %dma_start3A_108] : memref<40x128xi32, #tpu.memory_space<vmem>> -> memref<1x128xi32, #tpu.memory_space<vmem>>
          %dma_start3A_110 = tpu.memref_squeeze %dma_start3A_109 : memref<1x128xi32, #tpu.memory_space<vmem>> -> memref<128xi32, #tpu.memory_space<vmem>>
          %dma_start3A_111 = arith.constant 0 : i32
          %dma_start3A_112 = arith.constant 0 : i32
          %dma_start3A_113 = tpu.memref_slice %arg2[%dma_start3A_111, %dma_start3A_112] : memref<10240x128xf32, #tpu.memory_space<hbm>> -> memref<10240x128xf32, #tpu.memory_space<hbm>>
          tpu.enqueue_indirect_dma source(%dma_start3A_113 : memref<10240x128xf32, #tpu.memory_space<hbm>>) target(%dma_start3A_107 : memref<128x128xf32, #tpu.memory_space<vmem>>) offsets(%dma_start3A_110 : memref<128xi32, #tpu.memory_space<vmem>>) semaphore(%arg11 : memref<!tpu.dma_semaphore, #tpu.memory_space<semaphore_mem>>)
        } else {
        }
        %add3A_85 = arith.constant 1 : i32
        %add3A_86 = arith.addi %mul3A_57, %add3A_85 : i32
        %dma_wait3A_87 = arith.constant 1 : i32
        %dma_wait3A_88 = arith.constant 0 : i32
        %dma_wait3A_89 = arith.constant 0 : i32
        %dma_wait3A_90 = tpu.memref_slice %arg10[%dma_wait3A_87, %dma_wait3A_88, %dma_wait3A_89] : memref<2x128x128xf32, #tpu.memory_space<vmem>> -> memref<1x128x128xf32, #tpu.memory_space<vmem>>
        %dma_wait3A_91 = tpu.memref_squeeze %dma_wait3A_90 : memref<1x128x128xf32, #tpu.memory_space<vmem>> -> memref<128x128xf32, #tpu.memory_space<vmem>>
        %dma_wait3A_92 = arith.constant 0 : i32
        %dma_wait3A_93 = tpu.memref_slice %arg8[%add3A_86, %dma_wait3A_92] : memref<40x128xi32, #tpu.memory_space<vmem>> -> memref<1x128xi32, #tpu.memory_space<vmem>>
        %dma_wait3A_94 = tpu.memref_squeeze %dma_wait3A_93 : memref<1x128xi32, #tpu.memory_space<vmem>> -> memref<128xi32, #tpu.memory_space<vmem>>
        %dma_wait3A_95 = arith.constant 0 : i32
        %dma_wait3A_96 = arith.constant 0 : i32
        %dma_wait3A_97 = tpu.memref_slice %arg2[%dma_wait3A_95, %dma_wait3A_96] : memref<10240x128xf32, #tpu.memory_space<hbm>> -> memref<10240x128xf32, #tpu.memory_space<hbm>>
        tpu.wait_indirect_dma semaphore(%arg12 : memref<!tpu.dma_semaphore, #tpu.memory_space<semaphore_mem>>) src(%dma_wait3A_97 : memref<10240x128xf32, #tpu.memory_space<hbm>>) dst(%dma_wait3A_91 : memref<128x128xf32, #tpu.memory_space<vmem>>)
        %add3A_98 = arith.constant 1 : i32
        %add3A_99 = arith.addi %mul3A_57, %add3A_98 : i32
        %run_scoped3A_100 = arith.constant 1 : i32
        "tpu.region"() ({
          %run_scoped3A_101 = tpu.sem_alloc : memref<!tpu.dma_semaphore, #tpu.memory_space<semaphore_mem>>
          %dma_start3A_102 = arith.constant 0 : i32
          %dma_start3A_103 = arith.constant 0 : i32
          %dma_start3A_104 = tpu.memref_slice %arg10[%run_scoped3A_100, %dma_start3A_102, %dma_start3A_103] : memref<2x128x128xf32, #tpu.memory_space<vmem>> -> memref<1x128x128xf32, #tpu.memory_space<vmem>>
          %dma_start3A_105 = tpu.memref_squeeze %dma_start3A_104 : memref<1x128x128xf32, #tpu.memory_space<vmem>> -> memref<128x128xf32, #tpu.memory_space<vmem>>
          %dma_start3A_106 = arith.constant 0 : i32
          %dma_start3A_107 = tpu.memref_slice %arg9[%add3A_99, %dma_start3A_106] : memref<40x128xi32, #tpu.memory_space<vmem>> -> memref<1x128xi32, #tpu.memory_space<vmem>>
          %dma_start3A_108 = tpu.memref_squeeze %dma_start3A_107 : memref<1x128xi32, #tpu.memory_space<vmem>> -> memref<128xi32, #tpu.memory_space<vmem>>
          %dma_start3A_109 = arith.constant 0 : i32
          %dma_start3A_110 = arith.constant 0 : i32
          %dma_start3A_111 = tpu.memref_slice %arg7[%dma_start3A_109, %dma_start3A_110] : memref<10240x128xf32, #tpu.memory_space<vmem_shared>> -> memref<10240x128xf32, #tpu.memory_space<vmem_shared>>
          tpu.enqueue_indirect_dma source(%dma_start3A_105 : memref<128x128xf32, #tpu.memory_space<vmem>>) target(%dma_start3A_111 : memref<10240x128xf32, #tpu.memory_space<vmem_shared>>) offsets(%dma_start3A_108 : memref<128xi32, #tpu.memory_space<vmem>>) semaphore(%run_scoped3A_101 : memref<!tpu.dma_semaphore, #tpu.memory_space<semaphore_mem>>) {add = true}
          %dma_wait3A_112 = arith.constant 0 : i32
          %dma_wait3A_113 = arith.constant 0 : i32
          %dma_wait3A_114 = tpu.memref_slice %arg10[%run_scoped3A_100, %dma_wait3A_112, %dma_wait3A_113] : memref<2x128x128xf32, #tpu.memory_space<vmem>> -> memref<1x128x128xf32, #tpu.memory_space<vmem>>
          %dma_wait3A_115 = tpu.memref_squeeze %dma_wait3A_114 : memref<1x128x128xf32, #tpu.memory_space<vmem>> -> memref<128x128xf32, #tpu.memory_space<vmem>>
          %dma_wait3A_116 = arith.constant 0 : i32
          %dma_wait3A_117 = tpu.memref_slice %arg9[%add3A_99, %dma_wait3A_116] : memref<40x128xi32, #tpu.memory_space<vmem>> -> memref<1x128xi32, #tpu.memory_space<vmem>>
          %dma_wait3A_118 = tpu.memref_squeeze %dma_wait3A_117 : memref<1x128xi32, #tpu.memory_space<vmem>> -> memref<128xi32, #tpu.memory_space<vmem>>
          %dma_wait3A_119 = arith.constant 0 : i32
          %dma_wait3A_120 = arith.constant 0 : i32
          %dma_wait3A_121 = tpu.memref_slice %arg7[%dma_wait3A_119, %dma_wait3A_120] : memref<10240x128xf32, #tpu.memory_space<vmem_shared>> -> memref<10240x128xf32, #tpu.memory_space<vmem_shared>>
          tpu.wait_indirect_dma semaphore(%run_scoped3A_101 : memref<!tpu.dma_semaphore, #tpu.memory_space<semaphore_mem>>) src(%dma_wait3A_115 : memref<128x128xf32, #tpu.memory_space<vmem>>) dst(%dma_wait3A_121 : memref<10240x128xf32, #tpu.memory_space<vmem_shared>>)
          tpu.yield
        }) : () -> ()
      }
      %scan3A_54 = arith.constant 20 : i32
    }
    %scan3A_22 = arith.constant 2 : i32
    %barrier3A_23 = arith.constant 0 : index
    tpu.barrier barrier_id(%barrier3A_23)
    %eq3A = arith.constant 0 : i32
    %eq3A_24 = arith.cmpi eq, %arg0, %eq3A : i32
    %convert_element_type3A = arith.extui %eq3A_24 : i1 to i32
    %cond3A = arith.constant 0 : i32
    %cond3A_25 = arith.cmpi ne, %convert_element_type3A, %cond3A : i32
    scf.if %cond3A_25 {
      "tpu.region"() ({
        %run_scoped3A = tpu.sem_alloc : memref<!tpu.dma_semaphore, #tpu.memory_space<semaphore_mem>>
        %dma_start3A = arith.constant 0 : i32
        %dma_start3A_31 = tpu.memref_slice %arg5[%mul3A_2, %dma_start3A] : memref<10240x128xf32, #tpu.memory_space<hbm>> -> memref<640x128xf32, #tpu.memory_space<hbm>>
        %dma_start3A_32 = arith.constant 0 : i32
        %dma_start3A_33 = tpu.memref_slice %arg7[%mul3A_2, %dma_start3A_32] : memref<10240x128xf32, #tpu.memory_space<vmem_shared>> -> memref<640x128xf32, #tpu.memory_space<vmem_shared>>
        tpu.enqueue_dma source(%dma_start3A_33 : memref<640x128xf32, #tpu.memory_space<vmem_shared>>) target(%dma_start3A_31 : memref<640x128xf32, #tpu.memory_space<hbm>>) target_semaphore(%run_scoped3A : memref<!tpu.dma_semaphore, #tpu.memory_space<semaphore_mem>>)
        %dma_wait3A = arith.constant 0 : i32
        %dma_wait3A_34 = tpu.memref_slice %arg5[%mul3A_2, %dma_wait3A] : memref<10240x128xf32, #tpu.memory_space<hbm>> -> memref<640x128xf32, #tpu.memory_space<hbm>>
        %dma_wait3A_35 = arith.constant 0 : i32
        %dma_wait3A_36 = tpu.memref_slice %arg7[%mul3A_2, %dma_wait3A_35] : memref<10240x128xf32, #tpu.memory_space<vmem_shared>> -> memref<640x128xf32, #tpu.memory_space<vmem_shared>>
        tpu.wait_dma2 semaphore(%run_scoped3A : memref<!tpu.dma_semaphore, #tpu.memory_space<semaphore_mem>>) src(%dma_wait3A_36 : memref<640x128xf32, #tpu.memory_space<vmem_shared>>) dst(%dma_wait3A_34 : memref<640x128xf32, #tpu.memory_space<hbm>>)
        tpu.yield
      }) : () -> ()
    } else {
    }
    %eq3A_26 = arith.constant 1 : i32
    %eq3A_27 = arith.cmpi eq, %arg0, %eq3A_26 : i32
    %convert_element_type3A_28 = arith.extui %eq3A_27 : i1 to i32
    %cond3A_29 = arith.constant 0 : i32
    %cond3A_30 = arith.cmpi ne, %convert_element_type3A_28, %cond3A_29 : i32
    scf.if %cond3A_30 {
      "tpu.region"() ({
        %run_scoped3A = tpu.sem_alloc : memref<!tpu.dma_semaphore, #tpu.memory_space<semaphore_mem>>
        %dma_start3A = arith.constant 0 : i32
        %dma_start3A_31 = tpu.memref_slice %arg6[%mul3A_2, %dma_start3A] : memref<10240x128xf32, #tpu.memory_space<hbm>> -> memref<640x128xf32, #tpu.memory_space<hbm>>
        %dma_start3A_32 = arith.constant 0 : i32
        %dma_start3A_33 = tpu.memref_slice %arg7[%mul3A_2, %dma_start3A_32] : memref<10240x128xf32, #tpu.memory_space<vmem_shared>> -> memref<640x128xf32, #tpu.memory_space<vmem_shared>>
        tpu.enqueue_dma source(%dma_start3A_33 : memref<640x128xf32, #tpu.memory_space<vmem_shared>>) target(%dma_start3A_31 : memref<640x128xf32, #tpu.memory_space<hbm>>) target_semaphore(%run_scoped3A : memref<!tpu.dma_semaphore, #tpu.memory_space<semaphore_mem>>)
        %dma_wait3A = arith.constant 0 : i32
        %dma_wait3A_34 = tpu.memref_slice %arg6[%mul3A_2, %dma_wait3A] : memref<10240x128xf32, #tpu.memory_space<hbm>> -> memref<640x128xf32, #tpu.memory_space<hbm>>
        %dma_wait3A_35 = arith.constant 0 : i32
        %dma_wait3A_36 = tpu.memref_slice %arg7[%mul3A_2, %dma_wait3A_35] : memref<10240x128xf32, #tpu.memory_space<vmem_shared>> -> memref<640x128xf32, #tpu.memory_space<vmem_shared>>
        tpu.wait_dma2 semaphore(%run_scoped3A : memref<!tpu.dma_semaphore, #tpu.memory_space<semaphore_mem>>) src(%dma_wait3A_36 : memref<640x128xf32, #tpu.memory_space<vmem_shared>>) dst(%dma_wait3A_34 : memref<640x128xf32, #tpu.memory_space<hbm>>)
        tpu.yield
      }) : () -> ()
    } else {
    }
    return
  }
}

module attributes {stable_mosaic.version = 14 : i64} {
  func.func @body(%arg0: i32, %arg1: memref<1024x128xf32, #tpu.memory_space<vmem>>, %arg2: memref<128x128xf32, #tpu.memory_space<vmem>>, %arg3: memref<1x128xf32, #tpu.memory_space<vmem>>, %arg4: memref<128x128xf32, #tpu.memory_space<vmem>>, %arg5: memref<1x128xf32, #tpu.memory_space<vmem>>, %arg6: memref<1024x128xf32, #tpu.memory_space<vmem>>) attributes {dimension_semantics = [#tpu.dimension_semantics<arbitrary>], iteration_bounds = array<i64: 10>, scalar_prefetch = 0 : i64, scratch_operands = 0 : i64, tpu.core_type = #tpu.core_type<tc>, window_params = [{transform_indices = @transform_0, window_bounds = array<i64: 1024, 128>}, {pipeline_mode = #tpu.pipeline_mode<synchronous>, transform_indices = @transform_1, window_bounds = array<i64: 128, 128>}, {pipeline_mode = #tpu.pipeline_mode<synchronous>, transform_indices = @transform_2, window_bounds = array<i64: 1, 128>}, {pipeline_mode = #tpu.pipeline_mode<synchronous>, transform_indices = @transform_3, window_bounds = array<i64: 128, 128>}, {pipeline_mode = #tpu.pipeline_mode<synchronous>, transform_indices = @transform_4, window_bounds = array<i64: 1, 128>}, {transform_indices = @transform_5, window_bounds = array<i64: 1024, 128>}]} {
    %get3A = arith.constant 0 : index
    %get3A_0 = arith.constant 0 : index
    %get3A_1 = vector.load %arg1[%get3A, %get3A_0] : memref<1024x128xf32, #tpu.memory_space<vmem>>, vector<1024x128xf32>
    %get3A_2 = arith.constant 0 : index
    %get3A_3 = arith.constant 0 : index
    %get3A_4 = vector.load %arg2[%get3A_2, %get3A_3] : memref<128x128xf32, #tpu.memory_space<vmem>>, vector<128x128xf32>
    %dot_general3A = arith.constant dense<0.000000e+00> : vector<1024x128xf32>
    %dot_general3A_5 = tpu.matmul %get3A_1, %get3A_4, %dot_general3A {dimension_numbers = #tpu.dot_dimension_numbers<[1], [0], [0], [1], [0, 0, 1, 1], [], []>, transpose_lhs_hint = false} : vector<1024x128xf32>, vector<128x128xf32>, vector<1024x128xf32> -> vector<1024x128xf32>
    %get3A_6 = arith.constant 0 : index
    %get3A_7 = arith.constant 0 : index
    %get3A_8 = vector.load %arg3[%get3A_6, %get3A_7] : memref<1x128xf32, #tpu.memory_space<vmem>>, vector<1x128xf32>
    %add3A = vector.broadcast %get3A_8 : vector<1x128xf32> to vector<1024x128xf32>
    %add3A_9 = arith.addf %dot_general3A_5, %add3A : vector<1024x128xf32>
    %max3A = arith.constant 0.000000e+00 : f32
    %max3A_10 = vector.broadcast %max3A : f32 to vector<1024x128xf32>
    %max3A_11 = arith.maximumf %add3A_9, %max3A_10 : vector<1024x128xf32>
    %get3A_12 = arith.constant 0 : index
    %get3A_13 = arith.constant 0 : index
    %get3A_14 = vector.load %arg4[%get3A_12, %get3A_13] : memref<128x128xf32, #tpu.memory_space<vmem>>, vector<128x128xf32>
    %dot_general3A_15 = arith.constant dense<0.000000e+00> : vector<1024x128xf32>
    %dot_general3A_16 = tpu.matmul %max3A_11, %get3A_14, %dot_general3A_15 {dimension_numbers = #tpu.dot_dimension_numbers<[1], [0], [0], [1], [0, 0, 1, 1], [], []>, transpose_lhs_hint = false} : vector<1024x128xf32>, vector<128x128xf32>, vector<1024x128xf32> -> vector<1024x128xf32>
    %get3A_17 = arith.constant 0 : index
    %get3A_18 = arith.constant 0 : index
    %get3A_19 = vector.load %arg5[%get3A_17, %get3A_18] : memref<1x128xf32, #tpu.memory_space<vmem>>, vector<1x128xf32>
    %add3A_20 = vector.broadcast %get3A_19 : vector<1x128xf32> to vector<1024x128xf32>
    %add3A_21 = arith.addf %dot_general3A_16, %add3A_20 : vector<1024x128xf32>
    %max3A_22 = arith.constant 0.000000e+00 : f32
    %max3A_23 = vector.broadcast %max3A_22 : f32 to vector<1024x128xf32>
    %max3A_24 = arith.maximumf %add3A_21, %max3A_23 : vector<1024x128xf32>
    %swap3A = arith.constant 0 : index
    %swap3A_25 = arith.constant 0 : index
    %swap3A_26 = vector.load %arg6[%swap3A, %swap3A_25] : memref<1024x128xf32, #tpu.memory_space<vmem>>, vector<1024x128xf32>
    tpu.vector_store %arg6[%swap3A, %swap3A_25], %max3A_24 {strides = array<i32>} : memref<1024x128xf32, #tpu.memory_space<vmem>>, vector<1024x128xf32>,
    return
  }
  func.func @transform_0(%arg0: i32) -> (i32, i32) {
    %c0_i32 = arith.constant 0 : i32
    %c0_i32_0 = arith.constant 0 : i32
    return %arg0, %c0_i32 : i32, i32
  }
  func.func @transform_1(%arg0: i32) -> (i32, i32) {
    %c0_i32 = arith.constant 0 : i32
    %c0_i32_0 = arith.constant 0 : i32
    %c0_i32_1 = arith.constant 0 : i32
    return %c0_i32, %c0_i32_0 : i32, i32
  }
  func.func @transform_2(%arg0: i32) -> (i32, i32) {
    %c0_i32 = arith.constant 0 : i32
    %c0_i32_0 = arith.constant 0 : i32
    %c0_i32_1 = arith.constant 0 : i32
    return %c0_i32, %c0_i32_0 : i32, i32
  }
  func.func @transform_3(%arg0: i32) -> (i32, i32) {
    %c0_i32 = arith.constant 0 : i32
    %c0_i32_0 = arith.constant 0 : i32
    %c0_i32_1 = arith.constant 0 : i32
    return %c0_i32, %c0_i32_0 : i32, i32
  }
  func.func @transform_4(%arg0: i32) -> (i32, i32) {
    %c0_i32 = arith.constant 0 : i32
    %c0_i32_0 = arith.constant 0 : i32
    %c0_i32_1 = arith.constant 0 : i32
    return %c0_i32, %c0_i32_0 : i32, i32
  }
  func.func @transform_5(%arg0: i32) -> (i32, i32) {
    %c0_i32 = arith.constant 0 : i32
    %c0_i32_0 = arith.constant 0 : i32
    return %arg0, %c0_i32 : i32, i32
  }
}

module attributes {stable_mosaic.version = 14 : i64} {
  func.func @body(%arg0: i32, %arg1: memref<1024x128xf32, #tpu.memory_space<vmem>>, %arg2: memref<1024x128xf32, #tpu.memory_space<vmem>>, %arg3: memref<1024x128xf32, #tpu.memory_space<vmem>>, %arg4: memref<128x128xf32, #tpu.memory_space<vmem>>, %arg5: memref<1x128xf32, #tpu.memory_space<vmem>>, %arg6: memref<128x128xf32, #tpu.memory_space<vmem>>, %arg7: memref<1024x128xf32, #tpu.memory_space<vmem>>) attributes {dimension_semantics = [#tpu.dimension_semantics<arbitrary>], iteration_bounds = array<i64: 10>, scalar_prefetch = 0 : i64, scratch_operands = 0 : i64, tpu.core_type = #tpu.core_type<tc>, window_params = [{transform_indices = @transform_0, window_bounds = array<i64: 1024, 128>}, {transform_indices = @transform_1, window_bounds = array<i64: 1024, 128>}, {transform_indices = @transform_2, window_bounds = array<i64: 1024, 128>}, {pipeline_mode = #tpu.pipeline_mode<synchronous>, transform_indices = @transform_3, window_bounds = array<i64: 128, 128>}, {pipeline_mode = #tpu.pipeline_mode<synchronous>, transform_indices = @transform_4, window_bounds = array<i64: 1, 128>}, {pipeline_mode = #tpu.pipeline_mode<synchronous>, transform_indices = @transform_5, window_bounds = array<i64: 128, 128>}, {transform_indices = @transform_6, window_bounds = array<i64: 1024, 128>}]} {
    %get3A = arith.constant 0 : index
    %get3A_0 = arith.constant 0 : index
    %get3A_1 = vector.load %arg1[%get3A, %get3A_0] : memref<1024x128xf32, #tpu.memory_space<vmem>>, vector<1024x128xf32>
    %get3A_2 = arith.constant 0 : index
    %get3A_3 = arith.constant 0 : index
    %get3A_4 = vector.load %arg2[%get3A_2, %get3A_3] : memref<1024x128xf32, #tpu.memory_space<vmem>>, vector<1024x128xf32>
    %add3A = arith.addf %get3A_1, %get3A_4 : vector<1024x128xf32>
    %get3A_5 = arith.constant 0 : index
    %get3A_6 = arith.constant 0 : index
    %get3A_7 = vector.load %arg3[%get3A_5, %get3A_6] : memref<1024x128xf32, #tpu.memory_space<vmem>>, vector<1024x128xf32>
    %get3A_8 = arith.constant 0 : index
    %get3A_9 = arith.constant 0 : index
    %get3A_10 = vector.load %arg4[%get3A_8, %get3A_9] : memref<128x128xf32, #tpu.memory_space<vmem>>, vector<128x128xf32>
    %dot_general3A = arith.constant dense<0.000000e+00> : vector<1024x128xf32>
    %dot_general3A_11 = tpu.matmul %add3A, %get3A_10, %dot_general3A {dimension_numbers = #tpu.dot_dimension_numbers<[1], [0], [0], [1], [0, 0, 1, 1], [], []>, transpose_lhs_hint = false} : vector<1024x128xf32>, vector<128x128xf32>, vector<1024x128xf32> -> vector<1024x128xf32>
    %get3A_12 = arith.constant 0 : index
    %get3A_13 = arith.constant 0 : index
    %get3A_14 = vector.load %arg5[%get3A_12, %get3A_13] : memref<1x128xf32, #tpu.memory_space<vmem>>, vector<1x128xf32>
    %add3A_15 = vector.broadcast %get3A_14 : vector<1x128xf32> to vector<1024x128xf32>
    %add3A_16 = arith.addf %dot_general3A_11, %add3A_15 : vector<1024x128xf32>
    %get3A_17 = arith.constant 0 : index
    %get3A_18 = arith.constant 0 : index
    %get3A_19 = vector.load %arg6[%get3A_17, %get3A_18] : memref<128x128xf32, #tpu.memory_space<vmem>>, vector<128x128xf32>
    %dot_general3A_20 = arith.constant dense<0.000000e+00> : vector<1024x128xf32>
    %dot_general3A_21 = tpu.matmul %get3A_7, %get3A_19, %dot_general3A_20 {dimension_numbers = #tpu.dot_dimension_numbers<[1], [0], [0], [1], [0, 0, 1, 1], [], []>, transpose_lhs_hint = false} : vector<1024x128xf32>, vector<128x128xf32>, vector<1024x128xf32> -> vector<1024x128xf32>
    %add3A_22 = arith.addf %add3A_16, %dot_general3A_21 : vector<1024x128xf32>
    %max3A = arith.constant 0.000000e+00 : f32
    %max3A_23 = vector.broadcast %max3A : f32 to vector<1024x128xf32>
    %max3A_24 = arith.maximumf %add3A_22, %max3A_23 : vector<1024x128xf32>
    %add3A_25 = arith.addf %max3A_24, %get3A_7 : vector<1024x128xf32>
    %swap3A = arith.constant 0 : index
    %swap3A_26 = arith.constant 0 : index
    %swap3A_27 = vector.load %arg7[%swap3A, %swap3A_26] : memref<1024x128xf32, #tpu.memory_space<vmem>>, vector<1024x128xf32>
    tpu.vector_store %arg7[%swap3A, %swap3A_26], %add3A_25 {strides = array<i32>} : memref<1024x128xf32, #tpu.memory_space<vmem>>, vector<1024x128xf32>,
    return
  }
  func.func @transform_0(%arg0: i32) -> (i32, i32) {
    %c0_i32 = arith.constant 0 : i32
    %c0_i32_0 = arith.constant 0 : i32
    return %arg0, %c0_i32 : i32, i32
  }
  func.func @transform_1(%arg0: i32) -> (i32, i32) {
    %c0_i32 = arith.constant 0 : i32
    %c0_i32_0 = arith.constant 0 : i32
    return %arg0, %c0_i32 : i32, i32
  }
  func.func @transform_2(%arg0: i32) -> (i32, i32) {
    %c0_i32 = arith.constant 0 : i32
    %c0_i32_0 = arith.constant 0 : i32
    return %arg0, %c0_i32 : i32, i32
  }
  func.func @transform_3(%arg0: i32) -> (i32, i32) {
    %c0_i32 = arith.constant 0 : i32
    %c0_i32_0 = arith.constant 0 : i32
    %c0_i32_1 = arith.constant 0 : i32
    return %c0_i32, %c0_i32_0 : i32, i32
  }
  func.func @transform_4(%arg0: i32) -> (i32, i32) {
    %c0_i32 = arith.constant 0 : i32
    %c0_i32_0 = arith.constant 0 : i32
    %c0_i32_1 = arith.constant 0 : i32
    return %c0_i32, %c0_i32_0 : i32, i32
  }
  func.func @transform_5(%arg0: i32) -> (i32, i32) {
    %c0_i32 = arith.constant 0 : i32
    %c0_i32_0 = arith.constant 0 : i32
    %c0_i32_1 = arith.constant 0 : i32
    return %c0_i32, %c0_i32_0 : i32, i32
  }
  func.func @transform_6(%arg0: i32) -> (i32, i32) {
    %c0_i32 = arith.constant 0 : i32
    %c0_i32_0 = arith.constant 0 : i32
    return %arg0, %c0_i32 : i32, i32
  }
}

module attributes {stable_mosaic.version = 14 : i64} {
  func.func @body(%arg0: memref<64x384xf32, #tpu.memory_space<vmem>>, %arg1: memref<64x32xf32, #tpu.memory_space<vmem>>, %arg2: memref<32x128xf32, #tpu.memory_space<vmem>>, %arg3: memref<1x128xf32, #tpu.memory_space<vmem>>, %arg4: memref<128x128xf32, #tpu.memory_space<vmem>>, %arg5: memref<1x128xf32, #tpu.memory_space<vmem>>, %arg6: memref<384x256xf32, #tpu.memory_space<vmem>>, %arg7: memref<128x256xf32, #tpu.memory_space<vmem>>, %arg8: memref<1x256xf32, #tpu.memory_space<vmem>>, %arg9: memref<256x128xf32, #tpu.memory_space<vmem>>, %arg10: memref<1x128xf32, #tpu.memory_space<vmem>>, %arg11: memref<128x64xf32, #tpu.memory_space<vmem>>, %arg12: memref<1x64xf32, #tpu.memory_space<vmem>>, %arg13: memref<64x128xf32, #tpu.memory_space<vmem>>, %arg14: memref<1x128xf32, #tpu.memory_space<vmem>>, %arg15: memref<64x128xf32, #tpu.memory_space<vmem>>) attributes {dimension_semantics = [], scalar_prefetch = 0 : i64, scratch_operands = 0 : i64, tpu.core_type = #tpu.core_type<tc>} {
    %get3A = arith.constant 0 : index
    %get3A_0 = arith.constant 0 : index
    %get3A_1 = vector.load %arg1[%get3A, %get3A_0] : memref<64x32xf32, #tpu.memory_space<vmem>>, vector<64x32xf32>
    %get3A_2 = arith.constant 0 : index
    %get3A_3 = arith.constant 0 : index
    %get3A_4 = vector.load %arg2[%get3A_2, %get3A_3] : memref<32x128xf32, #tpu.memory_space<vmem>>, vector<32x128xf32>
    %dot_general3A = arith.constant dense<0.000000e+00> : vector<64x128xf32>
    %dot_general3A_5 = tpu.matmul %get3A_1, %get3A_4, %dot_general3A {dimension_numbers = #tpu.dot_dimension_numbers<[1], [0], [0], [1], [0, 0, 1, 1], [], []>, transpose_lhs_hint = false} : vector<64x32xf32>, vector<32x128xf32>, vector<64x128xf32> -> vector<64x128xf32>
    %get3A_6 = arith.constant 0 : index
    %get3A_7 = arith.constant 0 : index
    %get3A_8 = vector.load %arg3[%get3A_6, %get3A_7] : memref<1x128xf32, #tpu.memory_space<vmem>>, vector<1x128xf32>
    %add3A = vector.broadcast %get3A_8 : vector<1x128xf32> to vector<64x128xf32>
    %add3A_9 = arith.addf %dot_general3A_5, %add3A : vector<64x128xf32>
    %max3A = arith.constant 0.000000e+00 : f32
    %max3A_10 = vector.broadcast %max3A : f32 to vector<64x128xf32>
    %max3A_11 = arith.maximumf %add3A_9, %max3A_10 : vector<64x128xf32>
    %get3A_12 = arith.constant 0 : index
    %get3A_13 = arith.constant 0 : index
    %get3A_14 = vector.load %arg4[%get3A_12, %get3A_13] : memref<128x128xf32, #tpu.memory_space<vmem>>, vector<128x128xf32>
    %dot_general3A_15 = arith.constant dense<0.000000e+00> : vector<64x128xf32>
    %dot_general3A_16 = tpu.matmul %max3A_11, %get3A_14, %dot_general3A_15 {dimension_numbers = #tpu.dot_dimension_numbers<[1], [0], [0], [1], [0, 0, 1, 1], [], []>, transpose_lhs_hint = false} : vector<64x128xf32>, vector<128x128xf32>, vector<64x128xf32> -> vector<64x128xf32>
    %get3A_17 = arith.constant 0 : index
    %get3A_18 = arith.constant 0 : index
    %get3A_19 = vector.load %arg5[%get3A_17, %get3A_18] : memref<1x128xf32, #tpu.memory_space<vmem>>, vector<1x128xf32>
    %add3A_20 = vector.broadcast %get3A_19 : vector<1x128xf32> to vector<64x128xf32>
    %add3A_21 = arith.addf %dot_general3A_16, %add3A_20 : vector<64x128xf32>
    %max3A_22 = arith.constant 0.000000e+00 : f32
    %max3A_23 = vector.broadcast %max3A_22 : f32 to vector<64x128xf32>
    %max3A_24 = arith.maximumf %add3A_21, %max3A_23 : vector<64x128xf32>
    %get3A_25 = arith.constant 0 : index
    %get3A_26 = arith.constant 0 : index
    %get3A_27 = vector.load %arg0[%get3A_25, %get3A_26] : memref<64x384xf32, #tpu.memory_space<vmem>>, vector<64x384xf32>
    %get3A_28 = arith.constant 0 : index
    %get3A_29 = arith.constant 0 : index
    %get3A_30 = vector.load %arg6[%get3A_28, %get3A_29] : memref<384x256xf32, #tpu.memory_space<vmem>>, vector<384x256xf32>
    %dot_general3A_31 = arith.constant dense<0.000000e+00> : vector<64x256xf32>
    %dot_general3A_32 = tpu.matmul %get3A_27, %get3A_30, %dot_general3A_31 {dimension_numbers = #tpu.dot_dimension_numbers<[1], [0], [0], [1], [0, 0, 1, 1], [], []>, transpose_lhs_hint = false} : vector<64x384xf32>, vector<384x256xf32>, vector<64x256xf32> -> vector<64x256xf32>
    %get3A_33 = arith.constant 0 : index
    %get3A_34 = arith.constant 0 : index
    %get3A_35 = vector.load %arg7[%get3A_33, %get3A_34] : memref<128x256xf32, #tpu.memory_space<vmem>>, vector<128x256xf32>
    %dot_general3A_36 = arith.constant dense<0.000000e+00> : vector<64x256xf32>
    %dot_general3A_37 = tpu.matmul %max3A_24, %get3A_35, %dot_general3A_36 {dimension_numbers = #tpu.dot_dimension_numbers<[1], [0], [0], [1], [0, 0, 1, 1], [], []>, transpose_lhs_hint = false} : vector<64x128xf32>, vector<128x256xf32>, vector<64x256xf32> -> vector<64x256xf32>
    %add3A_38 = arith.addf %dot_general3A_32, %dot_general3A_37 : vector<64x256xf32>
    %get3A_39 = arith.constant 0 : index
    %get3A_40 = arith.constant 0 : index
    %get3A_41 = vector.load %arg8[%get3A_39, %get3A_40] : memref<1x256xf32, #tpu.memory_space<vmem>>, vector<1x256xf32>
    %add3A_42 = vector.broadcast %get3A_41 : vector<1x256xf32> to vector<64x256xf32>
    %add3A_43 = arith.addf %add3A_38, %add3A_42 : vector<64x256xf32>
    %max3A_44 = arith.constant 0.000000e+00 : f32
    %max3A_45 = vector.broadcast %max3A_44 : f32 to vector<64x256xf32>
    %max3A_46 = arith.maximumf %add3A_43, %max3A_45 : vector<64x256xf32>
    %get3A_47 = arith.constant 0 : index
    %get3A_48 = arith.constant 0 : index
    %get3A_49 = vector.load %arg9[%get3A_47, %get3A_48] : memref<256x128xf32, #tpu.memory_space<vmem>>, vector<256x128xf32>
    %dot_general3A_50 = arith.constant dense<0.000000e+00> : vector<64x128xf32>
    %dot_general3A_51 = tpu.matmul %max3A_46, %get3A_49, %dot_general3A_50 {dimension_numbers = #tpu.dot_dimension_numbers<[1], [0], [0], [1], [0, 0, 1, 1], [], []>, transpose_lhs_hint = false} : vector<64x256xf32>, vector<256x128xf32>, vector<64x128xf32> -> vector<64x128xf32>
    %get3A_52 = arith.constant 0 : index
    %get3A_53 = arith.constant 0 : index
    %get3A_54 = vector.load %arg10[%get3A_52, %get3A_53] : memref<1x128xf32, #tpu.memory_space<vmem>>, vector<1x128xf32>
    %add3A_55 = vector.broadcast %get3A_54 : vector<1x128xf32> to vector<64x128xf32>
    %add3A_56 = arith.addf %dot_general3A_51, %add3A_55 : vector<64x128xf32>
    %max3A_57 = arith.constant 0.000000e+00 : f32
    %max3A_58 = vector.broadcast %max3A_57 : f32 to vector<64x128xf32>
    %max3A_59 = arith.maximumf %add3A_56, %max3A_58 : vector<64x128xf32>
    %get3A_60 = arith.constant 0 : index
    %get3A_61 = arith.constant 0 : index
    %get3A_62 = vector.load %arg11[%get3A_60, %get3A_61] : memref<128x64xf32, #tpu.memory_space<vmem>>, vector<128x64xf32>
    %dot_general3A_63 = arith.constant dense<0.000000e+00> : vector<64x64xf32>
    %dot_general3A_64 = tpu.matmul %max3A_59, %get3A_62, %dot_general3A_63 {dimension_numbers = #tpu.dot_dimension_numbers<[1], [0], [0], [1], [0, 0, 1, 1], [], []>, transpose_lhs_hint = false} : vector<64x128xf32>, vector<128x64xf32>, vector<64x64xf32> -> vector<64x64xf32>
    %get3A_65 = arith.constant 0 : index
    %get3A_66 = arith.constant 0 : index
    %get3A_67 = vector.load %arg12[%get3A_65, %get3A_66] : memref<1x64xf32, #tpu.memory_space<vmem>>, vector<1x64xf32>
    %add3A_68 = vector.broadcast %get3A_67 : vector<1x64xf32> to vector<64x64xf32>
    %add3A_69 = arith.addf %dot_general3A_64, %add3A_68 : vector<64x64xf32>
    %max3A_70 = arith.constant 0.000000e+00 : f32
    %max3A_71 = vector.broadcast %max3A_70 : f32 to vector<64x64xf32>
    %max3A_72 = arith.maximumf %add3A_69, %max3A_71 : vector<64x64xf32>
    %get3A_73 = arith.constant 0 : index
    %get3A_74 = arith.constant 0 : index
    %get3A_75 = vector.load %arg13[%get3A_73, %get3A_74] : memref<64x128xf32, #tpu.memory_space<vmem>>, vector<64x128xf32>
    %dot_general3A_76 = arith.constant dense<0.000000e+00> : vector<64x128xf32>
    %dot_general3A_77 = tpu.matmul %max3A_72, %get3A_75, %dot_general3A_76 {dimension_numbers = #tpu.dot_dimension_numbers<[1], [0], [0], [1], [0, 0, 1, 1], [], []>, transpose_lhs_hint = false} : vector<64x64xf32>, vector<64x128xf32>, vector<64x128xf32> -> vector<64x128xf32>
    %get3A_78 = arith.constant 0 : index
    %get3A_79 = arith.constant 0 : index
    %get3A_80 = vector.load %arg14[%get3A_78, %get3A_79] : memref<1x128xf32, #tpu.memory_space<vmem>>, vector<1x128xf32>
    %add3A_81 = vector.broadcast %get3A_80 : vector<1x128xf32> to vector<64x128xf32>
    %add3A_82 = arith.addf %dot_general3A_77, %add3A_81 : vector<64x128xf32>
    %swap3A = arith.constant 0 : index
    %swap3A_83 = arith.constant 0 : index
    %swap3A_84 = vector.load %arg15[%swap3A, %swap3A_83] : memref<64x128xf32, #tpu.memory_space<vmem>>, vector<64x128xf32>
    tpu.vector_store %arg15[%swap3A, %swap3A_83], %add3A_82 {strides = array<i32>} : memref<64x128xf32, #tpu.memory_space<vmem>>, vector<64x128xf32>,
    return
  }
}

</mosaic_0001>

<sc_bundles>
// kernel: kernel.11.cloned.1.call-start
scs
__scs_entry_jumppad:
0x0: {  	(pc) =	sbr.rel $0x88, $3  }
0x1: {  	(tag) =	ssettag $0x0;
	lr =	simm.s32 $0x1  }
0x2: {  	[smem:$0x3F84] =	sst lr;
	_ =	strace $0xD0000000  }
0x3: {  	_ = 	snop  }
0x4: {  	_ = 	snop  }
0x5: {  	_ = 	snop  }
0x6: {  	_ = 	snop  }
0x7: {  	_ = 	snop  }
__scs_overlays_trampoline_lowered:
0x8: {  	[smem:$0x3F93] =	sst s0  }
0x9: {  	[smem:$0x3F94] =	sst s1  }
0xa: {  	[smem:$0x3F95] =	sst s2  }
0xb: {  	[smem:$0x3F96] =	sst s3  }
0xc: {  	[smem:$0x3F97] =	sst s4  }
0xd: {  	[smem:$0x3F98] =	sst s5  }
0xe: {  	[smem:$0x3F99] =	sst s6  }
0xf: {  	[smem:$0x3F9A] =	sst s7  }
0x10: {  	[smem:$0x3F9B] =	sst s8  }
0x11: {  	[smem:$0x3F9C] =	sst s9;
	s0 =	simm.s32 @!p0 $0x0  }
0x12: {  	s1 =	sld [smem:$0x3F82];
	s0 =	simm.s32 @p0 $0x1  }
0x13: {  	[smem:$0x3F9D] =	sst s0;
	s0 =	simm.s32 @!p1 $0x0  }
0x14: {  	s2 =	sld [smem:$0x3F81];
	s0 =	simm.s32 @p1 $0x1  }
0x15: {  	[smem:$0x3F9E] =	sst s0;
	s0 =	simm.s32 @!p2 $0x0  }
0x16: {  	s3 =	sld [smem:$0x3FDB];
	s0 =	simm.s32 @p2 $0x1  }
0x17: {  	s4 =	simm.s32 $0x1BF5;
	[smem:$0x3FA0] =	sst s0  }
0x18: {  	s0 =	sld [smem:$0x3F83];
	_ =	swait.ge [sflag:s4], $0x0  }
0x19: {  	s7 =	sld [smem:$0x3F84]  }
0x1a: {  	s8 =	sadd.s32 $0xFFFFE003, lr  }
0x1b: {  	s9 =	sadd.s32 $0xFFFFFEF7, lr;
	s5 =	simm.s32 $0xFFFFFFFF;
	p2 =	slt.u32 s8, $0xFFFFF086  }
0x1c: {  	p1 =	slt.u32 s9, $0xF7A;
	s5 =	simm.s32 @!p2 $0x0  }
0x1d: {  	s5 =	simm.s32 @p1 $0x1;
	p0 =	seq.s32 s7, s2  }
0x1e: {  	s7 =	smul.u32 @!p0 $0xF7A, s2;
	p2 =	seq.s32 @!p0 s5, $0x0  }
0x1f: {  	s9 =	smul.u32 $0xF7A, s1;
	s8 =	simm.s32 @!p0 $0x1BF5;
	p2 =	por !p2, p0  }
0x20: {  	[sflag:s8] =	ssyncset.s32 @!p0 $0xFFFFF086;
	s6 =	sadd.s32 @!p0 s3, s7;
	s7 =	simm.s32 @!p0 $0x108  }
0x21: {  	s3 =	sadd.s32 s3, s9;
	s6 =	sadd.s32 @!p0 $0x88, s6;
	s7 =	simm.s32 @p2 $0x1082  }
0x22: {  	[simem:s7], [sflag:s8] =	dma.local @!p0 [hbm:s6], $0xF7A  }
0x23: {  	s9 =	sor.u32 $0xD0000000, s2;
	s6 =	simm.s32 $0x108;
	_ =	swait.ge @!p0 [sflag:s8], $0x0  }
0x24: {  	s3 =	sadd.s32 $0x88, s3;
	s6 =	simm.s32 @!p1 $0x1082;
	[sflag:s4] =	ssyncset.s32 $0xFFFFF086  }
0x25: {  	[simem:s6], [sflag:s4] =	dma.local [hbm:s3], $0xF7A  }
0x26: {  	[smem:$0x3F84] =	sst s1;
	(tag) =	ssettag s2;
	_ =	strace s9  }
0x27: {  	s1 =	sld [smem:$0x3F94]  }
0x28: {  	s2 =	sld [smem:$0x3F95]  }
0x29: {  	s4 =	sld [smem:$0x3F97]  }
0x2a: {  	p0 =	seq.s32 s5, $0x0;
	s5 =	sld [smem:$0x3F98]  }
0x2b: {  	s6 =	sld [smem:$0x3F99]  }
0x2c: {  	s7 =	sld [smem:$0x3F9A]  }
0x2d: {  	s3 =	simm.s32 $0x108;
	s8 =	sld [smem:$0x3F9B]  }
0x2e: {  	s3 =	simm.s32 @!p0 $0x1082;
	s9 =	sld [smem:$0x3F9C]  }
0x2f: {  	lr =	sadd.s32 s0, s3;
	s0 =	sld [smem:$0x3F93]  }
0x30: {  	s3 =	sld [smem:$0x3F96]  }
0x31: {  	[smem:$0x3F9F] =	sst s10  }
0x32: {  	s10 =	sld [smem:$0x3F9D];
	_ =	sdelay $0x3  }
0x33: {  	p0 =	seq.s32 s10, $0x1;
	s10 =	sld [smem:$0x3F9F];
	_ =	sdelay $0x3  }
0x34: {  	[smem:$0x3F9F] =	sst s10  }
0x35: {  	s10 =	sld [smem:$0x3F9E];
	_ =	sdelay $0x3  }
0x36: {  	p1 =	seq.s32 s10, $0x1;
	s10 =	sld [smem:$0x3F9F];
	_ =	sdelay $0x3  }
0x37: {  	[smem:$0x3F9F] =	sst s10  }
0x38: {  	s10 =	sld [smem:$0x3FA0]  }
0x39: {  	_ = 	snop;
	(pc) =	sbr.ind lr, $3  }
0x3a: {  	_ = 	snop  }
0x3b: {  	_ = 	snop  }
0x3c: {  	p2 =	seq.s32 s10, $0x1;
	s10 =	sld [smem:$0x3F9F]  }
0x3d: {  	_ =	shalt  }
0x3e: {  	_ =	shalt  }
0x3f: {  	_ =	shalt  }
0x40: {  	_ =	shalt  }
0x41: {  	_ =	shalt  }
0x42: {  	_ =	shalt  }
0x43: {  	_ =	shalt  }
0x44: {  	_ =	shalt  }
0x45: {  	_ =	shalt  }
0x46: {  	_ =	shalt  }
0x47: {  	_ =	shalt  }
0x48: {  	_ =	shalt  }
0x49: {  	_ =	shalt  }
0x4a: {  	_ =	shalt  }
0x4b: {  	_ =	shalt  }
0x4c: {  	_ =	shalt  }
0x4d: {  	_ =	shalt  }
0x4e: {  	_ =	shalt  }
0x4f: {  	_ =	shalt  }
0x50: {  	_ =	shalt  }
0x51: {  	_ =	shalt  }
0x52: {  	_ =	shalt  }
0x53: {  	_ =	shalt  }
0x54: {  	_ =	shalt  }
0x55: {  	_ =	shalt  }
0x56: {  	_ =	shalt  }
0x57: {  	_ =	shalt  }
0x58: {  	_ =	shalt  }
0x59: {  	_ =	shalt  }
0x5a: {  	_ =	shalt  }
0x5b: {  	_ =	shalt  }
0x5c: {  	_ =	shalt  }
0x5d: {  	_ =	shalt  }
0x5e: {  	_ =	shalt  }
0x5f: {  	_ =	shalt  }
0x60: {  	_ =	shalt  }
0x61: {  	_ =	shalt  }
0x62: {  	_ =	shalt  }
0x63: {  	_ =	shalt  }
0x64: {  	_ =	shalt  }
0x65: {  	_ =	shalt  }
0x66: {  	_ =	shalt  }
0x67: {  	_ =	shalt  }
0x68: {  	_ =	shalt  }
0x69: {  	_ =	shalt  }
0x6a: {  	_ =	shalt  }
0x6b: {  	_ =	shalt  }
0x6c: {  	_ =	shalt  }
0x6d: {  	_ =	shalt  }
0x6e: {  	_ =	shalt  }
0x6f: {  	_ =	shalt  }
0x70: {  	_ =	shalt  }
0x71: {  	_ =	shalt  }
0x72: {  	_ =	shalt  }
0x73: {  	_ =	shalt  }
0x74: {  	_ =	shalt  }
0x75: {  	_ =	shalt  }
0x76: {  	_ =	shalt  }
0x77: {  	_ =	shalt  }
0x78: {  	_ =	shalt  }
0x79: {  	_ =	shalt  }
0x7a: {  	_ =	shalt  }
0x7b: {  	_ =	shalt  }
0x7c: {  	_ =	shalt  }
0x7d: {  	_ =	shalt  }
0x7e: {  	_ =	shalt  }
0x7f: {  	_ =	shalt  }
0x80: {  	_ =	shalt  }
0x81: {  	_ =	shalt  }
0x82: {  	_ =	shalt  }
0x83: {  	_ =	shalt  }
0x84: {  	_ =	shalt  }
0x85: {  	_ =	shalt  }
0x86: {  	_ =	shalt  }
0x87: {  	_ =	shalt  }
.Lfunc_end0:
.L_simem_size_0:
called_computation_lowered:
.L_overlay_start_0:
0x88: {  	s2 =	sld [smem:$0x3FD9]  }
0x89: {  	s3 =	sld [smem:$0x3FFE];
	_ =	sdelay $0x1  }
0x8a: {  	s1 =	srdreg.scid  }
0x8b: {  	s0 =	sand.u32 $0x1, s1  }
0x8c: {  	s16 =	sshll.u32 s0, $0xA;
	s2 =	sadd.s32 s3, s2  }
0x8d: {  	s2 =	sadd.s32 s2, s16  }
0x8e: {  	[smem:$0x3FAB] =	sst s2  }
0x8f: {  	_ = 	snop  }
0x90: {  	(tm) =	ssettm $0x1  }
0x91: {  	s17 =	sld [smem:$0x3FFB];
	_ =	sdelay $0x3  }
0x92: {  	_ =	strace s17  }
0x93: {  	s2 =	sld [smem:$0x3FFC];
	_ =	sdelay $0x3  }
0x94: {  	_ =	strace s2  }
0x95: {  	s2 =	sld [smem:$0x3FFD];
	_ =	sdelay $0x3  }
0x96: {  	_ =	strace s2  }
0x97: {  	_ =	strace $0x8FFFFFFF  }
0x98: {  	s18 =	sld [smem:$0x3FDB];
	_ =	sdelay $0x1  }
0x99: {  	s19 =	simm.s32 $_scs_section_size  }
0x9a: {  	s4 =	simm.s32 $_size__tile_overlayer_lowered;
	s5 =	simm.s32 $_tile_overlayer_lowered  }
0x9b: {  	s22 =	simm.s32 $0x1BFF;
	s21 =	sshll.u32 s5, $0x1;
	s2 =	sadd.s32 s19, s18  }
0x9c: {  	s6 =	simm.s32 $0x0;
	s20 =	sshll.u32 s4, $0x1;
	s4 =	sadd.s32 s21, s2  }
0x9d: {  	[timem:s6], [sflag:s22] =	dma.local [hbm:s4], s20  }
0x9e: {  	_ =	swait.ge [sflag:s22], s20  }
0x9f: {  	s3 =	ssub.s32 $0x0, s20;
	[sflag:s22] =	ssyncset.done $0x0  }
0xa0: {  	[sflag:s22] =	ssyncadd.s32 s3;
	_ =	sdelay $0x1  }
0xa1: {  	s23 =	simm.s32 $0x1B8B  }
0xa2: {  	_ =	swait.ge [sflag:s23], $0x1  }
0xa3: {  	[sflag:s23] =	ssyncset.done $0x0  }
0xa4: {  	s25 =	simm.s32 $0x1B8E;
	s24 =	sld [smem:$0x3FFE];
	[sflag:s23] =	ssyncadd.s32 $0xFFFFFFFF  }
0xa5: {  	s26 =	simm.s32 $execute0_lowered;
	[smem:$0x3FD2] =	sst s25  }
0xa6: {  	s4 =	sshll.u32 s26, $0x1;
	_ =	strace $0x80000046;
	[dreg:$0x1] =	wrdreg $0xFFFFFFFF  }
0xa7: {  	s28 =	simm.s32 $_size_execute0_lowered;
	s2 =	sadd.s32 s2, s4;
	[dreg:$0x0] =	wrdreg $0x0  }
0xa8: {  	s4 =	sshll.u32 s28, $0x1;
	[dreg:$0x2] =	wrdreg s2  }
0xa9: {  	[dreg:$0x3] =	wrdreg s4  }
0xaa: {  	[dreg:$0x4] =	wrdreg $0xC0  }
0xab: {  	_ =	task [dreg:s6], $0x5FFFF  }
0xac: {  	[dreg:$0x1] =	wrdreg $0xFFFFFFFF  }
0xad: {  	[dreg:$0x0] =	wrdreg $0x60  }
0xae: {  	[dreg:$0x2] =	wrdreg s24  }
0xaf: {  	[dreg:$0x3] =	wrdreg $0x0  }
0xb0: {  	[dreg:$0x4] =	wrdreg $0x9  }
0xb1: {  	_ =	task.clear_ibuf [dreg:s6], $0x5FFFF;
	_ =	strace $0x90000046  }
0xb2: {  	s29 =	simm.s32 $0x9;
	_ =	strace $0x80000048  }
0xb3: {  	_ =	swait.ge [sflag:s29], $0x1  }
0xb4: {  	[sflag:s29] =	ssyncadd.s32 $0xFFFFFFFF  }
0xb5: {  	_ =	strace $0x90000048  }
0xb6: {  	_ =	sfence  }
0xb7: {  	s30 =	sld [smem:$0x0];
	_ =	sdelay $0x2  }
0xb8: {  	s31 =	sshll.u32 s1, $0xD;
	s1 =	sshrl.u32 s1, $0x2  }
0xb9: {  	s3 =	sand.u32 $0x4000, s31;
	s1 =	sadd.s32 s1, s30  }
0xba: {  	s0 =	sor.u32 s3, s0;
	s1 =	sshll.u32 s1, $0x11  }
0xbb: {  	s0 =	sor.u32 s1, s0  }
0xbc: {  	s0 =	sadd.s32 $0x8F2B, s0  }
0xbd: {  	[sflag:s0] =	ssyncadd.remote.s32 $0x1  }
0xbe: {  	_ =	sfence.sel $0xFFFF  }
0xbf: {  	[dreg:$0x0] =	wrdreg $0xFFFFFFFF;
	(pc) =	sbr.abs _section_cstart, $3  }
0xc0: {  	[dreg:$0x1] =	wrdreg $0xFFFFFFFF  }
0xc1: {  	_ =	task.clear_ibuf [dreg:s6], $0x2FFFF;
	_ =	strace $0x9FFFFFFF  }
0xc2: {  	(tm) =	ssettm $0x7FFFFFFF  }
0xc3: {  	_ =	shalt  }
tec
execute0_lowered:
.L_overlay_start_1:
0x0: {  	(tag) =	ssettag $0x1  }
0x1: {  	s15 =	rddreg [dreg:$0x0]  }
0x2: {  	s1 =	rddreg [dreg:$0x1]  }
0x3: {  	s3 =	simm.s32 $0x0;
	s4 =	srdreg.scid;
	s2 =	stileid.u32  }
0x4: {  	s18 =	simm.s32 $0x6B000;
	s19 =	simm.s32 $0x15400;
	s20 =	simm.s32 $0x80  }
0x5: {  	s21 =	simm.s32 $0x1A800;
	s22 =	simm.s32 $0x1;
	s23 =	simm.s32 $0x2  }
0x6: {  	s24 =	simm.s32 $0x15380;
	s25 =	simm.s32 $0x16700;
	s26 =	simm.s32 $0x16780  }
0x7: {  	[smem:$0x7FF] =	sst s3;
	s6 =	sand.u32 $0x1, s4;
	s4 =	sadd.s32 $0x1B000, s15  }
0x8: {  	s7 =	smul.u32 $0x50000, s2;
	s13 =	sadd.s32 $0x7000, s15;
	s14 =	sadd.s32 $0x11000, s15  }
0x9: {  	s16 =	smul.u32 $0x2800, s2;
	_ =	strace $0x80000047;
	s5 =	ssub.s32 $0x2, s6  }
0xa: {  	s31 =	sshll.u32 s6, $0x4;
	p0 =	seq.s32 s6, $0x1;
	s8 =	sshrl.u32 s5, $0x1  }
0xb: {  	s7 =	sshrl.u32 s7, $0x2;
	s9 =	sor.u32 s2, s31;
	s18 =	simm.s32 @!p0 $0x43000  }
0xc: {  	s8 =	ssub.s32 s5, s8;
	s5 =	sadd.s32 s7, s1;
	s17 =	smul.u32 $0x500, s9  }
0xd: {  	s15 =	sadd.s32 s18, s15;
	s18 =	simm.s32 $0x14000;
	s6 =	smax.u32 s8, $0x1  }
0xe: {  	s7 =	sadd.s32 $0x4000, s5;
	s8 =	sadd.s32 $0x8000, s5;
	s9 =	sadd.s32 $0xC000, s5  }
0xf: {  	s10 =	sadd.s32 $0x10000, s5;
	s15 =	sadd.s32 s15, s16;
	s16 =	simm.s32 $0x16800  }
0x10: {  	s11 =	sadd.s32 s13, s17;
	s12 =	sadd.s32 s14, s17;
	s17 =	sadd.s32 $0x280, s17  }
0x11: {  	v0 =	vimm.f32 $0.0e+00;
	s13 =	sadd.s32 s13, s17;
	s14 =	sadd.s32 s14, s17;
	s17 =	simm.s32 $0x3  }
.LBB2_1:
0x12: {  	s28 =	simm.s32 $0x0;
	s29 =	simm.s32 $0x200  }
.LBB2_2:
0x13: {  	p0 =	sne.s32 s29, $0xFE00;
	[tilespmem:s28+$0x16870] =	vst v0  }
0x14: {  	[tilespmem:s28+$0x16800] =	vst v0  }
0x15: {  	[tilespmem:s28+$0x16810] =	vst v0  }
.Ltmp0:
0x16: {  	[tilespmem:s28+$0x16820] =	vst v0;
	(pc) =	sbr.rel @p0 .LBB2_2-.Ltmp0, $4  }
0x17: {  	[tilespmem:s28+$0x16830] =	vst v0  }
0x18: {  	[tilespmem:s28+$0x16840] =	vst v0  }
0x19: {  	[tilespmem:s28+$0x16850] =	vst v0  }
0x1a: {  	[tilespmem:s28+$0x16860] =	vst v0;
	s28 =	sshra.s32 s29, $0x2;
	s29 =	sadd.s32 $0x200, s29  }
0x1b: {  	[tilespmem:s28+$0x16870] =	vst v0  }
0x1c: {  	[tilespmem:s28+$0x16800] =	vst v0  }
0x1d: {  	[tilespmem:s28+$0x16810] =	vst v0  }
0x1e: {  	[tilespmem:s28+$0x16820] =	vst v0  }
0x1f: {  	[tilespmem:s28+$0x16830] =	vst v0  }
0x20: {  	[tilespmem:s28+$0x16840] =	vst v0  }
0x21: {  	[tilespmem:s28+$0x16850] =	vst v0  }
0x22: {  	[tilespmem:s28+$0x16860] =	vst v0  }
0x23: {  	[spmem:s5] =	stream.linear.scatter [tilespmem:s16], [sflag:$0x3], $0x4000, $0x38;
	[tilespmem:$0x1E800] =	vst v63  }
0x24: {  	_ =	swait.ge [sflag:s17], $0x4000  }
0x25: {  	[sflag:s17] =	ssyncset.done $0x0  }
0x26: {  	[sflag:s17] =	ssyncadd.s32 $0xFFFFC000  }
0x27: {  	[spmem:s7] =	stream.linear.scatter [tilespmem:s16], [sflag:$0x3], $0x4000, $0x38;
	[tilespmem:$0x1E800] =	vst v63  }
0x28: {  	_ =	swait.ge [sflag:s17], $0x4000  }
0x29: {  	[sflag:s17] =	ssyncset.done $0x0  }
0x2a: {  	[sflag:s17] =	ssyncadd.s32 $0xFFFFC000  }
0x2b: {  	[spmem:s8] =	stream.linear.scatter [tilespmem:s16], [sflag:$0x3], $0x4000, $0x38;
	[tilespmem:$0x1E800] =	vst v63  }
0x2c: {  	_ =	swait.ge [sflag:s17], $0x4000  }
0x2d: {  	[sflag:s17] =	ssyncset.done $0x0  }
0x2e: {  	[sflag:s17] =	ssyncadd.s32 $0xFFFFC000  }
0x2f: {  	[spmem:s9] =	stream.linear.scatter [tilespmem:s16], [sflag:$0x3], $0x4000, $0x38;
	[tilespmem:$0x1E800] =	vst v63  }
0x30: {  	_ =	swait.ge [sflag:s17], $0x4000  }
0x31: {  	[sflag:s17] =	ssyncset.done $0x0  }
0x32: {  	[sflag:s17] =	ssyncadd.s32 $0xFFFFC000  }
0x33: {  	[spmem:s10] =	stream.linear.scatter [tilespmem:s16], [sflag:$0x3], $0x4000, $0x38;
	[tilespmem:$0x1E800] =	vst v63  }
0x34: {  	_ =	swait.ge [sflag:s17], $0x4000  }
0x35: {  	[sflag:s17] =	ssyncset.done $0x0  }
0x36: {  	[sflag:s17] =	ssyncadd.s32 $0xFFFFC000  }
0x37: {  	s28 =	simm.s32 $0x0;
	[bflag:$0x0] =	sbarrier.arrive $0xFFFF  }
0x38: {  	[tilespmem:s18], [sflag:$0x3] =	stream.linear.gather [hbm4b:s11+s28], $0x1400, $0x38;
	[tilespmem:$0x1E800] =	vst v63  }
0x39: {  	_ =	swait.ge [sflag:s17], $0x1400  }
0x3a: {  	[sflag:s17] =	ssyncset.done $0x0  }
0x3b: {  	[sflag:s17] =	ssyncadd.s32 $0xFFFFEC00  }
0x3c: {  	[tilespmem:s19], [sflag:$0x3] =	stream.linear.gather [hbm4b:s12+s28], $0x1400, $0x38;
	[tilespmem:$0x1E800] =	vst v63  }
0x3d: {  	_ =	swait.ge [sflag:s17], $0x1400  }
0x3e: {  	[sflag:s17] =	ssyncset.done $0x0  }
0x3f: {  	[sflag:s17] =	ssyncadd.s32 $0xFFFFEC00  }
0x40: {  	[tilespmem:s16], [sflag:$0x1] =	stream.indirect.gather [hbm4b:s4+s20], $0x80, s18, s20, $0xb8;
	[tilespmem:$0x1E800] =	vst v63  }
0x41: {  	s28 =	simm.s32 $0x14080  }
0x42: {  	[tilespmem:s21], [sflag:$0x2] =	stream.indirect.gather [hbm4b:s4+s20], $0x80, s28, s20, $0xb8;
	[tilespmem:$0x1E800] =	vst v63  }
0x43: {  	_ =	swait.ge [sflag:s22], $0x4000  }
0x44: {  	[sflag:s22] =	ssyncset.done $0x0  }
0x45: {  	s28 =	simm.s32 $0x15400;
	[sflag:s22] =	ssyncadd.s32 $0xFFFFC000  }
0x46: {  	[spmem:s1] =	stream.indirect.scatter.add.f32 [tilespmem:s16], [sflag:$0x3], $0x80, s28, s20, $0xb8;
	[tilespmem:$0x1E800] =	vst v63  }
0x47: {  	_ =	swait.ge [sflag:s17], $0x4000  }
0x48: {  	[sflag:s17] =	ssyncset.done $0x0  }
0x49: {  	s28 =	simm.s32 $0x14100;
	[sflag:s17] =	ssyncadd.s32 $0xFFFFC000  }
0x4a: {  	[tilespmem:s16], [sflag:$0x1] =	stream.indirect.gather [hbm4b:s4+s20], $0x80, s28, s20, $0xb8;
	[tilespmem:$0x1E800] =	vst v63  }
0x4b: {  	_ =	swait.ge [sflag:s23], $0x4000  }
0x4c: {  	[sflag:s23] =	ssyncset.done $0x0  }
0x4d: {  	s28 =	simm.s32 $0x15480;
	[sflag:s23] =	ssyncadd.s32 $0xFFFFC000  }
0x4e: {  	[spmem:s1] =	stream.indirect.scatter.add.f32 [tilespmem:s21], [sflag:$0x3], $0x80, s28, s20, $0xb8;
	[tilespmem:$0x1E800] =	vst v63  }
0x4f: {  	_ =	swait.ge [sflag:s17], $0x4000  }
0x50: {  	s29 =	simm.s32 $0x800;
	s28 =	simm.s32 $0x100;
	[sflag:s17] =	ssyncset.done $0x0  }
.LBB2_4:
0x51: {  	s30 =	sadd.s32 $0x14080, s28  }
0x52: {  	[sflag:s17] =	ssyncadd.s32 $0xFFFFC000;
	s31 =	smov.u32 s29;
	s0 =	sadd.s32 $0x400, s29  }
0x53: {  	[tilespmem:s21], [sflag:$0x2] =	stream.indirect.gather [hbm4b:s4+s20], $0x80, s30, s20, $0xb8;
	[tilespmem:$0x1E800] =	vst v63  }
0x54: {  	p0 =	sne.s32 s29, $0x4800;
	_ =	swait.ge [sflag:s22], $0x4000  }
0x55: {  	[sflag:s22] =	ssyncset.done $0x0  }
0x56: {  	s29 =	sadd.s32 $0x15400, s28;
	[sflag:s22] =	ssyncadd.s32 $0xFFFFC000  }
0x57: {  	[spmem:s1] =	stream.indirect.scatter.add.f32 [tilespmem:s16], [sflag:$0x3], $0x80, s29, s20, $0xb8;
	[tilespmem:$0x1E800] =	vst v63  }
0x58: {  	_ =	swait.ge [sflag:s17], $0x4000  }
0x59: {  	[sflag:s17] =	ssyncset.done $0x0  }
0x5a: {  	s29 =	sadd.s32 $0x14100, s28;
	[sflag:s17] =	ssyncadd.s32 $0xFFFFC000  }
0x5b: {  	[tilespmem:s16], [sflag:$0x1] =	stream.indirect.gather [hbm4b:s4+s20], $0x80, s29, s20, $0xb8;
	[tilespmem:$0x1E800] =	vst v63  }
0x5c: {  	_ =	swait.ge [sflag:s23], $0x4000  }
.Ltmp1:
0x5d: {  	[sflag:s23] =	ssyncset.done $0x0;
	(pc) =	sbr.rel @p0 .LBB2_4-.Ltmp1, $4  }
0x5e: {  	s28 =	sadd.s32 $0x15480, s28;
	[sflag:s23] =	ssyncadd.s32 $0xFFFFC000  }
0x5f: {  	[spmem:s1] =	stream.indirect.scatter.add.f32 [tilespmem:s21], [sflag:$0x3], $0x80, s28, s20, $0xb8;
	[tilespmem:$0x1E800] =	vst v63  }
0x60: {  	_ =	swait.ge [sflag:s17], $0x4000  }
0x61: {  	s29 =	smov.u32 s0;
	s28 =	sshra.s32 s31, $0x2;
	[sflag:s17] =	ssyncset.done $0x0  }
0x62: {  	s0 =	sadd.s32 $0x14080, s28;
	[sflag:s17] =	ssyncadd.s32 $0xFFFFC000  }
0x63: {  	[tilespmem:s21], [sflag:$0x2] =	stream.indirect.gather [hbm4b:s4+s20], $0x80, s0, s20, $0xb8;
	[tilespmem:$0x1E800] =	vst v63  }
0x64: {  	_ =	swait.ge [sflag:s22], $0x4000  }
0x65: {  	[sflag:s22] =	ssyncset.done $0x0  }
0x66: {  	s30 =	sadd.s32 $0x15400, s28;
	[sflag:s22] =	ssyncadd.s32 $0xFFFFC000  }
0x67: {  	[spmem:s1] =	stream.indirect.scatter.add.f32 [tilespmem:s16], [sflag:$0x3], $0x80, s30, s20, $0xb8;
	[tilespmem:$0x1E800] =	vst v63  }
0x68: {  	_ =	swait.ge [sflag:s17], $0x4000  }
0x69: {  	[sflag:s17] =	ssyncset.done $0x0  }
0x6a: {  	s31 =	sadd.s32 $0x14100, s28;
	[sflag:s17] =	ssyncadd.s32 $0xFFFFC000  }
0x6b: {  	[tilespmem:s16], [sflag:$0x1] =	stream.indirect.gather [hbm4b:s4+s20], $0x80, s31, s20, $0xb8;
	[tilespmem:$0x1E800] =	vst v63  }
0x6c: {  	_ =	swait.ge [sflag:s23], $0x4000  }
0x6d: {  	[sflag:s23] =	ssyncset.done $0x0  }
0x6e: {  	s30 =	sadd.s32 $0x15480, s28;
	[sflag:s23] =	ssyncadd.s32 $0xFFFFC000  }
0x6f: {  	[spmem:s1] =	stream.indirect.scatter.add.f32 [tilespmem:s21], [sflag:$0x3], $0x80, s30, s20, $0xb8;
	[tilespmem:$0x1E800] =	vst v63  }
0x70: {  	_ =	swait.ge [sflag:s17], $0x4000  }
0x71: {  	[sflag:s17] =	ssyncset.done $0x0  }
0x72: {  	[sflag:s17] =	ssyncadd.s32 $0xFFFFC000  }
0x73: {  	[tilespmem:s21], [sflag:$0x2] =	stream.indirect.gather [hbm4b:s4+s20], $0x80, s24, s20, $0xb8;
	[tilespmem:$0x1E800] =	vst v63  }
0x74: {  	_ =	swait.ge [sflag:s22], $0x4000  }
0x75: {  	[sflag:s22] =	ssyncset.done $0x0  }
0x76: {  	[sflag:s22] =	ssyncadd.s32 $0xFFFFC000  }
0x77: {  	[spmem:s1] =	stream.indirect.scatter.add.f32 [tilespmem:s16], [sflag:$0x3], $0x80, s25, s20, $0xb8;
	[tilespmem:$0x1E800] =	vst v63  }
0x78: {  	_ =	swait.ge [sflag:s17], $0x4000  }
0x79: {  	[sflag:s17] =	ssyncset.done $0x0  }
0x7a: {  	[sflag:s17] =	ssyncadd.s32 $0xFFFFC000  }
0x7b: {  	_ =	swait.ge [sflag:s23], $0x4000  }
0x7c: {  	[sflag:s23] =	ssyncset.done $0x0  }
0x7d: {  	[sflag:s23] =	ssyncadd.s32 $0xFFFFC000  }
0x7e: {  	[spmem:s1] =	stream.indirect.scatter.add.f32 [tilespmem:s21], [sflag:$0x3], $0x80, s26, s20, $0xb8;
	[tilespmem:$0x1E800] =	vst v63  }
0x7f: {  	_ =	swait.ge [sflag:s17], $0x4000  }
0x80: {  	[sflag:s17] =	ssyncset.done $0x0  }
0x81: {  	s31 =	simm.s32 $0x0;
	[sflag:s17] =	ssyncadd.s32 $0xFFFFC000  }
0x82: {  	[tilespmem:s18], [sflag:$0x3] =	stream.linear.gather [hbm4b:s13+s31], $0x1400, $0x38;
	[tilespmem:$0x1E800] =	vst v63  }
0x83: {  	_ =	swait.ge [sflag:s17], $0x1400  }
0x84: {  	[sflag:s17] =	ssyncset.done $0x0  }
0x85: {  	[sflag:s17] =	ssyncadd.s32 $0xFFFFEC00  }
0x86: {  	[tilespmem:s19], [sflag:$0x3] =	stream.linear.gather [hbm4b:s14+s31], $0x1400, $0x38;
	[tilespmem:$0x1E800] =	vst v63  }
0x87: {  	_ =	swait.ge [sflag:s17], $0x1400  }
0x88: {  	[sflag:s17] =	ssyncset.done $0x0  }
0x89: {  	[sflag:s17] =	ssyncadd.s32 $0xFFFFEC00  }
0x8a: {  	[tilespmem:s16], [sflag:$0x1] =	stream.indirect.gather [hbm4b:s4+s20], $0x80, s18, s20, $0xb8;
	[tilespmem:$0x1E800] =	vst v63  }
0x8b: {  	s30 =	simm.s32 $0x14080  }
0x8c: {  	[tilespmem:s21], [sflag:$0x2] =	stream.indirect.gather [hbm4b:s4+s20], $0x80, s30, s20, $0xb8;
	[tilespmem:$0x1E800] =	vst v63  }
0x8d: {  	_ =	swait.ge [sflag:s22], $0x4000  }
0x8e: {  	[sflag:s22] =	ssyncset.done $0x0  }
0x8f: {  	s31 =	simm.s32 $0x15400;
	[sflag:s22] =	ssyncadd.s32 $0xFFFFC000  }
0x90: {  	[spmem:s1] =	stream.indirect.scatter.add.f32 [tilespmem:s16], [sflag:$0x3], $0x80, s31, s20, $0xb8;
	[tilespmem:$0x1E800] =	vst v63  }
0x91: {  	_ =	swait.ge [sflag:s17], $0x4000  }
0x92: {  	[sflag:s17] =	ssyncset.done $0x0  }
0x93: {  	s30 =	simm.s32 $0x14100;
	[sflag:s17] =	ssyncadd.s32 $0xFFFFC000  }
0x94: {  	[tilespmem:s16], [sflag:$0x1] =	stream.indirect.gather [hbm4b:s4+s20], $0x80, s30, s20, $0xb8;
	[tilespmem:$0x1E800] =	vst v63  }
0x95: {  	_ =	swait.ge [sflag:s23], $0x4000  }
0x96: {  	[sflag:s23] =	ssyncset.done $0x0  }
0x97: {  	s31 =	simm.s32 $0x15480;
	[sflag:s23] =	ssyncadd.s32 $0xFFFFC000  }
0x98: {  	[spmem:s1] =	stream.indirect.scatter.add.f32 [tilespmem:s21], [sflag:$0x3], $0x80, s31, s20, $0xb8;
	[tilespmem:$0x1E800] =	vst v63  }
0x99: {  	_ =	swait.ge [sflag:s17], $0x4000  }
0x9a: {  	s29 =	simm.s32 $0x800;
	s28 =	simm.s32 $0x100;
	[sflag:s17] =	ssyncset.done $0x0  }
.LBB2_6:
0x9b: {  	s0 =	sadd.s32 $0x14080, s28  }
0x9c: {  	[sflag:s17] =	ssyncadd.s32 $0xFFFFC000;
	s30 =	smov.u32 s29;
	s31 =	sadd.s32 $0x400, s29  }
0x9d: {  	[tilespmem:s21], [sflag:$0x2] =	stream.indirect.gather [hbm4b:s4+s20], $0x80, s0, s20, $0xb8;
	[tilespmem:$0x1E800] =	vst v63  }
0x9e: {  	p0 =	sne.s32 s29, $0x4800;
	_ =	swait.ge [sflag:s22], $0x4000  }
0x9f: {  	[sflag:s22] =	ssyncset.done $0x0  }
0xa0: {  	s0 =	sadd.s32 $0x15400, s28;
	[sflag:s22] =	ssyncadd.s32 $0xFFFFC000  }
0xa1: {  	[spmem:s1] =	stream.indirect.scatter.add.f32 [tilespmem:s16], [sflag:$0x3], $0x80, s0, s20, $0xb8;
	[tilespmem:$0x1E800] =	vst v63  }
0xa2: {  	_ =	swait.ge [sflag:s17], $0x4000  }
0xa3: {  	[sflag:s17] =	ssyncset.done $0x0  }
0xa4: {  	s0 =	sadd.s32 $0x14100, s28;
	[sflag:s17] =	ssyncadd.s32 $0xFFFFC000  }
0xa5: {  	[tilespmem:s16], [sflag:$0x1] =	stream.indirect.gather [hbm4b:s4+s20], $0x80, s0, s20, $0xb8;
	[tilespmem:$0x1E800] =	vst v63  }
0xa6: {  	_ =	swait.ge [sflag:s23], $0x4000  }
.Ltmp2:
0xa7: {  	[sflag:s23] =	ssyncset.done $0x0;
	(pc) =	sbr.rel @p0 .LBB2_6-.Ltmp2, $4  }
0xa8: {  	s0 =	sadd.s32 $0x15480, s28;
	[sflag:s23] =	ssyncadd.s32 $0xFFFFC000  }
0xa9: {  	[spmem:s1] =	stream.indirect.scatter.add.f32 [tilespmem:s21], [sflag:$0x3], $0x80, s0, s20, $0xb8;
	[tilespmem:$0x1E800] =	vst v63  }
0xaa: {  	_ =	swait.ge [sflag:s17], $0x4000  }
0xab: {  	s29 =	smov.u32 s31;
	s28 =	sshra.s32 s30, $0x2;
	[sflag:s17] =	ssyncset.done $0x0  }
0xac: {  	s0 =	sadd.s32 $0x14080, s28;
	[sflag:s17] =	ssyncadd.s32 $0xFFFFC000  }
0xad: {  	[tilespmem:s21], [sflag:$0x2] =	stream.indirect.gather [hbm4b:s4+s20], $0x80, s0, s20, $0xb8;
	[tilespmem:$0x1E800] =	vst v63  }
0xae: {  	_ =	swait.ge [sflag:s22], $0x4000  }
0xaf: {  	[sflag:s22] =	ssyncset.done $0x0  }
0xb0: {  	s30 =	sadd.s32 $0x15400, s28;
	[sflag:s22] =	ssyncadd.s32 $0xFFFFC000  }
0xb1: {  	[spmem:s1] =	stream.indirect.scatter.add.f32 [tilespmem:s16], [sflag:$0x3], $0x80, s30, s20, $0xb8;
	[tilespmem:$0x1E800] =	vst v63  }
0xb2: {  	_ =	swait.ge [sflag:s17], $0x4000  }
0xb3: {  	[sflag:s17] =	ssyncset.done $0x0  }
0xb4: {  	s31 =	sadd.s32 $0x14100, s28;
	[sflag:s17] =	ssyncadd.s32 $0xFFFFC000  }
0xb5: {  	[tilespmem:s16], [sflag:$0x1] =	stream.indirect.gather [hbm4b:s4+s20], $0x80, s31, s20, $0xb8;
	[tilespmem:$0x1E800] =	vst v63  }
0xb6: {  	_ =	swait.ge [sflag:s23], $0x4000  }
0xb7: {  	[sflag:s23] =	ssyncset.done $0x0  }
0xb8: {  	s29 =	sadd.s32 $0x15480, s28;
	[sflag:s23] =	ssyncadd.s32 $0xFFFFC000  }
0xb9: {  	[spmem:s1] =	stream.indirect.scatter.add.f32 [tilespmem:s21], [sflag:$0x3], $0x80, s29, s20, $0xb8;
	[tilespmem:$0x1E800] =	vst v63  }
0xba: {  	_ =	swait.ge [sflag:s17], $0x4000  }
0xbb: {  	[sflag:s17] =	ssyncset.done $0x0  }
0xbc: {  	[sflag:s17] =	ssyncadd.s32 $0xFFFFC000  }
0xbd: {  	[tilespmem:s21], [sflag:$0x2] =	stream.indirect.gather [hbm4b:s4+s20], $0x80, s24, s20, $0xb8;
	[tilespmem:$0x1E800] =	vst v63  }
0xbe: {  	_ =	swait.ge [sflag:s22], $0x4000  }
0xbf: {  	[sflag:s22] =	ssyncset.done $0x0  }
0xc0: {  	[sflag:s22] =	ssyncadd.s32 $0xFFFFC000  }
0xc1: {  	[spmem:s1] =	stream.indirect.scatter.add.f32 [tilespmem:s16], [sflag:$0x3], $0x80, s25, s20, $0xb8;
	[tilespmem:$0x1E800] =	vst v63  }
0xc2: {  	_ =	swait.ge [sflag:s17], $0x4000  }
0xc3: {  	[sflag:s17] =	ssyncset.done $0x0  }
0xc4: {  	[sflag:s17] =	ssyncadd.s32 $0xFFFFC000  }
0xc5: {  	_ =	swait.ge [sflag:s23], $0x4000  }
0xc6: {  	[sflag:s23] =	ssyncset.done $0x0  }
0xc7: {  	[sflag:s23] =	ssyncadd.s32 $0xFFFFC000  }
0xc8: {  	[spmem:s1] =	stream.indirect.scatter.add.f32 [tilespmem:s21], [sflag:$0x3], $0x80, s26, s20, $0xb8;
	[tilespmem:$0x1E800] =	vst v63  }
0xc9: {  	_ =	swait.ge [sflag:s17], $0x4000  }
0xca: {  	s3 =	sadd.s32 $0x1, s3;
	s30 =	sshll.u32 s2, $0x6;
	[sflag:s17] =	ssyncset.done $0x0  }
0xcb: {  	p0 =	sne.s32 s3, s6;
	s0 =	sor.u32 $0x1C03, s30;
	[sflag:s17] =	ssyncadd.s32 $0xFFFFC000  }
.Ltmp3:
0xcc: {  	s31 =	sshrl.u32 s5, $0x3;
	[bflag:$0x0] =	sbarrier.arrive $0xFFFF;
	(pc) =	sbr.rel @p0 .LBB2_1-.Ltmp3, $4  }
0xcd: {  	[hbm:s15], [sflag:s0] =	dma.local [spmem:s31], $0x2800  }
0xce: {  	_ =	swait.ge [sflag:s17], $0x2800  }
0xcf: {  	[sflag:s17] =	ssyncset.done $0x0  }
0xd0: {  	[sflag:s17] =	ssyncadd.s32 $0xFFFFD800  }
0xd1: {  	_ =	sfence.sel $0x180000  }
0xd2: {  	[bflag:$0x0] =	sbarrier.arrive $0xFFFF  }
0xd3: {  	_ =	strace $0x90000047  }
0xd4: {  	[bflag:$0x2] =	sbarrier.arrive $0xFFFF  }
0xd5: {  	p0 =	sne.s32 s2, $0x0;
	s0 =	rddreg [dreg:$0x2]  }
0xd6: {  	s0 =	sadd.s32 @!p0 $0x100000, s0  }
0xd7: {  	[sflag:s0] =	ssyncadd.tile.s32 @!p0 $0x1;
	_ =	shalt  }
.Lfunc_end2:
_tile_overlayer_lowered:
.L_overlay_start_2:
0xd8: {  	(tag) =	ssettag $0x2  }
0xd9: {  	s0 =	rddreg [dreg:$0x0];
	s2 =	stileid.u32  }
0xda: {  	s1 =	rddreg [dreg:$0x1];
	p0 =	sne.s32 s2, $0x0  }
0xdb: {  	s3 =	rddreg [dreg:$0x2];
	[bflag:$0x3] =	sbarrier.arrive $0xFFFF;
	s2 =	simm.s32 @!p0 $0x1C03  }
0xdc: {  	[timem:s3], [sflag:s2] =	dma.local @!p0 [hbm:s0], s1  }
0xdd: {  	s0 =	simm.s32 @!p0 $0x3  }
0xde: {  	_ =	swait.ge @!p0 [sflag:s0], s1  }
0xdf: {  	s1 =	ssub.s32 @!p0 $0x0, s1;
	[sflag:s0] =	ssyncset.done @!p0 $0x0  }
0xe0: {  	[sflag:s0] =	ssyncadd.s32 @!p0 s1  }
0xe1: {  	[bflag:$0x3] =	sbarrier.arrive $0xFFFF  }
0xe2: {  	_ =	shalt  }

// kernel: kernel.14.cloned.1.call-start
scs
__scs_entry_jumppad:
0x0: {  	(pc) =	sbr.rel $0x88, $3  }
0x1: {  	(tag) =	ssettag $0x0;
	lr =	simm.s32 $0x1  }
0x2: {  	[smem:$0x3F84] =	sst lr;
	_ =	strace $0xD0000000  }
0x3: {  	_ = 	snop  }
0x4: {  	_ = 	snop  }
0x5: {  	_ = 	snop  }
0x6: {  	_ = 	snop  }
0x7: {  	_ = 	snop  }
__scs_overlays_trampoline_lowered:
0x8: {  	[smem:$0x3F93] =	sst s0  }
0x9: {  	[smem:$0x3F94] =	sst s1  }
0xa: {  	[smem:$0x3F95] =	sst s2  }
0xb: {  	[smem:$0x3F96] =	sst s3  }
0xc: {  	[smem:$0x3F97] =	sst s4  }
0xd: {  	[smem:$0x3F98] =	sst s5  }
0xe: {  	[smem:$0x3F99] =	sst s6  }
0xf: {  	[smem:$0x3F9A] =	sst s7  }
0x10: {  	[smem:$0x3F9B] =	sst s8  }
0x11: {  	[smem:$0x3F9C] =	sst s9;
	s0 =	simm.s32 @!p0 $0x0  }
0x12: {  	s1 =	sld [smem:$0x3F82];
	s0 =	simm.s32 @p0 $0x1  }
0x13: {  	[smem:$0x3F9D] =	sst s0;
	s0 =	simm.s32 @!p1 $0x0  }
0x14: {  	s2 =	sld [smem:$0x3F81];
	s0 =	simm.s32 @p1 $0x1  }
0x15: {  	[smem:$0x3F9E] =	sst s0;
	s0 =	simm.s32 @!p2 $0x0  }
0x16: {  	s3 =	sld [smem:$0x3FDB];
	s0 =	simm.s32 @p2 $0x1  }
0x17: {  	s4 =	simm.s32 $0x1BF5;
	[smem:$0x3FA0] =	sst s0  }
0x18: {  	s0 =	sld [smem:$0x3F83];
	_ =	swait.ge [sflag:s4], $0x0  }
0x19: {  	s7 =	sld [smem:$0x3F84]  }
0x1a: {  	s8 =	sadd.s32 $0xFFFFE003, lr  }
0x1b: {  	s9 =	sadd.s32 $0xFFFFFEF7, lr;
	s5 =	simm.s32 $0xFFFFFFFF;
	p2 =	slt.u32 s8, $0xFFFFF086  }
0x1c: {  	p1 =	slt.u32 s9, $0xF7A;
	s5 =	simm.s32 @!p2 $0x0  }
0x1d: {  	s5 =	simm.s32 @p1 $0x1;
	p0 =	seq.s32 s7, s2  }
0x1e: {  	s7 =	smul.u32 @!p0 $0xF7A, s2;
	p2 =	seq.s32 @!p0 s5, $0x0  }
0x1f: {  	s9 =	smul.u32 $0xF7A, s1;
	s8 =	simm.s32 @!p0 $0x1BF5;
	p2 =	por !p2, p0  }
0x20: {  	[sflag:s8] =	ssyncset.s32 @!p0 $0xFFFFF086;
	s6 =	sadd.s32 @!p0 s3, s7;
	s7 =	simm.s32 @!p0 $0x108  }
0x21: {  	s3 =	sadd.s32 s3, s9;
	s6 =	sadd.s32 @!p0 $0x88, s6;
	s7 =	simm.s32 @p2 $0x1082  }
0x22: {  	[simem:s7], [sflag:s8] =	dma.local @!p0 [hbm:s6], $0xF7A  }
0x23: {  	s9 =	sor.u32 $0xD0000000, s2;
	s6 =	simm.s32 $0x108;
	_ =	swait.ge @!p0 [sflag:s8], $0x0  }
0x24: {  	s3 =	sadd.s32 $0x88, s3;
	s6 =	simm.s32 @!p1 $0x1082;
	[sflag:s4] =	ssyncset.s32 $0xFFFFF086  }
0x25: {  	[simem:s6], [sflag:s4] =	dma.local [hbm:s3], $0xF7A  }
0x26: {  	[smem:$0x3F84] =	sst s1;
	(tag) =	ssettag s2;
	_ =	strace s9  }
0x27: {  	s1 =	sld [smem:$0x3F94]  }
0x28: {  	s2 =	sld [smem:$0x3F95]  }
0x29: {  	s4 =	sld [smem:$0x3F97]  }
0x2a: {  	p0 =	seq.s32 s5, $0x0;
	s5 =	sld [smem:$0x3F98]  }
0x2b: {  	s6 =	sld [smem:$0x3F99]  }
0x2c: {  	s7 =	sld [smem:$0x3F9A]  }
0x2d: {  	s3 =	simm.s32 $0x108;
	s8 =	sld [smem:$0x3F9B]  }
0x2e: {  	s3 =	simm.s32 @!p0 $0x1082;
	s9 =	sld [smem:$0x3F9C]  }
0x2f: {  	lr =	sadd.s32 s0, s3;
	s0 =	sld [smem:$0x3F93]  }
0x30: {  	s3 =	sld [smem:$0x3F96]  }
0x31: {  	[smem:$0x3F9F] =	sst s10  }
0x32: {  	s10 =	sld [smem:$0x3F9D];
	_ =	sdelay $0x3  }
0x33: {  	p0 =	seq.s32 s10, $0x1;
	s10 =	sld [smem:$0x3F9F];
	_ =	sdelay $0x3  }
0x34: {  	[smem:$0x3F9F] =	sst s10  }
0x35: {  	s10 =	sld [smem:$0x3F9E];
	_ =	sdelay $0x3  }
0x36: {  	p1 =	seq.s32 s10, $0x1;
	s10 =	sld [smem:$0x3F9F];
	_ =	sdelay $0x3  }
0x37: {  	[smem:$0x3F9F] =	sst s10  }
0x38: {  	s10 =	sld [smem:$0x3FA0]  }
0x39: {  	_ = 	snop;
	(pc) =	sbr.ind lr, $3  }
0x3a: {  	_ = 	snop  }
0x3b: {  	_ = 	snop  }
0x3c: {  	p2 =	seq.s32 s10, $0x1;
	s10 =	sld [smem:$0x3F9F]  }
0x3d: {  	_ =	shalt  }
0x3e: {  	_ =	shalt  }
0x3f: {  	_ =	shalt  }
0x40: {  	_ =	shalt  }
0x41: {  	_ =	shalt  }
0x42: {  	_ =	shalt  }
0x43: {  	_ =	shalt  }
0x44: {  	_ =	shalt  }
0x45: {  	_ =	shalt  }
0x46: {  	_ =	shalt  }
0x47: {  	_ =	shalt  }
0x48: {  	_ =	shalt  }
0x49: {  	_ =	shalt  }
0x4a: {  	_ =	shalt  }
0x4b: {  	_ =	shalt  }
0x4c: {  	_ =	shalt  }
0x4d: {  	_ =	shalt  }
0x4e: {  	_ =	shalt  }
0x4f: {  	_ =	shalt  }
0x50: {  	_ =	shalt  }
0x51: {  	_ =	shalt  }
0x52: {  	_ =	shalt  }
0x53: {  	_ =	shalt  }
0x54: {  	_ =	shalt  }
0x55: {  	_ =	shalt  }
0x56: {  	_ =	shalt  }
0x57: {  	_ =	shalt  }
0x58: {  	_ =	shalt  }
0x59: {  	_ =	shalt  }
0x5a: {  	_ =	shalt  }
0x5b: {  	_ =	shalt  }
0x5c: {  	_ =	shalt  }
0x5d: {  	_ =	shalt  }
0x5e: {  	_ =	shalt  }
0x5f: {  	_ =	shalt  }
0x60: {  	_ =	shalt  }
0x61: {  	_ =	shalt  }
0x62: {  	_ =	shalt  }
0x63: {  	_ =	shalt  }
0x64: {  	_ =	shalt  }
0x65: {  	_ =	shalt  }
0x66: {  	_ =	shalt  }
0x67: {  	_ =	shalt  }
0x68: {  	_ =	shalt  }
0x69: {  	_ =	shalt  }
0x6a: {  	_ =	shalt  }
0x6b: {  	_ =	shalt  }
0x6c: {  	_ =	shalt  }
0x6d: {  	_ =	shalt  }
0x6e: {  	_ =	shalt  }
0x6f: {  	_ =	shalt  }
0x70: {  	_ =	shalt  }
0x71: {  	_ =	shalt  }
0x72: {  	_ =	shalt  }
0x73: {  	_ =	shalt  }
0x74: {  	_ =	shalt  }
0x75: {  	_ =	shalt  }
0x76: {  	_ =	shalt  }
0x77: {  	_ =	shalt  }
0x78: {  	_ =	shalt  }
0x79: {  	_ =	shalt  }
0x7a: {  	_ =	shalt  }
0x7b: {  	_ =	shalt  }
0x7c: {  	_ =	shalt  }
0x7d: {  	_ =	shalt  }
0x7e: {  	_ =	shalt  }
0x7f: {  	_ =	shalt  }
0x80: {  	_ =	shalt  }
0x81: {  	_ =	shalt  }
0x82: {  	_ =	shalt  }
0x83: {  	_ =	shalt  }
0x84: {  	_ =	shalt  }
0x85: {  	_ =	shalt  }
0x86: {  	_ =	shalt  }
0x87: {  	_ =	shalt  }
.Lfunc_end0:
.L_simem_size_0:
called_computation.1_lowered:
.L_overlay_start_0:
0x88: {  	s2 =	sld [smem:$0x3FD9]  }
0x89: {  	s3 =	sld [smem:$0x3FFE];
	_ =	sdelay $0x1  }
0x8a: {  	s1 =	srdreg.scid  }
0x8b: {  	s0 =	sand.u32 $0x1, s1  }
0x8c: {  	s16 =	sshll.u32 s0, $0xA;
	s2 =	sadd.s32 s3, s2  }
0x8d: {  	s2 =	sadd.s32 s2, s16  }
0x8e: {  	[smem:$0x3FAB] =	sst s2  }
0x8f: {  	_ = 	snop  }
0x90: {  	(tm) =	ssettm $0x1  }
0x91: {  	s17 =	sld [smem:$0x3FFB];
	_ =	sdelay $0x3  }
0x92: {  	_ =	strace s17  }
0x93: {  	s2 =	sld [smem:$0x3FFC];
	_ =	sdelay $0x3  }
0x94: {  	_ =	strace s2  }
0x95: {  	s2 =	sld [smem:$0x3FFD];
	_ =	sdelay $0x3  }
0x96: {  	_ =	strace s2  }
0x97: {  	_ =	strace $0x8FFFFFFF  }
0x98: {  	s18 =	sld [smem:$0x3FDB];
	_ =	sdelay $0x1  }
0x99: {  	s19 =	simm.s32 $_scs_section_size  }
0x9a: {  	s4 =	simm.s32 $_size__tile_overlayer_lowered;
	s5 =	simm.s32 $_tile_overlayer_lowered  }
0x9b: {  	s22 =	simm.s32 $0x1BFF;
	s21 =	sshll.u32 s5, $0x1;
	s2 =	sadd.s32 s19, s18  }
0x9c: {  	s6 =	simm.s32 $0x0;
	s20 =	sshll.u32 s4, $0x1;
	s4 =	sadd.s32 s21, s2  }
0x9d: {  	[timem:s6], [sflag:s22] =	dma.local [hbm:s4], s20  }
0x9e: {  	_ =	swait.ge [sflag:s22], s20  }
0x9f: {  	s3 =	ssub.s32 $0x0, s20;
	[sflag:s22] =	ssyncset.done $0x0  }
0xa0: {  	[sflag:s22] =	ssyncadd.s32 s3;
	_ =	sdelay $0x1  }
0xa1: {  	s23 =	simm.s32 $0x1B8B  }
0xa2: {  	_ =	swait.ge [sflag:s23], $0x1  }
0xa3: {  	[sflag:s23] =	ssyncset.done $0x0  }
0xa4: {  	s25 =	simm.s32 $0x1B8E;
	s24 =	sld [smem:$0x3FFE];
	[sflag:s23] =	ssyncadd.s32 $0xFFFFFFFF  }
0xa5: {  	s26 =	simm.s32 $execute0_lowered;
	[smem:$0x3FD2] =	sst s25  }
0xa6: {  	s4 =	sshll.u32 s26, $0x1;
	_ =	strace $0x80000049;
	[dreg:$0x1] =	wrdreg $0xFFFFFFFF  }
0xa7: {  	s28 =	simm.s32 $_size_execute0_lowered;
	s2 =	sadd.s32 s2, s4;
	[dreg:$0x0] =	wrdreg $0x0  }
0xa8: {  	s4 =	sshll.u32 s28, $0x1;
	[dreg:$0x2] =	wrdreg s2  }
0xa9: {  	[dreg:$0x3] =	wrdreg s4  }
0xaa: {  	[dreg:$0x4] =	wrdreg $0xC0  }
0xab: {  	_ =	task [dreg:s6], $0x5FFFF  }
0xac: {  	[dreg:$0x1] =	wrdreg $0xFFFFFFFF  }
0xad: {  	[dreg:$0x0] =	wrdreg $0x60  }
0xae: {  	[dreg:$0x2] =	wrdreg s24  }
0xaf: {  	[dreg:$0x3] =	wrdreg $0x0  }
0xb0: {  	[dreg:$0x4] =	wrdreg $0x9  }
0xb1: {  	_ =	task.clear_ibuf [dreg:s6], $0x5FFFF;
	_ =	strace $0x90000049  }
0xb2: {  	s29 =	simm.s32 $0x9;
	_ =	strace $0x8000004B  }
0xb3: {  	_ =	swait.ge [sflag:s29], $0x1  }
0xb4: {  	[sflag:s29] =	ssyncadd.s32 $0xFFFFFFFF  }
0xb5: {  	_ =	strace $0x9000004B  }
0xb6: {  	_ =	sfence  }
0xb7: {  	s30 =	sld [smem:$0x0];
	_ =	sdelay $0x2  }
0xb8: {  	s31 =	sshll.u32 s1, $0xD;
	s1 =	sshrl.u32 s1, $0x2  }
0xb9: {  	s3 =	sand.u32 $0x4000, s31;
	s1 =	sadd.s32 s1, s30  }
0xba: {  	s0 =	sor.u32 s3, s0;
	s1 =	sshll.u32 s1, $0x11  }
0xbb: {  	s0 =	sor.u32 s1, s0  }
0xbc: {  	s0 =	sadd.s32 $0x8F2B, s0  }
0xbd: {  	[sflag:s0] =	ssyncadd.remote.s32 $0x1  }
0xbe: {  	_ =	sfence.sel $0xFFFF  }
0xbf: {  	[dreg:$0x0] =	wrdreg $0xFFFFFFFF;
	(pc) =	sbr.abs _section_cstart, $3  }
0xc0: {  	[dreg:$0x1] =	wrdreg $0xFFFFFFFF  }
0xc1: {  	_ =	task.clear_ibuf [dreg:s6], $0x2FFFF;
	_ =	strace $0x9FFFFFFF  }
0xc2: {  	(tm) =	ssettm $0x7FFFFFFF  }
0xc3: {  	_ =	shalt  }
tec
execute0_lowered:
.L_overlay_start_1:
0x0: {  	(tag) =	ssettag $0x1  }
0x1: {  	s15 =	rddreg [dreg:$0x0]  }
0x2: {  	s1 =	rddreg [dreg:$0x1]  }
0x3: {  	s3 =	simm.s32 $0x0;
	s4 =	srdreg.scid;
	s2 =	stileid.u32  }
0x4: {  	s18 =	simm.s32 $0x6B000;
	s19 =	simm.s32 $0x15400;
	s20 =	simm.s32 $0x80  }
0x5: {  	s21 =	simm.s32 $0x1A800;
	s22 =	simm.s32 $0x1;
	s23 =	simm.s32 $0x2  }
0x6: {  	s24 =	simm.s32 $0x15380;
	s25 =	simm.s32 $0x16700;
	s26 =	simm.s32 $0x16780  }
0x7: {  	[smem:$0x7FF] =	sst s3;
	s6 =	sand.u32 $0x1, s4;
	s4 =	sadd.s32 $0x1B000, s15  }
0x8: {  	s7 =	smul.u32 $0x50000, s2;
	s13 =	sadd.s32 $0x7000, s15;
	s14 =	sadd.s32 $0x11000, s15  }
0x9: {  	s16 =	smul.u32 $0x2800, s2;
	_ =	strace $0x8000004A;
	s5 =	ssub.s32 $0x2, s6  }
0xa: {  	s31 =	sshll.u32 s6, $0x4;
	p0 =	seq.s32 s6, $0x1;
	s8 =	sshrl.u32 s5, $0x1  }
0xb: {  	s7 =	sshrl.u32 s7, $0x2;
	s9 =	sor.u32 s2, s31;
	s18 =	simm.s32 @!p0 $0x43000  }
0xc: {  	s8 =	ssub.s32 s5, s8;
	s5 =	sadd.s32 s7, s1;
	s17 =	smul.u32 $0x500, s9  }
0xd: {  	s15 =	sadd.s32 s18, s15;
	s18 =	simm.s32 $0x14000;
	s6 =	smax.u32 s8, $0x1  }
0xe: {  	s7 =	sadd.s32 $0x4000, s5;
	s8 =	sadd.s32 $0x8000, s5;
	s9 =	sadd.s32 $0xC000, s5  }
0xf: {  	s10 =	sadd.s32 $0x10000, s5;
	s15 =	sadd.s32 s15, s16;
	s16 =	simm.s32 $0x16800  }
0x10: {  	s11 =	sadd.s32 s13, s17;
	s12 =	sadd.s32 s14, s17;
	s17 =	sadd.s32 $0x280, s17  }
0x11: {  	v0 =	vimm.f32 $0.0e+00;
	s13 =	sadd.s32 s13, s17;
	s14 =	sadd.s32 s14, s17;
	s17 =	simm.s32 $0x3  }
.LBB2_1:
0x12: {  	s28 =	simm.s32 $0x0;
	s29 =	simm.s32 $0x200  }
.LBB2_2:
0x13: {  	p0 =	sne.s32 s29, $0xFE00;
	[tilespmem:s28+$0x16870] =	vst v0  }
0x14: {  	[tilespmem:s28+$0x16800] =	vst v0  }
0x15: {  	[tilespmem:s28+$0x16810] =	vst v0  }
.Ltmp0:
0x16: {  	[tilespmem:s28+$0x16820] =	vst v0;
	(pc) =	sbr.rel @p0 .LBB2_2-.Ltmp0, $4  }
0x17: {  	[tilespmem:s28+$0x16830] =	vst v0  }
0x18: {  	[tilespmem:s28+$0x16840] =	vst v0  }
0x19: {  	[tilespmem:s28+$0x16850] =	vst v0  }
0x1a: {  	[tilespmem:s28+$0x16860] =	vst v0;
	s28 =	sshra.s32 s29, $0x2;
	s29 =	sadd.s32 $0x200, s29  }
0x1b: {  	[tilespmem:s28+$0x16870] =	vst v0  }
0x1c: {  	[tilespmem:s28+$0x16800] =	vst v0  }
0x1d: {  	[tilespmem:s28+$0x16810] =	vst v0  }
0x1e: {  	[tilespmem:s28+$0x16820] =	vst v0  }
0x1f: {  	[tilespmem:s28+$0x16830] =	vst v0  }
0x20: {  	[tilespmem:s28+$0x16840] =	vst v0  }
0x21: {  	[tilespmem:s28+$0x16850] =	vst v0  }
0x22: {  	[tilespmem:s28+$0x16860] =	vst v0  }
0x23: {  	[spmem:s5] =	stream.linear.scatter [tilespmem:s16], [sflag:$0x3], $0x4000, $0x38;
	[tilespmem:$0x1E800] =	vst v63  }
0x24: {  	_ =	swait.ge [sflag:s17], $0x4000  }
0x25: {  	[sflag:s17] =	ssyncset.done $0x0  }
0x26: {  	[sflag:s17] =	ssyncadd.s32 $0xFFFFC000  }
0x27: {  	[spmem:s7] =	stream.linear.scatter [tilespmem:s16], [sflag:$0x3], $0x4000, $0x38;
	[tilespmem:$0x1E800] =	vst v63  }
0x28: {  	_ =	swait.ge [sflag:s17], $0x4000  }
0x29: {  	[sflag:s17] =	ssyncset.done $0x0  }
0x2a: {  	[sflag:s17] =	ssyncadd.s32 $0xFFFFC000  }
0x2b: {  	[spmem:s8] =	stream.linear.scatter [tilespmem:s16], [sflag:$0x3], $0x4000, $0x38;
	[tilespmem:$0x1E800] =	vst v63  }
0x2c: {  	_ =	swait.ge [sflag:s17], $0x4000  }
0x2d: {  	[sflag:s17] =	ssyncset.done $0x0  }
0x2e: {  	[sflag:s17] =	ssyncadd.s32 $0xFFFFC000  }
0x2f: {  	[spmem:s9] =	stream.linear.scatter [tilespmem:s16], [sflag:$0x3], $0x4000, $0x38;
	[tilespmem:$0x1E800] =	vst v63  }
0x30: {  	_ =	swait.ge [sflag:s17], $0x4000  }
0x31: {  	[sflag:s17] =	ssyncset.done $0x0  }
0x32: {  	[sflag:s17] =	ssyncadd.s32 $0xFFFFC000  }
0x33: {  	[spmem:s10] =	stream.linear.scatter [tilespmem:s16], [sflag:$0x3], $0x4000, $0x38;
	[tilespmem:$0x1E800] =	vst v63  }
0x34: {  	_ =	swait.ge [sflag:s17], $0x4000  }
0x35: {  	[sflag:s17] =	ssyncset.done $0x0  }
0x36: {  	[sflag:s17] =	ssyncadd.s32 $0xFFFFC000  }
0x37: {  	s28 =	simm.s32 $0x0;
	[bflag:$0x0] =	sbarrier.arrive $0xFFFF  }
0x38: {  	[tilespmem:s18], [sflag:$0x3] =	stream.linear.gather [hbm4b:s11+s28], $0x1400, $0x38;
	[tilespmem:$0x1E800] =	vst v63  }
0x39: {  	_ =	swait.ge [sflag:s17], $0x1400  }
0x3a: {  	[sflag:s17] =	ssyncset.done $0x0  }
0x3b: {  	[sflag:s17] =	ssyncadd.s32 $0xFFFFEC00  }
0x3c: {  	[tilespmem:s19], [sflag:$0x3] =	stream.linear.gather [hbm4b:s12+s28], $0x1400, $0x38;
	[tilespmem:$0x1E800] =	vst v63  }
0x3d: {  	_ =	swait.ge [sflag:s17], $0x1400  }
0x3e: {  	[sflag:s17] =	ssyncset.done $0x0  }
0x3f: {  	[sflag:s17] =	ssyncadd.s32 $0xFFFFEC00  }
0x40: {  	[tilespmem:s16], [sflag:$0x1] =	stream.indirect.gather [hbm4b:s4+s20], $0x80, s18, s20, $0xb8;
	[tilespmem:$0x1E800] =	vst v63  }
0x41: {  	s28 =	simm.s32 $0x14080  }
0x42: {  	[tilespmem:s21], [sflag:$0x2] =	stream.indirect.gather [hbm4b:s4+s20], $0x80, s28, s20, $0xb8;
	[tilespmem:$0x1E800] =	vst v63  }
0x43: {  	_ =	swait.ge [sflag:s22], $0x4000  }
0x44: {  	[sflag:s22] =	ssyncset.done $0x0  }
0x45: {  	s28 =	simm.s32 $0x15400;
	[sflag:s22] =	ssyncadd.s32 $0xFFFFC000  }
0x46: {  	[spmem:s1] =	stream.indirect.scatter.add.f32 [tilespmem:s16], [sflag:$0x3], $0x80, s28, s20, $0xb8;
	[tilespmem:$0x1E800] =	vst v63  }
0x47: {  	_ =	swait.ge [sflag:s17], $0x4000  }
0x48: {  	[sflag:s17] =	ssyncset.done $0x0  }
0x49: {  	s28 =	simm.s32 $0x14100;
	[sflag:s17] =	ssyncadd.s32 $0xFFFFC000  }
0x4a: {  	[tilespmem:s16], [sflag:$0x1] =	stream.indirect.gather [hbm4b:s4+s20], $0x80, s28, s20, $0xb8;
	[tilespmem:$0x1E800] =	vst v63  }
0x4b: {  	_ =	swait.ge [sflag:s23], $0x4000  }
0x4c: {  	[sflag:s23] =	ssyncset.done $0x0  }
0x4d: {  	s28 =	simm.s32 $0x15480;
	[sflag:s23] =	ssyncadd.s32 $0xFFFFC000  }
0x4e: {  	[spmem:s1] =	stream.indirect.scatter.add.f32 [tilespmem:s21], [sflag:$0x3], $0x80, s28, s20, $0xb8;
	[tilespmem:$0x1E800] =	vst v63  }
0x4f: {  	_ =	swait.ge [sflag:s17], $0x4000  }
0x50: {  	s29 =	simm.s32 $0x800;
	s28 =	simm.s32 $0x100;
	[sflag:s17] =	ssyncset.done $0x0  }
.LBB2_4:
0x51: {  	s30 =	sadd.s32 $0x14080, s28  }
0x52: {  	[sflag:s17] =	ssyncadd.s32 $0xFFFFC000;
	s31 =	smov.u32 s29;
	s0 =	sadd.s32 $0x400, s29  }
0x53: {  	[tilespmem:s21], [sflag:$0x2] =	stream.indirect.gather [hbm4b:s4+s20], $0x80, s30, s20, $0xb8;
	[tilespmem:$0x1E800] =	vst v63  }
0x54: {  	p0 =	sne.s32 s29, $0x4800;
	_ =	swait.ge [sflag:s22], $0x4000  }
0x55: {  	[sflag:s22] =	ssyncset.done $0x0  }
0x56: {  	s29 =	sadd.s32 $0x15400, s28;
	[sflag:s22] =	ssyncadd.s32 $0xFFFFC000  }
0x57: {  	[spmem:s1] =	stream.indirect.scatter.add.f32 [tilespmem:s16], [sflag:$0x3], $0x80, s29, s20, $0xb8;
	[tilespmem:$0x1E800] =	vst v63  }
0x58: {  	_ =	swait.ge [sflag:s17], $0x4000  }
0x59: {  	[sflag:s17] =	ssyncset.done $0x0  }
0x5a: {  	s29 =	sadd.s32 $0x14100, s28;
	[sflag:s17] =	ssyncadd.s32 $0xFFFFC000  }
0x5b: {  	[tilespmem:s16], [sflag:$0x1] =	stream.indirect.gather [hbm4b:s4+s20], $0x80, s29, s20, $0xb8;
	[tilespmem:$0x1E800] =	vst v63  }
0x5c: {  	_ =	swait.ge [sflag:s23], $0x4000  }
.Ltmp1:
0x5d: {  	[sflag:s23] =	ssyncset.done $0x0;
	(pc) =	sbr.rel @p0 .LBB2_4-.Ltmp1, $4  }
0x5e: {  	s28 =	sadd.s32 $0x15480, s28;
	[sflag:s23] =	ssyncadd.s32 $0xFFFFC000  }
0x5f: {  	[spmem:s1] =	stream.indirect.scatter.add.f32 [tilespmem:s21], [sflag:$0x3], $0x80, s28, s20, $0xb8;
	[tilespmem:$0x1E800] =	vst v63  }
0x60: {  	_ =	swait.ge [sflag:s17], $0x4000  }
0x61: {  	s29 =	smov.u32 s0;
	s28 =	sshra.s32 s31, $0x2;
	[sflag:s17] =	ssyncset.done $0x0  }
0x62: {  	s0 =	sadd.s32 $0x14080, s28;
	[sflag:s17] =	ssyncadd.s32 $0xFFFFC000  }
0x63: {  	[tilespmem:s21], [sflag:$0x2] =	stream.indirect.gather [hbm4b:s4+s20], $0x80, s0, s20, $0xb8;
	[tilespmem:$0x1E800] =	vst v63  }
0x64: {  	_ =	swait.ge [sflag:s22], $0x4000  }
0x65: {  	[sflag:s22] =	ssyncset.done $0x0  }
0x66: {  	s30 =	sadd.s32 $0x15400, s28;
	[sflag:s22] =	ssyncadd.s32 $0xFFFFC000  }
0x67: {  	[spmem:s1] =	stream.indirect.scatter.add.f32 [tilespmem:s16], [sflag:$0x3], $0x80, s30, s20, $0xb8;
	[tilespmem:$0x1E800] =	vst v63  }
0x68: {  	_ =	swait.ge [sflag:s17], $0x4000  }
0x69: {  	[sflag:s17] =	ssyncset.done $0x0  }
0x6a: {  	s31 =	sadd.s32 $0x14100, s28;
	[sflag:s17] =	ssyncadd.s32 $0xFFFFC000  }
0x6b: {  	[tilespmem:s16], [sflag:$0x1] =	stream.indirect.gather [hbm4b:s4+s20], $0x80, s31, s20, $0xb8;
	[tilespmem:$0x1E800] =	vst v63  }
0x6c: {  	_ =	swait.ge [sflag:s23], $0x4000  }
0x6d: {  	[sflag:s23] =	ssyncset.done $0x0  }
0x6e: {  	s30 =	sadd.s32 $0x15480, s28;
	[sflag:s23] =	ssyncadd.s32 $0xFFFFC000  }
0x6f: {  	[spmem:s1] =	stream.indirect.scatter.add.f32 [tilespmem:s21], [sflag:$0x3], $0x80, s30, s20, $0xb8;
	[tilespmem:$0x1E800] =	vst v63  }
0x70: {  	_ =	swait.ge [sflag:s17], $0x4000  }
0x71: {  	[sflag:s17] =	ssyncset.done $0x0  }
0x72: {  	[sflag:s17] =	ssyncadd.s32 $0xFFFFC000  }
0x73: {  	[tilespmem:s21], [sflag:$0x2] =	stream.indirect.gather [hbm4b:s4+s20], $0x80, s24, s20, $0xb8;
	[tilespmem:$0x1E800] =	vst v63  }
0x74: {  	_ =	swait.ge [sflag:s22], $0x4000  }
0x75: {  	[sflag:s22] =	ssyncset.done $0x0  }
0x76: {  	[sflag:s22] =	ssyncadd.s32 $0xFFFFC000  }
0x77: {  	[spmem:s1] =	stream.indirect.scatter.add.f32 [tilespmem:s16], [sflag:$0x3], $0x80, s25, s20, $0xb8;
	[tilespmem:$0x1E800] =	vst v63  }
0x78: {  	_ =	swait.ge [sflag:s17], $0x4000  }
0x79: {  	[sflag:s17] =	ssyncset.done $0x0  }
0x7a: {  	[sflag:s17] =	ssyncadd.s32 $0xFFFFC000  }
0x7b: {  	_ =	swait.ge [sflag:s23], $0x4000  }
0x7c: {  	[sflag:s23] =	ssyncset.done $0x0  }
0x7d: {  	[sflag:s23] =	ssyncadd.s32 $0xFFFFC000  }
0x7e: {  	[spmem:s1] =	stream.indirect.scatter.add.f32 [tilespmem:s21], [sflag:$0x3], $0x80, s26, s20, $0xb8;
	[tilespmem:$0x1E800] =	vst v63  }
0x7f: {  	_ =	swait.ge [sflag:s17], $0x4000  }
0x80: {  	[sflag:s17] =	ssyncset.done $0x0  }
0x81: {  	s31 =	simm.s32 $0x0;
	[sflag:s17] =	ssyncadd.s32 $0xFFFFC000  }
0x82: {  	[tilespmem:s18], [sflag:$0x3] =	stream.linear.gather [hbm4b:s13+s31], $0x1400, $0x38;
	[tilespmem:$0x1E800] =	vst v63  }
0x83: {  	_ =	swait.ge [sflag:s17], $0x1400  }
0x84: {  	[sflag:s17] =	ssyncset.done $0x0  }
0x85: {  	[sflag:s17] =	ssyncadd.s32 $0xFFFFEC00  }
0x86: {  	[tilespmem:s19], [sflag:$0x3] =	stream.linear.gather [hbm4b:s14+s31], $0x1400, $0x38;
	[tilespmem:$0x1E800] =	vst v63  }
0x87: {  	_ =	swait.ge [sflag:s17], $0x1400  }
0x88: {  	[sflag:s17] =	ssyncset.done $0x0  }
0x89: {  	[sflag:s17] =	ssyncadd.s32 $0xFFFFEC00  }
0x8a: {  	[tilespmem:s16], [sflag:$0x1] =	stream.indirect.gather [hbm4b:s4+s20], $0x80, s18, s20, $0xb8;
	[tilespmem:$0x1E800] =	vst v63  }
0x8b: {  	s30 =	simm.s32 $0x14080  }
0x8c: {  	[tilespmem:s21], [sflag:$0x2] =	stream.indirect.gather [hbm4b:s4+s20], $0x80, s30, s20, $0xb8;
	[tilespmem:$0x1E800] =	vst v63  }
0x8d: {  	_ =	swait.ge [sflag:s22], $0x4000  }
0x8e: {  	[sflag:s22] =	ssyncset.done $0x0  }
0x8f: {  	s31 =	simm.s32 $0x15400;
	[sflag:s22] =	ssyncadd.s32 $0xFFFFC000  }
0x90: {  	[spmem:s1] =	stream.indirect.scatter.add.f32 [tilespmem:s16], [sflag:$0x3], $0x80, s31, s20, $0xb8;
	[tilespmem:$0x1E800] =	vst v63  }
0x91: {  	_ =	swait.ge [sflag:s17], $0x4000  }
0x92: {  	[sflag:s17] =	ssyncset.done $0x0  }
0x93: {  	s30 =	simm.s32 $0x14100;
	[sflag:s17] =	ssyncadd.s32 $0xFFFFC000  }
0x94: {  	[tilespmem:s16], [sflag:$0x1] =	stream.indirect.gather [hbm4b:s4+s20], $0x80, s30, s20, $0xb8;
	[tilespmem:$0x1E800] =	vst v63  }
0x95: {  	_ =	swait.ge [sflag:s23], $0x4000  }
0x96: {  	[sflag:s23] =	ssyncset.done $0x0  }
0x97: {  	s31 =	simm.s32 $0x15480;
	[sflag:s23] =	ssyncadd.s32 $0xFFFFC000  }
0x98: {  	[spmem:s1] =	stream.indirect.scatter.add.f32 [tilespmem:s21], [sflag:$0x3], $0x80, s31, s20, $0xb8;
	[tilespmem:$0x1E800] =	vst v63  }
0x99: {  	_ =	swait.ge [sflag:s17], $0x4000  }
0x9a: {  	s29 =	simm.s32 $0x800;
	s28 =	simm.s32 $0x100;
	[sflag:s17] =	ssyncset.done $0x0  }
.LBB2_6:
0x9b: {  	s0 =	sadd.s32 $0x14080, s28  }
0x9c: {  	[sflag:s17] =	ssyncadd.s32 $0xFFFFC000;
	s30 =	smov.u32 s29;
	s31 =	sadd.s32 $0x400, s29  }
0x9d: {  	[tilespmem:s21], [sflag:$0x2] =	stream.indirect.gather [hbm4b:s4+s20], $0x80, s0, s20, $0xb8;
	[tilespmem:$0x1E800] =	vst v63  }
0x9e: {  	p0 =	sne.s32 s29, $0x4800;
	_ =	swait.ge [sflag:s22], $0x4000  }
0x9f: {  	[sflag:s22] =	ssyncset.done $0x0  }
0xa0: {  	s0 =	sadd.s32 $0x15400, s28;
	[sflag:s22] =	ssyncadd.s32 $0xFFFFC000  }
0xa1: {  	[spmem:s1] =	stream.indirect.scatter.add.f32 [tilespmem:s16], [sflag:$0x3], $0x80, s0, s20, $0xb8;
	[tilespmem:$0x1E800] =	vst v63  }
0xa2: {  	_ =	swait.ge [sflag:s17], $0x4000  }
0xa3: {  	[sflag:s17] =	ssyncset.done $0x0  }
0xa4: {  	s0 =	sadd.s32 $0x14100, s28;
	[sflag:s17] =	ssyncadd.s32 $0xFFFFC000  }
0xa5: {  	[tilespmem:s16], [sflag:$0x1] =	stream.indirect.gather [hbm4b:s4+s20], $0x80, s0, s20, $0xb8;
	[tilespmem:$0x1E800] =	vst v63  }
0xa6: {  	_ =	swait.ge [sflag:s23], $0x4000  }
.Ltmp2:
0xa7: {  	[sflag:s23] =	ssyncset.done $0x0;
	(pc) =	sbr.rel @p0 .LBB2_6-.Ltmp2, $4  }
0xa8: {  	s0 =	sadd.s32 $0x15480, s28;
	[sflag:s23] =	ssyncadd.s32 $0xFFFFC000  }
0xa9: {  	[spmem:s1] =	stream.indirect.scatter.add.f32 [tilespmem:s21], [sflag:$0x3], $0x80, s0, s20, $0xb8;
	[tilespmem:$0x1E800] =	vst v63  }
0xaa: {  	_ =	swait.ge [sflag:s17], $0x4000  }
0xab: {  	s29 =	smov.u32 s31;
	s28 =	sshra.s32 s30, $0x2;
	[sflag:s17] =	ssyncset.done $0x0  }
0xac: {  	s0 =	sadd.s32 $0x14080, s28;
	[sflag:s17] =	ssyncadd.s32 $0xFFFFC000  }
0xad: {  	[tilespmem:s21], [sflag:$0x2] =	stream.indirect.gather [hbm4b:s4+s20], $0x80, s0, s20, $0xb8;
	[tilespmem:$0x1E800] =	vst v63  }
0xae: {  	_ =	swait.ge [sflag:s22], $0x4000  }
0xaf: {  	[sflag:s22] =	ssyncset.done $0x0  }
0xb0: {  	s30 =	sadd.s32 $0x15400, s28;
	[sflag:s22] =	ssyncadd.s32 $0xFFFFC000  }
0xb1: {  	[spmem:s1] =	stream.indirect.scatter.add.f32 [tilespmem:s16], [sflag:$0x3], $0x80, s30, s20, $0xb8;
	[tilespmem:$0x1E800] =	vst v63  }
0xb2: {  	_ =	swait.ge [sflag:s17], $0x4000  }
0xb3: {  	[sflag:s17] =	ssyncset.done $0x0  }
0xb4: {  	s31 =	sadd.s32 $0x14100, s28;
	[sflag:s17] =	ssyncadd.s32 $0xFFFFC000  }
0xb5: {  	[tilespmem:s16], [sflag:$0x1] =	stream.indirect.gather [hbm4b:s4+s20], $0x80, s31, s20, $0xb8;
	[tilespmem:$0x1E800] =	vst v63  }
0xb6: {  	_ =	swait.ge [sflag:s23], $0x4000  }
0xb7: {  	[sflag:s23] =	ssyncset.done $0x0  }
0xb8: {  	s29 =	sadd.s32 $0x15480, s28;
	[sflag:s23] =	ssyncadd.s32 $0xFFFFC000  }
0xb9: {  	[spmem:s1] =	stream.indirect.scatter.add.f32 [tilespmem:s21], [sflag:$0x3], $0x80, s29, s20, $0xb8;
	[tilespmem:$0x1E800] =	vst v63  }
0xba: {  	_ =	swait.ge [sflag:s17], $0x4000  }
0xbb: {  	[sflag:s17] =	ssyncset.done $0x0  }
0xbc: {  	[sflag:s17] =	ssyncadd.s32 $0xFFFFC000  }
0xbd: {  	[tilespmem:s21], [sflag:$0x2] =	stream.indirect.gather [hbm4b:s4+s20], $0x80, s24, s20, $0xb8;
	[tilespmem:$0x1E800] =	vst v63  }
0xbe: {  	_ =	swait.ge [sflag:s22], $0x4000  }
0xbf: {  	[sflag:s22] =	ssyncset.done $0x0  }
0xc0: {  	[sflag:s22] =	ssyncadd.s32 $0xFFFFC000  }
0xc1: {  	[spmem:s1] =	stream.indirect.scatter.add.f32 [tilespmem:s16], [sflag:$0x3], $0x80, s25, s20, $0xb8;
	[tilespmem:$0x1E800] =	vst v63  }
0xc2: {  	_ =	swait.ge [sflag:s17], $0x4000  }
0xc3: {  	[sflag:s17] =	ssyncset.done $0x0  }
0xc4: {  	[sflag:s17] =	ssyncadd.s32 $0xFFFFC000  }
0xc5: {  	_ =	swait.ge [sflag:s23], $0x4000  }
0xc6: {  	[sflag:s23] =	ssyncset.done $0x0  }
0xc7: {  	[sflag:s23] =	ssyncadd.s32 $0xFFFFC000  }
0xc8: {  	[spmem:s1] =	stream.indirect.scatter.add.f32 [tilespmem:s21], [sflag:$0x3], $0x80, s26, s20, $0xb8;
	[tilespmem:$0x1E800] =	vst v63  }
0xc9: {  	_ =	swait.ge [sflag:s17], $0x4000  }
0xca: {  	s3 =	sadd.s32 $0x1, s3;
	s30 =	sshll.u32 s2, $0x6;
	[sflag:s17] =	ssyncset.done $0x0  }
0xcb: {  	p0 =	sne.s32 s3, s6;
	s0 =	sor.u32 $0x1C03, s30;
	[sflag:s17] =	ssyncadd.s32 $0xFFFFC000  }
.Ltmp3:
0xcc: {  	s31 =	sshrl.u32 s5, $0x3;
	[bflag:$0x0] =	sbarrier.arrive $0xFFFF;
	(pc) =	sbr.rel @p0 .LBB2_1-.Ltmp3, $4  }
0xcd: {  	[hbm:s15], [sflag:s0] =	dma.local [spmem:s31], $0x2800  }
0xce: {  	_ =	swait.ge [sflag:s17], $0x2800  }
0xcf: {  	[sflag:s17] =	ssyncset.done $0x0  }
0xd0: {  	[sflag:s17] =	ssyncadd.s32 $0xFFFFD800  }
0xd1: {  	_ =	sfence.sel $0x180000  }
0xd2: {  	[bflag:$0x0] =	sbarrier.arrive $0xFFFF  }
0xd3: {  	_ =	strace $0x9000004A  }
0xd4: {  	[bflag:$0x2] =	sbarrier.arrive $0xFFFF  }
0xd5: {  	p0 =	sne.s32 s2, $0x0;
	s0 =	rddreg [dreg:$0x2]  }
0xd6: {  	s0 =	sadd.s32 @!p0 $0x100000, s0  }
0xd7: {  	[sflag:s0] =	ssyncadd.tile.s32 @!p0 $0x1;
	_ =	shalt  }
.Lfunc_end2:
_tile_overlayer_lowered:
.L_overlay_start_2:
0xd8: {  	(tag) =	ssettag $0x2  }
0xd9: {  	s0 =	rddreg [dreg:$0x0];
	s2 =	stileid.u32  }
0xda: {  	s1 =	rddreg [dreg:$0x1];
	p0 =	sne.s32 s2, $0x0  }
0xdb: {  	s3 =	rddreg [dreg:$0x2];
	[bflag:$0x3] =	sbarrier.arrive $0xFFFF;
	s2 =	simm.s32 @!p0 $0x1C03  }
0xdc: {  	[timem:s3], [sflag:s2] =	dma.local @!p0 [hbm:s0], s1  }
0xdd: {  	s0 =	simm.s32 @!p0 $0x3  }
0xde: {  	_ =	swait.ge @!p0 [sflag:s0], s1  }
0xdf: {  	s1 =	ssub.s32 @!p0 $0x0, s1;
	[sflag:s0] =	ssyncset.done @!p0 $0x0  }
0xe0: {  	[sflag:s0] =	ssyncadd.s32 @!p0 s1  }
0xe1: {  	[bflag:$0x3] =	sbarrier.arrive $0xFFFF  }
0xe2: {  	_ =	shalt  }

// kernel: kernel.17.cloned.1.call-start
scs
__scs_entry_jumppad:
0x0: {  	(pc) =	sbr.rel $0x88, $3  }
0x1: {  	(tag) =	ssettag $0x0;
	lr =	simm.s32 $0x1  }
0x2: {  	[smem:$0x3F84] =	sst lr;
	_ =	strace $0xD0000000  }
0x3: {  	_ = 	snop  }
0x4: {  	_ = 	snop  }
0x5: {  	_ = 	snop  }
0x6: {  	_ = 	snop  }
0x7: {  	_ = 	snop  }
__scs_overlays_trampoline_lowered:
0x8: {  	[smem:$0x3F93] =	sst s0  }
0x9: {  	[smem:$0x3F94] =	sst s1  }
0xa: {  	[smem:$0x3F95] =	sst s2  }
0xb: {  	[smem:$0x3F96] =	sst s3  }
0xc: {  	[smem:$0x3F97] =	sst s4  }
0xd: {  	[smem:$0x3F98] =	sst s5  }
0xe: {  	[smem:$0x3F99] =	sst s6  }
0xf: {  	[smem:$0x3F9A] =	sst s7  }
0x10: {  	[smem:$0x3F9B] =	sst s8  }
0x11: {  	[smem:$0x3F9C] =	sst s9;
	s0 =	simm.s32 @!p0 $0x0  }
0x12: {  	s1 =	sld [smem:$0x3F82];
	s0 =	simm.s32 @p0 $0x1  }
0x13: {  	[smem:$0x3F9D] =	sst s0;
	s0 =	simm.s32 @!p1 $0x0  }
0x14: {  	s2 =	sld [smem:$0x3F81];
	s0 =	simm.s32 @p1 $0x1  }
0x15: {  	[smem:$0x3F9E] =	sst s0;
	s0 =	simm.s32 @!p2 $0x0  }
0x16: {  	s3 =	sld [smem:$0x3FDB];
	s0 =	simm.s32 @p2 $0x1  }
0x17: {  	s4 =	simm.s32 $0x1BF5;
	[smem:$0x3FA0] =	sst s0  }
0x18: {  	s0 =	sld [smem:$0x3F83];
	_ =	swait.ge [sflag:s4], $0x0  }
0x19: {  	s7 =	sld [smem:$0x3F84]  }
0x1a: {  	s8 =	sadd.s32 $0xFFFFE003, lr  }
0x1b: {  	s9 =	sadd.s32 $0xFFFFFEF7, lr;
	s5 =	simm.s32 $0xFFFFFFFF;
	p2 =	slt.u32 s8, $0xFFFFF086  }
0x1c: {  	p1 =	slt.u32 s9, $0xF7A;
	s5 =	simm.s32 @!p2 $0x0  }
0x1d: {  	s5 =	simm.s32 @p1 $0x1;
	p0 =	seq.s32 s7, s2  }
0x1e: {  	s7 =	smul.u32 @!p0 $0xF7A, s2;
	p2 =	seq.s32 @!p0 s5, $0x0  }
0x1f: {  	s9 =	smul.u32 $0xF7A, s1;
	s8 =	simm.s32 @!p0 $0x1BF5;
	p2 =	por !p2, p0  }
0x20: {  	[sflag:s8] =	ssyncset.s32 @!p0 $0xFFFFF086;
	s6 =	sadd.s32 @!p0 s3, s7;
	s7 =	simm.s32 @!p0 $0x108  }
0x21: {  	s3 =	sadd.s32 s3, s9;
	s6 =	sadd.s32 @!p0 $0x88, s6;
	s7 =	simm.s32 @p2 $0x1082  }
0x22: {  	[simem:s7], [sflag:s8] =	dma.local @!p0 [hbm:s6], $0xF7A  }
0x23: {  	s9 =	sor.u32 $0xD0000000, s2;
	s6 =	simm.s32 $0x108;
	_ =	swait.ge @!p0 [sflag:s8], $0x0  }
0x24: {  	s3 =	sadd.s32 $0x88, s3;
	s6 =	simm.s32 @!p1 $0x1082;
	[sflag:s4] =	ssyncset.s32 $0xFFFFF086  }
0x25: {  	[simem:s6], [sflag:s4] =	dma.local [hbm:s3], $0xF7A  }
0x26: {  	[smem:$0x3F84] =	sst s1;
	(tag) =	ssettag s2;
	_ =	strace s9  }
0x27: {  	s1 =	sld [smem:$0x3F94]  }
0x28: {  	s2 =	sld [smem:$0x3F95]  }
0x29: {  	s4 =	sld [smem:$0x3F97]  }
0x2a: {  	p0 =	seq.s32 s5, $0x0;
	s5 =	sld [smem:$0x3F98]  }
0x2b: {  	s6 =	sld [smem:$0x3F99]  }
0x2c: {  	s7 =	sld [smem:$0x3F9A]  }
0x2d: {  	s3 =	simm.s32 $0x108;
	s8 =	sld [smem:$0x3F9B]  }
0x2e: {  	s3 =	simm.s32 @!p0 $0x1082;
	s9 =	sld [smem:$0x3F9C]  }
0x2f: {  	lr =	sadd.s32 s0, s3;
	s0 =	sld [smem:$0x3F93]  }
0x30: {  	s3 =	sld [smem:$0x3F96]  }
0x31: {  	[smem:$0x3F9F] =	sst s10  }
0x32: {  	s10 =	sld [smem:$0x3F9D];
	_ =	sdelay $0x3  }
0x33: {  	p0 =	seq.s32 s10, $0x1;
	s10 =	sld [smem:$0x3F9F];
	_ =	sdelay $0x3  }
0x34: {  	[smem:$0x3F9F] =	sst s10  }
0x35: {  	s10 =	sld [smem:$0x3F9E];
	_ =	sdelay $0x3  }
0x36: {  	p1 =	seq.s32 s10, $0x1;
	s10 =	sld [smem:$0x3F9F];
	_ =	sdelay $0x3  }
0x37: {  	[smem:$0x3F9F] =	sst s10  }
0x38: {  	s10 =	sld [smem:$0x3FA0]  }
0x39: {  	_ = 	snop;
	(pc) =	sbr.ind lr, $3  }
0x3a: {  	_ = 	snop  }
0x3b: {  	_ = 	snop  }
0x3c: {  	p2 =	seq.s32 s10, $0x1;
	s10 =	sld [smem:$0x3F9F]  }
0x3d: {  	_ =	shalt  }
0x3e: {  	_ =	shalt  }
0x3f: {  	_ =	shalt  }
0x40: {  	_ =	shalt  }
0x41: {  	_ =	shalt  }
0x42: {  	_ =	shalt  }
0x43: {  	_ =	shalt  }
0x44: {  	_ =	shalt  }
0x45: {  	_ =	shalt  }
0x46: {  	_ =	shalt  }
0x47: {  	_ =	shalt  }
0x48: {  	_ =	shalt  }
0x49: {  	_ =	shalt  }
0x4a: {  	_ =	shalt  }
0x4b: {  	_ =	shalt  }
0x4c: {  	_ =	shalt  }
0x4d: {  	_ =	shalt  }
0x4e: {  	_ =	shalt  }
0x4f: {  	_ =	shalt  }
0x50: {  	_ =	shalt  }
0x51: {  	_ =	shalt  }
0x52: {  	_ =	shalt  }
0x53: {  	_ =	shalt  }
0x54: {  	_ =	shalt  }
0x55: {  	_ =	shalt  }
0x56: {  	_ =	shalt  }
0x57: {  	_ =	shalt  }
0x58: {  	_ =	shalt  }
0x59: {  	_ =	shalt  }
0x5a: {  	_ =	shalt  }
0x5b: {  	_ =	shalt  }
0x5c: {  	_ =	shalt  }
0x5d: {  	_ =	shalt  }
0x5e: {  	_ =	shalt  }
0x5f: {  	_ =	shalt  }
0x60: {  	_ =	shalt  }
0x61: {  	_ =	shalt  }
0x62: {  	_ =	shalt  }
0x63: {  	_ =	shalt  }
0x64: {  	_ =	shalt  }
0x65: {  	_ =	shalt  }
0x66: {  	_ =	shalt  }
0x67: {  	_ =	shalt  }
0x68: {  	_ =	shalt  }
0x69: {  	_ =	shalt  }
0x6a: {  	_ =	shalt  }
0x6b: {  	_ =	shalt  }
0x6c: {  	_ =	shalt  }
0x6d: {  	_ =	shalt  }
0x6e: {  	_ =	shalt  }
0x6f: {  	_ =	shalt  }
0x70: {  	_ =	shalt  }
0x71: {  	_ =	shalt  }
0x72: {  	_ =	shalt  }
0x73: {  	_ =	shalt  }
0x74: {  	_ =	shalt  }
0x75: {  	_ =	shalt  }
0x76: {  	_ =	shalt  }
0x77: {  	_ =	shalt  }
0x78: {  	_ =	shalt  }
0x79: {  	_ =	shalt  }
0x7a: {  	_ =	shalt  }
0x7b: {  	_ =	shalt  }
0x7c: {  	_ =	shalt  }
0x7d: {  	_ =	shalt  }
0x7e: {  	_ =	shalt  }
0x7f: {  	_ =	shalt  }
0x80: {  	_ =	shalt  }
0x81: {  	_ =	shalt  }
0x82: {  	_ =	shalt  }
0x83: {  	_ =	shalt  }
0x84: {  	_ =	shalt  }
0x85: {  	_ =	shalt  }
0x86: {  	_ =	shalt  }
0x87: {  	_ =	shalt  }
.Lfunc_end0:
.L_simem_size_0:
called_computation.2_lowered:
.L_overlay_start_0:
0x88: {  	s2 =	sld [smem:$0x3FD9]  }
0x89: {  	s3 =	sld [smem:$0x3FFE];
	_ =	sdelay $0x1  }
0x8a: {  	s1 =	srdreg.scid  }
0x8b: {  	s0 =	sand.u32 $0x1, s1  }
0x8c: {  	s16 =	sshll.u32 s0, $0xA;
	s2 =	sadd.s32 s3, s2  }
0x8d: {  	s2 =	sadd.s32 s2, s16  }
0x8e: {  	[smem:$0x3FAB] =	sst s2  }
0x8f: {  	_ = 	snop  }
0x90: {  	(tm) =	ssettm $0x1  }
0x91: {  	s17 =	sld [smem:$0x3FFB];
	_ =	sdelay $0x3  }
0x92: {  	_ =	strace s17  }
0x93: {  	s2 =	sld [smem:$0x3FFC];
	_ =	sdelay $0x3  }
0x94: {  	_ =	strace s2  }
0x95: {  	s2 =	sld [smem:$0x3FFD];
	_ =	sdelay $0x3  }
0x96: {  	_ =	strace s2  }
0x97: {  	_ =	strace $0x8FFFFFFF  }
0x98: {  	s18 =	sld [smem:$0x3FDB];
	_ =	sdelay $0x1  }
0x99: {  	s19 =	simm.s32 $_scs_section_size  }
0x9a: {  	s4 =	simm.s32 $_size__tile_overlayer_lowered;
	s5 =	simm.s32 $_tile_overlayer_lowered  }
0x9b: {  	s22 =	simm.s32 $0x1BFF;
	s21 =	sshll.u32 s5, $0x1;
	s2 =	sadd.s32 s19, s18  }
0x9c: {  	s6 =	simm.s32 $0x0;
	s20 =	sshll.u32 s4, $0x1;
	s4 =	sadd.s32 s21, s2  }
0x9d: {  	[timem:s6], [sflag:s22] =	dma.local [hbm:s4], s20  }
0x9e: {  	_ =	swait.ge [sflag:s22], s20  }
0x9f: {  	s3 =	ssub.s32 $0x0, s20;
	[sflag:s22] =	ssyncset.done $0x0  }
0xa0: {  	[sflag:s22] =	ssyncadd.s32 s3;
	_ =	sdelay $0x1  }
0xa1: {  	s23 =	simm.s32 $0x1B8B  }
0xa2: {  	_ =	swait.ge [sflag:s23], $0x1  }
0xa3: {  	[sflag:s23] =	ssyncset.done $0x0  }
0xa4: {  	s25 =	simm.s32 $0x1B8E;
	s24 =	sld [smem:$0x3FFE];
	[sflag:s23] =	ssyncadd.s32 $0xFFFFFFFF  }
0xa5: {  	s26 =	simm.s32 $execute0_lowered;
	[smem:$0x3FD2] =	sst s25  }
0xa6: {  	s4 =	sshll.u32 s26, $0x1;
	_ =	strace $0x8000004C;
	[dreg:$0x1] =	wrdreg $0xFFFFFFFF  }
0xa7: {  	s28 =	simm.s32 $_size_execute0_lowered;
	s2 =	sadd.s32 s2, s4;
	[dreg:$0x0] =	wrdreg $0x0  }
0xa8: {  	s4 =	sshll.u32 s28, $0x1;
	[dreg:$0x2] =	wrdreg s2  }
0xa9: {  	[dreg:$0x3] =	wrdreg s4  }
0xaa: {  	[dreg:$0x4] =	wrdreg $0xC0  }
0xab: {  	_ =	task [dreg:s6], $0x5FFFF  }
0xac: {  	[dreg:$0x1] =	wrdreg $0xFFFFFFFF  }
0xad: {  	[dreg:$0x0] =	wrdreg $0x60  }
0xae: {  	[dreg:$0x2] =	wrdreg s24  }
0xaf: {  	[dreg:$0x3] =	wrdreg $0x0  }
0xb0: {  	[dreg:$0x4] =	wrdreg $0x9  }
0xb1: {  	_ =	task.clear_ibuf [dreg:s6], $0x5FFFF;
	_ =	strace $0x9000004C  }
0xb2: {  	s29 =	simm.s32 $0x9;
	_ =	strace $0x8000004E  }
0xb3: {  	_ =	swait.ge [sflag:s29], $0x1  }
0xb4: {  	[sflag:s29] =	ssyncadd.s32 $0xFFFFFFFF  }
0xb5: {  	_ =	strace $0x9000004E  }
0xb6: {  	_ =	sfence  }
0xb7: {  	s30 =	sld [smem:$0x0];
	_ =	sdelay $0x2  }
0xb8: {  	s31 =	sshll.u32 s1, $0xD;
	s1 =	sshrl.u32 s1, $0x2  }
0xb9: {  	s3 =	sand.u32 $0x4000, s31;
	s1 =	sadd.s32 s1, s30  }
0xba: {  	s0 =	sor.u32 s3, s0;
	s1 =	sshll.u32 s1, $0x11  }
0xbb: {  	s0 =	sor.u32 s1, s0  }
0xbc: {  	s0 =	sadd.s32 $0x8F2B, s0  }
0xbd: {  	[sflag:s0] =	ssyncadd.remote.s32 $0x1  }
0xbe: {  	_ =	sfence.sel $0xFFFF  }
0xbf: {  	[dreg:$0x0] =	wrdreg $0xFFFFFFFF;
	(pc) =	sbr.abs _section_cstart, $3  }
0xc0: {  	[dreg:$0x1] =	wrdreg $0xFFFFFFFF  }
0xc1: {  	_ =	task.clear_ibuf [dreg:s6], $0x2FFFF;
	_ =	strace $0x9FFFFFFF  }
0xc2: {  	(tm) =	ssettm $0x7FFFFFFF  }
0xc3: {  	_ =	shalt  }
tec
execute0_lowered:
.L_overlay_start_1:
0x0: {  	(tag) =	ssettag $0x1  }
0x1: {  	s15 =	rddreg [dreg:$0x0]  }
0x2: {  	s1 =	rddreg [dreg:$0x1]  }
0x3: {  	s3 =	simm.s32 $0x0;
	s4 =	srdreg.scid;
	s2 =	stileid.u32  }
0x4: {  	s18 =	simm.s32 $0x6B000;
	s19 =	simm.s32 $0x15400;
	s20 =	simm.s32 $0x80  }
0x5: {  	s21 =	simm.s32 $0x1A800;
	s22 =	simm.s32 $0x1;
	s23 =	simm.s32 $0x2  }
0x6: {  	s24 =	simm.s32 $0x15380;
	s25 =	simm.s32 $0x16700;
	s26 =	simm.s32 $0x16780  }
0x7: {  	[smem:$0x7FF] =	sst s3;
	s6 =	sand.u32 $0x1, s4;
	s4 =	sadd.s32 $0x1B000, s15  }
0x8: {  	s7 =	smul.u32 $0x50000, s2;
	s13 =	sadd.s32 $0x7000, s15;
	s14 =	sadd.s32 $0x11000, s15  }
0x9: {  	s16 =	smul.u32 $0x2800, s2;
	_ =	strace $0x8000004D;
	s5 =	ssub.s32 $0x2, s6  }
0xa: {  	s31 =	sshll.u32 s6, $0x4;
	p0 =	seq.s32 s6, $0x1;
	s8 =	sshrl.u32 s5, $0x1  }
0xb: {  	s7 =	sshrl.u32 s7, $0x2;
	s9 =	sor.u32 s2, s31;
	s18 =	simm.s32 @!p0 $0x43000  }
0xc: {  	s8 =	ssub.s32 s5, s8;
	s5 =	sadd.s32 s7, s1;
	s17 =	smul.u32 $0x500, s9  }
0xd: {  	s15 =	sadd.s32 s18, s15;
	s18 =	simm.s32 $0x14000;
	s6 =	smax.u32 s8, $0x1  }
0xe: {  	s7 =	sadd.s32 $0x4000, s5;
	s8 =	sadd.s32 $0x8000, s5;
	s9 =	sadd.s32 $0xC000, s5  }
0xf: {  	s10 =	sadd.s32 $0x10000, s5;
	s15 =	sadd.s32 s15, s16;
	s16 =	simm.s32 $0x16800  }
0x10: {  	s11 =	sadd.s32 s13, s17;
	s12 =	sadd.s32 s14, s17;
	s17 =	sadd.s32 $0x280, s17  }
0x11: {  	v0 =	vimm.f32 $0.0e+00;
	s13 =	sadd.s32 s13, s17;
	s14 =	sadd.s32 s14, s17;
	s17 =	simm.s32 $0x3  }
.LBB2_1:
0x12: {  	s28 =	simm.s32 $0x0;
	s29 =	simm.s32 $0x200  }
.LBB2_2:
0x13: {  	p0 =	sne.s32 s29, $0xFE00;
	[tilespmem:s28+$0x16870] =	vst v0  }
0x14: {  	[tilespmem:s28+$0x16800] =	vst v0  }
0x15: {  	[tilespmem:s28+$0x16810] =	vst v0  }
.Ltmp0:
0x16: {  	[tilespmem:s28+$0x16820] =	vst v0;
	(pc) =	sbr.rel @p0 .LBB2_2-.Ltmp0, $4  }
0x17: {  	[tilespmem:s28+$0x16830] =	vst v0  }
0x18: {  	[tilespmem:s28+$0x16840] =	vst v0  }
0x19: {  	[tilespmem:s28+$0x16850] =	vst v0  }
0x1a: {  	[tilespmem:s28+$0x16860] =	vst v0;
	s28 =	sshra.s32 s29, $0x2;
	s29 =	sadd.s32 $0x200, s29  }
0x1b: {  	[tilespmem:s28+$0x16870] =	vst v0  }
0x1c: {  	[tilespmem:s28+$0x16800] =	vst v0  }
0x1d: {  	[tilespmem:s28+$0x16810] =	vst v0  }
0x1e: {  	[tilespmem:s28+$0x16820] =	vst v0  }
0x1f: {  	[tilespmem:s28+$0x16830] =	vst v0  }
0x20: {  	[tilespmem:s28+$0x16840] =	vst v0  }
0x21: {  	[tilespmem:s28+$0x16850] =	vst v0  }
0x22: {  	[tilespmem:s28+$0x16860] =	vst v0  }
0x23: {  	[spmem:s5] =	stream.linear.scatter [tilespmem:s16], [sflag:$0x3], $0x4000, $0x38;
	[tilespmem:$0x1E800] =	vst v63  }
0x24: {  	_ =	swait.ge [sflag:s17], $0x4000  }
0x25: {  	[sflag:s17] =	ssyncset.done $0x0  }
0x26: {  	[sflag:s17] =	ssyncadd.s32 $0xFFFFC000  }
0x27: {  	[spmem:s7] =	stream.linear.scatter [tilespmem:s16], [sflag:$0x3], $0x4000, $0x38;
	[tilespmem:$0x1E800] =	vst v63  }
0x28: {  	_ =	swait.ge [sflag:s17], $0x4000  }
0x29: {  	[sflag:s17] =	ssyncset.done $0x0  }
0x2a: {  	[sflag:s17] =	ssyncadd.s32 $0xFFFFC000  }
0x2b: {  	[spmem:s8] =	stream.linear.scatter [tilespmem:s16], [sflag:$0x3], $0x4000, $0x38;
	[tilespmem:$0x1E800] =	vst v63  }
0x2c: {  	_ =	swait.ge [sflag:s17], $0x4000  }
0x2d: {  	[sflag:s17] =	ssyncset.done $0x0  }
0x2e: {  	[sflag:s17] =	ssyncadd.s32 $0xFFFFC000  }
0x2f: {  	[spmem:s9] =	stream.linear.scatter [tilespmem:s16], [sflag:$0x3], $0x4000, $0x38;
	[tilespmem:$0x1E800] =	vst v63  }
0x30: {  	_ =	swait.ge [sflag:s17], $0x4000  }
0x31: {  	[sflag:s17] =	ssyncset.done $0x0  }
0x32: {  	[sflag:s17] =	ssyncadd.s32 $0xFFFFC000  }
0x33: {  	[spmem:s10] =	stream.linear.scatter [tilespmem:s16], [sflag:$0x3], $0x4000, $0x38;
	[tilespmem:$0x1E800] =	vst v63  }
0x34: {  	_ =	swait.ge [sflag:s17], $0x4000  }
0x35: {  	[sflag:s17] =	ssyncset.done $0x0  }
0x36: {  	[sflag:s17] =	ssyncadd.s32 $0xFFFFC000  }
0x37: {  	s28 =	simm.s32 $0x0;
	[bflag:$0x0] =	sbarrier.arrive $0xFFFF  }
0x38: {  	[tilespmem:s18], [sflag:$0x3] =	stream.linear.gather [hbm4b:s11+s28], $0x1400, $0x38;
	[tilespmem:$0x1E800] =	vst v63  }
0x39: {  	_ =	swait.ge [sflag:s17], $0x1400  }
0x3a: {  	[sflag:s17] =	ssyncset.done $0x0  }
0x3b: {  	[sflag:s17] =	ssyncadd.s32 $0xFFFFEC00  }
0x3c: {  	[tilespmem:s19], [sflag:$0x3] =	stream.linear.gather [hbm4b:s12+s28], $0x1400, $0x38;
	[tilespmem:$0x1E800] =	vst v63  }
0x3d: {  	_ =	swait.ge [sflag:s17], $0x1400  }
0x3e: {  	[sflag:s17] =	ssyncset.done $0x0  }
0x3f: {  	[sflag:s17] =	ssyncadd.s32 $0xFFFFEC00  }
0x40: {  	[tilespmem:s16], [sflag:$0x1] =	stream.indirect.gather [hbm4b:s4+s20], $0x80, s18, s20, $0xb8;
	[tilespmem:$0x1E800] =	vst v63  }
0x41: {  	s28 =	simm.s32 $0x14080  }
0x42: {  	[tilespmem:s21], [sflag:$0x2] =	stream.indirect.gather [hbm4b:s4+s20], $0x80, s28, s20, $0xb8;
	[tilespmem:$0x1E800] =	vst v63  }
0x43: {  	_ =	swait.ge [sflag:s22], $0x4000  }
0x44: {  	[sflag:s22] =	ssyncset.done $0x0  }
0x45: {  	s28 =	simm.s32 $0x15400;
	[sflag:s22] =	ssyncadd.s32 $0xFFFFC000  }
0x46: {  	[spmem:s1] =	stream.indirect.scatter.add.f32 [tilespmem:s16], [sflag:$0x3], $0x80, s28, s20, $0xb8;
	[tilespmem:$0x1E800] =	vst v63  }
0x47: {  	_ =	swait.ge [sflag:s17], $0x4000  }
0x48: {  	[sflag:s17] =	ssyncset.done $0x0  }
0x49: {  	s28 =	simm.s32 $0x14100;
	[sflag:s17] =	ssyncadd.s32 $0xFFFFC000  }
0x4a: {  	[tilespmem:s16], [sflag:$0x1] =	stream.indirect.gather [hbm4b:s4+s20], $0x80, s28, s20, $0xb8;
	[tilespmem:$0x1E800] =	vst v63  }
0x4b: {  	_ =	swait.ge [sflag:s23], $0x4000  }
0x4c: {  	[sflag:s23] =	ssyncset.done $0x0  }
0x4d: {  	s28 =	simm.s32 $0x15480;
	[sflag:s23] =	ssyncadd.s32 $0xFFFFC000  }
0x4e: {  	[spmem:s1] =	stream.indirect.scatter.add.f32 [tilespmem:s21], [sflag:$0x3], $0x80, s28, s20, $0xb8;
	[tilespmem:$0x1E800] =	vst v63  }
0x4f: {  	_ =	swait.ge [sflag:s17], $0x4000  }
0x50: {  	s29 =	simm.s32 $0x800;
	s28 =	simm.s32 $0x100;
	[sflag:s17] =	ssyncset.done $0x0  }
.LBB2_4:
0x51: {  	s30 =	sadd.s32 $0x14080, s28  }
0x52: {  	[sflag:s17] =	ssyncadd.s32 $0xFFFFC000;
	s31 =	smov.u32 s29;
	s0 =	sadd.s32 $0x400, s29  }
0x53: {  	[tilespmem:s21], [sflag:$0x2] =	stream.indirect.gather [hbm4b:s4+s20], $0x80, s30, s20, $0xb8;
	[tilespmem:$0x1E800] =	vst v63  }
0x54: {  	p0 =	sne.s32 s29, $0x4800;
	_ =	swait.ge [sflag:s22], $0x4000  }
0x55: {  	[sflag:s22] =	ssyncset.done $0x0  }
0x56: {  	s29 =	sadd.s32 $0x15400, s28;
	[sflag:s22] =	ssyncadd.s32 $0xFFFFC000  }
0x57: {  	[spmem:s1] =	stream.indirect.scatter.add.f32 [tilespmem:s16], [sflag:$0x3], $0x80, s29, s20, $0xb8;
	[tilespmem:$0x1E800] =	vst v63  }
0x58: {  	_ =	swait.ge [sflag:s17], $0x4000  }
0x59: {  	[sflag:s17] =	ssyncset.done $0x0  }
0x5a: {  	s29 =	sadd.s32 $0x14100, s28;
	[sflag:s17] =	ssyncadd.s32 $0xFFFFC000  }
0x5b: {  	[tilespmem:s16], [sflag:$0x1] =	stream.indirect.gather [hbm4b:s4+s20], $0x80, s29, s20, $0xb8;
	[tilespmem:$0x1E800] =	vst v63  }
0x5c: {  	_ =	swait.ge [sflag:s23], $0x4000  }
.Ltmp1:
0x5d: {  	[sflag:s23] =	ssyncset.done $0x0;
	(pc) =	sbr.rel @p0 .LBB2_4-.Ltmp1, $4  }
0x5e: {  	s28 =	sadd.s32 $0x15480, s28;
	[sflag:s23] =	ssyncadd.s32 $0xFFFFC000  }
0x5f: {  	[spmem:s1] =	stream.indirect.scatter.add.f32 [tilespmem:s21], [sflag:$0x3], $0x80, s28, s20, $0xb8;
	[tilespmem:$0x1E800] =	vst v63  }
0x60: {  	_ =	swait.ge [sflag:s17], $0x4000  }
0x61: {  	s29 =	smov.u32 s0;
	s28 =	sshra.s32 s31, $0x2;
	[sflag:s17] =	ssyncset.done $0x0  }
0x62: {  	s0 =	sadd.s32 $0x14080, s28;
	[sflag:s17] =	ssyncadd.s32 $0xFFFFC000  }
0x63: {  	[tilespmem:s21], [sflag:$0x2] =	stream.indirect.gather [hbm4b:s4+s20], $0x80, s0, s20, $0xb8;
	[tilespmem:$0x1E800] =	vst v63  }
0x64: {  	_ =	swait.ge [sflag:s22], $0x4000  }
0x65: {  	[sflag:s22] =	ssyncset.done $0x0  }
0x66: {  	s30 =	sadd.s32 $0x15400, s28;
	[sflag:s22] =	ssyncadd.s32 $0xFFFFC000  }
0x67: {  	[spmem:s1] =	stream.indirect.scatter.add.f32 [tilespmem:s16], [sflag:$0x3], $0x80, s30, s20, $0xb8;
	[tilespmem:$0x1E800] =	vst v63  }
0x68: {  	_ =	swait.ge [sflag:s17], $0x4000  }
0x69: {  	[sflag:s17] =	ssyncset.done $0x0  }
0x6a: {  	s31 =	sadd.s32 $0x14100, s28;
	[sflag:s17] =	ssyncadd.s32 $0xFFFFC000  }
0x6b: {  	[tilespmem:s16], [sflag:$0x1] =	stream.indirect.gather [hbm4b:s4+s20], $0x80, s31, s20, $0xb8;
	[tilespmem:$0x1E800] =	vst v63  }
0x6c: {  	_ =	swait.ge [sflag:s23], $0x4000  }
0x6d: {  	[sflag:s23] =	ssyncset.done $0x0  }
0x6e: {  	s30 =	sadd.s32 $0x15480, s28;
	[sflag:s23] =	ssyncadd.s32 $0xFFFFC000  }
0x6f: {  	[spmem:s1] =	stream.indirect.scatter.add.f32 [tilespmem:s21], [sflag:$0x3], $0x80, s30, s20, $0xb8;
	[tilespmem:$0x1E800] =	vst v63  }
0x70: {  	_ =	swait.ge [sflag:s17], $0x4000  }
0x71: {  	[sflag:s17] =	ssyncset.done $0x0  }
0x72: {  	[sflag:s17] =	ssyncadd.s32 $0xFFFFC000  }
0x73: {  	[tilespmem:s21], [sflag:$0x2] =	stream.indirect.gather [hbm4b:s4+s20], $0x80, s24, s20, $0xb8;
	[tilespmem:$0x1E800] =	vst v63  }
0x74: {  	_ =	swait.ge [sflag:s22], $0x4000  }
0x75: {  	[sflag:s22] =	ssyncset.done $0x0  }
0x76: {  	[sflag:s22] =	ssyncadd.s32 $0xFFFFC000  }
0x77: {  	[spmem:s1] =	stream.indirect.scatter.add.f32 [tilespmem:s16], [sflag:$0x3], $0x80, s25, s20, $0xb8;
	[tilespmem:$0x1E800] =	vst v63  }
0x78: {  	_ =	swait.ge [sflag:s17], $0x4000  }
0x79: {  	[sflag:s17] =	ssyncset.done $0x0  }
0x7a: {  	[sflag:s17] =	ssyncadd.s32 $0xFFFFC000  }
0x7b: {  	_ =	swait.ge [sflag:s23], $0x4000  }
0x7c: {  	[sflag:s23] =	ssyncset.done $0x0  }
0x7d: {  	[sflag:s23] =	ssyncadd.s32 $0xFFFFC000  }
0x7e: {  	[spmem:s1] =	stream.indirect.scatter.add.f32 [tilespmem:s21], [sflag:$0x3], $0x80, s26, s20, $0xb8;
	[tilespmem:$0x1E800] =	vst v63  }
0x7f: {  	_ =	swait.ge [sflag:s17], $0x4000  }
0x80: {  	[sflag:s17] =	ssyncset.done $0x0  }
0x81: {  	s31 =	simm.s32 $0x0;
	[sflag:s17] =	ssyncadd.s32 $0xFFFFC000  }
0x82: {  	[tilespmem:s18], [sflag:$0x3] =	stream.linear.gather [hbm4b:s13+s31], $0x1400, $0x38;
	[tilespmem:$0x1E800] =	vst v63  }
0x83: {  	_ =	swait.ge [sflag:s17], $0x1400  }
0x84: {  	[sflag:s17] =	ssyncset.done $0x0  }
0x85: {  	[sflag:s17] =	ssyncadd.s32 $0xFFFFEC00  }
0x86: {  	[tilespmem:s19], [sflag:$0x3] =	stream.linear.gather [hbm4b:s14+s31], $0x1400, $0x38;
	[tilespmem:$0x1E800] =	vst v63  }
0x87: {  	_ =	swait.ge [sflag:s17], $0x1400  }
0x88: {  	[sflag:s17] =	ssyncset.done $0x0  }
0x89: {  	[sflag:s17] =	ssyncadd.s32 $0xFFFFEC00  }
0x8a: {  	[tilespmem:s16], [sflag:$0x1] =	stream.indirect.gather [hbm4b:s4+s20], $0x80, s18, s20, $0xb8;
	[tilespmem:$0x1E800] =	vst v63  }
0x8b: {  	s30 =	simm.s32 $0x14080  }
0x8c: {  	[tilespmem:s21], [sflag:$0x2] =	stream.indirect.gather [hbm4b:s4+s20], $0x80, s30, s20, $0xb8;
	[tilespmem:$0x1E800] =	vst v63  }
0x8d: {  	_ =	swait.ge [sflag:s22], $0x4000  }
0x8e: {  	[sflag:s22] =	ssyncset.done $0x0  }
0x8f: {  	s31 =	simm.s32 $0x15400;
	[sflag:s22] =	ssyncadd.s32 $0xFFFFC000  }
0x90: {  	[spmem:s1] =	stream.indirect.scatter.add.f32 [tilespmem:s16], [sflag:$0x3], $0x80, s31, s20, $0xb8;
	[tilespmem:$0x1E800] =	vst v63  }
0x91: {  	_ =	swait.ge [sflag:s17], $0x4000  }
0x92: {  	[sflag:s17] =	ssyncset.done $0x0  }
0x93: {  	s30 =	simm.s32 $0x14100;
	[sflag:s17] =	ssyncadd.s32 $0xFFFFC000  }
0x94: {  	[tilespmem:s16], [sflag:$0x1] =	stream.indirect.gather [hbm4b:s4+s20], $0x80, s30, s20, $0xb8;
	[tilespmem:$0x1E800] =	vst v63  }
0x95: {  	_ =	swait.ge [sflag:s23], $0x4000  }
0x96: {  	[sflag:s23] =	ssyncset.done $0x0  }
0x97: {  	s31 =	simm.s32 $0x15480;
	[sflag:s23] =	ssyncadd.s32 $0xFFFFC000  }
0x98: {  	[spmem:s1] =	stream.indirect.scatter.add.f32 [tilespmem:s21], [sflag:$0x3], $0x80, s31, s20, $0xb8;
	[tilespmem:$0x1E800] =	vst v63  }
0x99: {  	_ =	swait.ge [sflag:s17], $0x4000  }
0x9a: {  	s29 =	simm.s32 $0x800;
	s28 =	simm.s32 $0x100;
	[sflag:s17] =	ssyncset.done $0x0  }
.LBB2_6:
0x9b: {  	s0 =	sadd.s32 $0x14080, s28  }
0x9c: {  	[sflag:s17] =	ssyncadd.s32 $0xFFFFC000;
	s30 =	smov.u32 s29;
	s31 =	sadd.s32 $0x400, s29  }
0x9d: {  	[tilespmem:s21], [sflag:$0x2] =	stream.indirect.gather [hbm4b:s4+s20], $0x80, s0, s20, $0xb8;
	[tilespmem:$0x1E800] =	vst v63  }
0x9e: {  	p0 =	sne.s32 s29, $0x4800;
	_ =	swait.ge [sflag:s22], $0x4000  }
0x9f: {  	[sflag:s22] =	ssyncset.done $0x0  }
0xa0: {  	s0 =	sadd.s32 $0x15400, s28;
	[sflag:s22] =	ssyncadd.s32 $0xFFFFC000  }
0xa1: {  	[spmem:s1] =	stream.indirect.scatter.add.f32 [tilespmem:s16], [sflag:$0x3], $0x80, s0, s20, $0xb8;
	[tilespmem:$0x1E800] =	vst v63  }
0xa2: {  	_ =	swait.ge [sflag:s17], $0x4000  }
0xa3: {  	[sflag:s17] =	ssyncset.done $0x0  }
0xa4: {  	s0 =	sadd.s32 $0x14100, s28;
	[sflag:s17] =	ssyncadd.s32 $0xFFFFC000  }
0xa5: {  	[tilespmem:s16], [sflag:$0x1] =	stream.indirect.gather [hbm4b:s4+s20], $0x80, s0, s20, $0xb8;
	[tilespmem:$0x1E800] =	vst v63  }
0xa6: {  	_ =	swait.ge [sflag:s23], $0x4000  }
.Ltmp2:
0xa7: {  	[sflag:s23] =	ssyncset.done $0x0;
	(pc) =	sbr.rel @p0 .LBB2_6-.Ltmp2, $4  }
0xa8: {  	s0 =	sadd.s32 $0x15480, s28;
	[sflag:s23] =	ssyncadd.s32 $0xFFFFC000  }
0xa9: {  	[spmem:s1] =	stream.indirect.scatter.add.f32 [tilespmem:s21], [sflag:$0x3], $0x80, s0, s20, $0xb8;
	[tilespmem:$0x1E800] =	vst v63  }
0xaa: {  	_ =	swait.ge [sflag:s17], $0x4000  }
0xab: {  	s29 =	smov.u32 s31;
	s28 =	sshra.s32 s30, $0x2;
	[sflag:s17] =	ssyncset.done $0x0  }
0xac: {  	s0 =	sadd.s32 $0x14080, s28;
	[sflag:s17] =	ssyncadd.s32 $0xFFFFC000  }
0xad: {  	[tilespmem:s21], [sflag:$0x2] =	stream.indirect.gather [hbm4b:s4+s20], $0x80, s0, s20, $0xb8;
	[tilespmem:$0x1E800] =	vst v63  }
0xae: {  	_ =	swait.ge [sflag:s22], $0x4000  }
0xaf: {  	[sflag:s22] =	ssyncset.done $0x0  }
0xb0: {  	s30 =	sadd.s32 $0x15400, s28;
	[sflag:s22] =	ssyncadd.s32 $0xFFFFC000  }
0xb1: {  	[spmem:s1] =	stream.indirect.scatter.add.f32 [tilespmem:s16], [sflag:$0x3], $0x80, s30, s20, $0xb8;
	[tilespmem:$0x1E800] =	vst v63  }
0xb2: {  	_ =	swait.ge [sflag:s17], $0x4000  }
0xb3: {  	[sflag:s17] =	ssyncset.done $0x0  }
0xb4: {  	s31 =	sadd.s32 $0x14100, s28;
	[sflag:s17] =	ssyncadd.s32 $0xFFFFC000  }
0xb5: {  	[tilespmem:s16], [sflag:$0x1] =	stream.indirect.gather [hbm4b:s4+s20], $0x80, s31, s20, $0xb8;
	[tilespmem:$0x1E800] =	vst v63  }
0xb6: {  	_ =	swait.ge [sflag:s23], $0x4000  }
0xb7: {  	[sflag:s23] =	ssyncset.done $0x0  }
0xb8: {  	s29 =	sadd.s32 $0x15480, s28;
	[sflag:s23] =	ssyncadd.s32 $0xFFFFC000  }
0xb9: {  	[spmem:s1] =	stream.indirect.scatter.add.f32 [tilespmem:s21], [sflag:$0x3], $0x80, s29, s20, $0xb8;
	[tilespmem:$0x1E800] =	vst v63  }
0xba: {  	_ =	swait.ge [sflag:s17], $0x4000  }
0xbb: {  	[sflag:s17] =	ssyncset.done $0x0  }
0xbc: {  	[sflag:s17] =	ssyncadd.s32 $0xFFFFC000  }
0xbd: {  	[tilespmem:s21], [sflag:$0x2] =	stream.indirect.gather [hbm4b:s4+s20], $0x80, s24, s20, $0xb8;
	[tilespmem:$0x1E800] =	vst v63  }
0xbe: {  	_ =	swait.ge [sflag:s22], $0x4000  }
0xbf: {  	[sflag:s22] =	ssyncset.done $0x0  }
0xc0: {  	[sflag:s22] =	ssyncadd.s32 $0xFFFFC000  }
0xc1: {  	[spmem:s1] =	stream.indirect.scatter.add.f32 [tilespmem:s16], [sflag:$0x3], $0x80, s25, s20, $0xb8;
	[tilespmem:$0x1E800] =	vst v63  }
0xc2: {  	_ =	swait.ge [sflag:s17], $0x4000  }
0xc3: {  	[sflag:s17] =	ssyncset.done $0x0  }
0xc4: {  	[sflag:s17] =	ssyncadd.s32 $0xFFFFC000  }
0xc5: {  	_ =	swait.ge [sflag:s23], $0x4000  }
0xc6: {  	[sflag:s23] =	ssyncset.done $0x0  }
0xc7: {  	[sflag:s23] =	ssyncadd.s32 $0xFFFFC000  }
0xc8: {  	[spmem:s1] =	stream.indirect.scatter.add.f32 [tilespmem:s21], [sflag:$0x3], $0x80, s26, s20, $0xb8;
	[tilespmem:$0x1E800] =	vst v63  }
0xc9: {  	_ =	swait.ge [sflag:s17], $0x4000  }
0xca: {  	s3 =	sadd.s32 $0x1, s3;
	s30 =	sshll.u32 s2, $0x6;
	[sflag:s17] =	ssyncset.done $0x0  }
0xcb: {  	p0 =	sne.s32 s3, s6;
	s0 =	sor.u32 $0x1C03, s30;
	[sflag:s17] =	ssyncadd.s32 $0xFFFFC000  }
.Ltmp3:
0xcc: {  	s31 =	sshrl.u32 s5, $0x3;
	[bflag:$0x0] =	sbarrier.arrive $0xFFFF;
	(pc) =	sbr.rel @p0 .LBB2_1-.Ltmp3, $4  }
0xcd: {  	[hbm:s15], [sflag:s0] =	dma.local [spmem:s31], $0x2800  }
0xce: {  	_ =	swait.ge [sflag:s17], $0x2800  }
0xcf: {  	[sflag:s17] =	ssyncset.done $0x0  }
0xd0: {  	[sflag:s17] =	ssyncadd.s32 $0xFFFFD800  }
0xd1: {  	_ =	sfence.sel $0x180000  }
0xd2: {  	[bflag:$0x0] =	sbarrier.arrive $0xFFFF  }
0xd3: {  	_ =	strace $0x9000004D  }
0xd4: {  	[bflag:$0x2] =	sbarrier.arrive $0xFFFF  }
0xd5: {  	p0 =	sne.s32 s2, $0x0;
	s0 =	rddreg [dreg:$0x2]  }
0xd6: {  	s0 =	sadd.s32 @!p0 $0x100000, s0  }
0xd7: {  	[sflag:s0] =	ssyncadd.tile.s32 @!p0 $0x1;
	_ =	shalt  }
.Lfunc_end2:
_tile_overlayer_lowered:
.L_overlay_start_2:
0xd8: {  	(tag) =	ssettag $0x2  }
0xd9: {  	s0 =	rddreg [dreg:$0x0];
	s2 =	stileid.u32  }
0xda: {  	s1 =	rddreg [dreg:$0x1];
	p0 =	sne.s32 s2, $0x0  }
0xdb: {  	s3 =	rddreg [dreg:$0x2];
	[bflag:$0x3] =	sbarrier.arrive $0xFFFF;
	s2 =	simm.s32 @!p0 $0x1C03  }
0xdc: {  	[timem:s3], [sflag:s2] =	dma.local @!p0 [hbm:s0], s1  }
0xdd: {  	s0 =	simm.s32 @!p0 $0x3  }
0xde: {  	_ =	swait.ge @!p0 [sflag:s0], s1  }
0xdf: {  	s1 =	ssub.s32 @!p0 $0x0, s1;
	[sflag:s0] =	ssyncset.done @!p0 $0x0  }
0xe0: {  	[sflag:s0] =	ssyncadd.s32 @!p0 s1  }
0xe1: {  	[bflag:$0x3] =	sbarrier.arrive $0xFFFF  }
0xe2: {  	_ =	shalt  }

// kernel: kernel.20.cloned.1.call-start
scs
__scs_entry_jumppad:
0x0: {  	(pc) =	sbr.rel $0x88, $3  }
0x1: {  	(tag) =	ssettag $0x0;
	lr =	simm.s32 $0x1  }
0x2: {  	[smem:$0x3F84] =	sst lr;
	_ =	strace $0xD0000000  }
0x3: {  	_ = 	snop  }
0x4: {  	_ = 	snop  }
0x5: {  	_ = 	snop  }
0x6: {  	_ = 	snop  }
0x7: {  	_ = 	snop  }
__scs_overlays_trampoline_lowered:
0x8: {  	[smem:$0x3F93] =	sst s0  }
0x9: {  	[smem:$0x3F94] =	sst s1  }
0xa: {  	[smem:$0x3F95] =	sst s2  }
0xb: {  	[smem:$0x3F96] =	sst s3  }
0xc: {  	[smem:$0x3F97] =	sst s4  }
0xd: {  	[smem:$0x3F98] =	sst s5  }
0xe: {  	[smem:$0x3F99] =	sst s6  }
0xf: {  	[smem:$0x3F9A] =	sst s7  }
0x10: {  	[smem:$0x3F9B] =	sst s8  }
0x11: {  	[smem:$0x3F9C] =	sst s9;
	s0 =	simm.s32 @!p0 $0x0  }
0x12: {  	s1 =	sld [smem:$0x3F82];
	s0 =	simm.s32 @p0 $0x1  }
0x13: {  	[smem:$0x3F9D] =	sst s0;
	s0 =	simm.s32 @!p1 $0x0  }
0x14: {  	s2 =	sld [smem:$0x3F81];
	s0 =	simm.s32 @p1 $0x1  }
0x15: {  	[smem:$0x3F9E] =	sst s0;
	s0 =	simm.s32 @!p2 $0x0  }
0x16: {  	s3 =	sld [smem:$0x3FDB];
	s0 =	simm.s32 @p2 $0x1  }
0x17: {  	s4 =	simm.s32 $0x1BF5;
	[smem:$0x3FA0] =	sst s0  }
0x18: {  	s0 =	sld [smem:$0x3F83];
	_ =	swait.ge [sflag:s4], $0x0  }
0x19: {  	s7 =	sld [smem:$0x3F84]  }
0x1a: {  	s8 =	sadd.s32 $0xFFFFE003, lr  }
0x1b: {  	s9 =	sadd.s32 $0xFFFFFEF7, lr;
	s5 =	simm.s32 $0xFFFFFFFF;
	p2 =	slt.u32 s8, $0xFFFFF086  }
0x1c: {  	p1 =	slt.u32 s9, $0xF7A;
	s5 =	simm.s32 @!p2 $0x0  }
0x1d: {  	s5 =	simm.s32 @p1 $0x1;
	p0 =	seq.s32 s7, s2  }
0x1e: {  	s7 =	smul.u32 @!p0 $0xF7A, s2;
	p2 =	seq.s32 @!p0 s5, $0x0  }
0x1f: {  	s9 =	smul.u32 $0xF7A, s1;
	s8 =	simm.s32 @!p0 $0x1BF5;
	p2 =	por !p2, p0  }
0x20: {  	[sflag:s8] =	ssyncset.s32 @!p0 $0xFFFFF086;
	s6 =	sadd.s32 @!p0 s3, s7;
	s7 =	simm.s32 @!p0 $0x108  }
0x21: {  	s3 =	sadd.s32 s3, s9;
	s6 =	sadd.s32 @!p0 $0x88, s6;
	s7 =	simm.s32 @p2 $0x1082  }
0x22: {  	[simem:s7], [sflag:s8] =	dma.local @!p0 [hbm:s6], $0xF7A  }
0x23: {  	s9 =	sor.u32 $0xD0000000, s2;
	s6 =	simm.s32 $0x108;
	_ =	swait.ge @!p0 [sflag:s8], $0x0  }
0x24: {  	s3 =	sadd.s32 $0x88, s3;
	s6 =	simm.s32 @!p1 $0x1082;
	[sflag:s4] =	ssyncset.s32 $0xFFFFF086  }
0x25: {  	[simem:s6], [sflag:s4] =	dma.local [hbm:s3], $0xF7A  }
0x26: {  	[smem:$0x3F84] =	sst s1;
	(tag) =	ssettag s2;
	_ =	strace s9  }
0x27: {  	s1 =	sld [smem:$0x3F94]  }
0x28: {  	s2 =	sld [smem:$0x3F95]  }
0x29: {  	s4 =	sld [smem:$0x3F97]  }
0x2a: {  	p0 =	seq.s32 s5, $0x0;
	s5 =	sld [smem:$0x3F98]  }
0x2b: {  	s6 =	sld [smem:$0x3F99]  }
0x2c: {  	s7 =	sld [smem:$0x3F9A]  }
0x2d: {  	s3 =	simm.s32 $0x108;
	s8 =	sld [smem:$0x3F9B]  }
0x2e: {  	s3 =	simm.s32 @!p0 $0x1082;
	s9 =	sld [smem:$0x3F9C]  }
0x2f: {  	lr =	sadd.s32 s0, s3;
	s0 =	sld [smem:$0x3F93]  }
0x30: {  	s3 =	sld [smem:$0x3F96]  }
0x31: {  	[smem:$0x3F9F] =	sst s10  }
0x32: {  	s10 =	sld [smem:$0x3F9D];
	_ =	sdelay $0x3  }
0x33: {  	p0 =	seq.s32 s10, $0x1;
	s10 =	sld [smem:$0x3F9F];
	_ =	sdelay $0x3  }
0x34: {  	[smem:$0x3F9F] =	sst s10  }
0x35: {  	s10 =	sld [smem:$0x3F9E];
	_ =	sdelay $0x3  }
0x36: {  	p1 =	seq.s32 s10, $0x1;
	s10 =	sld [smem:$0x3F9F];
	_ =	sdelay $0x3  }
0x37: {  	[smem:$0x3F9F] =	sst s10  }
0x38: {  	s10 =	sld [smem:$0x3FA0]  }
0x39: {  	_ = 	snop;
	(pc) =	sbr.ind lr, $3  }
0x3a: {  	_ = 	snop  }
0x3b: {  	_ = 	snop  }
0x3c: {  	p2 =	seq.s32 s10, $0x1;
	s10 =	sld [smem:$0x3F9F]  }
0x3d: {  	_ =	shalt  }
0x3e: {  	_ =	shalt  }
0x3f: {  	_ =	shalt  }
0x40: {  	_ =	shalt  }
0x41: {  	_ =	shalt  }
0x42: {  	_ =	shalt  }
0x43: {  	_ =	shalt  }
0x44: {  	_ =	shalt  }
0x45: {  	_ =	shalt  }
0x46: {  	_ =	shalt  }
0x47: {  	_ =	shalt  }
0x48: {  	_ =	shalt  }
0x49: {  	_ =	shalt  }
0x4a: {  	_ =	shalt  }
0x4b: {  	_ =	shalt  }
0x4c: {  	_ =	shalt  }
0x4d: {  	_ =	shalt  }
0x4e: {  	_ =	shalt  }
0x4f: {  	_ =	shalt  }
0x50: {  	_ =	shalt  }
0x51: {  	_ =	shalt  }
0x52: {  	_ =	shalt  }
0x53: {  	_ =	shalt  }
0x54: {  	_ =	shalt  }
0x55: {  	_ =	shalt  }
0x56: {  	_ =	shalt  }
0x57: {  	_ =	shalt  }
0x58: {  	_ =	shalt  }
0x59: {  	_ =	shalt  }
0x5a: {  	_ =	shalt  }
0x5b: {  	_ =	shalt  }
0x5c: {  	_ =	shalt  }
0x5d: {  	_ =	shalt  }
0x5e: {  	_ =	shalt  }
0x5f: {  	_ =	shalt  }
0x60: {  	_ =	shalt  }
0x61: {  	_ =	shalt  }
0x62: {  	_ =	shalt  }
0x63: {  	_ =	shalt  }
0x64: {  	_ =	shalt  }
0x65: {  	_ =	shalt  }
0x66: {  	_ =	shalt  }
0x67: {  	_ =	shalt  }
0x68: {  	_ =	shalt  }
0x69: {  	_ =	shalt  }
0x6a: {  	_ =	shalt  }
0x6b: {  	_ =	shalt  }
0x6c: {  	_ =	shalt  }
0x6d: {  	_ =	shalt  }
0x6e: {  	_ =	shalt  }
0x6f: {  	_ =	shalt  }
0x70: {  	_ =	shalt  }
0x71: {  	_ =	shalt  }
0x72: {  	_ =	shalt  }
0x73: {  	_ =	shalt  }
0x74: {  	_ =	shalt  }
0x75: {  	_ =	shalt  }
0x76: {  	_ =	shalt  }
0x77: {  	_ =	shalt  }
0x78: {  	_ =	shalt  }
0x79: {  	_ =	shalt  }
0x7a: {  	_ =	shalt  }
0x7b: {  	_ =	shalt  }
0x7c: {  	_ =	shalt  }
0x7d: {  	_ =	shalt  }
0x7e: {  	_ =	shalt  }
0x7f: {  	_ =	shalt  }
0x80: {  	_ =	shalt  }
0x81: {  	_ =	shalt  }
0x82: {  	_ =	shalt  }
0x83: {  	_ =	shalt  }
0x84: {  	_ =	shalt  }
0x85: {  	_ =	shalt  }
0x86: {  	_ =	shalt  }
0x87: {  	_ =	shalt  }
.Lfunc_end0:
.L_simem_size_0:
called_computation.3_lowered:
.L_overlay_start_0:
0x88: {  	s2 =	sld [smem:$0x3FD9]  }
0x89: {  	s3 =	sld [smem:$0x3FFE];
	_ =	sdelay $0x1  }
0x8a: {  	s1 =	srdreg.scid  }
0x8b: {  	s0 =	sand.u32 $0x1, s1  }
0x8c: {  	s16 =	sshll.u32 s0, $0xA;
	s2 =	sadd.s32 s3, s2  }
0x8d: {  	s2 =	sadd.s32 s2, s16  }
0x8e: {  	[smem:$0x3FAB] =	sst s2  }
0x8f: {  	_ = 	snop  }
0x90: {  	(tm) =	ssettm $0x1  }
0x91: {  	s17 =	sld [smem:$0x3FFB];
	_ =	sdelay $0x3  }
0x92: {  	_ =	strace s17  }
0x93: {  	s2 =	sld [smem:$0x3FFC];
	_ =	sdelay $0x3  }
0x94: {  	_ =	strace s2  }
0x95: {  	s2 =	sld [smem:$0x3FFD];
	_ =	sdelay $0x3  }
0x96: {  	_ =	strace s2  }
0x97: {  	_ =	strace $0x8FFFFFFF  }
0x98: {  	s18 =	sld [smem:$0x3FDB];
	_ =	sdelay $0x1  }
0x99: {  	s19 =	simm.s32 $_scs_section_size  }
0x9a: {  	s4 =	simm.s32 $_size__tile_overlayer_lowered;
	s5 =	simm.s32 $_tile_overlayer_lowered  }
0x9b: {  	s22 =	simm.s32 $0x1BFF;
	s21 =	sshll.u32 s5, $0x1;
	s2 =	sadd.s32 s19, s18  }
0x9c: {  	s6 =	simm.s32 $0x0;
	s20 =	sshll.u32 s4, $0x1;
	s4 =	sadd.s32 s21, s2  }
0x9d: {  	[timem:s6], [sflag:s22] =	dma.local [hbm:s4], s20  }
0x9e: {  	_ =	swait.ge [sflag:s22], s20  }
0x9f: {  	s3 =	ssub.s32 $0x0, s20;
	[sflag:s22] =	ssyncset.done $0x0  }
0xa0: {  	[sflag:s22] =	ssyncadd.s32 s3;
	_ =	sdelay $0x1  }
0xa1: {  	s23 =	simm.s32 $0x1B8B  }
0xa2: {  	_ =	swait.ge [sflag:s23], $0x1  }
0xa3: {  	[sflag:s23] =	ssyncset.done $0x0  }
0xa4: {  	s25 =	simm.s32 $0x1B8E;
	s24 =	sld [smem:$0x3FFE];
	[sflag:s23] =	ssyncadd.s32 $0xFFFFFFFF  }
0xa5: {  	s26 =	simm.s32 $execute0_lowered;
	[smem:$0x3FD2] =	sst s25  }
0xa6: {  	s4 =	sshll.u32 s26, $0x1;
	_ =	strace $0x8000004F;
	[dreg:$0x1] =	wrdreg $0xFFFFFFFF  }
0xa7: {  	s28 =	simm.s32 $_size_execute0_lowered;
	s2 =	sadd.s32 s2, s4;
	[dreg:$0x0] =	wrdreg $0x0  }
0xa8: {  	s4 =	sshll.u32 s28, $0x1;
	[dreg:$0x2] =	wrdreg s2  }
0xa9: {  	[dreg:$0x3] =	wrdreg s4  }
0xaa: {  	[dreg:$0x4] =	wrdreg $0xC0  }
0xab: {  	_ =	task [dreg:s6], $0x5FFFF  }
0xac: {  	[dreg:$0x1] =	wrdreg $0xFFFFFFFF  }
0xad: {  	[dreg:$0x0] =	wrdreg $0x60  }
0xae: {  	[dreg:$0x2] =	wrdreg s24  }
0xaf: {  	[dreg:$0x3] =	wrdreg $0x9  }
0xb0: {  	_ =	task.clear_ibuf [dreg:s6], $0x4FFFF;
	_ =	strace $0x9000004F  }
0xb1: {  	s29 =	simm.s32 $0x9;
	_ =	strace $0x80000051  }
0xb2: {  	_ =	swait.ge [sflag:s29], $0x1  }
0xb3: {  	[sflag:s29] =	ssyncadd.s32 $0xFFFFFFFF  }
0xb4: {  	_ =	strace $0x90000051  }
0xb5: {  	_ =	sfence  }
0xb6: {  	s30 =	sld [smem:$0x0];
	_ =	sdelay $0x2  }
0xb7: {  	s31 =	sshll.u32 s1, $0xD;
	s1 =	sshrl.u32 s1, $0x2  }
0xb8: {  	s3 =	sand.u32 $0x4000, s31;
	s1 =	sadd.s32 s1, s30  }
0xb9: {  	s0 =	sor.u32 s3, s0;
	s1 =	sshll.u32 s1, $0x11  }
0xba: {  	s0 =	sor.u32 s1, s0  }
0xbb: {  	s0 =	sadd.s32 $0x8F2B, s0  }
0xbc: {  	[sflag:s0] =	ssyncadd.remote.s32 $0x1  }
0xbd: {  	_ =	sfence.sel $0xFFFF  }
0xbe: {  	[dreg:$0x0] =	wrdreg $0xFFFFFFFF;
	(pc) =	sbr.abs _section_cstart, $3  }
0xbf: {  	[dreg:$0x1] =	wrdreg $0xFFFFFFFF  }
0xc0: {  	_ =	task.clear_ibuf [dreg:s6], $0x2FFFF;
	_ =	strace $0x9FFFFFFF  }
0xc1: {  	(tm) =	ssettm $0x7FFFFFFF  }
tec
execute0_lowered:
.L_overlay_start_1:
0x0: {  	(tag) =	ssettag $0x1  }
0x1: {  	s0 =	srdreg.scid  }
0x2: {  	s4 =	stileid.u32;
	s0 =	sand.u32 $0x1, s0  }
0x3: {  	s2 =	sshll.u32 s4, $0x1;
	s1 =	sshll.u32 s0, $0x5  }
0x4: {  	s5 =	rddreg [dreg:$0x0];
	s3 =	simm.s32 $0x0;
	s2 =	sor.u32 s2, s1  }
0x5: {  	s9 =	simm.s32 $0x1;
	s10 =	simm.s32 $0x2800;
	s1 =	sshrl.u32 s2, $0x3  }
0x6: {  	s4 =	sshll.u32 s4, $0x8;
	[smem:$0x7FF] =	sst s3;
	s1 =	smul.u32 $0xC00, s1  }
0x7: {  	s7 =	sadd.s32 $0x93000, s5;
	s4 =	sand.u32 $0x300, s4;
	s0 =	ssub.s32 $0x2, s0  }
.Ltmp0:
0x8: {  	s6 =	sshrl.u32 s0, $0x1;
	s1 =	sor.u32 s4, s1;
	(pc) =	sbr.rel .LBB2_1-.Ltmp0, $4  }
0x9: {  	_ =	strace $0x80000050;
	s0 =	ssub.s32 s0, s6;
	s1 =	sshrl.u32 s1, $0x3  }
0xa: {  	[dreg:$0x2] =	wrdreg s7;
	s0 =	smax.u32 s0, $0x1;
	s1 =	sadd.s32 s1, s5  }
0xb: {  	s6 =	sadd.s32 $0x2, s2;
	[dreg:$0x4] =	wrdreg s0;
	s1 =	sadd.s32 $0x2F000, s1  }
0xc: {  	s4 =	sadd.s32 $0x7000, s5;
	[dreg:$0x3] =	wrdreg s1;
	s1 =	simm.s32 $0x0  }
.LBB2_21:
0xd: {  	s0 =	ssub.s32 s5, s17  }
0xe: {  	v16 =	vmov s0  }
0xf: {  	v16 =	vcvt.s32.f32 v16  }
0x10: {  	[tilespmem:$0x6980] =	vst v15  }
0x11: {  	[tilespmem:$0x6A80] =	vst v0;
	v16 =	vmax.f32 v16, $1.000000000e+00  }
0x12: {  	[tilespmem:$0x6990] =	vst v14;
	v16 =	vbroadcast v16, $0x0  }
0x13: {  	[tilespmem:$0x6A90] =	vst v12  }
0x14: {  	[tilespmem:$0x69A0] =	vst v13;
	(erf) = vrcp.f32 v16  }
0x15: {  	[tilespmem:$0x6AA0] =	vst v10  }
0x16: {  	[tilespmem:$0x69B0] =	vst v11  }
0x17: {  	[tilespmem:$0x6AB0] =	vst v8  }
0x18: {  	[tilespmem:$0x69C0] =	vst v9  }
0x19: {  	[tilespmem:$0x6AC0] =	vst v6  }
0x1a: {  	[tilespmem:$0x69D0] =	vst v7  }
0x1b: {  	[tilespmem:$0x6AD0] =	vst v5  }
0x1c: {  	[tilespmem:$0x69E0] =	vst v2  }
0x1d: {  	[tilespmem:$0x6AE0] =	vst v4;
	v16 =	vpop (erf)  }
0x1e: {  	[tilespmem:$0x69F0] =	vst v1;
	v17 =	vmul.f32 v0, v16  }
0x1f: {  	[tilespmem:$0x6AF0] =	vst v3;
	v57 =	vmul.f32 v12, v16  }
0x20: {  	v58 =	vmul.f32 v10, v16;
	[tilespmem:$0x6880] =	vst v17  }
0x21: {  	v59 =	vmul.f32 v8, v16;
	[tilespmem:$0x6890] =	vst v57  }
0x22: {  	v60 =	vmul.f32 v6, v16;
	[tilespmem:$0x68A0] =	vst v58  }
0x23: {  	v61 =	vmul.f32 v5, v16;
	[tilespmem:$0x68B0] =	vst v59  }
0x24: {  	v62 =	vmul.f32 v4, v16;
	[tilespmem:$0x68C0] =	vst v60  }
0x25: {  	v63 =	vmul.f32 v3, v16;
	[tilespmem:$0x68D0] =	vst v61  }
0x26: {  	s28 =	rddreg [dreg:$0x3];
	[tilespmem:$0x68E0] =	vst v62  }
0x27: {  	s1 =	simm.s32 $0x100;
	s29 =	simm.s32 $0x400;
	s7 =	simm.s32 $0x6800;
	[tilespmem:$0x68F0] =	vst v63  }
0x28: {  	[hbm4b:s28+s1] =	stream.strided.scatter [tilespmem:s7], [sflag:$0x1], $0x300, s29, s1, $0x38;
	[tilespmem:$0x6B00] =	vst v63  }
0x29: {  	_ =	swait.ge [sflag:s9], $0x300  }
0x2a: {  	s30 =	rddreg [dreg:$0x5]  }
0x2b: {  	s31 =	rddreg [dreg:$0x4];
	s1 =	sadd.s32 $0x1, s30  }
0x2c: {  	p0 =	sne.s32 s1, s31  }
.Ltmp1:
0x2d: {  	_ = 	snop;
	(pc) =	sbr.rel @!p0 .LBB2_22-.Ltmp1, $3  }
0x2e: {  	_ =	sdelay $0x1  }
0x2f: {  	[sflag:s9] =	ssyncset.done $0x0  }
0x30: {  	[sflag:s9] =	ssyncadd.s32 $0xFFFFFD00  }
.LBB2_1:
0x31: {  	[dreg:$0x5] =	wrdreg s1  }
0x32: {  	s0 =	rddreg [dreg:$0x2]  }
0x33: {  	[tilespmem:s3], [sflag:$0x1] =	stream.linear.gather [hbm4b:s0+s3], $0x2800, $0x38;
	[tilespmem:$0x6B00] =	vst v63  }
0x34: {  	_ =	swait.ge [sflag:s9], $0x2800  }
0x35: {  	s5 =	simm.s32 $0x280;
	s7 =	simm.s32 $0x280;
	[sflag:s9] =	ssyncset.done $0x0  }
0x36: {  	s1 =	simm.s32 $0x9;
	s0 =	simm.s32 $0x0;
	[sflag:s9] =	ssyncadd.s32 $0xFFFFD800  }
.LBB2_2:
0x37: {  	s8 =	smov.u32 s5  }
0x38: {  	p0 =	sne.s32 s1, $0x1;
	s5 =	sand.u32 $0x1, s7  }
0x39: {  	p1 =	slt.s32 s7, $0x1;
	p2 =	seq.s32 s5, $0x1  }
0x3a: {  	s5 =	sshrl.u32 s7, $0x1F;
	p1 =	por !p1, !p2  }
0x3b: {  	s5 =	sadd.s32 s5, s7;
	s7 =	simm.s32 $0x1;
	p1 =	por !p1, !p1  }
0x3c: {  	s5 =	sshra.s32 s5, $0x1;
	s7 =	simm.s32 @!p1 $0x0  }
0x3d: {  	s5 =	ssub.s32 s5, s7  }
0x3e: {  	s7 =	sshll.u32 s5, $0x6  }
0x3f: {  	s7 =	sshra.s32 s7, $0x2  }
0x40: {  	v0 =	vld [tilespmem:s7+$0x0];
	_ =	sdelay $0x4  }
0x41: {  	(v2sf) =	vpush v0, $0x0;
	_ =	sdelay $0xd  }
.Ltmp2:
0x42: {  	(pc) =	sbr.rel @p0 .LBB2_2-.Ltmp2, $4  }
0x43: {  	s7 =	spop (v2sf)  }
0x44: {  	p1 =	slt.s32 s7, s2;
	s7 =	sadd.s32 $0x1, s5  }
0x45: {  	s0 =	smov.u32 @p1 s7;
	s5 =	smov.u32 @p1 s8  }
0x46: {  	s1 =	sadd.s32 $0xFFFFFFFF, s1;
	s7 =	sadd.s32 s0, s5  }
0x47: {  	s1 =	sand.u32 $0x1, s7  }
0x48: {  	p0 =	slt.s32 s7, $0x1;
	p1 =	seq.s32 s1, $0x1  }
0x49: {  	s29 =	sshrl.u32 s7, $0x1F;
	p0 =	por !p0, !p1  }
0x4a: {  	s5 =	simm.s32 $0x1;
	s1 =	sadd.s32 s29, s7;
	p0 =	por !p0, !p0  }
0x4b: {  	s1 =	sshra.s32 s1, $0x1;
	s5 =	simm.s32 @!p0 $0x0  }
0x4c: {  	s1 =	ssub.s32 s1, s5  }
0x4d: {  	s5 =	sshll.u32 s1, $0x6  }
0x4e: {  	s5 =	sshra.s32 s5, $0x2  }
0x4f: {  	v0 =	vld [tilespmem:s5+$0x0];
	_ =	sdelay $0x4  }
0x50: {  	(v2sf) =	vpush v0, $0x0;
	_ =	sdelay $0xe  }
0x51: {  	s30 =	spop (v2sf)  }
0x52: {  	s1 =	sadd.s32 $0x1, s1;
	p0 =	slt.s32 s30, s2  }
0x53: {  	s0 =	smov.u32 @p0 s1  }
0x54: {  	p0 =	sgt.s32 s0, $0x1  }
0x55: {  	s0 =	simm.s32 @!p0 $0x1  }
0x56: {  	s8 =	simm.s32 $0x280;
	s31 =	sshll.u32 s0, $0x4  }
0x57: {  	s7 =	simm.s32 $0x0;
	s0 =	sadd.s32 $0xFFFFFFF0, s31;
	[dreg:$0x7] =	wrdreg s31  }
0x58: {  	s5 =	simm.s32 $0x9;
	s1 =	simm.s32 $0x280;
	v0 =	vld [tilespmem:s31+$0xFFFFFFF0];
	[dreg:$0x14] =	wrdreg s0  }
.LBB2_4:
0x59: {  	s11 =	smov.u32 s7  }
0x5a: {  	p0 =	sne.s32 s5, $0x1;
	s7 =	sand.u32 $0x1, s8  }
0x5b: {  	p1 =	slt.s32 s8, $0x1;
	p2 =	seq.s32 s7, $0x1  }
0x5c: {  	s7 =	sshrl.u32 s8, $0x1F;
	p1 =	por !p1, !p2  }
0x5d: {  	s7 =	sadd.s32 s7, s8;
	s8 =	simm.s32 $0x1;
	p1 =	por !p1, !p1  }
0x5e: {  	s7 =	sshra.s32 s7, $0x1;
	s8 =	simm.s32 @!p1 $0x0  }
0x5f: {  	s8 =	ssub.s32 s7, s8  }
0x60: {  	s7 =	sshll.u32 s8, $0x6  }
0x61: {  	s7 =	sshra.s32 s7, $0x2  }
0x62: {  	v1 =	vld [tilespmem:s7+$0x0];
	_ =	sdelay $0x4  }
0x63: {  	(v2sf) =	vpush v1, $0x0;
	_ =	sdelay $0xd  }
.Ltmp3:
0x64: {  	(pc) =	sbr.rel @p0 .LBB2_4-.Ltmp3, $4  }
0x65: {  	s7 =	spop (v2sf)  }
0x66: {  	p1 =	sgt.s32 s7, s2;
	s7 =	sadd.s32 $0x1, s8  }
0x67: {  	s7 =	smov.u32 @p1 s11;
	s1 =	smov.u32 @p1 s8  }
0x68: {  	s5 =	sadd.s32 $0xFFFFFFFF, s5;
	s8 =	sadd.s32 s7, s1  }
0x69: {  	s1 =	sand.u32 $0x1, s8  }
0x6a: {  	p0 =	slt.s32 s8, $0x1;
	p1 =	seq.s32 s1, $0x1  }
0x6b: {  	s29 =	sshrl.u32 s8, $0x1F;
	p0 =	por !p0, !p1  }
0x6c: {  	s5 =	simm.s32 $0x1;
	s1 =	sadd.s32 s29, s8;
	p0 =	por !p0, !p0  }
0x6d: {  	s1 =	sshra.s32 s1, $0x1;
	s5 =	simm.s32 @!p0 $0x0  }
0x6e: {  	s1 =	ssub.s32 s1, s5  }
0x6f: {  	s5 =	sshll.u32 s1, $0x6  }
0x70: {  	s5 =	sshra.s32 s5, $0x2  }
0x71: {  	v1 =	vld [tilespmem:s5+$0x0];
	_ =	sdelay $0x4  }
0x72: {  	(v2sf) =	vpush v1, $0x0;
	_ =	sdelay $0xe  }
0x73: {  	s30 =	spop (v2sf)  }
0x74: {  	s1 =	sadd.s32 $0x1, s1;
	p0 =	sgt.s32 s30, s2  }
0x75: {  	s1 =	smov.u32 @p0 s7  }
0x76: {  	p0 =	sgt.s32 s1, $0x1  }
0x77: {  	s1 =	simm.s32 @!p0 $0x1  }
0x78: {  	s8 =	simm.s32 $0x280;
	s31 =	sshll.u32 s1, $0x4  }
0x79: {  	s5 =	simm.s32 $0x9;
	s1 =	sadd.s32 $0xFFFFFFF0, s31;
	[dreg:$0x6] =	wrdreg s31  }
0x7a: {  	s7 =	simm.s32 $0x280;
	v1 =	vld [tilespmem:s31+$0xFFFFFFF0];
	[dreg:$0x12] =	wrdreg s1;
	s1 =	simm.s32 $0x0  }
.LBB2_6:
0x7b: {  	s11 =	smov.u32 s7  }
0x7c: {  	p0 =	sne.s32 s5, $0x1;
	s7 =	sand.u32 $0x1, s8  }
0x7d: {  	p1 =	slt.s32 s8, $0x1;
	p2 =	seq.s32 s7, $0x1  }
0x7e: {  	s7 =	sshrl.u32 s8, $0x1F;
	p1 =	por !p1, !p2  }
0x7f: {  	s7 =	sadd.s32 s7, s8;
	s8 =	simm.s32 $0x1;
	p1 =	por !p1, !p1  }
0x80: {  	s7 =	sshra.s32 s7, $0x1;
	s8 =	simm.s32 @!p1 $0x0  }
0x81: {  	s7 =	ssub.s32 s7, s8  }
0x82: {  	s8 =	sshll.u32 s7, $0x6  }
0x83: {  	s8 =	sshra.s32 s8, $0x2  }
0x84: {  	v2 =	vld [tilespmem:s8+$0x0];
	_ =	sdelay $0x4  }
0x85: {  	(v2sf) =	vpush v2, $0x0;
	_ =	sdelay $0xd  }
.Ltmp4:
0x86: {  	(pc) =	sbr.rel @p0 .LBB2_6-.Ltmp4, $4  }
0x87: {  	s8 =	spop (v2sf)  }
0x88: {  	p1 =	slt.s32 s8, s6;
	s8 =	sadd.s32 $0x1, s7  }
0x89: {  	s1 =	smov.u32 @p1 s8;
	s7 =	smov.u32 @p1 s11  }
0x8a: {  	s5 =	sadd.s32 $0xFFFFFFFF, s5;
	s8 =	sadd.s32 s1, s7  }
0x8b: {  	s5 =	sand.u32 $0x1, s8  }
0x8c: {  	p0 =	slt.s32 s8, $0x1;
	p1 =	seq.s32 s5, $0x1  }
0x8d: {  	s13 =	sshrl.u32 s8, $0x1F;
	p0 =	por !p0, !p1  }
0x8e: {  	s7 =	simm.s32 $0x1;
	s5 =	sadd.s32 s13, s8;
	p0 =	por !p0, !p0  }
0x8f: {  	s5 =	sshra.s32 s5, $0x1;
	s7 =	simm.s32 @!p0 $0x0  }
0x90: {  	s5 =	ssub.s32 s5, s7  }
0x91: {  	s7 =	sshll.u32 s5, $0x6  }
0x92: {  	s7 =	sshra.s32 s7, $0x2  }
0x93: {  	v2 =	vld [tilespmem:s7+$0x0];
	_ =	sdelay $0x4  }
0x94: {  	(v2sf) =	vpush v2, $0x0  }
0x95: {  	(v2sf) =	vpush v0, $0x0;
	_ =	sdelay $0x1  }
0x96: {  	(v2sf) =	vpush v0, $0x1  }
0x97: {  	(v2sf) =	vpush v0, $0x2;
	_ =	sdelay $0x1  }
0x98: {  	(v2sf) =	vpush v0, $0x3  }
0x99: {  	(v2sf) =	vpush v0, $0x4;
	_ =	sdelay $0x1  }
0x9a: {  	(v2sf) =	vpush v0, $0x5  }
0x9b: {  	(v2sf) =	vpush v0, $0x6  }
0x9c: {  	(v2sf) =	vpush v0, $0x7  }
0x9d: {  	(v2sf) =	vpush v0, $0x8;
	_ =	sdelay $0x2  }
0x9e: {  	(v2sf) =	vpush v0, $0x9;
	s14 =	spop (v2sf)  }
0x9f: {  	s12 =	simm.s32 $0x1;
	s18 =	simm.s32 $0x1;
	s15 =	spop (v2sf);
	(v2sf) =	vpush v0, $0xA  }
0xa0: {  	s30 =	simm.s32 $0x1;
	s13 =	simm.s32 $0x1;
	s8 =	simm.s32 $0x1  }
0xa1: {  	s5 =	sadd.s32 $0x1, s5;
	s7 =	simm.s32 $0x1;
	s16 =	spop (v2sf);
	(v2sf) =	vpush v0, $0xB  }
0xa2: {  	p0 =	slt.s32 s14, s6;
	s14 =	simm.s32 $0x1;
	s17 =	spop (v2sf);
	(v2sf) =	vpush v0, $0xC  }
0xa3: {  	s1 =	smov.u32 @p0 s5;
	p0 =	slt.s32 s15, s2;
	s5 =	simm.s32 $0x1  }
0xa4: {  	s15 =	simm.s32 $0x1;
	s12 =	simm.s32 @!p0 $0x0;
	s19 =	spop (v2sf);
	(v2sf) =	vpush v0, $0xD  }
0xa5: {  	p0 =	slt.s32 s16, s2;
	s16 =	simm.s32 $0x1;
	s20 =	spop (v2sf);
	(v2sf) =	vpush v0, $0xE  }
0xa6: {  	p4 =	sgt.s32 s1, $0x1;
	s18 =	simm.s32 @!p0 $0x0;
	p0 =	slt.s32 s17, s2;
	(v2sf) =	vpush v0, $0xF  }
0xa7: {  	s13 =	simm.s32 @!p0 $0x0;
	p0 =	slt.s32 s19, s2;
	s21 =	spop (v2sf);
	(v2sf) =	vpush v1, $0x0  }
0xa8: {  	s5 =	simm.s32 @!p0 $0x0;
	p0 =	slt.s32 s20, s2;
	s11 =	spop (v2sf)  }
0xa9: {  	s7 =	simm.s32 @!p0 $0x0;
	p0 =	slt.s32 s21, s2;
	s22 =	spop (v2sf);
	(v2sf) =	vpush v1, $0x1  }
0xaa: {  	s8 =	simm.s32 @!p0 $0x0;
	p0 =	slt.s32 s11, s2;
	s23 =	spop (v2sf);
	(v2sf) =	vpush v1, $0x2  }
0xab: {  	s20 =	simm.s32 $0x1;
	s15 =	simm.s32 @!p0 $0x0;
	p0 =	slt.s32 s22, s2  }
0xac: {  	s1 =	simm.s32 @!p4 $0x1;
	s11 =	simm.s32 $0x1;
	s20 =	simm.s32 @!p0 $0x0;
	(v2sf) =	vpush v1, $0x3  }
0xad: {  	p0 =	slt.s32 s23, s2;
	s24 =	spop (v2sf);
	s23 =	simm.s32 $0x1;
	(v2sf) =	vpush v1, $0x4  }
0xae: {  	s14 =	simm.s32 @!p0 $0x0;
	p0 =	slt.s32 s24, s2;
	s25 =	spop (v2sf)  }
0xaf: {  	s24 =	simm.s32 $0x1;
	s16 =	simm.s32 @!p0 $0x0;
	(v2sf) =	vpush v1, $0x5;
	p0 =	slt.s32 s25, s2  }
0xb0: {  	s19 =	spop (v2sf);
	(v2sf) =	vpush v1, $0x6;
	s25 =	sadd.s32 s18, s12;
	s11 =	simm.s32 @!p0 $0x0  }
0xb1: {  	p0 =	slt.s32 s19, s2;
	s19 =	simm.s32 $0x1;
	(v2sf) =	vpush v1, $0x7;
	s21 =	spop (v2sf)  }
0xb2: {  	s19 =	simm.s32 @!p0 $0x0;
	(v2sf) =	vpush v1, $0x8;
	p0 =	slt.s32 s21, s2;
	s21 =	simm.s32 $0x1  }
0xb3: {  	s18 =	simm.s32 $0x1;
	s22 =	spop (v2sf);
	(v2sf) =	vpush v1, $0x9;
	s21 =	simm.s32 @!p0 $0x0  }
0xb4: {  	p0 =	slt.s32 s22, s2;
	s22 =	simm.s32 $0x1;
	s26 =	spop (v2sf);
	(v2sf) =	vpush v1, $0xA  }
0xb5: {  	s22 =	simm.s32 @!p0 $0x0;
	p0 =	slt.s32 s26, s2;
	s29 =	spop (v2sf);
	(v2sf) =	vpush v1, $0xB  }
0xb6: {  	s23 =	simm.s32 @!p0 $0x0;
	p0 =	slt.s32 s29, s2;
	s17 =	spop (v2sf);
	(v2sf) =	vpush v1, $0xC  }
0xb7: {  	s0 =	sadd.s32 s13, s25;
	s24 =	simm.s32 @!p0 $0x0;
	p0 =	sle.s32 s17, s2;
	(v2sf) =	vpush v1, $0xD  }
0xb8: {  	s12 =	sadd.s32 s5, s0;
	s26 =	spop (v2sf);
	s18 =	simm.s32 @!p0 $0x0;
	(v2sf) =	vpush v1, $0xE  }
0xb9: {  	p0 =	sle.s32 s26, s2;
	s26 =	simm.s32 $0x1;
	s28 =	spop (v2sf);
	(v2sf) =	vpush v1, $0xF  }
0xba: {  	s17 =	simm.s32 $0x1;
	s26 =	simm.s32 @!p0 $0x0;
	p0 =	sle.s32 s28, s2  }
0xbb: {  	s12 =	sadd.s32 s7, s12;
	s28 =	spop (v2sf);
	s17 =	simm.s32 @!p0 $0x0  }
0xbc: {  	s29 =	spop (v2sf);
	p0 =	sle.s32 s28, s2;
	s31 =	sadd.s32 s26, s18  }
0xbd: {  	s30 =	simm.s32 @!p0 $0x0;
	p0 =	sle.s32 s29, s2;
	[dreg:$0x8] =	wrdreg s17  }
0xbe: {  	s29 =	simm.s32 $0x1;
	[dreg:$0xa] =	wrdreg s31;
	s28 =	spop (v2sf)  }
0xbf: {  	s29 =	simm.s32 @!p0 $0x0;
	[dreg:$0x9] =	wrdreg s30;
	s26 =	spop (v2sf)  }
0xc0: {  	s12 =	sadd.s32 s8, s12;
	[dreg:$0xb] =	wrdreg s29;
	s0 =	spop (v2sf)  }
0xc1: {  	p3 =	sle.s32 s28, s2;
	p0 =	sle.s32 s26, s2;
	s28 =	spop (v2sf)  }
0xc2: {  	p1 =	sle.s32 s0, s2;
	s26 =	spop (v2sf);
	p2 =	sle.s32 s28, s2  }
0xc3: {  	s28 =	simm.s32 $0x1;
	s0 =	spop (v2sf);
	p6 =	sle.s32 s26, s2  }
0xc4: {  	s28 =	simm.s32 @!p3 $0x0;
	s18 =	spop (v2sf);
	p5 =	sle.s32 s0, s2  }
0xc5: {  	s0 =	sshll.u32 s1, $0x4;
	[dreg:$0xc] =	wrdreg s28;
	s26 =	spop (v2sf)  }
0xc6: {  	p4 =	sle.s32 s18, s2;
	s1 =	spop (v2sf);
	p3 =	sle.s32 s26, s2  }
0xc7: {  	[dreg:$0x13] =	wrdreg s0;
	v0 =	vld [tilespmem:s0+$0xFFFFFFF0];
	s0 =	simm.s32 @!p3 $0x0;
	s18 =	spop (v2sf)  }
0xc8: {  	s0 =	simm.s32 @p3 $0x1;
	p3 =	sle.s32 s1, s2;
	s26 =	spop (v2sf)  }
0xc9: {  	s1 =	sadd.s32 s15, s12;
	[smem:$0x7F4] =	sst s0;
	s0 =	simm.s32 @!p3 $0x0  }
0xca: {  	s1 =	sadd.s32 s20, s1;
	s0 =	simm.s32 @p3 $0x1;
	p3 =	sle.s32 s18, s2  }
0xcb: {  	s18 =	simm.s32 $0x1;
	s1 =	sadd.s32 s14, s1;
	[smem:$0x7F5] =	sst s0  }
0xcc: {  	s0 =	simm.s32 @!p3 $0x0;
	s18 =	simm.s32 @!p0 $0x0;
	s1 =	sadd.s32 s16, s1  }
0xcd: {  	s0 =	simm.s32 @p3 $0x1;
	p3 =	sle.s32 s26, s2;
	[dreg:$0xd] =	wrdreg s18  }
0xce: {  	s26 =	simm.s32 $0x1;
	s1 =	sadd.s32 s11, s1;
	[smem:$0x7F6] =	sst s0  }
0xcf: {  	s0 =	simm.s32 @!p3 $0x0;
	s26 =	simm.s32 @!p1 $0x0;
	s1 =	sadd.s32 s19, s1  }
0xd0: {  	s0 =	simm.s32 @p3 $0x1;
	[dreg:$0xe] =	wrdreg s26;
	s1 =	sadd.s32 s21, s1  }
0xd1: {  	[smem:$0x7F7] =	sst s0;
	s0 =	sadd.s32 s17, s31;
	s17 =	simm.s32 $0x1  }
0xd2: {  	s1 =	sadd.s32 s22, s1;
	s17 =	simm.s32 @!p2 $0x0;
	s12 =	sadd.s32 s30, s0  }
0xd3: {  	(v2sf) =	vpush v0, $0x0;
	s30 =	simm.s32 $0x1;
	s0 =	simm.s32 $0x1;
	s12 =	sadd.s32 s29, s12  }
0xd4: {  	(v2sf) =	vpush v0, $0x1;
	s30 =	simm.s32 @!p6 $0x0;
	[dreg:$0xf] =	wrdreg s17;
	s12 =	sadd.s32 s28, s12  }
0xd5: {  	(v2sf) =	vpush v0, $0x2;
	s0 =	simm.s32 @!p4 $0x0;
	s29 =	sld [smem:$0x7F5];
	s12 =	sadd.s32 s18, s12  }
0xd6: {  	(v2sf) =	vpush v0, $0x3;
	[dreg:$0x10] =	wrdreg s30;
	s18 =	simm.s32 $0x1;
	s12 =	sadd.s32 s26, s12  }
0xd7: {  	[dreg:$0x1b] =	wrdreg s0;
	s18 =	simm.s32 @!p5 $0x0;
	s12 =	sadd.s32 s17, s12  }
0xd8: {  	s1 =	sadd.s32 s23, s1;
	[dreg:$0x11] =	wrdreg s18;
	s12 =	sadd.s32 s30, s12  }
0xd9: {  	(v2sf) =	vpush v0, $0x4;
	s1 =	sadd.s32 s24, s1;
	s12 =	sadd.s32 s18, s12;
	s18 =	sld [smem:$0x7F4]  }
0xda: {  	(v2sf) =	vpush v0, $0x5;
	s31 =	simm.s32 $0x1;
	s26 =	rddreg [dreg:$0x14];
	s17 =	sand.u32 $0x7, s1  }
0xdb: {  	(v2sf) =	vpush v0, $0x6;
	s30 =	simm.s32 $0x1;
	p3 =	sne.s32 s17, $0x0;
	s17 =	simm.s32 $0x1  }
0xdc: {  	(v2sf) =	vpush v0, $0x7;
	s12 =	sadd.s32 s0, s12;
	p0 =	seq.s32 s18, $0x1;
	s18 =	sadd.s32 s26, s1  }
0xdd: {  	s1 =	simm.s32 $0x1;
	s26 =	sld [smem:$0x7F6];
	s30 =	simm.s32 @!p0 $0x0  }
0xde: {  	(v2sf) =	vpush v0, $0x8;
	p0 =	seq.s32 s29, $0x1;
	s29 =	sld [smem:$0x7F7];
	p4 =	slt.s32 s18, $0x1  }
0xdf: {  	s0 =	sadd.s32 s30, s12;
	s31 =	simm.s32 @!p0 $0x0;
	p0 =	por !p4, !p3  }
0xe0: {  	(v2sf) =	vpush v0, $0x9;
	p1 =	seq.s32 s26, $0x1;
	s0 =	sadd.s32 s31, s0;
	s26 =	sshra.s32 s18, $0x1F  }
0xe1: {  	(v2sf) =	vpush v0, $0xA;
	p0 =	por !p0, !p0;
	s1 =	simm.s32 @!p1 $0x0;
	p1 =	seq.s32 s29, $0x1  }
0xe2: {  	(v2sf) =	vpush v0, $0xB;
	s26 =	sshrl.u32 s26, $0x1D;
	s29 =	spop (v2sf);
	s17 =	simm.s32 @!p0 $0x0  }
0xe3: {  	s12 =	sadd.s32 s1, s0;
	[smem:$0x7F8] =	sst s29;
	s29 =	spop (v2sf)  }
0xe4: {  	s0 =	simm.s32 $0x1;
	[smem:$0x7F9] =	sst s29;
	s28 =	spop (v2sf)  }
0xe5: {  	s26 =	sadd.s32 s26, s18;
	[smem:$0x7FA] =	sst s28;
	s29 =	spop (v2sf)  }
0xe6: {  	s0 =	simm.s32 @!p1 $0x0;
	s26 =	sshrl.u32 s26, $0x3;
	[smem:$0x7FB] =	sst s29  }
0xe7: {  	s26 =	ssub.s32 s26, s17;
	s17 =	sadd.s32 s0, s12;
	s29 =	rddreg [dreg:$0x12]  }
0xe8: {  	(v2sf) =	vpush v0, $0xC;
	[dreg:$0x15] =	wrdreg s17;
	s17 =	sadd.s32 s29, s17;
	s29 =	spop (v2sf)  }
0xe9: {  	(v2sf) =	vpush v0, $0xD;
	s12 =	sshll.u32 s26, $0x3;
	[smem:$0x7FC] =	sst s29;
	s29 =	spop (v2sf)  }
0xea: {  	(v2sf) =	vpush v0, $0xE;
	[dreg:$0x1d] =	wrdreg s29;
	s29 =	ssub.s32 s17, s12;
	s28 =	spop (v2sf)  }
0xeb: {  	(v2sf) =	vpush v0, $0xF;
	s26 =	sadd.s32 $0x7F, s29;
	[smem:$0x7FD] =	sst s28;
	s28 =	spop (v2sf)  }
0xec: {  	[dreg:$0x19] =	wrdreg s28;
	s28 =	sand.u32 $0x7F, s26  }
0xed: {  	p5 =	sne.s32 s28, $0x0;
	s28 =	spop (v2sf)  }
0xee: {  	[dreg:$0x1c] =	wrdreg s28;
	s28 =	sshra.s32 s26, $0x1F  }
0xef: {  	s29 =	spop (v2sf);
	s28 =	sshrl.u32 s28, $0x19  }
0xf0: {  	p6 =	slt.s32 s26, $0x1;
	s26 =	sadd.s32 s28, s26;
	s28 =	spop (v2sf)  }
0xf1: {  	p0 =	por !p6, !p5;
	[dreg:$0x1f] =	wrdreg s28;
	s28 =	spop (v2sf)  }
0xf2: {  	p0 =	por !p0, !p0;
	[dreg:$0x18] =	wrdreg s28;
	s28 =	simm.s32 $0x1  }
0xf3: {  	s26 =	sshra.s32 s26, $0x7;
	s28 =	simm.s32 @!p0 $0x0  }
0xf4: {  	s26 =	ssub.s32 s26, s28  }
0xf5: {  	v15 =	vimm.f32 $0.0e+00;
	v13 =	vimm.f32 $0.0e+00;
	p0 =	slt.s32 s26, $0x1  }
.Ltmp5:
0xf6: {  	v11 =	vimm.f32 $0.0e+00;
	v9 =	vimm.f32 $0.0e+00;
	v7 =	vimm.f32 $0.0e+00;
	(pc) =	sbr.rel @p0 .LBB2_14-.Ltmp5, $4  }
0xf7: {  	v5 =	vimm.f32 $0.0e+00;
	v3 =	vimm.f32 $0.0e+00;
	v16 =	vimm.f32 $0.0e+00;
	[dreg:$0x1a] =	wrdreg s29;
	s29 =	spop (v2sf)  }
0xf8: {  	v14 =	vimm.f32 $0.0e+00;
	v12 =	vimm.f32 $0.0e+00;
	v10 =	vimm.f32 $0.0e+00;
	[dreg:$0x1e] =	wrdreg s29;
	s28 =	spop (v2sf)  }
0xf9: {  	v8 =	vimm.f32 $0.0e+00;
	v6 =	vimm.f32 $0.0e+00;
	v4 =	vimm.f32 $0.0e+00;
	[dreg:$0x16] =	wrdreg s28;
	s28 =	spop (v2sf)  }
0xfa: {  	v2 =	vimm.f32 $0.0e+00;
	v1 =	vimm.f32 $0.0e+00;
	v0 =	vimm.f32 $0.0e+00;
	[dreg:$0x17] =	wrdreg s28;
	s28 =	spop (v2sf)  }
0xfb: {  	s13 =	sadd.s32 s25, s13  }
0xfc: {  	s5 =	sadd.s32 s13, s5  }
0xfd: {  	s5 =	sadd.s32 s5, s7  }
0xfe: {  	s5 =	sadd.s32 s8, s5  }
0xff: {  	s5 =	sadd.s32 s15, s5  }
0x100: {  	s5 =	sadd.s32 s20, s5  }
0x101: {  	s5 =	sadd.s32 s14, s5  }
0x102: {  	s5 =	sadd.s32 s16, s5  }
0x103: {  	s5 =	sadd.s32 s11, s5  }
0x104: {  	s5 =	sadd.s32 s19, s5  }
0x105: {  	s5 =	sadd.s32 s21, s5  }
0x106: {  	v2 =	vimm.f32 $0.0e+00;
	s5 =	sadd.s32 s22, s5  }
.Ltmp6:
0x107: {  	v4 =	vimm.f32 $0.0e+00;
	v6 =	vimm.f32 $0.0e+00;
	v8 =	vimm.f32 $0.0e+00;
	s5 =	sadd.s32 s23, s5;
	(pc) =	sbr.rel .LBB2_9-.Ltmp6, $4  }
0x108: {  	v10 =	vimm.f32 $0.0e+00;
	v12 =	vimm.f32 $0.0e+00;
	v14 =	vimm.f32 $0.0e+00;
	s5 =	sadd.s32 s24, s5  }
0x109: {  	v16 =	vimm.f32 $0.0e+00;
	v1 =	vimm.f32 $0.0e+00;
	v3 =	vimm.f32 $0.0e+00;
	s29 =	rddreg [dreg:$0x7];
	s5 =	ssub.s32 s5, s12  }
0x10a: {  	v5 =	vimm.f32 $0.0e+00;
	v7 =	vimm.f32 $0.0e+00;
	v9 =	vimm.f32 $0.0e+00;
	s5 =	sadd.s32 s29, s5  }
0x10b: {  	v11 =	vimm.f32 $0.0e+00;
	v13 =	vimm.f32 $0.0e+00;
	v15 =	vimm.f32 $0.0e+00;
	s7 =	simm.s32 $0x0;
	s5 =	sadd.s32 $0xFFFFFFF0, s5  }
.LBB2_12:
0x10c: {  	v10 =	vmax.f32 v10, v19  }
0x10d: {  	v8 =	vmax.f32 v8, v17;
	v6 =	vmax.f32 v6, v18;
	v9 =	vadd.f32 v19, v9  }
0x10e: {  	v4 =	vmax.f32 v4, v21;
	v7 =	vadd.f32 v17, v7;
	v5 =	vadd.f32 v18, v5  }
0x10f: {  	v16 =	vmax.f32 v16, v20;
	v3 =	vadd.f32 v21, v3;
	v15 =	vadd.f32 v20, v15  }
.LBB2_13:
0x110: {  	s7 =	sadd.s32 $0x1, s7  }
0x111: {  	p0 =	sne.s32 s7, s26  }
.Ltmp7:
0x112: {  	_ = 	snop;
	(pc) =	sbr.rel @!p0 .LBB2_14-.Ltmp7, $2  }
0x113: {  	_ =	sdelay $0x2  }
0x114: {  	s5 =	sadd.s32 $0xFFFFFF80, s5  }
.LBB2_9:
0x115: {  	s8 =	sshll.u32 s7, $0x7  }
0x116: {  	s8 =	sadd.s32 s12, s8  }
0x117: {  	s11 =	sshll.u32 s8, $0x4  }
0x118: {  	s11 =	sadd.s32 s4, s11  }
0x119: {  	[tilespmem:s10], [sflag:$0x1] =	stream.linear.gather [hbm4b:s11+s3], $0x4000, $0x38;
	[tilespmem:$0x6B00] =	vst v63  }
0x11a: {  	s11 =	ssub.s32 s18, s8;
	s8 =	ssub.s32 s17, s8  }
0x11b: {  	p0 =	sgt.s32 s11, $0x0;
	p1 =	slt.s32 s8, $0x80  }
0x11c: {  	s11 =	simm.s32 @!p0 $0x0;
	s8 =	simm.s32 @!p1 $0x80  }
0x11d: {  	p0 =	sge.s32 s11, s8  }
.Ltmp8:
0x11e: {  	_ = 	snop;
	(pc) =	sbr.rel @p0 .LBB2_13-.Ltmp8, $4  }
0x11f: {  	_ = 	snop  }
0x120: {  	_ =	swait.ge [sflag:s9], $0x4000  }
0x121: {  	[sflag:s9] =	ssyncset.done $0x0  }
0x122: {  	[sflag:s9] =	ssyncadd.s32 $0xFFFFC000  }
0x123: {  	p0 =	sgt.s32 s5, $0x0;
	s13 =	smov.u32 s5  }
0x124: {  	s13 =	simm.s32 @!p0 $0x0  }
0x125: {  	s13 =	sshll.u32 s13, $0x9  }
0x126: {  	s13 =	sshra.s32 s13, $0x2  }
0x127: {  	s13 =	sadd.s32 $0x2840, s13  }
0x128: {  	v20 =	vld [tilespmem:s13+$0x30]  }
0x129: {  	v22 =	vld [tilespmem:s13+$0xFFFFFFD0]  }
0x12a: {  	s11 =	sadd.s32 $0x1, s11;
	v23 =	vld [tilespmem:s13+$0xFFFFFFE0]  }
0x12b: {  	p0 =	slt.s32 s11, s8;
	v19 =	vld [tilespmem:s13+$0xFFFFFFF0]  }
.Ltmp9:
0x12c: {  	v17 =	vld [tilespmem:s13+$0x0];
	(pc) =	sbr.rel @!p0 .LBB2_12-.Ltmp9, $4  }
0x12d: {  	v18 =	vld [tilespmem:s13+$0x10]  }
0x12e: {  	v21 =	vld [tilespmem:s13+$0x20]  }
0x12f: {  	v1 =	vadd.f32 v20, v1;
	v2 =	vmax.f32 v2, v20;
	v13 =	vadd.f32 v22, v13;
	v20 =	vld [tilespmem:s13+$0xFFFFFFC0]  }
0x130: {  	v14 =	vmax.f32 v14, v22;
	v11 =	vadd.f32 v23, v11;
	v12 =	vmax.f32 v12, v23;
	s13 =	sadd.s32 $0x80, s13  }
.LBB2_11:
0x131: {  	v22 =	vld [tilespmem:s13+$0x30];
	s11 =	sadd.s32 $0x1, s11;
	v9 =	vadd.f32 v19, v9;
	v10 =	vmax.f32 v10, v19  }
0x132: {  	v7 =	vadd.f32 v17, v7;
	v8 =	vmax.f32 v8, v17;
	v23 =	vld [tilespmem:s13+$0xFFFFFFD0];
	p0 =	slt.s32 s11, s8  }
0x133: {  	v5 =	vadd.f32 v18, v5;
	v6 =	vmax.f32 v6, v18;
	v24 =	vld [tilespmem:s13+$0xFFFFFFE0]  }
.Ltmp10:
0x134: {  	v3 =	vadd.f32 v21, v3;
	v4 =	vmax.f32 v4, v21;
	v19 =	vld [tilespmem:s13+$0xFFFFFFF0];
	(pc) =	sbr.rel @p0 .LBB2_11-.Ltmp10, $4  }
0x135: {  	v15 =	vadd.f32 v20, v15;
	v16 =	vmax.f32 v16, v20;
	v17 =	vld [tilespmem:s13+$0x0]  }
0x136: {  	v18 =	vld [tilespmem:s13+$0x10];
	v1 =	vadd.f32 v22, v1;
	v2 =	vmax.f32 v2, v22  }
0x137: {  	v13 =	vadd.f32 v23, v13;
	v14 =	vmax.f32 v14, v23;
	v21 =	vld [tilespmem:s13+$0x20]  }
0x138: {  	v20 =	vld [tilespmem:s13+$0xFFFFFFC0];
	v11 =	vadd.f32 v24, v11;
	v12 =	vmax.f32 v12, v24;
	s13 =	sadd.s32 $0x80, s13  }
.Ltmp11:
0x139: {  	_ = 	snop;
	(pc) =	sbr.rel .LBB2_12-.Ltmp11, $1  }
0x13a: {  	_ =	sdelay $0x3  }
.LBB2_14:
0x13b: {  	s25 =	sld [smem:$0x7F8]  }
0x13c: {  	s7 =	sld [smem:$0x7F9]  }
0x13d: {  	s8 =	sld [smem:$0x7FA]  }
0x13e: {  	s11 =	sld [smem:$0x7FB]  }
0x13f: {  	s12 =	sld [smem:$0x7FC]  }
0x140: {  	s13 =	rddreg [dreg:$0x1d]  }
0x141: {  	s14 =	sld [smem:$0x7FD]  }
0x142: {  	s15 =	rddreg [dreg:$0x19]  }
0x143: {  	s16 =	rddreg [dreg:$0x1c]  }
0x144: {  	s26 =	rddreg [dreg:$0x13]  }
0x145: {  	s19 =	rddreg [dreg:$0x1a]  }
0x146: {  	s29 =	rddreg [dreg:$0x1f]  }
0x147: {  	s20 =	rddreg [dreg:$0x1e]  }
0x148: {  	s21 =	rddreg [dreg:$0x16]  }
0x149: {  	s5 =	ssub.s32 s17, s18;
	s22 =	rddreg [dreg:$0x17]  }
0x14a: {  	s23 =	rddreg [dreg:$0x15];
	p4 =	slt.s32 s17, $0x1;
	s24 =	sshra.s32 s17, $0x1F  }
0x14b: {  	v17 =	vmov s5;
	s5 =	simm.s32 $0x1;
	s18 =	sadd.s32 $0xFFFFFFF0, s26;
	p0 =	slt.s32 s25, s6  }
0x14c: {  	p1 =	slt.s32 s8, s6;
	s8 =	simm.s32 $0x1;
	s5 =	simm.s32 @!p0 $0x0  }
0x14d: {  	p0 =	slt.s32 s7, s6;
	s7 =	simm.s32 $0x1;
	s8 =	simm.s32 @!p1 $0x0  }
0x14e: {  	p1 =	slt.s32 s12, s6;
	s12 =	simm.s32 $0x1;
	s7 =	simm.s32 @!p0 $0x0  }
0x14f: {  	p0 =	slt.s32 s11, s6;
	s11 =	simm.s32 $0x1;
	s12 =	simm.s32 @!p1 $0x0  }
0x150: {  	p1 =	slt.s32 s14, s6;
	s14 =	simm.s32 $0x1;
	s11 =	simm.s32 @!p0 $0x0  }
0x151: {  	p0 =	slt.s32 s13, s6;
	s13 =	simm.s32 $0x1;
	s14 =	simm.s32 @!p1 $0x0  }
0x152: {  	p1 =	slt.s32 s16, s6;
	s16 =	simm.s32 $0x1;
	s7 =	sor.u32 s7, s18  }
0x153: {  	s18 =	simm.s32 $0x1;
	s13 =	simm.s32 @!p0 $0x0;
	p0 =	slt.s32 s15, s6  }
0x154: {  	s15 =	simm.s32 $0x1;
	s16 =	simm.s32 @!p1 $0x0;
	p1 =	slt.s32 s29, s6  }
0x155: {  	s5 =	sadd.s32 s5, s7;
	s7 =	simm.s32 $0x1;
	s15 =	simm.s32 @!p0 $0x0  }
0x156: {  	p0 =	slt.s32 s19, s6;
	s19 =	simm.s32 $0x1;
	s18 =	simm.s32 @!p1 $0x0  }
0x157: {  	s5 =	sadd.s32 s8, s5;
	s8 =	rddreg [dreg:$0x18];
	p1 =	slt.s32 s20, s6  }
0x158: {  	s19 =	simm.s32 @!p0 $0x0;
	p0 =	slt.s32 s8, s6;
	s5 =	sadd.s32 s11, s5  }
0x159: {  	s8 =	simm.s32 $0x1;
	s11 =	simm.s32 $0x1;
	s5 =	sadd.s32 s12, s5  }
0x15a: {  	v17 =	vcvt.s32.f32 v17;
	s7 =	simm.s32 @!p0 $0x0;
	s8 =	simm.s32 @!p1 $0x0;
	s5 =	sadd.s32 s13, s5  }
0x15b: {  	[tilespmem:$0x6900] =	vst v16;
	p0 =	slt.s32 s21, s6;
	s12 =	simm.s32 $0x1;
	s5 =	sadd.s32 s14, s5  }
0x15c: {  	[tilespmem:$0x6A00] =	vst v15;
	v17 =	vmax.f32 v17, $1.000000000e+00;
	s11 =	simm.s32 @!p0 $0x0;
	s13 =	sand.u32 $0x7, s23;
	s5 =	sadd.s32 s15, s5  }
0x15d: {  	[tilespmem:$0x6910] =	vst v14;
	v17 =	vbroadcast v17, $0x0;
	p0 =	slt.s32 s22, s6;
	p2 =	sne.s32 s13, $0x0;
	s5 =	sadd.s32 s16, s5  }
0x15e: {  	[tilespmem:$0x6A10] =	vst v13;
	s12 =	simm.s32 @!p0 $0x0;
	p0 =	slt.s32 s28, s6;
	s5 =	sadd.s32 s19, s5  }
0x15f: {  	[tilespmem:$0x6920] =	vst v12;
	(erf) = vrcp.f32 v17;
	s13 =	simm.s32 $0x1;
	p1 =	por !p4, !p2;
	s5 =	sadd.s32 s18, s5  }
0x160: {  	[tilespmem:$0x6A20] =	vst v11;
	p1 =	por !p1, !p1;
	s5 =	sadd.s32 s7, s5;
	s7 =	sshrl.u32 s24, $0x1D  }
0x161: {  	[tilespmem:$0x6930] =	vst v10;
	s5 =	sadd.s32 s8, s5;
	s7 =	sadd.s32 s7, s17;
	s8 =	simm.s32 $0x1  }
0x162: {  	[tilespmem:$0x6A30] =	vst v9;
	s5 =	sadd.s32 s11, s5;
	s7 =	sshrl.u32 s7, $0x3;
	s8 =	simm.s32 @!p1 $0x0  }
0x163: {  	[tilespmem:$0x6940] =	vst v8;
	s13 =	simm.s32 @!p0 $0x0;
	s5 =	sadd.s32 s12, s5;
	s7 =	ssub.s32 s7, s8  }
0x164: {  	[tilespmem:$0x6A40] =	vst v7;
	s5 =	sadd.s32 s13, s5;
	s7 =	sshll.u32 s7, $0x3  }
0x165: {  	[tilespmem:$0x6950] =	vst v6;
	s25 =	ssub.s32 s5, s7  }
0x166: {  	[tilespmem:$0x6A50] =	vst v5;
	s8 =	sadd.s32 $0x7F, s25  }
0x167: {  	[tilespmem:$0x6960] =	vst v4;
	s26 =	sand.u32 $0x7F, s8  }
0x168: {  	[tilespmem:$0x6A60] =	vst v3;
	v17 =	vpop (erf);
	s28 =	sshra.s32 s8, $0x1F;
	p5 =	slt.s32 s8, $0x1;
	p6 =	sne.s32 s26, $0x0  }
0x169: {  	[tilespmem:$0x6970] =	vst v2;
	v18 =	vmul.f32 v15, v17;
	s29 =	sshrl.u32 s28, $0x19;
	p0 =	por !p5, !p6  }
0x16a: {  	[tilespmem:$0x6A70] =	vst v1;
	v16 =	vmul.f32 v13, v17;
	s11 =	simm.s32 $0x1;
	s8 =	sadd.s32 s29, s8;
	p0 =	por !p0, !p0  }
0x16b: {  	v14 =	vmul.f32 v11, v17;
	[tilespmem:$0x6800] =	vst v18;
	s8 =	sshra.s32 s8, $0x7;
	s11 =	simm.s32 @!p0 $0x0  }
0x16c: {  	v4 =	vimm.f32 $0.0e+00;
	v12 =	vmul.f32 v9, v17;
	[tilespmem:$0x6810] =	vst v16;
	s8 =	ssub.s32 s8, s11  }
0x16d: {  	v2 =	vimm.f32 $0.0e+00;
	v10 =	vmul.f32 v7, v17;
	v8 =	vmul.f32 v5, v17;
	[tilespmem:$0x6820] =	vst v14;
	p0 =	slt.s32 s8, $0x1  }
.Ltmp12:
0x16e: {  	v6 =	vmul.f32 v3, v17;
	v7 =	vmul.f32 v1, v17;
	v5 =	vimm.f32 $0.0e+00;
	[tilespmem:$0x6830] =	vst v12;
	(pc) =	sbr.rel @p0 .LBB2_21-.Ltmp12, $4  }
0x16f: {  	v3 =	vimm.f32 $0.0e+00;
	v15 =	vimm.f32 $0.0e+00;
	v13 =	vimm.f32 $0.0e+00;
	[tilespmem:$0x6840] =	vst v10  }
0x170: {  	v11 =	vimm.f32 $0.0e+00;
	v9 =	vimm.f32 $0.0e+00;
	v1 =	vimm.f32 $0.0e+00;
	[tilespmem:$0x6850] =	vst v8  }
0x171: {  	[tilespmem:$0x6860] =	vst v6;
	v12 =	vimm.f32 $0.0e+00;
	v10 =	vimm.f32 $0.0e+00;
	v8 =	vimm.f32 $0.0e+00  }
0x172: {  	v6 =	vimm.f32 $0.0e+00;
	[tilespmem:$0x6870] =	vst v7;
	v14 =	vimm.f32 $0.0e+00;
	v7 =	vimm.f32 $0.0e+00  }
0x173: {  	s11 =	rddreg [dreg:$0x8]  }
0x174: {  	s12 =	rddreg [dreg:$0xa]  }
0x175: {  	s20 =	rddreg [dreg:$0x9];
	s11 =	sadd.s32 s12, s11  }
0x176: {  	s21 =	rddreg [dreg:$0xb];
	s11 =	sadd.s32 s11, s20  }
0x177: {  	s22 =	rddreg [dreg:$0xc];
	s11 =	sadd.s32 s11, s21  }
0x178: {  	s23 =	rddreg [dreg:$0xd];
	s11 =	sadd.s32 s22, s11  }
0x179: {  	s24 =	rddreg [dreg:$0xe];
	s11 =	sadd.s32 s23, s11  }
0x17a: {  	s25 =	rddreg [dreg:$0xf];
	s11 =	sadd.s32 s24, s11  }
0x17b: {  	s26 =	rddreg [dreg:$0x10];
	s11 =	sadd.s32 s25, s11  }
0x17c: {  	s28 =	rddreg [dreg:$0x11];
	s11 =	sadd.s32 s26, s11  }
0x17d: {  	s29 =	rddreg [dreg:$0x1b];
	s11 =	sadd.s32 s28, s11  }
0x17e: {  	s11 =	sadd.s32 s29, s11  }
0x17f: {  	s11 =	sadd.s32 s30, s11  }
0x180: {  	v1 =	vimm.f32 $0.0e+00;
	s11 =	sadd.s32 s31, s11  }
.Ltmp13:
0x181: {  	v2 =	vimm.f32 $0.0e+00;
	v7 =	vimm.f32 $0.0e+00;
	v9 =	vimm.f32 $0.0e+00;
	s1 =	sadd.s32 s1, s11;
	(pc) =	sbr.rel .LBB2_16-.Ltmp13, $4  }
0x182: {  	v11 =	vimm.f32 $0.0e+00;
	v13 =	vimm.f32 $0.0e+00;
	v14 =	vimm.f32 $0.0e+00;
	s0 =	sadd.s32 s0, s1  }
0x183: {  	v15 =	vimm.f32 $0.0e+00;
	v3 =	vimm.f32 $0.0e+00;
	v4 =	vimm.f32 $0.0e+00;
	s31 =	rddreg [dreg:$0x6];
	s0 =	ssub.s32 s0, s7  }
0x184: {  	v5 =	vimm.f32 $0.0e+00;
	v6 =	vimm.f32 $0.0e+00;
	v8 =	vimm.f32 $0.0e+00;
	s0 =	sadd.s32 s31, s0  }
0x185: {  	v10 =	vimm.f32 $0.0e+00;
	v12 =	vimm.f32 $0.0e+00;
	v0 =	vimm.f32 $0.0e+00;
	s1 =	simm.s32 $0x0;
	s0 =	sadd.s32 $0xFFFFFFF0, s0  }
.LBB2_19:
0x186: {  	v11 =	vmax.f32 v11, v18  }
0x187: {  	v9 =	vmax.f32 v9, v16;
	v7 =	vmax.f32 v7, v17;
	v8 =	vadd.f32 v18, v8  }
0x188: {  	v2 =	vmax.f32 v2, v20;
	v6 =	vadd.f32 v16, v6;
	v5 =	vadd.f32 v17, v5  }
0x189: {  	v15 =	vmax.f32 v15, v19;
	v4 =	vadd.f32 v20, v4;
	v0 =	vadd.f32 v19, v0  }
.LBB2_20:
0x18a: {  	s1 =	sadd.s32 $0x1, s1  }
0x18b: {  	p0 =	sne.s32 s1, s8  }
.Ltmp14:
0x18c: {  	_ = 	snop;
	(pc) =	sbr.rel @!p0 .LBB2_21-.Ltmp14, $2  }
0x18d: {  	_ =	sdelay $0x2  }
0x18e: {  	s0 =	sadd.s32 $0xFFFFFF80, s0  }
.LBB2_16:
0x18f: {  	s11 =	sshll.u32 s1, $0x7  }
0x190: {  	s11 =	sadd.s32 s7, s11  }
0x191: {  	s12 =	sshll.u32 s11, $0x4  }
0x192: {  	s12 =	sadd.s32 s4, s12  }
0x193: {  	[tilespmem:s10], [sflag:$0x1] =	stream.linear.gather [hbm4b:s12+s3], $0x4000, $0x38;
	[tilespmem:$0x6B00] =	vst v63  }
0x194: {  	s12 =	ssub.s32 s17, s11;
	s11 =	ssub.s32 s5, s11  }
0x195: {  	p0 =	sgt.s32 s12, $0x0;
	p1 =	slt.s32 s11, $0x80  }
0x196: {  	s12 =	simm.s32 @!p0 $0x0;
	s11 =	simm.s32 @!p1 $0x80  }
0x197: {  	p0 =	sge.s32 s12, s11  }
.Ltmp15:
0x198: {  	_ = 	snop;
	(pc) =	sbr.rel @p0 .LBB2_20-.Ltmp15, $4  }
0x199: {  	_ = 	snop  }
0x19a: {  	_ =	swait.ge [sflag:s9], $0x4000  }
0x19b: {  	[sflag:s9] =	ssyncset.done $0x0  }
0x19c: {  	[sflag:s9] =	ssyncadd.s32 $0xFFFFC000  }
0x19d: {  	p0 =	sgt.s32 s0, $0x0;
	s13 =	smov.u32 s0  }
0x19e: {  	s13 =	simm.s32 @!p0 $0x0  }
0x19f: {  	s13 =	sshll.u32 s13, $0x9  }
0x1a0: {  	s13 =	sshra.s32 s13, $0x2  }
0x1a1: {  	s13 =	sadd.s32 $0x2840, s13  }
0x1a2: {  	v19 =	vld [tilespmem:s13+$0x30]  }
0x1a3: {  	v21 =	vld [tilespmem:s13+$0xFFFFFFD0]  }
0x1a4: {  	s12 =	sadd.s32 $0x1, s12;
	v22 =	vld [tilespmem:s13+$0xFFFFFFE0]  }
0x1a5: {  	p0 =	slt.s32 s12, s11;
	v18 =	vld [tilespmem:s13+$0xFFFFFFF0]  }
.Ltmp16:
0x1a6: {  	v16 =	vld [tilespmem:s13+$0x0];
	(pc) =	sbr.rel @!p0 .LBB2_19-.Ltmp16, $4  }
0x1a7: {  	v17 =	vld [tilespmem:s13+$0x10]  }
0x1a8: {  	v20 =	vld [tilespmem:s13+$0x20]  }
0x1a9: {  	v3 =	vadd.f32 v19, v3;
	v1 =	vmax.f32 v1, v19;
	v12 =	vadd.f32 v21, v12;
	v19 =	vld [tilespmem:s13+$0xFFFFFFC0]  }
0x1aa: {  	v14 =	vmax.f32 v14, v21;
	v10 =	vadd.f32 v22, v10;
	v13 =	vmax.f32 v13, v22;
	s13 =	sadd.s32 $0x80, s13  }
.LBB2_18:
0x1ab: {  	v21 =	vld [tilespmem:s13+$0x30];
	s12 =	sadd.s32 $0x1, s12;
	v8 =	vadd.f32 v18, v8;
	v11 =	vmax.f32 v11, v18  }
0x1ac: {  	v6 =	vadd.f32 v16, v6;
	v9 =	vmax.f32 v9, v16;
	v22 =	vld [tilespmem:s13+$0xFFFFFFD0];
	p0 =	slt.s32 s12, s11  }
0x1ad: {  	v5 =	vadd.f32 v17, v5;
	v7 =	vmax.f32 v7, v17;
	v23 =	vld [tilespmem:s13+$0xFFFFFFE0]  }
.Ltmp17:
0x1ae: {  	v4 =	vadd.f32 v20, v4;
	v2 =	vmax.f32 v2, v20;
	v18 =	vld [tilespmem:s13+$0xFFFFFFF0];
	(pc) =	sbr.rel @p0 .LBB2_18-.Ltmp17, $4  }
0x1af: {  	v0 =	vadd.f32 v19, v0;
	v15 =	vmax.f32 v15, v19;
	v16 =	vld [tilespmem:s13+$0x0]  }
0x1b0: {  	v17 =	vld [tilespmem:s13+$0x10];
	v3 =	vadd.f32 v21, v3;
	v1 =	vmax.f32 v1, v21  }
0x1b1: {  	v12 =	vadd.f32 v22, v12;
	v14 =	vmax.f32 v14, v22;
	v20 =	vld [tilespmem:s13+$0x20]  }
0x1b2: {  	v19 =	vld [tilespmem:s13+$0xFFFFFFC0];
	v10 =	vadd.f32 v23, v10;
	v13 =	vmax.f32 v13, v23;
	s13 =	sadd.s32 $0x80, s13  }
.Ltmp18:
0x1b3: {  	_ = 	snop;
	(pc) =	sbr.rel .LBB2_19-.Ltmp18, $1  }
0x1b4: {  	_ =	sdelay $0x3  }
.LBB2_22:
0x1b5: {  	_ =	sfence.sel $0x180000  }
0x1b6: {  	[bflag:$0x0] =	sbarrier.arrive $0xFFFF  }
0x1b7: {  	_ =	strace $0x90000050  }
0x1b8: {  	s0 =	stileid.u32;
	[bflag:$0x2] =	sbarrier.arrive $0xFFFF  }
0x1b9: {  	p0 =	sne.s32 s0, $0x0;
	s0 =	rddreg [dreg:$0x1]  }
0x1ba: {  	s0 =	sadd.s32 @!p0 $0x100000, s0  }
0x1bb: {  	[sflag:s0] =	ssyncadd.tile.s32 @!p0 $0x1;
	_ =	shalt  }
.Lfunc_end2:
_tile_overlayer_lowered:
.L_overlay_start_2:
0x1bc: {  	(tag) =	ssettag $0x2  }
0x1bd: {  	s0 =	rddreg [dreg:$0x0];
	s2 =	stileid.u32  }
0x1be: {  	s1 =	rddreg [dreg:$0x1];
	p0 =	sne.s32 s2, $0x0  }
0x1bf: {  	s3 =	rddreg [dreg:$0x2];
	[bflag:$0x3] =	sbarrier.arrive $0xFFFF;
	s2 =	simm.s32 @!p0 $0x1C01  }
0x1c0: {  	[timem:s3], [sflag:s2] =	dma.local @!p0 [hbm:s0], s1  }
0x1c1: {  	s0 =	simm.s32 @!p0 $0x1  }
0x1c2: {  	_ =	swait.ge @!p0 [sflag:s0], s1  }
0x1c3: {  	s1 =	ssub.s32 @!p0 $0x0, s1;
	[sflag:s0] =	ssyncset.done @!p0 $0x0  }
0x1c4: {  	[sflag:s0] =	ssyncadd.s32 @!p0 s1  }
0x1c5: {  	[bflag:$0x3] =	sbarrier.arrive $0xFFFF  }
0x1c6: {  	_ =	shalt  }

</sc_bundles>
